<compile_context>
chip_gen: v7x
topology: tpu7x:2x2x1
jax: 0.10.2.dev20260603
libtpu: 0.0.44.dev20260713+nightly
codegen_flags: <defaults>
</compile_context>

<pallas_src>
import jax
import jax.numpy as jnp
from jax import lax
from jax.experimental import pallas as pl
from jax.experimental.pallas import tpu as pltpu
from jax.experimental.pallas import tpu_sc as plsc

D = 128
C_OUT = 64
N_PAD = 10240
ROWS_PER_TILE = N_PAD // 16
CH = 88
NCH = 232
NBUF = 4
NIDX = 8
OCH = 80
EPT = CH * NCH
EP = EPT * 16
PAD_NODE = 10008
BR = 256


def _deg_body(idx3_hbm, out_hbm, idst, ones_v, zbuf_v, deg_sh, s0, s1, s2, s3):
    c = lax.axis_index("c")
    s = lax.axis_index("s")
    sems = [s0, s1, s2, s3]
    one16 = jnp.ones((16,), jnp.float32)
    zero16 = jnp.zeros((16,), jnp.float32)

    @pl.loop(0, CH // 16)
    def _(i):
        ones_v[pl.ds(i * 16, 16)] = one16

    ones_v[pl.ds(CH - 16, 16)] = one16

    @pl.loop(0, ROWS_PER_TILE // 16)
    def _(i):
        zbuf_v[pl.ds(i * 16, 16)] = zero16

    pltpu.sync_copy(zbuf_v, deg_sh.at[pl.ds(s * ROWS_PER_TILE, ROWS_PER_TILE)])
    w = c * 16 + s
    pltpu.sync_copy(idx3_hbm.at[w], idst)
    plsc.subcore_barrier()

    for b in range(4):
        pltpu.async_copy(ones_v, deg_sh.at[idst.at[b, 1]], sems[b], add=True)

    @pl.loop(0, NCH // 4)
    def _(G):
        g0 = G * 4
        for b in range(4):
            g = g0 + b
            pltpu.make_async_copy(ones_v, deg_sh.at[idst.at[g, 1]], sems[b]).wait()

            @pl.when(g + 4 < NCH)
            def _():
                pltpu.async_copy(ones_v, deg_sh.at[idst.at[g + 4, 1]], sems[b], add=True)

    plsc.subcore_barrier()
    sl = pl.ds(s * ROWS_PER_TILE, ROWS_PER_TILE)
    pltpu.sync_copy(deg_sh.at[sl], zbuf_v)
    pltpu.sync_copy(zbuf_v, out_hbm.at[c, 0, sl])


def _prop_body(ht_hbm, idx3_hbm, out_hbm,
               x0, x1, x2, x3, x4, x5, x6, x7, r0, r1, r2, r3, acc_sh,
               i0, i1, i2, i3, i4, i5, i6, i7, g0s, g1s, g2s, g3s,
               v0s, v1s, v2s, v3s):
    c = lax.axis_index("c")
    s = lax.axis_index("s")
    idxb = [x0, x1, x2, x3, x4, x5, x6, x7]
    rows = [r0, r1, r2, r3]
    isem = [i0, i1, i2, i3, i4, i5, i6, i7]
    gsem = [g0s, g1s, g2s, g3s]
    ssem = [v0s, v1s, v2s, v3s]
    zero16 = jnp.zeros((16,), jnp.float32)

    @pl.loop(0, CH)
    def _(i):
        @pl.loop(0, D // 16)
        def _(j):
            r0[i, pl.ds(j * 16, 16)] = zero16

    @pl.loop(0, ROWS_PER_TILE // OCH)
    def _(k):
        pltpu.sync_copy(r0.at[pl.ds(0, OCH), :],
                        acc_sh.at[pl.ds(s * ROWS_PER_TILE + k * OCH, OCH), :])

    w = c * 16 + s
    plsc.subcore_barrier()

    def idx_issue(slot, chunk):
        pltpu.async_copy(idx3_hbm.at[w, chunk], idxb[slot], isem[slot])

    def idx_wait(slot, chunk):
        pltpu.make_async_copy(idx3_hbm.at[w, chunk], idxb[slot], isem[slot]).wait()

    def gather_issue(islot, rslot):
        pltpu.async_copy(ht_hbm.at[idxb[islot].at[0]], rows[rslot], gsem[rslot])

    def gather_wait(islot, rslot):
        pltpu.make_async_copy(
            ht_hbm.at[idxb[islot].at[0]], rows[rslot], gsem[rslot]).wait()

    def scat_issue(islot, rslot):
        pltpu.async_copy(rows[rslot], acc_sh.at[idxb[islot].at[1]],
                         ssem[rslot], add=True)

    def scat_wait(islot, rslot):
        pltpu.make_async_copy(
            rows[rslot], acc_sh.at[idxb[islot].at[1]], ssem[rslot]).wait()

    for k in range(5):
        idx_issue(k, k)
    for k in range(3):
        idx_wait(k, k)
        gather_issue(k, k)

    @pl.loop(0, NCH // NIDX)
    def _(G):
        g0 = G * NIDX
        for j in range(NIDX):
            g = g0 + j

            @pl.when(g + 5 < NCH)
            def _():
                idx_issue((j + 5) % NIDX, g + 5)

            @pl.when((g >= 1) & (g + 3 < NCH))
            def _():
                scat_wait((j - 1) % NIDX, (j + 3) % NBUF)

            @pl.when(g + 3 < NCH)
            def _():
                idx_wait((j + 3) % NIDX, g + 3)
                gather_issue((j + 3) % NIDX, (j + 3) % NBUF)

            gather_wait(j % NIDX, j % NBUF)
            scat_issue(j % NIDX, j % NBUF)

    for b in range(NBUF):
        scat_wait((NCH - NBUF + b) % NIDX, b)

    plsc.subcore_barrier()

    @pl.loop(0, ROWS_PER_TILE // OCH)
    def _(k):
        sl = pl.ds(s * ROWS_PER_TILE + k * OCH, OCH)
        pltpu.sync_copy(acc_sh.at[sl, :], r0.at[pl.ds(0, OCH), :])
        pltpu.sync_copy(r0.at[pl.ds(0, OCH), :], out_hbm.at[c, sl, :])


def _make_sc_calls():
    mesh = plsc.VectorSubcoreMesh(core_axis_name="c", subcore_axis_name="s")
    deg_call = pl.kernel(
        _deg_body,
        out_type=jax.ShapeDtypeStruct((2, 1, N_PAD), jnp.float32),
        mesh=mesh,
        scratch_types=[
            pltpu.VMEM((NCH, 2, CH), jnp.int32),
            pltpu.VMEM((CH,), jnp.float32),
            pltpu.VMEM((ROWS_PER_TILE,), jnp.float32),
            pltpu.VMEM_SHARED((N_PAD,), jnp.float32),
        ] + [pltpu.SemaphoreType.DMA] * 4,
        name="sc_gcn_deg",
    )
    prop_call = pl.kernel(
        _prop_body,
        out_type=jax.ShapeDtypeStruct((2, N_PAD, D), jnp.float32),
        mesh=mesh,
        scratch_types=[pltpu.VMEM((2, CH), jnp.int32)] * NIDX
        + [pltpu.VMEM((CH, D), jnp.float32)] * NBUF + [
            pltpu.VMEM_SHARED((N_PAD, D), jnp.float32),
        ] + [pltpu.SemaphoreType.DMA] * (NIDX + 2 * NBUF),
        name="sc_gcn_prop",
    )
    return deg_call, prop_call


def _ln(t, g, b):
    mu = jnp.mean(t, axis=-1, keepdims=True)
    var = jnp.mean((t - mu) ** 2, axis=-1, keepdims=True)
    return (t - mu) / jnp.sqrt(var + 1e-5) * g + b


def _pre_body(x_ref, w_ref, deg_ref, ht_ref, dis_ref):
    h = jnp.dot(x_ref[...], w_ref[...], preferred_element_type=jnp.float32)
    dis = lax.rsqrt(deg_ref[...] + 1.0)
    dis_ref[...] = dis
    ht_ref[0] = dis[0][:, None] * h
    ht_ref[1] = dis[1][:, None] * h


def _mid_body(p_ref, ht_ref, dis_ref, b1_ref, g1_ref, be1_ref, w2_ref, ht2_ref):
    for b in range(2):
        disb = dis_ref[b][:, None]
        tmp = disb * (p_ref[b] + ht_ref[b]) + b1_ref[...]
        t = jax.nn.relu(_ln(tmp, g1_ref[...], be1_ref[...]))
        ht2_ref[b] = disb * jnp.dot(t, w2_ref[...], preferred_element_type=jnp.float32)


def _post_body(p_ref, ht_ref, dis_ref, b2_ref, g2_ref, be2_ref, wout_ref, bout_ref, y_ref):
    acc = jnp.broadcast_to(bout_ref[...], (BR, C_OUT))
    for b in range(2):
        disb = dis_ref[b][:, None]
        tmp = disb * (p_ref[b] + ht_ref[b]) + b2_ref[...]
        t = jax.nn.relu(_ln(tmp, g2_ref[...], be2_ref[...]))
        acc = acc + jnp.dot(t, wout_ref[b], preferred_element_type=jnp.float32)
    y_ref[...] = acc


def _make_tc_calls():
    grid = (N_PAD // BR,)
    row2 = pl.BlockSpec((2, BR, D), lambda i: (0, i, 0))
    dis_bs = pl.BlockSpec((2, BR), lambda i: (0, i))
    vec = pl.BlockSpec((1, D), lambda i: (0, 0))
    wsq = pl.BlockSpec((D, D), lambda i: (0, 0))
    pre = pl.pallas_call(
        _pre_body,
        grid=grid,
        in_specs=[pl.BlockSpec((BR, D), lambda i: (i, 0)), wsq, dis_bs],
        out_specs=[row2, dis_bs],
        out_shape=[
            jax.ShapeDtypeStruct((2, N_PAD, D), jnp.float32),
            jax.ShapeDtypeStruct((2, N_PAD), jnp.float32),
        ],
        name="tc_gcn_pre",
    )
    mid = pl.pallas_call(
        _mid_body,
        grid=grid,
        in_specs=[row2, row2, dis_bs, vec, vec, vec, wsq],
        out_specs=row2,
        out_shape=jax.ShapeDtypeStruct((2, N_PAD, D), jnp.float32),
        name="tc_gcn_mid",
    )
    post = pl.pallas_call(
        _post_body,
        grid=grid,
        in_specs=[row2, row2, dis_bs, vec, vec, vec,
                  pl.BlockSpec((2, D, C_OUT), lambda i: (0, 0, 0)),
                  pl.BlockSpec((1, C_OUT), lambda i: (0, 0))],
        out_specs=pl.BlockSpec((BR, C_OUT), lambda i: (i, 0)),
        out_shape=jax.ShapeDtypeStruct((N_PAD, C_OUT), jnp.float32),
        name="tc_gcn_post",
    )
    return pre, mid, post


def kernel(x, edge_index_1, edge_index_2, W1, b1, g1, be1, W2, b2, g2, be2, Wout, bout):
    n = x.shape[0]
    e = edge_index_1.shape[1]
    deg_call, prop_call = _make_sc_calls()
    pre, mid, post = _make_tc_calls()

    xp = jnp.pad(x, ((0, N_PAD - n), (0, 0)))
    padv = jnp.full((EP - e,), PAD_NODE, jnp.int32)
    src0 = jnp.concatenate([edge_index_1[0], padv])
    src1 = jnp.concatenate([edge_index_2[0], padv]) + N_PAD
    dst0 = jnp.concatenate([edge_index_1[1], padv])
    dst1 = jnp.concatenate([edge_index_2[1], padv])
    src3 = jnp.stack([src0, src1]).reshape(32, NCH, CH)
    dst3 = jnp.stack([dst0, dst1]).reshape(32, NCH, CH)
    idx3 = jnp.stack([src3, dst3], axis=2)

    deg = deg_call(idx3).reshape(2, N_PAD)
    ht, dis = pre(xp, W1, deg)
    p1 = prop_call(ht.reshape(2 * N_PAD, D), idx3)
    ht2 = mid(p1, ht, dis, b1.reshape(1, D), g1.reshape(1, D), be1.reshape(1, D), W2)
    p2 = prop_call(ht2.reshape(2 * N_PAD, D), idx3)
    y = post(p2, ht2, dis, b2.reshape(1, D), g2.reshape(1, D), be2.reshape(1, D),
             Wout.reshape(2, D, C_OUT), bout.reshape(1, C_OUT))
    return y[:n]

# --- scband reference (transcript-rebuilt; emitter-appended) ---
"""Pipeline reference for scband-gnnmodel-29188597744083 (READ-ONLY COPY).

The authoritative reference and input builder live on the scoring server;
editing this copy changes nothing except your own understanding.
"""

import jax, jax.numpy as jnp
import numpy as np

N = 10000
E = 320000
D = 128
C_OUT = 64


def setup_inputs(seed: int = 0) -> dict:
    key = jax.random.key(seed)
    ks = jax.random.split(key, 16)
    x = jax.random.normal(ks[0], (N, D), dtype=jnp.float32)
    edge_index_1 = jax.random.randint(ks[1], (2, E), 0, N, dtype=jnp.int32)
    edge_index_2 = jax.random.randint(ks[2], (2, E), 0, N, dtype=jnp.int32)
    # Note: layers_1 and layers_2 in the torch module wrap the SAME python list,
    # so both branches share one set of parameters.
    W1 = jax.random.normal(ks[3], (D, D), dtype=jnp.float32) * (1.0 / np.sqrt(D))
    b1 = jnp.zeros((D,), dtype=jnp.float32)
    g1 = jnp.ones((D,), dtype=jnp.float32)
    be1 = jnp.zeros((D,), dtype=jnp.float32)
    W2 = jax.random.normal(ks[4], (D, D), dtype=jnp.float32) * (1.0 / np.sqrt(D))
    b2 = jnp.zeros((D,), dtype=jnp.float32)
    g2 = jnp.ones((D,), dtype=jnp.float32)
    be2 = jnp.zeros((D,), dtype=jnp.float32)
    Wout = jax.random.normal(ks[5], (2 * D, C_OUT), dtype=jnp.float32) * (1.0 / np.sqrt(2 * D))
    bout = jnp.zeros((C_OUT,), dtype=jnp.float32)
    return {"x": x, "edge_index_1": edge_index_1, "edge_index_2": edge_index_2,
            "W1": W1, "b1": b1, "g1": g1, "be1": be1,
            "W2": W2, "b2": b2, "g2": g2, "be2": be2,
            "Wout": Wout, "bout": bout}


def _gcn_conv(x, src, dst, W, b, n):
    # Faithful GCNConv: x' = D^{-1/2} (A + I) D^{-1/2} (x W) + b
    h = x @ W
    loop = jnp.arange(n, dtype=src.dtype)
    s = jnp.concatenate([src, loop])
    d = jnp.concatenate([dst, loop])
    deg = jnp.zeros((n,), dtype=h.dtype).at[d].add(1.0)
    dis = jnp.where(deg > 0, 1.0 / jnp.sqrt(deg), 0.0)
    norm = dis[s] * dis[d]
    msg = h[s] * norm[:, None]
    out = jnp.zeros_like(h).at[d].add(msg)
    return out + b


def _layer_norm(x, g, b):
    mu = jnp.mean(x, axis=-1, keepdims=True)
    var = jnp.var(x, axis=-1, keepdims=True)
    return (x - mu) / jnp.sqrt(var + 1e-5) * g + b


def reference(x, edge_index_1, edge_index_2, W1, b1, g1, be1, W2, b2, g2, be2, Wout, bout):
    n = x.shape[0]

    def branch(ei):
        src, dst = ei[0], ei[1]
        h = _gcn_conv(x, src, dst, W1, b1, n)
        h = jax.nn.relu(_layer_norm(h, g1, be1))
        h = _gcn_conv(h, src, dst, W2, b2, n)
        h = jax.nn.relu(_layer_norm(h, g2, be2))
        return h

    h1 = branch(edge_index_1)
    h2 = branch(edge_index_2)
    out = jnp.concatenate([h1, h2], axis=-1) @ Wout + bout
    return out

if __name__ == "__main__":
    import jax
    _d = setup_inputs()
    print(jax.jit(kernel)(*tuple(_d.values())))

</pallas_src>

<mosaic_0001>
#map = affine_map<(d0, d1) -> (0, 0)>
#map1 = affine_map<(d0, d1) -> (0, 0, 0, 0)>
#map2 = affine_map<(d0, d1) -> (0, 0, 0)>
module attributes {stable_mosaic.version = 14 : i64} {
  func.func @sc_gcn_prop(%arg0: i32, %arg1: i32, %arg2: memref<20480x128xf32, #tpu.memory_space<hbm>>, %arg3: memref<32x232x2x88xi32, #tpu.memory_space<hbm>>, %arg4: memref<2x10240x128xf32, #tpu.memory_space<hbm>>, %arg5: memref<2x88xi32, #tpu.memory_space<vmem>>, %arg6: memref<2x88xi32, #tpu.memory_space<vmem>>, %arg7: memref<2x88xi32, #tpu.memory_space<vmem>>, %arg8: memref<2x88xi32, #tpu.memory_space<vmem>>, %arg9: memref<2x88xi32, #tpu.memory_space<vmem>>, %arg10: memref<2x88xi32, #tpu.memory_space<vmem>>, %arg11: memref<2x88xi32, #tpu.memory_space<vmem>>, %arg12: memref<2x88xi32, #tpu.memory_space<vmem>>, %arg13: memref<88x128xf32, #tpu.memory_space<vmem>>, %arg14: memref<88x128xf32, #tpu.memory_space<vmem>>, %arg15: memref<88x128xf32, #tpu.memory_space<vmem>>, %arg16: memref<88x128xf32, #tpu.memory_space<vmem>>, %arg17: memref<10240x128xf32, #tpu.memory_space<vmem_shared>>, %arg18: memref<!tpu.dma_semaphore, #tpu.memory_space<semaphore_mem>>, %arg19: memref<!tpu.dma_semaphore, #tpu.memory_space<semaphore_mem>>, %arg20: memref<!tpu.dma_semaphore, #tpu.memory_space<semaphore_mem>>, %arg21: memref<!tpu.dma_semaphore, #tpu.memory_space<semaphore_mem>>, %arg22: memref<!tpu.dma_semaphore, #tpu.memory_space<semaphore_mem>>, %arg23: memref<!tpu.dma_semaphore, #tpu.memory_space<semaphore_mem>>, %arg24: memref<!tpu.dma_semaphore, #tpu.memory_space<semaphore_mem>>, %arg25: memref<!tpu.dma_semaphore, #tpu.memory_space<semaphore_mem>>, %arg26: memref<!tpu.dma_semaphore, #tpu.memory_space<semaphore_mem>>, %arg27: memref<!tpu.dma_semaphore, #tpu.memory_space<semaphore_mem>>, %arg28: memref<!tpu.dma_semaphore, #tpu.memory_space<semaphore_mem>>, %arg29: memref<!tpu.dma_semaphore, #tpu.memory_space<semaphore_mem>>, %arg30: memref<!tpu.dma_semaphore, #tpu.memory_space<semaphore_mem>>, %arg31: memref<!tpu.dma_semaphore, #tpu.memory_space<semaphore_mem>>, %arg32: memref<!tpu.dma_semaphore, #tpu.memory_space<semaphore_mem>>, %arg33: memref<!tpu.dma_semaphore, #tpu.memory_space<semaphore_mem>>) attributes {dimension_semantics = [#tpu.dimension_semantics<core_parallel>, #tpu.dimension_semantics<subcore_parallel>], iteration_bounds = array<i64: 2, 16>, scalar_prefetch = 0 : i64, scratch_operands = 29 : i64, tpu.core_type = #tpu.core_type<sc_vector_subcore>, window_params = [{transform_indices = #map}, {transform_indices = #map1}, {transform_indices = #map2}]} {
    %broadcast_in_dim3A = arith.constant 0.000000e+00 : f32
    %broadcast_in_dim3A_0 = vector.broadcast %broadcast_in_dim3A : f32 to vector<16xf32>
    %scan3A = arith.constant 0 : i32
    %scan3A_1 = arith.constant 88 : i32
    %scan3A_2 = arith.addi %scan3A, %scan3A_1 : i32
    %scan3A_3 = arith.constant 1 : i32
    scf.for %scan3A_141 = %scan3A to %scan3A_2 step %scan3A_3  : i32 {
      %mul3A_142 = arith.constant 1 : i32
      %mul3A_143 = arith.muli %scan3A_141, %mul3A_142 : i32
      %add3A_144 = arith.constant 0 : i32
      %add3A_145 = arith.addi %add3A_144, %mul3A_143 : i32
      %scan3A_146 = arith.constant 0 : i32
      %scan3A_147 = arith.constant 8 : i32
      %scan3A_148 = arith.addi %scan3A_146, %scan3A_147 : i32
      %scan3A_149 = arith.constant 1 : i32
      scf.for %scan3A_151 = %scan3A_146 to %scan3A_148 step %scan3A_149  : i32 {
        %mul3A_152 = arith.constant 1 : i32
        %mul3A_153 = arith.muli %scan3A_151, %mul3A_152 : i32
        %add3A_154 = arith.constant 0 : i32
        %add3A_155 = arith.addi %add3A_154, %mul3A_153 : i32
        %mul3A_156 = arith.constant 16 : i32
        %mul3A_157 = arith.muli %add3A_155, %mul3A_156 : i32
        %swap3A = arith.index_cast %add3A_145 : i32 to index
        %swap3A_158 = arith.index_cast %mul3A_157 : i32 to index
        %swap3A_159 = tpu.vector_load %arg13[%swap3A, %swap3A_158] {strides = array<i32>} : memref<88x128xf32, #tpu.memory_space<vmem>>, vector<1x16xf32>,
        %swap3A_160 = vector.shape_cast %swap3A_159 : vector<1x16xf32> to vector<16xf32>
        %swap3A_161 = vector.shape_cast %broadcast_in_dim3A_0 : vector<16xf32> to vector<1x16xf32>
        tpu.vector_store %arg13[%swap3A, %swap3A_158], %swap3A_161 {strides = array<i32>} : memref<88x128xf32, #tpu.memory_space<vmem>>, vector<1x16xf32>,
      }
      %scan3A_150 = arith.constant 8 : i32
    }
    %scan3A_4 = arith.constant 88 : i32
    %scan3A_5 = arith.constant 0 : i32
    %scan3A_6 = arith.constant 8 : i32
    %scan3A_7 = arith.addi %scan3A_5, %scan3A_6 : i32
    %scan3A_8 = arith.constant 1 : i32
    scf.for %scan3A_141 = %scan3A_5 to %scan3A_7 step %scan3A_8  : i32 {
      %mul3A_142 = arith.constant 1 : i32
      %mul3A_143 = arith.muli %scan3A_141, %mul3A_142 : i32
      %add3A_144 = arith.constant 0 : i32
      %add3A_145 = arith.addi %add3A_144, %mul3A_143 : i32
      %mul3A_146 = arith.constant 640 : i32
      %mul3A_147 = arith.muli %arg1, %mul3A_146 : i32
      %mul3A_148 = arith.constant 80 : i32
      %mul3A_149 = arith.muli %add3A_145, %mul3A_148 : i32
      %add3A_150 = arith.addi %mul3A_147, %mul3A_149 : i32
      "tpu.region"() ({
        %run_scoped3A = tpu.sem_alloc : memref<!tpu.dma_semaphore, #tpu.memory_space<semaphore_mem>>
        %dma_start3A_151 = arith.constant 0 : i32
        %dma_start3A_152 = arith.constant 0 : i32
        %dma_start3A_153 = tpu.memref_slice %arg13[%dma_start3A_151, %dma_start3A_152] : memref<88x128xf32, #tpu.memory_space<vmem>> -> memref<80x128xf32, #tpu.memory_space<vmem>>
        %dma_start3A_154 = arith.constant 0 : i32
        %dma_start3A_155 = tpu.memref_slice %arg17[%add3A_150, %dma_start3A_154] : memref<10240x128xf32, #tpu.memory_space<vmem_shared>> -> memref<80x128xf32, #tpu.memory_space<vmem_shared>>
        %dma_start3A_156 = arith.constant 0 : i32
        %dma_start3A_157 = tpu.memref_slice %arg17[%add3A_150, %dma_start3A_156] : memref<10240x128xf32, #tpu.memory_space<vmem_shared>> -> memref<80x128xf32, #tpu.memory_space<vmem_shared>>
        %dma_start3A_158 = arith.constant 0 : i32
        %dma_start3A_159 = arith.constant 0 : i32
        %dma_start3A_160 = tpu.memref_slice %arg13[%dma_start3A_158, %dma_start3A_159] : memref<88x128xf32, #tpu.memory_space<vmem>> -> memref<80x128xf32, #tpu.memory_space<vmem>>
        tpu.enqueue_dma source(%dma_start3A_160 : memref<80x128xf32, #tpu.memory_space<vmem>>) target(%dma_start3A_157 : memref<80x128xf32, #tpu.memory_space<vmem_shared>>) target_semaphore(%run_scoped3A : memref<!tpu.dma_semaphore, #tpu.memory_space<semaphore_mem>>)
        %dma_wait3A_161 = arith.constant 0 : i32
        %dma_wait3A_162 = arith.constant 0 : i32
        %dma_wait3A_163 = tpu.memref_slice %arg13[%dma_wait3A_161, %dma_wait3A_162] : memref<88x128xf32, #tpu.memory_space<vmem>> -> memref<80x128xf32, #tpu.memory_space<vmem>>
        %dma_wait3A_164 = arith.constant 0 : i32
        %dma_wait3A_165 = tpu.memref_slice %arg17[%add3A_150, %dma_wait3A_164] : memref<10240x128xf32, #tpu.memory_space<vmem_shared>> -> memref<80x128xf32, #tpu.memory_space<vmem_shared>>
        %dma_wait3A_166 = arith.constant 0 : i32
        %dma_wait3A_167 = tpu.memref_slice %arg17[%add3A_150, %dma_wait3A_166] : memref<10240x128xf32, #tpu.memory_space<vmem_shared>> -> memref<80x128xf32, #tpu.memory_space<vmem_shared>>
        %dma_wait3A_168 = arith.constant 0 : i32
        %dma_wait3A_169 = arith.constant 0 : i32
        %dma_wait3A_170 = tpu.memref_slice %arg13[%dma_wait3A_168, %dma_wait3A_169] : memref<88x128xf32, #tpu.memory_space<vmem>> -> memref<80x128xf32, #tpu.memory_space<vmem>>
        tpu.wait_dma2 semaphore(%run_scoped3A : memref<!tpu.dma_semaphore, #tpu.memory_space<semaphore_mem>>) src(%dma_wait3A_170 : memref<80x128xf32, #tpu.memory_space<vmem>>) dst(%dma_wait3A_167 : memref<80x128xf32, #tpu.memory_space<vmem_shared>>)
        tpu.yield
      }) : () -> ()
    }
    %scan3A_9 = arith.constant 8 : i32
    %mul3A = arith.constant 16 : i32
    %mul3A_10 = arith.muli %arg0, %mul3A : i32
    %add3A = arith.addi %mul3A_10, %arg1 : i32
    %barrier3A = arith.constant 0 : index
    tpu.barrier barrier_id(%barrier3A)
    %dma_start3A = arith.constant 0 : i32
    %dma_start3A_11 = arith.constant 0 : i32
    %dma_start3A_12 = arith.constant 0 : i32
    %dma_start3A_13 = tpu.memref_slice %arg3[%add3A, %dma_start3A, %dma_start3A_11, %dma_start3A_12] : memref<32x232x2x88xi32, #tpu.memory_space<hbm>> -> memref<1x1x2x88xi32, #tpu.memory_space<hbm>>
    %dma_start3A_14 = tpu.memref_squeeze %dma_start3A_13 : memref<1x1x2x88xi32, #tpu.memory_space<hbm>> -> memref<2x88xi32, #tpu.memory_space<hbm>>
    %dma_start3A_15 = arith.constant 0 : i32
    %dma_start3A_16 = arith.constant 0 : i32
    %dma_start3A_17 = tpu.memref_slice %arg3[%add3A, %dma_start3A, %dma_start3A_15, %dma_start3A_16] : memref<32x232x2x88xi32, #tpu.memory_space<hbm>> -> memref<1x1x2x88xi32, #tpu.memory_space<hbm>>
    %dma_start3A_18 = tpu.memref_squeeze %dma_start3A_17 : memref<1x1x2x88xi32, #tpu.memory_space<hbm>> -> memref<2x88xi32, #tpu.memory_space<hbm>>
    tpu.enqueue_dma source(%dma_start3A_18 : memref<2x88xi32, #tpu.memory_space<hbm>>) target(%arg5 : memref<2x88xi32, #tpu.memory_space<vmem>>) target_semaphore(%arg18 : memref<!tpu.dma_semaphore, #tpu.memory_space<semaphore_mem>>)
    %dma_start3A_19 = arith.constant 1 : i32
    %dma_start3A_20 = arith.constant 0 : i32
    %dma_start3A_21 = arith.constant 0 : i32
    %dma_start3A_22 = tpu.memref_slice %arg3[%add3A, %dma_start3A_19, %dma_start3A_20, %dma_start3A_21] : memref<32x232x2x88xi32, #tpu.memory_space<hbm>> -> memref<1x1x2x88xi32, #tpu.memory_space<hbm>>
    %dma_start3A_23 = tpu.memref_squeeze %dma_start3A_22 : memref<1x1x2x88xi32, #tpu.memory_space<hbm>> -> memref<2x88xi32, #tpu.memory_space<hbm>>
    %dma_start3A_24 = arith.constant 0 : i32
    %dma_start3A_25 = arith.constant 0 : i32
    %dma_start3A_26 = tpu.memref_slice %arg3[%add3A, %dma_start3A_19, %dma_start3A_24, %dma_start3A_25] : memref<32x232x2x88xi32, #tpu.memory_space<hbm>> -> memref<1x1x2x88xi32, #tpu.memory_space<hbm>>
    %dma_start3A_27 = tpu.memref_squeeze %dma_start3A_26 : memref<1x1x2x88xi32, #tpu.memory_space<hbm>> -> memref<2x88xi32, #tpu.memory_space<hbm>>
    tpu.enqueue_dma source(%dma_start3A_27 : memref<2x88xi32, #tpu.memory_space<hbm>>) target(%arg6 : memref<2x88xi32, #tpu.memory_space<vmem>>) target_semaphore(%arg19 : memref<!tpu.dma_semaphore, #tpu.memory_space<semaphore_mem>>)
    %dma_start3A_28 = arith.constant 2 : i32
    %dma_start3A_29 = arith.constant 0 : i32
    %dma_start3A_30 = arith.constant 0 : i32
    %dma_start3A_31 = tpu.memref_slice %arg3[%add3A, %dma_start3A_28, %dma_start3A_29, %dma_start3A_30] : memref<32x232x2x88xi32, #tpu.memory_space<hbm>> -> memref<1x1x2x88xi32, #tpu.memory_space<hbm>>
    %dma_start3A_32 = tpu.memref_squeeze %dma_start3A_31 : memref<1x1x2x88xi32, #tpu.memory_space<hbm>> -> memref<2x88xi32, #tpu.memory_space<hbm>>
    %dma_start3A_33 = arith.constant 0 : i32
    %dma_start3A_34 = arith.constant 0 : i32
    %dma_start3A_35 = tpu.memref_slice %arg3[%add3A, %dma_start3A_28, %dma_start3A_33, %dma_start3A_34] : memref<32x232x2x88xi32, #tpu.memory_space<hbm>> -> memref<1x1x2x88xi32, #tpu.memory_space<hbm>>
    %dma_start3A_36 = tpu.memref_squeeze %dma_start3A_35 : memref<1x1x2x88xi32, #tpu.memory_space<hbm>> -> memref<2x88xi32, #tpu.memory_space<hbm>>
    tpu.enqueue_dma source(%dma_start3A_36 : memref<2x88xi32, #tpu.memory_space<hbm>>) target(%arg7 : memref<2x88xi32, #tpu.memory_space<vmem>>) target_semaphore(%arg20 : memref<!tpu.dma_semaphore, #tpu.memory_space<semaphore_mem>>)
    %dma_start3A_37 = arith.constant 3 : i32
    %dma_start3A_38 = arith.constant 0 : i32
    %dma_start3A_39 = arith.constant 0 : i32
    %dma_start3A_40 = tpu.memref_slice %arg3[%add3A, %dma_start3A_37, %dma_start3A_38, %dma_start3A_39] : memref<32x232x2x88xi32, #tpu.memory_space<hbm>> -> memref<1x1x2x88xi32, #tpu.memory_space<hbm>>
    %dma_start3A_41 = tpu.memref_squeeze %dma_start3A_40 : memref<1x1x2x88xi32, #tpu.memory_space<hbm>> -> memref<2x88xi32, #tpu.memory_space<hbm>>
    %dma_start3A_42 = arith.constant 0 : i32
    %dma_start3A_43 = arith.constant 0 : i32
    %dma_start3A_44 = tpu.memref_slice %arg3[%add3A, %dma_start3A_37, %dma_start3A_42, %dma_start3A_43] : memref<32x232x2x88xi32, #tpu.memory_space<hbm>> -> memref<1x1x2x88xi32, #tpu.memory_space<hbm>>
    %dma_start3A_45 = tpu.memref_squeeze %dma_start3A_44 : memref<1x1x2x88xi32, #tpu.memory_space<hbm>> -> memref<2x88xi32, #tpu.memory_space<hbm>>
    tpu.enqueue_dma source(%dma_start3A_45 : memref<2x88xi32, #tpu.memory_space<hbm>>) target(%arg8 : memref<2x88xi32, #tpu.memory_space<vmem>>) target_semaphore(%arg21 : memref<!tpu.dma_semaphore, #tpu.memory_space<semaphore_mem>>)
    %dma_start3A_46 = arith.constant 4 : i32
    %dma_start3A_47 = arith.constant 0 : i32
    %dma_start3A_48 = arith.constant 0 : i32
    %dma_start3A_49 = tpu.memref_slice %arg3[%add3A, %dma_start3A_46, %dma_start3A_47, %dma_start3A_48] : memref<32x232x2x88xi32, #tpu.memory_space<hbm>> -> memref<1x1x2x88xi32, #tpu.memory_space<hbm>>
    %dma_start3A_50 = tpu.memref_squeeze %dma_start3A_49 : memref<1x1x2x88xi32, #tpu.memory_space<hbm>> -> memref<2x88xi32, #tpu.memory_space<hbm>>
    %dma_start3A_51 = arith.constant 0 : i32
    %dma_start3A_52 = arith.constant 0 : i32
    %dma_start3A_53 = tpu.memref_slice %arg3[%add3A, %dma_start3A_46, %dma_start3A_51, %dma_start3A_52] : memref<32x232x2x88xi32, #tpu.memory_space<hbm>> -> memref<1x1x2x88xi32, #tpu.memory_space<hbm>>
    %dma_start3A_54 = tpu.memref_squeeze %dma_start3A_53 : memref<1x1x2x88xi32, #tpu.memory_space<hbm>> -> memref<2x88xi32, #tpu.memory_space<hbm>>
    tpu.enqueue_dma source(%dma_start3A_54 : memref<2x88xi32, #tpu.memory_space<hbm>>) target(%arg9 : memref<2x88xi32, #tpu.memory_space<vmem>>) target_semaphore(%arg22 : memref<!tpu.dma_semaphore, #tpu.memory_space<semaphore_mem>>)
    %dma_wait3A = arith.constant 0 : i32
    %dma_wait3A_55 = arith.constant 0 : i32
    %dma_wait3A_56 = arith.constant 0 : i32
    %dma_wait3A_57 = tpu.memref_slice %arg3[%add3A, %dma_wait3A, %dma_wait3A_55, %dma_wait3A_56] : memref<32x232x2x88xi32, #tpu.memory_space<hbm>> -> memref<1x1x2x88xi32, #tpu.memory_space<hbm>>
    %dma_wait3A_58 = tpu.memref_squeeze %dma_wait3A_57 : memref<1x1x2x88xi32, #tpu.memory_space<hbm>> -> memref<2x88xi32, #tpu.memory_space<hbm>>
    %dma_wait3A_59 = arith.constant 0 : i32
    %dma_wait3A_60 = arith.constant 0 : i32
    %dma_wait3A_61 = tpu.memref_slice %arg3[%add3A, %dma_wait3A, %dma_wait3A_59, %dma_wait3A_60] : memref<32x232x2x88xi32, #tpu.memory_space<hbm>> -> memref<1x1x2x88xi32, #tpu.memory_space<hbm>>
    %dma_wait3A_62 = tpu.memref_squeeze %dma_wait3A_61 : memref<1x1x2x88xi32, #tpu.memory_space<hbm>> -> memref<2x88xi32, #tpu.memory_space<hbm>>
    tpu.wait_dma2 semaphore(%arg18 : memref<!tpu.dma_semaphore, #tpu.memory_space<semaphore_mem>>) src(%dma_wait3A_62 : memref<2x88xi32, #tpu.memory_space<hbm>>) dst(%arg5 : memref<2x88xi32, #tpu.memory_space<vmem>>)
    %dma_start3A_63 = arith.constant 0 : i32
    %dma_start3A_64 = arith.constant 0 : i32
    %dma_start3A_65 = tpu.memref_slice %arg5[%dma_start3A_63, %dma_start3A_64] : memref<2x88xi32, #tpu.memory_space<vmem>> -> memref<1x88xi32, #tpu.memory_space<vmem>>
    %dma_start3A_66 = tpu.memref_squeeze %dma_start3A_65 : memref<1x88xi32, #tpu.memory_space<vmem>> -> memref<88xi32, #tpu.memory_space<vmem>>
    %dma_start3A_67 = arith.constant 0 : i32
    %dma_start3A_68 = arith.constant 0 : i32
    %dma_start3A_69 = tpu.memref_slice %arg2[%dma_start3A_67, %dma_start3A_68] : memref<20480x128xf32, #tpu.memory_space<hbm>> -> memref<20480x128xf32, #tpu.memory_space<hbm>>
    tpu.enqueue_indirect_dma source(%dma_start3A_69 : memref<20480x128xf32, #tpu.memory_space<hbm>>) target(%arg13 : memref<88x128xf32, #tpu.memory_space<vmem>>) offsets(%dma_start3A_66 : memref<88xi32, #tpu.memory_space<vmem>>) semaphore(%arg26 : memref<!tpu.dma_semaphore, #tpu.memory_space<semaphore_mem>>)
    %dma_wait3A_70 = arith.constant 1 : i32
    %dma_wait3A_71 = arith.constant 0 : i32
    %dma_wait3A_72 = arith.constant 0 : i32
    %dma_wait3A_73 = tpu.memref_slice %arg3[%add3A, %dma_wait3A_70, %dma_wait3A_71, %dma_wait3A_72] : memref<32x232x2x88xi32, #tpu.memory_space<hbm>> -> memref<1x1x2x88xi32, #tpu.memory_space<hbm>>
    %dma_wait3A_74 = tpu.memref_squeeze %dma_wait3A_73 : memref<1x1x2x88xi32, #tpu.memory_space<hbm>> -> memref<2x88xi32, #tpu.memory_space<hbm>>
    %dma_wait3A_75 = arith.constant 0 : i32
    %dma_wait3A_76 = arith.constant 0 : i32
    %dma_wait3A_77 = tpu.memref_slice %arg3[%add3A, %dma_wait3A_70, %dma_wait3A_75, %dma_wait3A_76] : memref<32x232x2x88xi32, #tpu.memory_space<hbm>> -> memref<1x1x2x88xi32, #tpu.memory_space<hbm>>
    %dma_wait3A_78 = tpu.memref_squeeze %dma_wait3A_77 : memref<1x1x2x88xi32, #tpu.memory_space<hbm>> -> memref<2x88xi32, #tpu.memory_space<hbm>>
    tpu.wait_dma2 semaphore(%arg19 : memref<!tpu.dma_semaphore, #tpu.memory_space<semaphore_mem>>) src(%dma_wait3A_78 : memref<2x88xi32, #tpu.memory_space<hbm>>) dst(%arg6 : memref<2x88xi32, #tpu.memory_space<vmem>>)
    %dma_start3A_79 = arith.constant 0 : i32
    %dma_start3A_80 = arith.constant 0 : i32
    %dma_start3A_81 = tpu.memref_slice %arg6[%dma_start3A_79, %dma_start3A_80] : memref<2x88xi32, #tpu.memory_space<vmem>> -> memref<1x88xi32, #tpu.memory_space<vmem>>
    %dma_start3A_82 = tpu.memref_squeeze %dma_start3A_81 : memref<1x88xi32, #tpu.memory_space<vmem>> -> memref<88xi32, #tpu.memory_space<vmem>>
    %dma_start3A_83 = arith.constant 0 : i32
    %dma_start3A_84 = arith.constant 0 : i32
    %dma_start3A_85 = tpu.memref_slice %arg2[%dma_start3A_83, %dma_start3A_84] : memref<20480x128xf32, #tpu.memory_space<hbm>> -> memref<20480x128xf32, #tpu.memory_space<hbm>>
    tpu.enqueue_indirect_dma source(%dma_start3A_85 : memref<20480x128xf32, #tpu.memory_space<hbm>>) target(%arg14 : memref<88x128xf32, #tpu.memory_space<vmem>>) offsets(%dma_start3A_82 : memref<88xi32, #tpu.memory_space<vmem>>) semaphore(%arg27 : memref<!tpu.dma_semaphore, #tpu.memory_space<semaphore_mem>>)
    %dma_wait3A_86 = arith.constant 2 : i32
    %dma_wait3A_87 = arith.constant 0 : i32
    %dma_wait3A_88 = arith.constant 0 : i32
    %dma_wait3A_89 = tpu.memref_slice %arg3[%add3A, %dma_wait3A_86, %dma_wait3A_87, %dma_wait3A_88] : memref<32x232x2x88xi32, #tpu.memory_space<hbm>> -> memref<1x1x2x88xi32, #tpu.memory_space<hbm>>
    %dma_wait3A_90 = tpu.memref_squeeze %dma_wait3A_89 : memref<1x1x2x88xi32, #tpu.memory_space<hbm>> -> memref<2x88xi32, #tpu.memory_space<hbm>>
    %dma_wait3A_91 = arith.constant 0 : i32
    %dma_wait3A_92 = arith.constant 0 : i32
    %dma_wait3A_93 = tpu.memref_slice %arg3[%add3A, %dma_wait3A_86, %dma_wait3A_91, %dma_wait3A_92] : memref<32x232x2x88xi32, #tpu.memory_space<hbm>> -> memref<1x1x2x88xi32, #tpu.memory_space<hbm>>
    %dma_wait3A_94 = tpu.memref_squeeze %dma_wait3A_93 : memref<1x1x2x88xi32, #tpu.memory_space<hbm>> -> memref<2x88xi32, #tpu.memory_space<hbm>>
    tpu.wait_dma2 semaphore(%arg20 : memref<!tpu.dma_semaphore, #tpu.memory_space<semaphore_mem>>) src(%dma_wait3A_94 : memref<2x88xi32, #tpu.memory_space<hbm>>) dst(%arg7 : memref<2x88xi32, #tpu.memory_space<vmem>>)
    %dma_start3A_95 = arith.constant 0 : i32
    %dma_start3A_96 = arith.constant 0 : i32
    %dma_start3A_97 = tpu.memref_slice %arg7[%dma_start3A_95, %dma_start3A_96] : memref<2x88xi32, #tpu.memory_space<vmem>> -> memref<1x88xi32, #tpu.memory_space<vmem>>
    %dma_start3A_98 = tpu.memref_squeeze %dma_start3A_97 : memref<1x88xi32, #tpu.memory_space<vmem>> -> memref<88xi32, #tpu.memory_space<vmem>>
    %dma_start3A_99 = arith.constant 0 : i32
    %dma_start3A_100 = arith.constant 0 : i32
    %dma_start3A_101 = tpu.memref_slice %arg2[%dma_start3A_99, %dma_start3A_100] : memref<20480x128xf32, #tpu.memory_space<hbm>> -> memref<20480x128xf32, #tpu.memory_space<hbm>>
    tpu.enqueue_indirect_dma source(%dma_start3A_101 : memref<20480x128xf32, #tpu.memory_space<hbm>>) target(%arg15 : memref<88x128xf32, #tpu.memory_space<vmem>>) offsets(%dma_start3A_98 : memref<88xi32, #tpu.memory_space<vmem>>) semaphore(%arg28 : memref<!tpu.dma_semaphore, #tpu.memory_space<semaphore_mem>>)
    %scan3A_102 = arith.constant 0 : i32
    %scan3A_103 = arith.constant 29 : i32
    %scan3A_104 = arith.addi %scan3A_102, %scan3A_103 : i32
    %scan3A_105 = arith.constant 1 : i32
    scf.for %scan3A_141 = %scan3A_102 to %scan3A_104 step %scan3A_105  : i32 {
      %mul3A_142 = arith.constant 1 : i32
      %mul3A_143 = arith.muli %scan3A_141, %mul3A_142 : i32
      %add3A_144 = arith.constant 0 : i32
      %add3A_145 = arith.addi %add3A_144, %mul3A_143 : i32
      %mul3A_146 = arith.constant 8 : i32
      %mul3A_147 = arith.muli %add3A_145, %mul3A_146 : i32
      %add3A_148 = arith.constant 0 : i32
      %add3A_149 = arith.addi %mul3A_147, %add3A_148 : i32
      %add3A_150 = arith.constant 5 : i32
      %add3A_151 = arith.addi %add3A_149, %add3A_150 : i32
      %lt3A = arith.constant 232 : i32
      %lt3A_152 = arith.cmpi slt, %add3A_151, %lt3A : i32
      %convert_element_type3A = arith.extui %lt3A_152 : i1 to i32
      %cond3A = arith.constant 0 : i32
      %cond3A_153 = arith.cmpi ne, %convert_element_type3A, %cond3A : i32
      scf.if %cond3A_153 {
        %add3A_463 = arith.constant 5 : i32
        %add3A_464 = arith.addi %add3A_149, %add3A_463 : i32
        %dma_start3A_465 = arith.constant 0 : i32
        %dma_start3A_466 = arith.constant 0 : i32
        %dma_start3A_467 = tpu.memref_slice %arg3[%add3A, %add3A_464, %dma_start3A_465, %dma_start3A_466] : memref<32x232x2x88xi32, #tpu.memory_space<hbm>> -> memref<1x1x2x88xi32, #tpu.memory_space<hbm>>
        %dma_start3A_468 = tpu.memref_squeeze %dma_start3A_467 : memref<1x1x2x88xi32, #tpu.memory_space<hbm>> -> memref<2x88xi32, #tpu.memory_space<hbm>>
        %dma_start3A_469 = arith.constant 0 : i32
        %dma_start3A_470 = arith.constant 0 : i32
        %dma_start3A_471 = tpu.memref_slice %arg3[%add3A, %add3A_464, %dma_start3A_469, %dma_start3A_470] : memref<32x232x2x88xi32, #tpu.memory_space<hbm>> -> memref<1x1x2x88xi32, #tpu.memory_space<hbm>>
        %dma_start3A_472 = tpu.memref_squeeze %dma_start3A_471 : memref<1x1x2x88xi32, #tpu.memory_space<hbm>> -> memref<2x88xi32, #tpu.memory_space<hbm>>
        tpu.enqueue_dma source(%dma_start3A_472 : memref<2x88xi32, #tpu.memory_space<hbm>>) target(%arg10 : memref<2x88xi32, #tpu.memory_space<vmem>>) target_semaphore(%arg23 : memref<!tpu.dma_semaphore, #tpu.memory_space<semaphore_mem>>)
      } else {
      }
      %ge3A = arith.constant 1 : i32
      %ge3A_154 = arith.cmpi sge, %add3A_149, %ge3A : i32
      %add3A_155 = arith.constant 3 : i32
      %add3A_156 = arith.addi %add3A_149, %add3A_155 : i32
      %lt3A_157 = arith.constant 232 : i32
      %lt3A_158 = arith.cmpi slt, %add3A_156, %lt3A_157 : i32
      %and3A = arith.andi %ge3A_154, %lt3A_158 : i1
      %convert_element_type3A_159 = arith.extui %and3A : i1 to i32
      %cond3A_160 = arith.constant 0 : i32
      %cond3A_161 = arith.cmpi ne, %convert_element_type3A_159, %cond3A_160 : i32
      scf.if %cond3A_161 {
        %dma_wait3A_463 = arith.constant 1 : i32
        %dma_wait3A_464 = arith.constant 0 : i32
        %dma_wait3A_465 = tpu.memref_slice %arg12[%dma_wait3A_463, %dma_wait3A_464] : memref<2x88xi32, #tpu.memory_space<vmem>> -> memref<1x88xi32, #tpu.memory_space<vmem>>
        %dma_wait3A_466 = tpu.memref_squeeze %dma_wait3A_465 : memref<1x88xi32, #tpu.memory_space<vmem>> -> memref<88xi32, #tpu.memory_space<vmem>>
        %dma_wait3A_467 = arith.constant 0 : i32
        %dma_wait3A_468 = arith.constant 0 : i32
        %dma_wait3A_469 = tpu.memref_slice %arg17[%dma_wait3A_467, %dma_wait3A_468] : memref<10240x128xf32, #tpu.memory_space<vmem_shared>> -> memref<10240x128xf32, #tpu.memory_space<vmem_shared>>
        tpu.wait_indirect_dma semaphore(%arg33 : memref<!tpu.dma_semaphore, #tpu.memory_space<semaphore_mem>>) src(%arg16 : memref<88x128xf32, #tpu.memory_space<vmem>>) dst(%dma_wait3A_469 : memref<10240x128xf32, #tpu.memory_space<vmem_shared>>)
      } else {
      }
      %add3A_162 = arith.constant 3 : i32
      %add3A_163 = arith.addi %add3A_149, %add3A_162 : i32
      %lt3A_164 = arith.constant 232 : i32
      %lt3A_165 = arith.cmpi slt, %add3A_163, %lt3A_164 : i32
      %convert_element_type3A_166 = arith.extui %lt3A_165 : i1 to i32
      %cond3A_167 = arith.constant 0 : i32
      %cond3A_168 = arith.cmpi ne, %convert_element_type3A_166, %cond3A_167 : i32
      scf.if %cond3A_168 {
        %add3A_463 = arith.constant 3 : i32
        %add3A_464 = arith.addi %add3A_149, %add3A_463 : i32
        %dma_wait3A_465 = arith.constant 0 : i32
        %dma_wait3A_466 = arith.constant 0 : i32
        %dma_wait3A_467 = tpu.memref_slice %arg3[%add3A, %add3A_464, %dma_wait3A_465, %dma_wait3A_466] : memref<32x232x2x88xi32, #tpu.memory_space<hbm>> -> memref<1x1x2x88xi32, #tpu.memory_space<hbm>>
        %dma_wait3A_468 = tpu.memref_squeeze %dma_wait3A_467 : memref<1x1x2x88xi32, #tpu.memory_space<hbm>> -> memref<2x88xi32, #tpu.memory_space<hbm>>
        %dma_wait3A_469 = arith.constant 0 : i32
        %dma_wait3A_470 = arith.constant 0 : i32
        %dma_wait3A_471 = tpu.memref_slice %arg3[%add3A, %add3A_464, %dma_wait3A_469, %dma_wait3A_470] : memref<32x232x2x88xi32, #tpu.memory_space<hbm>> -> memref<1x1x2x88xi32, #tpu.memory_space<hbm>>
        %dma_wait3A_472 = tpu.memref_squeeze %dma_wait3A_471 : memref<1x1x2x88xi32, #tpu.memory_space<hbm>> -> memref<2x88xi32, #tpu.memory_space<hbm>>
        tpu.wait_dma2 semaphore(%arg21 : memref<!tpu.dma_semaphore, #tpu.memory_space<semaphore_mem>>) src(%dma_wait3A_472 : memref<2x88xi32, #tpu.memory_space<hbm>>) dst(%arg8 : memref<2x88xi32, #tpu.memory_space<vmem>>)
        %dma_start3A_473 = arith.constant 0 : i32
        %dma_start3A_474 = arith.constant 0 : i32
        %dma_start3A_475 = tpu.memref_slice %arg8[%dma_start3A_473, %dma_start3A_474] : memref<2x88xi32, #tpu.memory_space<vmem>> -> memref<1x88xi32, #tpu.memory_space<vmem>>
        %dma_start3A_476 = tpu.memref_squeeze %dma_start3A_475 : memref<1x88xi32, #tpu.memory_space<vmem>> -> memref<88xi32, #tpu.memory_space<vmem>>
        %dma_start3A_477 = arith.constant 0 : i32
        %dma_start3A_478 = arith.constant 0 : i32
        %dma_start3A_479 = tpu.memref_slice %arg2[%dma_start3A_477, %dma_start3A_478] : memref<20480x128xf32, #tpu.memory_space<hbm>> -> memref<20480x128xf32, #tpu.memory_space<hbm>>
        tpu.enqueue_indirect_dma source(%dma_start3A_479 : memref<20480x128xf32, #tpu.memory_space<hbm>>) target(%arg16 : memref<88x128xf32, #tpu.memory_space<vmem>>) offsets(%dma_start3A_476 : memref<88xi32, #tpu.memory_space<vmem>>) semaphore(%arg29 : memref<!tpu.dma_semaphore, #tpu.memory_space<semaphore_mem>>)
      } else {
      }
      %dma_wait3A_169 = arith.constant 0 : i32
      %dma_wait3A_170 = arith.constant 0 : i32
      %dma_wait3A_171 = tpu.memref_slice %arg5[%dma_wait3A_169, %dma_wait3A_170] : memref<2x88xi32, #tpu.memory_space<vmem>> -> memref<1x88xi32, #tpu.memory_space<vmem>>
      %dma_wait3A_172 = tpu.memref_squeeze %dma_wait3A_171 : memref<1x88xi32, #tpu.memory_space<vmem>> -> memref<88xi32, #tpu.memory_space<vmem>>
      %dma_wait3A_173 = arith.constant 0 : i32
      %dma_wait3A_174 = arith.constant 0 : i32
      %dma_wait3A_175 = tpu.memref_slice %arg2[%dma_wait3A_173, %dma_wait3A_174] : memref<20480x128xf32, #tpu.memory_space<hbm>> -> memref<20480x128xf32, #tpu.memory_space<hbm>>
      tpu.wait_indirect_dma semaphore(%arg26 : memref<!tpu.dma_semaphore, #tpu.memory_space<semaphore_mem>>) src(%dma_wait3A_175 : memref<20480x128xf32, #tpu.memory_space<hbm>>) dst(%arg13 : memref<88x128xf32, #tpu.memory_space<vmem>>)
      %dma_start3A_176 = arith.constant 1 : i32
      %dma_start3A_177 = arith.constant 0 : i32
      %dma_start3A_178 = tpu.memref_slice %arg5[%dma_start3A_176, %dma_start3A_177] : memref<2x88xi32, #tpu.memory_space<vmem>> -> memref<1x88xi32, #tpu.memory_space<vmem>>
      %dma_start3A_179 = tpu.memref_squeeze %dma_start3A_178 : memref<1x88xi32, #tpu.memory_space<vmem>> -> memref<88xi32, #tpu.memory_space<vmem>>
      %dma_start3A_180 = arith.constant 0 : i32
      %dma_start3A_181 = arith.constant 0 : i32
      %dma_start3A_182 = tpu.memref_slice %arg17[%dma_start3A_180, %dma_start3A_181] : memref<10240x128xf32, #tpu.memory_space<vmem_shared>> -> memref<10240x128xf32, #tpu.memory_space<vmem_shared>>
      tpu.enqueue_indirect_dma source(%arg13 : memref<88x128xf32, #tpu.memory_space<vmem>>) target(%dma_start3A_182 : memref<10240x128xf32, #tpu.memory_space<vmem_shared>>) offsets(%dma_start3A_179 : memref<88xi32, #tpu.memory_space<vmem>>) semaphore(%arg30 : memref<!tpu.dma_semaphore, #tpu.memory_space<semaphore_mem>>) {add = true}
      %add3A_183 = arith.constant 1 : i32
      %add3A_184 = arith.addi %mul3A_147, %add3A_183 : i32
      %add3A_185 = arith.constant 5 : i32
      %add3A_186 = arith.addi %add3A_184, %add3A_185 : i32
      %lt3A_187 = arith.constant 232 : i32
      %lt3A_188 = arith.cmpi slt, %add3A_186, %lt3A_187 : i32
      %convert_element_type3A_189 = arith.extui %lt3A_188 : i1 to i32
      %cond3A_190 = arith.constant 0 : i32
      %cond3A_191 = arith.cmpi ne, %convert_element_type3A_189, %cond3A_190 : i32
      scf.if %cond3A_191 {
        %add3A_463 = arith.constant 5 : i32
        %add3A_464 = arith.addi %add3A_184, %add3A_463 : i32
        %dma_start3A_465 = arith.constant 0 : i32
        %dma_start3A_466 = arith.constant 0 : i32
        %dma_start3A_467 = tpu.memref_slice %arg3[%add3A, %add3A_464, %dma_start3A_465, %dma_start3A_466] : memref<32x232x2x88xi32, #tpu.memory_space<hbm>> -> memref<1x1x2x88xi32, #tpu.memory_space<hbm>>
        %dma_start3A_468 = tpu.memref_squeeze %dma_start3A_467 : memref<1x1x2x88xi32, #tpu.memory_space<hbm>> -> memref<2x88xi32, #tpu.memory_space<hbm>>
        %dma_start3A_469 = arith.constant 0 : i32
        %dma_start3A_470 = arith.constant 0 : i32
        %dma_start3A_471 = tpu.memref_slice %arg3[%add3A, %add3A_464, %dma_start3A_469, %dma_start3A_470] : memref<32x232x2x88xi32, #tpu.memory_space<hbm>> -> memref<1x1x2x88xi32, #tpu.memory_space<hbm>>
        %dma_start3A_472 = tpu.memref_squeeze %dma_start3A_471 : memref<1x1x2x88xi32, #tpu.memory_space<hbm>> -> memref<2x88xi32, #tpu.memory_space<hbm>>
        tpu.enqueue_dma source(%dma_start3A_472 : memref<2x88xi32, #tpu.memory_space<hbm>>) target(%arg11 : memref<2x88xi32, #tpu.memory_space<vmem>>) target_semaphore(%arg24 : memref<!tpu.dma_semaphore, #tpu.memory_space<semaphore_mem>>)
      } else {
      }
      %ge3A_192 = arith.constant 1 : i32
      %ge3A_193 = arith.cmpi sge, %add3A_184, %ge3A_192 : i32
      %add3A_194 = arith.constant 3 : i32
      %add3A_195 = arith.addi %add3A_184, %add3A_194 : i32
      %lt3A_196 = arith.constant 232 : i32
      %lt3A_197 = arith.cmpi slt, %add3A_195, %lt3A_196 : i32
      %and3A_198 = arith.andi %ge3A_193, %lt3A_197 : i1
      %convert_element_type3A_199 = arith.extui %and3A_198 : i1 to i32
      %cond3A_200 = arith.constant 0 : i32
      %cond3A_201 = arith.cmpi ne, %convert_element_type3A_199, %cond3A_200 : i32
      scf.if %cond3A_201 {
        %dma_wait3A_463 = arith.constant 1 : i32
        %dma_wait3A_464 = arith.constant 0 : i32
        %dma_wait3A_465 = tpu.memref_slice %arg5[%dma_wait3A_463, %dma_wait3A_464] : memref<2x88xi32, #tpu.memory_space<vmem>> -> memref<1x88xi32, #tpu.memory_space<vmem>>
        %dma_wait3A_466 = tpu.memref_squeeze %dma_wait3A_465 : memref<1x88xi32, #tpu.memory_space<vmem>> -> memref<88xi32, #tpu.memory_space<vmem>>
        %dma_wait3A_467 = arith.constant 0 : i32
        %dma_wait3A_468 = arith.constant 0 : i32
        %dma_wait3A_469 = tpu.memref_slice %arg17[%dma_wait3A_467, %dma_wait3A_468] : memref<10240x128xf32, #tpu.memory_space<vmem_shared>> -> memref<10240x128xf32, #tpu.memory_space<vmem_shared>>
        tpu.wait_indirect_dma semaphore(%arg30 : memref<!tpu.dma_semaphore, #tpu.memory_space<semaphore_mem>>) src(%arg13 : memref<88x128xf32, #tpu.memory_space<vmem>>) dst(%dma_wait3A_469 : memref<10240x128xf32, #tpu.memory_space<vmem_shared>>)
      } else {
      }
      %add3A_202 = arith.constant 3 : i32
      %add3A_203 = arith.addi %add3A_184, %add3A_202 : i32
      %lt3A_204 = arith.constant 232 : i32
      %lt3A_205 = arith.cmpi slt, %add3A_203, %lt3A_204 : i32
      %convert_element_type3A_206 = arith.extui %lt3A_205 : i1 to i32
      %cond3A_207 = arith.constant 0 : i32
      %cond3A_208 = arith.cmpi ne, %convert_element_type3A_206, %cond3A_207 : i32
      scf.if %cond3A_208 {
        %add3A_463 = arith.constant 3 : i32
        %add3A_464 = arith.addi %add3A_184, %add3A_463 : i32
        %dma_wait3A_465 = arith.constant 0 : i32
        %dma_wait3A_466 = arith.constant 0 : i32
        %dma_wait3A_467 = tpu.memref_slice %arg3[%add3A, %add3A_464, %dma_wait3A_465, %dma_wait3A_466] : memref<32x232x2x88xi32, #tpu.memory_space<hbm>> -> memref<1x1x2x88xi32, #tpu.memory_space<hbm>>
        %dma_wait3A_468 = tpu.memref_squeeze %dma_wait3A_467 : memref<1x1x2x88xi32, #tpu.memory_space<hbm>> -> memref<2x88xi32, #tpu.memory_space<hbm>>
        %dma_wait3A_469 = arith.constant 0 : i32
        %dma_wait3A_470 = arith.constant 0 : i32
        %dma_wait3A_471 = tpu.memref_slice %arg3[%add3A, %add3A_464, %dma_wait3A_469, %dma_wait3A_470] : memref<32x232x2x88xi32, #tpu.memory_space<hbm>> -> memref<1x1x2x88xi32, #tpu.memory_space<hbm>>
        %dma_wait3A_472 = tpu.memref_squeeze %dma_wait3A_471 : memref<1x1x2x88xi32, #tpu.memory_space<hbm>> -> memref<2x88xi32, #tpu.memory_space<hbm>>
        tpu.wait_dma2 semaphore(%arg22 : memref<!tpu.dma_semaphore, #tpu.memory_space<semaphore_mem>>) src(%dma_wait3A_472 : memref<2x88xi32, #tpu.memory_space<hbm>>) dst(%arg9 : memref<2x88xi32, #tpu.memory_space<vmem>>)
        %dma_start3A_473 = arith.constant 0 : i32
        %dma_start3A_474 = arith.constant 0 : i32
        %dma_start3A_475 = tpu.memref_slice %arg9[%dma_start3A_473, %dma_start3A_474] : memref<2x88xi32, #tpu.memory_space<vmem>> -> memref<1x88xi32, #tpu.memory_space<vmem>>
        %dma_start3A_476 = tpu.memref_squeeze %dma_start3A_475 : memref<1x88xi32, #tpu.memory_space<vmem>> -> memref<88xi32, #tpu.memory_space<vmem>>
        %dma_start3A_477 = arith.constant 0 : i32
        %dma_start3A_478 = arith.constant 0 : i32
        %dma_start3A_479 = tpu.memref_slice %arg2[%dma_start3A_477, %dma_start3A_478] : memref<20480x128xf32, #tpu.memory_space<hbm>> -> memref<20480x128xf32, #tpu.memory_space<hbm>>
        tpu.enqueue_indirect_dma source(%dma_start3A_479 : memref<20480x128xf32, #tpu.memory_space<hbm>>) target(%arg13 : memref<88x128xf32, #tpu.memory_space<vmem>>) offsets(%dma_start3A_476 : memref<88xi32, #tpu.memory_space<vmem>>) semaphore(%arg26 : memref<!tpu.dma_semaphore, #tpu.memory_space<semaphore_mem>>)
      } else {
      }
      %dma_wait3A_209 = arith.constant 0 : i32
      %dma_wait3A_210 = arith.constant 0 : i32
      %dma_wait3A_211 = tpu.memref_slice %arg6[%dma_wait3A_209, %dma_wait3A_210] : memref<2x88xi32, #tpu.memory_space<vmem>> -> memref<1x88xi32, #tpu.memory_space<vmem>>
      %dma_wait3A_212 = tpu.memref_squeeze %dma_wait3A_211 : memref<1x88xi32, #tpu.memory_space<vmem>> -> memref<88xi32, #tpu.memory_space<vmem>>
      %dma_wait3A_213 = arith.constant 0 : i32
      %dma_wait3A_214 = arith.constant 0 : i32
      %dma_wait3A_215 = tpu.memref_slice %arg2[%dma_wait3A_213, %dma_wait3A_214] : memref<20480x128xf32, #tpu.memory_space<hbm>> -> memref<20480x128xf32, #tpu.memory_space<hbm>>
      tpu.wait_indirect_dma semaphore(%arg27 : memref<!tpu.dma_semaphore, #tpu.memory_space<semaphore_mem>>) src(%dma_wait3A_215 : memref<20480x128xf32, #tpu.memory_space<hbm>>) dst(%arg14 : memref<88x128xf32, #tpu.memory_space<vmem>>)
      %dma_start3A_216 = arith.constant 1 : i32
      %dma_start3A_217 = arith.constant 0 : i32
      %dma_start3A_218 = tpu.memref_slice %arg6[%dma_start3A_216, %dma_start3A_217] : memref<2x88xi32, #tpu.memory_space<vmem>> -> memref<1x88xi32, #tpu.memory_space<vmem>>
      %dma_start3A_219 = tpu.memref_squeeze %dma_start3A_218 : memref<1x88xi32, #tpu.memory_space<vmem>> -> memref<88xi32, #tpu.memory_space<vmem>>
      %dma_start3A_220 = arith.constant 0 : i32
      %dma_start3A_221 = arith.constant 0 : i32
      %dma_start3A_222 = tpu.memref_slice %arg17[%dma_start3A_220, %dma_start3A_221] : memref<10240x128xf32, #tpu.memory_space<vmem_shared>> -> memref<10240x128xf32, #tpu.memory_space<vmem_shared>>
      tpu.enqueue_indirect_dma source(%arg14 : memref<88x128xf32, #tpu.memory_space<vmem>>) target(%dma_start3A_222 : memref<10240x128xf32, #tpu.memory_space<vmem_shared>>) offsets(%dma_start3A_219 : memref<88xi32, #tpu.memory_space<vmem>>) semaphore(%arg31 : memref<!tpu.dma_semaphore, #tpu.memory_space<semaphore_mem>>) {add = true}
      %add3A_223 = arith.constant 2 : i32
      %add3A_224 = arith.addi %mul3A_147, %add3A_223 : i32
      %add3A_225 = arith.constant 5 : i32
      %add3A_226 = arith.addi %add3A_224, %add3A_225 : i32
      %lt3A_227 = arith.constant 232 : i32
      %lt3A_228 = arith.cmpi slt, %add3A_226, %lt3A_227 : i32
      %convert_element_type3A_229 = arith.extui %lt3A_228 : i1 to i32
      %cond3A_230 = arith.constant 0 : i32
      %cond3A_231 = arith.cmpi ne, %convert_element_type3A_229, %cond3A_230 : i32
      scf.if %cond3A_231 {
        %add3A_463 = arith.constant 5 : i32
        %add3A_464 = arith.addi %add3A_224, %add3A_463 : i32
        %dma_start3A_465 = arith.constant 0 : i32
        %dma_start3A_466 = arith.constant 0 : i32
        %dma_start3A_467 = tpu.memref_slice %arg3[%add3A, %add3A_464, %dma_start3A_465, %dma_start3A_466] : memref<32x232x2x88xi32, #tpu.memory_space<hbm>> -> memref<1x1x2x88xi32, #tpu.memory_space<hbm>>
        %dma_start3A_468 = tpu.memref_squeeze %dma_start3A_467 : memref<1x1x2x88xi32, #tpu.memory_space<hbm>> -> memref<2x88xi32, #tpu.memory_space<hbm>>
        %dma_start3A_469 = arith.constant 0 : i32
        %dma_start3A_470 = arith.constant 0 : i32
        %dma_start3A_471 = tpu.memref_slice %arg3[%add3A, %add3A_464, %dma_start3A_469, %dma_start3A_470] : memref<32x232x2x88xi32, #tpu.memory_space<hbm>> -> memref<1x1x2x88xi32, #tpu.memory_space<hbm>>
        %dma_start3A_472 = tpu.memref_squeeze %dma_start3A_471 : memref<1x1x2x88xi32, #tpu.memory_space<hbm>> -> memref<2x88xi32, #tpu.memory_space<hbm>>
        tpu.enqueue_dma source(%dma_start3A_472 : memref<2x88xi32, #tpu.memory_space<hbm>>) target(%arg12 : memref<2x88xi32, #tpu.memory_space<vmem>>) target_semaphore(%arg25 : memref<!tpu.dma_semaphore, #tpu.memory_space<semaphore_mem>>)
      } else {
      }
      %ge3A_232 = arith.constant 1 : i32
      %ge3A_233 = arith.cmpi sge, %add3A_224, %ge3A_232 : i32
      %add3A_234 = arith.constant 3 : i32
      %add3A_235 = arith.addi %add3A_224, %add3A_234 : i32
      %lt3A_236 = arith.constant 232 : i32
      %lt3A_237 = arith.cmpi slt, %add3A_235, %lt3A_236 : i32
      %and3A_238 = arith.andi %ge3A_233, %lt3A_237 : i1
      %convert_element_type3A_239 = arith.extui %and3A_238 : i1 to i32
      %cond3A_240 = arith.constant 0 : i32
      %cond3A_241 = arith.cmpi ne, %convert_element_type3A_239, %cond3A_240 : i32
      scf.if %cond3A_241 {
        %dma_wait3A_463 = arith.constant 1 : i32
        %dma_wait3A_464 = arith.constant 0 : i32
        %dma_wait3A_465 = tpu.memref_slice %arg6[%dma_wait3A_463, %dma_wait3A_464] : memref<2x88xi32, #tpu.memory_space<vmem>> -> memref<1x88xi32, #tpu.memory_space<vmem>>
        %dma_wait3A_466 = tpu.memref_squeeze %dma_wait3A_465 : memref<1x88xi32, #tpu.memory_space<vmem>> -> memref<88xi32, #tpu.memory_space<vmem>>
        %dma_wait3A_467 = arith.constant 0 : i32
        %dma_wait3A_468 = arith.constant 0 : i32
        %dma_wait3A_469 = tpu.memref_slice %arg17[%dma_wait3A_467, %dma_wait3A_468] : memref<10240x128xf32, #tpu.memory_space<vmem_shared>> -> memref<10240x128xf32, #tpu.memory_space<vmem_shared>>
        tpu.wait_indirect_dma semaphore(%arg31 : memref<!tpu.dma_semaphore, #tpu.memory_space<semaphore_mem>>) src(%arg14 : memref<88x128xf32, #tpu.memory_space<vmem>>) dst(%dma_wait3A_469 : memref<10240x128xf32, #tpu.memory_space<vmem_shared>>)
      } else {
      }
      %add3A_242 = arith.constant 3 : i32
      %add3A_243 = arith.addi %add3A_224, %add3A_242 : i32
      %lt3A_244 = arith.constant 232 : i32
      %lt3A_245 = arith.cmpi slt, %add3A_243, %lt3A_244 : i32
      %convert_element_type3A_246 = arith.extui %lt3A_245 : i1 to i32
      %cond3A_247 = arith.constant 0 : i32
      %cond3A_248 = arith.cmpi ne, %convert_element_type3A_246, %cond3A_247 : i32
      scf.if %cond3A_248 {
        %add3A_463 = arith.constant 3 : i32
        %add3A_464 = arith.addi %add3A_224, %add3A_463 : i32
        %dma_wait3A_465 = arith.constant 0 : i32
        %dma_wait3A_466 = arith.constant 0 : i32
        %dma_wait3A_467 = tpu.memref_slice %arg3[%add3A, %add3A_464, %dma_wait3A_465, %dma_wait3A_466] : memref<32x232x2x88xi32, #tpu.memory_space<hbm>> -> memref<1x1x2x88xi32, #tpu.memory_space<hbm>>
        %dma_wait3A_468 = tpu.memref_squeeze %dma_wait3A_467 : memref<1x1x2x88xi32, #tpu.memory_space<hbm>> -> memref<2x88xi32, #tpu.memory_space<hbm>>
        %dma_wait3A_469 = arith.constant 0 : i32
        %dma_wait3A_470 = arith.constant 0 : i32
        %dma_wait3A_471 = tpu.memref_slice %arg3[%add3A, %add3A_464, %dma_wait3A_469, %dma_wait3A_470] : memref<32x232x2x88xi32, #tpu.memory_space<hbm>> -> memref<1x1x2x88xi32, #tpu.memory_space<hbm>>
        %dma_wait3A_472 = tpu.memref_squeeze %dma_wait3A_471 : memref<1x1x2x88xi32, #tpu.memory_space<hbm>> -> memref<2x88xi32, #tpu.memory_space<hbm>>
        tpu.wait_dma2 semaphore(%arg23 : memref<!tpu.dma_semaphore, #tpu.memory_space<semaphore_mem>>) src(%dma_wait3A_472 : memref<2x88xi32, #tpu.memory_space<hbm>>) dst(%arg10 : memref<2x88xi32, #tpu.memory_space<vmem>>)
        %dma_start3A_473 = arith.constant 0 : i32
        %dma_start3A_474 = arith.constant 0 : i32
        %dma_start3A_475 = tpu.memref_slice %arg10[%dma_start3A_473, %dma_start3A_474] : memref<2x88xi32, #tpu.memory_space<vmem>> -> memref<1x88xi32, #tpu.memory_space<vmem>>
        %dma_start3A_476 = tpu.memref_squeeze %dma_start3A_475 : memref<1x88xi32, #tpu.memory_space<vmem>> -> memref<88xi32, #tpu.memory_space<vmem>>
        %dma_start3A_477 = arith.constant 0 : i32
        %dma_start3A_478 = arith.constant 0 : i32
        %dma_start3A_479 = tpu.memref_slice %arg2[%dma_start3A_477, %dma_start3A_478] : memref<20480x128xf32, #tpu.memory_space<hbm>> -> memref<20480x128xf32, #tpu.memory_space<hbm>>
        tpu.enqueue_indirect_dma source(%dma_start3A_479 : memref<20480x128xf32, #tpu.memory_space<hbm>>) target(%arg14 : memref<88x128xf32, #tpu.memory_space<vmem>>) offsets(%dma_start3A_476 : memref<88xi32, #tpu.memory_space<vmem>>) semaphore(%arg27 : memref<!tpu.dma_semaphore, #tpu.memory_space<semaphore_mem>>)
      } else {
      }
      %dma_wait3A_249 = arith.constant 0 : i32
      %dma_wait3A_250 = arith.constant 0 : i32
      %dma_wait3A_251 = tpu.memref_slice %arg7[%dma_wait3A_249, %dma_wait3A_250] : memref<2x88xi32, #tpu.memory_space<vmem>> -> memref<1x88xi32, #tpu.memory_space<vmem>>
      %dma_wait3A_252 = tpu.memref_squeeze %dma_wait3A_251 : memref<1x88xi32, #tpu.memory_space<vmem>> -> memref<88xi32, #tpu.memory_space<vmem>>
      %dma_wait3A_253 = arith.constant 0 : i32
      %dma_wait3A_254 = arith.constant 0 : i32
      %dma_wait3A_255 = tpu.memref_slice %arg2[%dma_wait3A_253, %dma_wait3A_254] : memref<20480x128xf32, #tpu.memory_space<hbm>> -> memref<20480x128xf32, #tpu.memory_space<hbm>>
      tpu.wait_indirect_dma semaphore(%arg28 : memref<!tpu.dma_semaphore, #tpu.memory_space<semaphore_mem>>) src(%dma_wait3A_255 : memref<20480x128xf32, #tpu.memory_space<hbm>>) dst(%arg15 : memref<88x128xf32, #tpu.memory_space<vmem>>)
      %dma_start3A_256 = arith.constant 1 : i32
      %dma_start3A_257 = arith.constant 0 : i32
      %dma_start3A_258 = tpu.memref_slice %arg7[%dma_start3A_256, %dma_start3A_257] : memref<2x88xi32, #tpu.memory_space<vmem>> -> memref<1x88xi32, #tpu.memory_space<vmem>>
      %dma_start3A_259 = tpu.memref_squeeze %dma_start3A_258 : memref<1x88xi32, #tpu.memory_space<vmem>> -> memref<88xi32, #tpu.memory_space<vmem>>
      %dma_start3A_260 = arith.constant 0 : i32
      %dma_start3A_261 = arith.constant 0 : i32
      %dma_start3A_262 = tpu.memref_slice %arg17[%dma_start3A_260, %dma_start3A_261] : memref<10240x128xf32, #tpu.memory_space<vmem_shared>> -> memref<10240x128xf32, #tpu.memory_space<vmem_shared>>
      tpu.enqueue_indirect_dma source(%arg15 : memref<88x128xf32, #tpu.memory_space<vmem>>) target(%dma_start3A_262 : memref<10240x128xf32, #tpu.memory_space<vmem_shared>>) offsets(%dma_start3A_259 : memref<88xi32, #tpu.memory_space<vmem>>) semaphore(%arg32 : memref<!tpu.dma_semaphore, #tpu.memory_space<semaphore_mem>>) {add = true}
      %add3A_263 = arith.constant 3 : i32
      %add3A_264 = arith.addi %mul3A_147, %add3A_263 : i32
      %add3A_265 = arith.constant 5 : i32
      %add3A_266 = arith.addi %add3A_264, %add3A_265 : i32
      %lt3A_267 = arith.constant 232 : i32
      %lt3A_268 = arith.cmpi slt, %add3A_266, %lt3A_267 : i32
      %convert_element_type3A_269 = arith.extui %lt3A_268 : i1 to i32
      %cond3A_270 = arith.constant 0 : i32
      %cond3A_271 = arith.cmpi ne, %convert_element_type3A_269, %cond3A_270 : i32
      scf.if %cond3A_271 {
        %add3A_463 = arith.constant 5 : i32
        %add3A_464 = arith.addi %add3A_264, %add3A_463 : i32
        %dma_start3A_465 = arith.constant 0 : i32
        %dma_start3A_466 = arith.constant 0 : i32
        %dma_start3A_467 = tpu.memref_slice %arg3[%add3A, %add3A_464, %dma_start3A_465, %dma_start3A_466] : memref<32x232x2x88xi32, #tpu.memory_space<hbm>> -> memref<1x1x2x88xi32, #tpu.memory_space<hbm>>
        %dma_start3A_468 = tpu.memref_squeeze %dma_start3A_467 : memref<1x1x2x88xi32, #tpu.memory_space<hbm>> -> memref<2x88xi32, #tpu.memory_space<hbm>>
        %dma_start3A_469 = arith.constant 0 : i32
        %dma_start3A_470 = arith.constant 0 : i32
        %dma_start3A_471 = tpu.memref_slice %arg3[%add3A, %add3A_464, %dma_start3A_469, %dma_start3A_470] : memref<32x232x2x88xi32, #tpu.memory_space<hbm>> -> memref<1x1x2x88xi32, #tpu.memory_space<hbm>>
        %dma_start3A_472 = tpu.memref_squeeze %dma_start3A_471 : memref<1x1x2x88xi32, #tpu.memory_space<hbm>> -> memref<2x88xi32, #tpu.memory_space<hbm>>
        tpu.enqueue_dma source(%dma_start3A_472 : memref<2x88xi32, #tpu.memory_space<hbm>>) target(%arg5 : memref<2x88xi32, #tpu.memory_space<vmem>>) target_semaphore(%arg18 : memref<!tpu.dma_semaphore, #tpu.memory_space<semaphore_mem>>)
      } else {
      }
      %ge3A_272 = arith.constant 1 : i32
      %ge3A_273 = arith.cmpi sge, %add3A_264, %ge3A_272 : i32
      %add3A_274 = arith.constant 3 : i32
      %add3A_275 = arith.addi %add3A_264, %add3A_274 : i32
      %lt3A_276 = arith.constant 232 : i32
      %lt3A_277 = arith.cmpi slt, %add3A_275, %lt3A_276 : i32
      %and3A_278 = arith.andi %ge3A_273, %lt3A_277 : i1
      %convert_element_type3A_279 = arith.extui %and3A_278 : i1 to i32
      %cond3A_280 = arith.constant 0 : i32
      %cond3A_281 = arith.cmpi ne, %convert_element_type3A_279, %cond3A_280 : i32
      scf.if %cond3A_281 {
        %dma_wait3A_463 = arith.constant 1 : i32
        %dma_wait3A_464 = arith.constant 0 : i32
        %dma_wait3A_465 = tpu.memref_slice %arg7[%dma_wait3A_463, %dma_wait3A_464] : memref<2x88xi32, #tpu.memory_space<vmem>> -> memref<1x88xi32, #tpu.memory_space<vmem>>
        %dma_wait3A_466 = tpu.memref_squeeze %dma_wait3A_465 : memref<1x88xi32, #tpu.memory_space<vmem>> -> memref<88xi32, #tpu.memory_space<vmem>>
        %dma_wait3A_467 = arith.constant 0 : i32
        %dma_wait3A_468 = arith.constant 0 : i32
        %dma_wait3A_469 = tpu.memref_slice %arg17[%dma_wait3A_467, %dma_wait3A_468] : memref<10240x128xf32, #tpu.memory_space<vmem_shared>> -> memref<10240x128xf32, #tpu.memory_space<vmem_shared>>
        tpu.wait_indirect_dma semaphore(%arg32 : memref<!tpu.dma_semaphore, #tpu.memory_space<semaphore_mem>>) src(%arg15 : memref<88x128xf32, #tpu.memory_space<vmem>>) dst(%dma_wait3A_469 : memref<10240x128xf32, #tpu.memory_space<vmem_shared>>)
      } else {
      }
      %add3A_282 = arith.constant 3 : i32
      %add3A_283 = arith.addi %add3A_264, %add3A_282 : i32
      %lt3A_284 = arith.constant 232 : i32
      %lt3A_285 = arith.cmpi slt, %add3A_283, %lt3A_284 : i32
      %convert_element_type3A_286 = arith.extui %lt3A_285 : i1 to i32
      %cond3A_287 = arith.constant 0 : i32
      %cond3A_288 = arith.cmpi ne, %convert_element_type3A_286, %cond3A_287 : i32
      scf.if %cond3A_288 {
        %add3A_463 = arith.constant 3 : i32
        %add3A_464 = arith.addi %add3A_264, %add3A_463 : i32
        %dma_wait3A_465 = arith.constant 0 : i32
        %dma_wait3A_466 = arith.constant 0 : i32
        %dma_wait3A_467 = tpu.memref_slice %arg3[%add3A, %add3A_464, %dma_wait3A_465, %dma_wait3A_466] : memref<32x232x2x88xi32, #tpu.memory_space<hbm>> -> memref<1x1x2x88xi32, #tpu.memory_space<hbm>>
        %dma_wait3A_468 = tpu.memref_squeeze %dma_wait3A_467 : memref<1x1x2x88xi32, #tpu.memory_space<hbm>> -> memref<2x88xi32, #tpu.memory_space<hbm>>
        %dma_wait3A_469 = arith.constant 0 : i32
        %dma_wait3A_470 = arith.constant 0 : i32
        %dma_wait3A_471 = tpu.memref_slice %arg3[%add3A, %add3A_464, %dma_wait3A_469, %dma_wait3A_470] : memref<32x232x2x88xi32, #tpu.memory_space<hbm>> -> memref<1x1x2x88xi32, #tpu.memory_space<hbm>>
        %dma_wait3A_472 = tpu.memref_squeeze %dma_wait3A_471 : memref<1x1x2x88xi32, #tpu.memory_space<hbm>> -> memref<2x88xi32, #tpu.memory_space<hbm>>
        tpu.wait_dma2 semaphore(%arg24 : memref<!tpu.dma_semaphore, #tpu.memory_space<semaphore_mem>>) src(%dma_wait3A_472 : memref<2x88xi32, #tpu.memory_space<hbm>>) dst(%arg11 : memref<2x88xi32, #tpu.memory_space<vmem>>)
        %dma_start3A_473 = arith.constant 0 : i32
        %dma_start3A_474 = arith.constant 0 : i32
        %dma_start3A_475 = tpu.memref_slice %arg11[%dma_start3A_473, %dma_start3A_474] : memref<2x88xi32, #tpu.memory_space<vmem>> -> memref<1x88xi32, #tpu.memory_space<vmem>>
        %dma_start3A_476 = tpu.memref_squeeze %dma_start3A_475 : memref<1x88xi32, #tpu.memory_space<vmem>> -> memref<88xi32, #tpu.memory_space<vmem>>
        %dma_start3A_477 = arith.constant 0 : i32
        %dma_start3A_478 = arith.constant 0 : i32
        %dma_start3A_479 = tpu.memref_slice %arg2[%dma_start3A_477, %dma_start3A_478] : memref<20480x128xf32, #tpu.memory_space<hbm>> -> memref<20480x128xf32, #tpu.memory_space<hbm>>
        tpu.enqueue_indirect_dma source(%dma_start3A_479 : memref<20480x128xf32, #tpu.memory_space<hbm>>) target(%arg15 : memref<88x128xf32, #tpu.memory_space<vmem>>) offsets(%dma_start3A_476 : memref<88xi32, #tpu.memory_space<vmem>>) semaphore(%arg28 : memref<!tpu.dma_semaphore, #tpu.memory_space<semaphore_mem>>)
      } else {
      }
      %dma_wait3A_289 = arith.constant 0 : i32
      %dma_wait3A_290 = arith.constant 0 : i32
      %dma_wait3A_291 = tpu.memref_slice %arg8[%dma_wait3A_289, %dma_wait3A_290] : memref<2x88xi32, #tpu.memory_space<vmem>> -> memref<1x88xi32, #tpu.memory_space<vmem>>
      %dma_wait3A_292 = tpu.memref_squeeze %dma_wait3A_291 : memref<1x88xi32, #tpu.memory_space<vmem>> -> memref<88xi32, #tpu.memory_space<vmem>>
      %dma_wait3A_293 = arith.constant 0 : i32
      %dma_wait3A_294 = arith.constant 0 : i32
      %dma_wait3A_295 = tpu.memref_slice %arg2[%dma_wait3A_293, %dma_wait3A_294] : memref<20480x128xf32, #tpu.memory_space<hbm>> -> memref<20480x128xf32, #tpu.memory_space<hbm>>
      tpu.wait_indirect_dma semaphore(%arg29 : memref<!tpu.dma_semaphore, #tpu.memory_space<semaphore_mem>>) src(%dma_wait3A_295 : memref<20480x128xf32, #tpu.memory_space<hbm>>) dst(%arg16 : memref<88x128xf32, #tpu.memory_space<vmem>>)
      %dma_start3A_296 = arith.constant 1 : i32
      %dma_start3A_297 = arith.constant 0 : i32
      %dma_start3A_298 = tpu.memref_slice %arg8[%dma_start3A_296, %dma_start3A_297] : memref<2x88xi32, #tpu.memory_space<vmem>> -> memref<1x88xi32, #tpu.memory_space<vmem>>
      %dma_start3A_299 = tpu.memref_squeeze %dma_start3A_298 : memref<1x88xi32, #tpu.memory_space<vmem>> -> memref<88xi32, #tpu.memory_space<vmem>>
      %dma_start3A_300 = arith.constant 0 : i32
      %dma_start3A_301 = arith.constant 0 : i32
      %dma_start3A_302 = tpu.memref_slice %arg17[%dma_start3A_300, %dma_start3A_301] : memref<10240x128xf32, #tpu.memory_space<vmem_shared>> -> memref<10240x128xf32, #tpu.memory_space<vmem_shared>>
      tpu.enqueue_indirect_dma source(%arg16 : memref<88x128xf32, #tpu.memory_space<vmem>>) target(%dma_start3A_302 : memref<10240x128xf32, #tpu.memory_space<vmem_shared>>) offsets(%dma_start3A_299 : memref<88xi32, #tpu.memory_space<vmem>>) semaphore(%arg33 : memref<!tpu.dma_semaphore, #tpu.memory_space<semaphore_mem>>) {add = true}
      %add3A_303 = arith.constant 4 : i32
      %add3A_304 = arith.addi %mul3A_147, %add3A_303 : i32
      %add3A_305 = arith.constant 5 : i32
      %add3A_306 = arith.addi %add3A_304, %add3A_305 : i32
      %lt3A_307 = arith.constant 232 : i32
      %lt3A_308 = arith.cmpi slt, %add3A_306, %lt3A_307 : i32
      %convert_element_type3A_309 = arith.extui %lt3A_308 : i1 to i32
      %cond3A_310 = arith.constant 0 : i32
      %cond3A_311 = arith.cmpi ne, %convert_element_type3A_309, %cond3A_310 : i32
      scf.if %cond3A_311 {
        %add3A_463 = arith.constant 5 : i32
        %add3A_464 = arith.addi %add3A_304, %add3A_463 : i32
        %dma_start3A_465 = arith.constant 0 : i32
        %dma_start3A_466 = arith.constant 0 : i32
        %dma_start3A_467 = tpu.memref_slice %arg3[%add3A, %add3A_464, %dma_start3A_465, %dma_start3A_466] : memref<32x232x2x88xi32, #tpu.memory_space<hbm>> -> memref<1x1x2x88xi32, #tpu.memory_space<hbm>>
        %dma_start3A_468 = tpu.memref_squeeze %dma_start3A_467 : memref<1x1x2x88xi32, #tpu.memory_space<hbm>> -> memref<2x88xi32, #tpu.memory_space<hbm>>
        %dma_start3A_469 = arith.constant 0 : i32
        %dma_start3A_470 = arith.constant 0 : i32
        %dma_start3A_471 = tpu.memref_slice %arg3[%add3A, %add3A_464, %dma_start3A_469, %dma_start3A_470] : memref<32x232x2x88xi32, #tpu.memory_space<hbm>> -> memref<1x1x2x88xi32, #tpu.memory_space<hbm>>
        %dma_start3A_472 = tpu.memref_squeeze %dma_start3A_471 : memref<1x1x2x88xi32, #tpu.memory_space<hbm>> -> memref<2x88xi32, #tpu.memory_space<hbm>>
        tpu.enqueue_dma source(%dma_start3A_472 : memref<2x88xi32, #tpu.memory_space<hbm>>) target(%arg6 : memref<2x88xi32, #tpu.memory_space<vmem>>) target_semaphore(%arg19 : memref<!tpu.dma_semaphore, #tpu.memory_space<semaphore_mem>>)
      } else {
      }
      %ge3A_312 = arith.constant 1 : i32
      %ge3A_313 = arith.cmpi sge, %add3A_304, %ge3A_312 : i32
      %add3A_314 = arith.constant 3 : i32
      %add3A_315 = arith.addi %add3A_304, %add3A_314 : i32
      %lt3A_316 = arith.constant 232 : i32
      %lt3A_317 = arith.cmpi slt, %add3A_315, %lt3A_316 : i32
      %and3A_318 = arith.andi %ge3A_313, %lt3A_317 : i1
      %convert_element_type3A_319 = arith.extui %and3A_318 : i1 to i32
      %cond3A_320 = arith.constant 0 : i32
      %cond3A_321 = arith.cmpi ne, %convert_element_type3A_319, %cond3A_320 : i32
      scf.if %cond3A_321 {
        %dma_wait3A_463 = arith.constant 1 : i32
        %dma_wait3A_464 = arith.constant 0 : i32
        %dma_wait3A_465 = tpu.memref_slice %arg8[%dma_wait3A_463, %dma_wait3A_464] : memref<2x88xi32, #tpu.memory_space<vmem>> -> memref<1x88xi32, #tpu.memory_space<vmem>>
        %dma_wait3A_466 = tpu.memref_squeeze %dma_wait3A_465 : memref<1x88xi32, #tpu.memory_space<vmem>> -> memref<88xi32, #tpu.memory_space<vmem>>
        %dma_wait3A_467 = arith.constant 0 : i32
        %dma_wait3A_468 = arith.constant 0 : i32
        %dma_wait3A_469 = tpu.memref_slice %arg17[%dma_wait3A_467, %dma_wait3A_468] : memref<10240x128xf32, #tpu.memory_space<vmem_shared>> -> memref<10240x128xf32, #tpu.memory_space<vmem_shared>>
        tpu.wait_indirect_dma semaphore(%arg33 : memref<!tpu.dma_semaphore, #tpu.memory_space<semaphore_mem>>) src(%arg16 : memref<88x128xf32, #tpu.memory_space<vmem>>) dst(%dma_wait3A_469 : memref<10240x128xf32, #tpu.memory_space<vmem_shared>>)
      } else {
      }
      %add3A_322 = arith.constant 3 : i32
      %add3A_323 = arith.addi %add3A_304, %add3A_322 : i32
      %lt3A_324 = arith.constant 232 : i32
      %lt3A_325 = arith.cmpi slt, %add3A_323, %lt3A_324 : i32
      %convert_element_type3A_326 = arith.extui %lt3A_325 : i1 to i32
      %cond3A_327 = arith.constant 0 : i32
      %cond3A_328 = arith.cmpi ne, %convert_element_type3A_326, %cond3A_327 : i32
      scf.if %cond3A_328 {
        %add3A_463 = arith.constant 3 : i32
        %add3A_464 = arith.addi %add3A_304, %add3A_463 : i32
        %dma_wait3A_465 = arith.constant 0 : i32
        %dma_wait3A_466 = arith.constant 0 : i32
        %dma_wait3A_467 = tpu.memref_slice %arg3[%add3A, %add3A_464, %dma_wait3A_465, %dma_wait3A_466] : memref<32x232x2x88xi32, #tpu.memory_space<hbm>> -> memref<1x1x2x88xi32, #tpu.memory_space<hbm>>
        %dma_wait3A_468 = tpu.memref_squeeze %dma_wait3A_467 : memref<1x1x2x88xi32, #tpu.memory_space<hbm>> -> memref<2x88xi32, #tpu.memory_space<hbm>>
        %dma_wait3A_469 = arith.constant 0 : i32
        %dma_wait3A_470 = arith.constant 0 : i32
        %dma_wait3A_471 = tpu.memref_slice %arg3[%add3A, %add3A_464, %dma_wait3A_469, %dma_wait3A_470] : memref<32x232x2x88xi32, #tpu.memory_space<hbm>> -> memref<1x1x2x88xi32, #tpu.memory_space<hbm>>
        %dma_wait3A_472 = tpu.memref_squeeze %dma_wait3A_471 : memref<1x1x2x88xi32, #tpu.memory_space<hbm>> -> memref<2x88xi32, #tpu.memory_space<hbm>>
        tpu.wait_dma2 semaphore(%arg25 : memref<!tpu.dma_semaphore, #tpu.memory_space<semaphore_mem>>) src(%dma_wait3A_472 : memref<2x88xi32, #tpu.memory_space<hbm>>) dst(%arg12 : memref<2x88xi32, #tpu.memory_space<vmem>>)
        %dma_start3A_473 = arith.constant 0 : i32
        %dma_start3A_474 = arith.constant 0 : i32
        %dma_start3A_475 = tpu.memref_slice %arg12[%dma_start3A_473, %dma_start3A_474] : memref<2x88xi32, #tpu.memory_space<vmem>> -> memref<1x88xi32, #tpu.memory_space<vmem>>
        %dma_start3A_476 = tpu.memref_squeeze %dma_start3A_475 : memref<1x88xi32, #tpu.memory_space<vmem>> -> memref<88xi32, #tpu.memory_space<vmem>>
        %dma_start3A_477 = arith.constant 0 : i32
        %dma_start3A_478 = arith.constant 0 : i32
        %dma_start3A_479 = tpu.memref_slice %arg2[%dma_start3A_477, %dma_start3A_478] : memref<20480x128xf32, #tpu.memory_space<hbm>> -> memref<20480x128xf32, #tpu.memory_space<hbm>>
        tpu.enqueue_indirect_dma source(%dma_start3A_479 : memref<20480x128xf32, #tpu.memory_space<hbm>>) target(%arg16 : memref<88x128xf32, #tpu.memory_space<vmem>>) offsets(%dma_start3A_476 : memref<88xi32, #tpu.memory_space<vmem>>) semaphore(%arg29 : memref<!tpu.dma_semaphore, #tpu.memory_space<semaphore_mem>>)
      } else {
      }
      %dma_wait3A_329 = arith.constant 0 : i32
      %dma_wait3A_330 = arith.constant 0 : i32
      %dma_wait3A_331 = tpu.memref_slice %arg9[%dma_wait3A_329, %dma_wait3A_330] : memref<2x88xi32, #tpu.memory_space<vmem>> -> memref<1x88xi32, #tpu.memory_space<vmem>>
      %dma_wait3A_332 = tpu.memref_squeeze %dma_wait3A_331 : memref<1x88xi32, #tpu.memory_space<vmem>> -> memref<88xi32, #tpu.memory_space<vmem>>
      %dma_wait3A_333 = arith.constant 0 : i32
      %dma_wait3A_334 = arith.constant 0 : i32
      %dma_wait3A_335 = tpu.memref_slice %arg2[%dma_wait3A_333, %dma_wait3A_334] : memref<20480x128xf32, #tpu.memory_space<hbm>> -> memref<20480x128xf32, #tpu.memory_space<hbm>>
      tpu.wait_indirect_dma semaphore(%arg26 : memref<!tpu.dma_semaphore, #tpu.memory_space<semaphore_mem>>) src(%dma_wait3A_335 : memref<20480x128xf32, #tpu.memory_space<hbm>>) dst(%arg13 : memref<88x128xf32, #tpu.memory_space<vmem>>)
      %dma_start3A_336 = arith.constant 1 : i32
      %dma_start3A_337 = arith.constant 0 : i32
      %dma_start3A_338 = tpu.memref_slice %arg9[%dma_start3A_336, %dma_start3A_337] : memref<2x88xi32, #tpu.memory_space<vmem>> -> memref<1x88xi32, #tpu.memory_space<vmem>>
      %dma_start3A_339 = tpu.memref_squeeze %dma_start3A_338 : memref<1x88xi32, #tpu.memory_space<vmem>> -> memref<88xi32, #tpu.memory_space<vmem>>
      %dma_start3A_340 = arith.constant 0 : i32
      %dma_start3A_341 = arith.constant 0 : i32
      %dma_start3A_342 = tpu.memref_slice %arg17[%dma_start3A_340, %dma_start3A_341] : memref<10240x128xf32, #tpu.memory_space<vmem_shared>> -> memref<10240x128xf32, #tpu.memory_space<vmem_shared>>
      tpu.enqueue_indirect_dma source(%arg13 : memref<88x128xf32, #tpu.memory_space<vmem>>) target(%dma_start3A_342 : memref<10240x128xf32, #tpu.memory_space<vmem_shared>>) offsets(%dma_start3A_339 : memref<88xi32, #tpu.memory_space<vmem>>) semaphore(%arg30 : memref<!tpu.dma_semaphore, #tpu.memory_space<semaphore_mem>>) {add = true}
      %add3A_343 = arith.constant 5 : i32
      %add3A_344 = arith.addi %mul3A_147, %add3A_343 : i32
      %add3A_345 = arith.constant 5 : i32
      %add3A_346 = arith.addi %add3A_344, %add3A_345 : i32
      %lt3A_347 = arith.constant 232 : i32
      %lt3A_348 = arith.cmpi slt, %add3A_346, %lt3A_347 : i32
      %convert_element_type3A_349 = arith.extui %lt3A_348 : i1 to i32
      %cond3A_350 = arith.constant 0 : i32
      %cond3A_351 = arith.cmpi ne, %convert_element_type3A_349, %cond3A_350 : i32
      scf.if %cond3A_351 {
        %add3A_463 = arith.constant 5 : i32
        %add3A_464 = arith.addi %add3A_344, %add3A_463 : i32
        %dma_start3A_465 = arith.constant 0 : i32
        %dma_start3A_466 = arith.constant 0 : i32
        %dma_start3A_467 = tpu.memref_slice %arg3[%add3A, %add3A_464, %dma_start3A_465, %dma_start3A_466] : memref<32x232x2x88xi32, #tpu.memory_space<hbm>> -> memref<1x1x2x88xi32, #tpu.memory_space<hbm>>
        %dma_start3A_468 = tpu.memref_squeeze %dma_start3A_467 : memref<1x1x2x88xi32, #tpu.memory_space<hbm>> -> memref<2x88xi32, #tpu.memory_space<hbm>>
        %dma_start3A_469 = arith.constant 0 : i32
        %dma_start3A_470 = arith.constant 0 : i32
        %dma_start3A_471 = tpu.memref_slice %arg3[%add3A, %add3A_464, %dma_start3A_469, %dma_start3A_470] : memref<32x232x2x88xi32, #tpu.memory_space<hbm>> -> memref<1x1x2x88xi32, #tpu.memory_space<hbm>>
        %dma_start3A_472 = tpu.memref_squeeze %dma_start3A_471 : memref<1x1x2x88xi32, #tpu.memory_space<hbm>> -> memref<2x88xi32, #tpu.memory_space<hbm>>
        tpu.enqueue_dma source(%dma_start3A_472 : memref<2x88xi32, #tpu.memory_space<hbm>>) target(%arg7 : memref<2x88xi32, #tpu.memory_space<vmem>>) target_semaphore(%arg20 : memref<!tpu.dma_semaphore, #tpu.memory_space<semaphore_mem>>)
      } else {
      }
      %ge3A_352 = arith.constant 1 : i32
      %ge3A_353 = arith.cmpi sge, %add3A_344, %ge3A_352 : i32
      %add3A_354 = arith.constant 3 : i32
      %add3A_355 = arith.addi %add3A_344, %add3A_354 : i32
      %lt3A_356 = arith.constant 232 : i32
      %lt3A_357 = arith.cmpi slt, %add3A_355, %lt3A_356 : i32
      %and3A_358 = arith.andi %ge3A_353, %lt3A_357 : i1
      %convert_element_type3A_359 = arith.extui %and3A_358 : i1 to i32
      %cond3A_360 = arith.constant 0 : i32
      %cond3A_361 = arith.cmpi ne, %convert_element_type3A_359, %cond3A_360 : i32
      scf.if %cond3A_361 {
        %dma_wait3A_463 = arith.constant 1 : i32
        %dma_wait3A_464 = arith.constant 0 : i32
        %dma_wait3A_465 = tpu.memref_slice %arg9[%dma_wait3A_463, %dma_wait3A_464] : memref<2x88xi32, #tpu.memory_space<vmem>> -> memref<1x88xi32, #tpu.memory_space<vmem>>
        %dma_wait3A_466 = tpu.memref_squeeze %dma_wait3A_465 : memref<1x88xi32, #tpu.memory_space<vmem>> -> memref<88xi32, #tpu.memory_space<vmem>>
        %dma_wait3A_467 = arith.constant 0 : i32
        %dma_wait3A_468 = arith.constant 0 : i32
        %dma_wait3A_469 = tpu.memref_slice %arg17[%dma_wait3A_467, %dma_wait3A_468] : memref<10240x128xf32, #tpu.memory_space<vmem_shared>> -> memref<10240x128xf32, #tpu.memory_space<vmem_shared>>
        tpu.wait_indirect_dma semaphore(%arg30 : memref<!tpu.dma_semaphore, #tpu.memory_space<semaphore_mem>>) src(%arg13 : memref<88x128xf32, #tpu.memory_space<vmem>>) dst(%dma_wait3A_469 : memref<10240x128xf32, #tpu.memory_space<vmem_shared>>)
      } else {
      }
      %add3A_362 = arith.constant 3 : i32
      %add3A_363 = arith.addi %add3A_344, %add3A_362 : i32
      %lt3A_364 = arith.constant 232 : i32
      %lt3A_365 = arith.cmpi slt, %add3A_363, %lt3A_364 : i32
      %convert_element_type3A_366 = arith.extui %lt3A_365 : i1 to i32
      %cond3A_367 = arith.constant 0 : i32
      %cond3A_368 = arith.cmpi ne, %convert_element_type3A_366, %cond3A_367 : i32
      scf.if %cond3A_368 {
        %add3A_463 = arith.constant 3 : i32
        %add3A_464 = arith.addi %add3A_344, %add3A_463 : i32
        %dma_wait3A_465 = arith.constant 0 : i32
        %dma_wait3A_466 = arith.constant 0 : i32
        %dma_wait3A_467 = tpu.memref_slice %arg3[%add3A, %add3A_464, %dma_wait3A_465, %dma_wait3A_466] : memref<32x232x2x88xi32, #tpu.memory_space<hbm>> -> memref<1x1x2x88xi32, #tpu.memory_space<hbm>>
        %dma_wait3A_468 = tpu.memref_squeeze %dma_wait3A_467 : memref<1x1x2x88xi32, #tpu.memory_space<hbm>> -> memref<2x88xi32, #tpu.memory_space<hbm>>
        %dma_wait3A_469 = arith.constant 0 : i32
        %dma_wait3A_470 = arith.constant 0 : i32
        %dma_wait3A_471 = tpu.memref_slice %arg3[%add3A, %add3A_464, %dma_wait3A_469, %dma_wait3A_470] : memref<32x232x2x88xi32, #tpu.memory_space<hbm>> -> memref<1x1x2x88xi32, #tpu.memory_space<hbm>>
        %dma_wait3A_472 = tpu.memref_squeeze %dma_wait3A_471 : memref<1x1x2x88xi32, #tpu.memory_space<hbm>> -> memref<2x88xi32, #tpu.memory_space<hbm>>
        tpu.wait_dma2 semaphore(%arg18 : memref<!tpu.dma_semaphore, #tpu.memory_space<semaphore_mem>>) src(%dma_wait3A_472 : memref<2x88xi32, #tpu.memory_space<hbm>>) dst(%arg5 : memref<2x88xi32, #tpu.memory_space<vmem>>)
        %dma_start3A_473 = arith.constant 0 : i32
        %dma_start3A_474 = arith.constant 0 : i32
        %dma_start3A_475 = tpu.memref_slice %arg5[%dma_start3A_473, %dma_start3A_474] : memref<2x88xi32, #tpu.memory_space<vmem>> -> memref<1x88xi32, #tpu.memory_space<vmem>>
        %dma_start3A_476 = tpu.memref_squeeze %dma_start3A_475 : memref<1x88xi32, #tpu.memory_space<vmem>> -> memref<88xi32, #tpu.memory_space<vmem>>
        %dma_start3A_477 = arith.constant 0 : i32
        %dma_start3A_478 = arith.constant 0 : i32
        %dma_start3A_479 = tpu.memref_slice %arg2[%dma_start3A_477, %dma_start3A_478] : memref<20480x128xf32, #tpu.memory_space<hbm>> -> memref<20480x128xf32, #tpu.memory_space<hbm>>
        tpu.enqueue_indirect_dma source(%dma_start3A_479 : memref<20480x128xf32, #tpu.memory_space<hbm>>) target(%arg13 : memref<88x128xf32, #tpu.memory_space<vmem>>) offsets(%dma_start3A_476 : memref<88xi32, #tpu.memory_space<vmem>>) semaphore(%arg26 : memref<!tpu.dma_semaphore, #tpu.memory_space<semaphore_mem>>)
      } else {
      }
      %dma_wait3A_369 = arith.constant 0 : i32
      %dma_wait3A_370 = arith.constant 0 : i32
      %dma_wait3A_371 = tpu.memref_slice %arg10[%dma_wait3A_369, %dma_wait3A_370] : memref<2x88xi32, #tpu.memory_space<vmem>> -> memref<1x88xi32, #tpu.memory_space<vmem>>
      %dma_wait3A_372 = tpu.memref_squeeze %dma_wait3A_371 : memref<1x88xi32, #tpu.memory_space<vmem>> -> memref<88xi32, #tpu.memory_space<vmem>>
      %dma_wait3A_373 = arith.constant 0 : i32
      %dma_wait3A_374 = arith.constant 0 : i32
      %dma_wait3A_375 = tpu.memref_slice %arg2[%dma_wait3A_373, %dma_wait3A_374] : memref<20480x128xf32, #tpu.memory_space<hbm>> -> memref<20480x128xf32, #tpu.memory_space<hbm>>
      tpu.wait_indirect_dma semaphore(%arg27 : memref<!tpu.dma_semaphore, #tpu.memory_space<semaphore_mem>>) src(%dma_wait3A_375 : memref<20480x128xf32, #tpu.memory_space<hbm>>) dst(%arg14 : memref<88x128xf32, #tpu.memory_space<vmem>>)
      %dma_start3A_376 = arith.constant 1 : i32
      %dma_start3A_377 = arith.constant 0 : i32
      %dma_start3A_378 = tpu.memref_slice %arg10[%dma_start3A_376, %dma_start3A_377] : memref<2x88xi32, #tpu.memory_space<vmem>> -> memref<1x88xi32, #tpu.memory_space<vmem>>
      %dma_start3A_379 = tpu.memref_squeeze %dma_start3A_378 : memref<1x88xi32, #tpu.memory_space<vmem>> -> memref<88xi32, #tpu.memory_space<vmem>>
      %dma_start3A_380 = arith.constant 0 : i32
      %dma_start3A_381 = arith.constant 0 : i32
      %dma_start3A_382 = tpu.memref_slice %arg17[%dma_start3A_380, %dma_start3A_381] : memref<10240x128xf32, #tpu.memory_space<vmem_shared>> -> memref<10240x128xf32, #tpu.memory_space<vmem_shared>>
      tpu.enqueue_indirect_dma source(%arg14 : memref<88x128xf32, #tpu.memory_space<vmem>>) target(%dma_start3A_382 : memref<10240x128xf32, #tpu.memory_space<vmem_shared>>) offsets(%dma_start3A_379 : memref<88xi32, #tpu.memory_space<vmem>>) semaphore(%arg31 : memref<!tpu.dma_semaphore, #tpu.memory_space<semaphore_mem>>) {add = true}
      %add3A_383 = arith.constant 6 : i32
      %add3A_384 = arith.addi %mul3A_147, %add3A_383 : i32
      %add3A_385 = arith.constant 5 : i32
      %add3A_386 = arith.addi %add3A_384, %add3A_385 : i32
      %lt3A_387 = arith.constant 232 : i32
      %lt3A_388 = arith.cmpi slt, %add3A_386, %lt3A_387 : i32
      %convert_element_type3A_389 = arith.extui %lt3A_388 : i1 to i32
      %cond3A_390 = arith.constant 0 : i32
      %cond3A_391 = arith.cmpi ne, %convert_element_type3A_389, %cond3A_390 : i32
      scf.if %cond3A_391 {
        %add3A_463 = arith.constant 5 : i32
        %add3A_464 = arith.addi %add3A_384, %add3A_463 : i32
        %dma_start3A_465 = arith.constant 0 : i32
        %dma_start3A_466 = arith.constant 0 : i32
        %dma_start3A_467 = tpu.memref_slice %arg3[%add3A, %add3A_464, %dma_start3A_465, %dma_start3A_466] : memref<32x232x2x88xi32, #tpu.memory_space<hbm>> -> memref<1x1x2x88xi32, #tpu.memory_space<hbm>>
        %dma_start3A_468 = tpu.memref_squeeze %dma_start3A_467 : memref<1x1x2x88xi32, #tpu.memory_space<hbm>> -> memref<2x88xi32, #tpu.memory_space<hbm>>
        %dma_start3A_469 = arith.constant 0 : i32
        %dma_start3A_470 = arith.constant 0 : i32
        %dma_start3A_471 = tpu.memref_slice %arg3[%add3A, %add3A_464, %dma_start3A_469, %dma_start3A_470] : memref<32x232x2x88xi32, #tpu.memory_space<hbm>> -> memref<1x1x2x88xi32, #tpu.memory_space<hbm>>
        %dma_start3A_472 = tpu.memref_squeeze %dma_start3A_471 : memref<1x1x2x88xi32, #tpu.memory_space<hbm>> -> memref<2x88xi32, #tpu.memory_space<hbm>>
        tpu.enqueue_dma source(%dma_start3A_472 : memref<2x88xi32, #tpu.memory_space<hbm>>) target(%arg8 : memref<2x88xi32, #tpu.memory_space<vmem>>) target_semaphore(%arg21 : memref<!tpu.dma_semaphore, #tpu.memory_space<semaphore_mem>>)
      } else {
      }
      %ge3A_392 = arith.constant 1 : i32
      %ge3A_393 = arith.cmpi sge, %add3A_384, %ge3A_392 : i32
      %add3A_394 = arith.constant 3 : i32
      %add3A_395 = arith.addi %add3A_384, %add3A_394 : i32
      %lt3A_396 = arith.constant 232 : i32
      %lt3A_397 = arith.cmpi slt, %add3A_395, %lt3A_396 : i32
      %and3A_398 = arith.andi %ge3A_393, %lt3A_397 : i1
      %convert_element_type3A_399 = arith.extui %and3A_398 : i1 to i32
      %cond3A_400 = arith.constant 0 : i32
      %cond3A_401 = arith.cmpi ne, %convert_element_type3A_399, %cond3A_400 : i32
      scf.if %cond3A_401 {
        %dma_wait3A_463 = arith.constant 1 : i32
        %dma_wait3A_464 = arith.constant 0 : i32
        %dma_wait3A_465 = tpu.memref_slice %arg10[%dma_wait3A_463, %dma_wait3A_464] : memref<2x88xi32, #tpu.memory_space<vmem>> -> memref<1x88xi32, #tpu.memory_space<vmem>>
        %dma_wait3A_466 = tpu.memref_squeeze %dma_wait3A_465 : memref<1x88xi32, #tpu.memory_space<vmem>> -> memref<88xi32, #tpu.memory_space<vmem>>
        %dma_wait3A_467 = arith.constant 0 : i32
        %dma_wait3A_468 = arith.constant 0 : i32
        %dma_wait3A_469 = tpu.memref_slice %arg17[%dma_wait3A_467, %dma_wait3A_468] : memref<10240x128xf32, #tpu.memory_space<vmem_shared>> -> memref<10240x128xf32, #tpu.memory_space<vmem_shared>>
        tpu.wait_indirect_dma semaphore(%arg31 : memref<!tpu.dma_semaphore, #tpu.memory_space<semaphore_mem>>) src(%arg14 : memref<88x128xf32, #tpu.memory_space<vmem>>) dst(%dma_wait3A_469 : memref<10240x128xf32, #tpu.memory_space<vmem_shared>>)
      } else {
      }
      %add3A_402 = arith.constant 3 : i32
      %add3A_403 = arith.addi %add3A_384, %add3A_402 : i32
      %lt3A_404 = arith.constant 232 : i32
      %lt3A_405 = arith.cmpi slt, %add3A_403, %lt3A_404 : i32
      %convert_element_type3A_406 = arith.extui %lt3A_405 : i1 to i32
      %cond3A_407 = arith.constant 0 : i32
      %cond3A_408 = arith.cmpi ne, %convert_element_type3A_406, %cond3A_407 : i32
      scf.if %cond3A_408 {
        %add3A_463 = arith.constant 3 : i32
        %add3A_464 = arith.addi %add3A_384, %add3A_463 : i32
        %dma_wait3A_465 = arith.constant 0 : i32
        %dma_wait3A_466 = arith.constant 0 : i32
        %dma_wait3A_467 = tpu.memref_slice %arg3[%add3A, %add3A_464, %dma_wait3A_465, %dma_wait3A_466] : memref<32x232x2x88xi32, #tpu.memory_space<hbm>> -> memref<1x1x2x88xi32, #tpu.memory_space<hbm>>
        %dma_wait3A_468 = tpu.memref_squeeze %dma_wait3A_467 : memref<1x1x2x88xi32, #tpu.memory_space<hbm>> -> memref<2x88xi32, #tpu.memory_space<hbm>>
        %dma_wait3A_469 = arith.constant 0 : i32
        %dma_wait3A_470 = arith.constant 0 : i32
        %dma_wait3A_471 = tpu.memref_slice %arg3[%add3A, %add3A_464, %dma_wait3A_469, %dma_wait3A_470] : memref<32x232x2x88xi32, #tpu.memory_space<hbm>> -> memref<1x1x2x88xi32, #tpu.memory_space<hbm>>
        %dma_wait3A_472 = tpu.memref_squeeze %dma_wait3A_471 : memref<1x1x2x88xi32, #tpu.memory_space<hbm>> -> memref<2x88xi32, #tpu.memory_space<hbm>>
        tpu.wait_dma2 semaphore(%arg19 : memref<!tpu.dma_semaphore, #tpu.memory_space<semaphore_mem>>) src(%dma_wait3A_472 : memref<2x88xi32, #tpu.memory_space<hbm>>) dst(%arg6 : memref<2x88xi32, #tpu.memory_space<vmem>>)
        %dma_start3A_473 = arith.constant 0 : i32
        %dma_start3A_474 = arith.constant 0 : i32
        %dma_start3A_475 = tpu.memref_slice %arg6[%dma_start3A_473, %dma_start3A_474] : memref<2x88xi32, #tpu.memory_space<vmem>> -> memref<1x88xi32, #tpu.memory_space<vmem>>
        %dma_start3A_476 = tpu.memref_squeeze %dma_start3A_475 : memref<1x88xi32, #tpu.memory_space<vmem>> -> memref<88xi32, #tpu.memory_space<vmem>>
        %dma_start3A_477 = arith.constant 0 : i32
        %dma_start3A_478 = arith.constant 0 : i32
        %dma_start3A_479 = tpu.memref_slice %arg2[%dma_start3A_477, %dma_start3A_478] : memref<20480x128xf32, #tpu.memory_space<hbm>> -> memref<20480x128xf32, #tpu.memory_space<hbm>>
        tpu.enqueue_indirect_dma source(%dma_start3A_479 : memref<20480x128xf32, #tpu.memory_space<hbm>>) target(%arg14 : memref<88x128xf32, #tpu.memory_space<vmem>>) offsets(%dma_start3A_476 : memref<88xi32, #tpu.memory_space<vmem>>) semaphore(%arg27 : memref<!tpu.dma_semaphore, #tpu.memory_space<semaphore_mem>>)
      } else {
      }
      %dma_wait3A_409 = arith.constant 0 : i32
      %dma_wait3A_410 = arith.constant 0 : i32
      %dma_wait3A_411 = tpu.memref_slice %arg11[%dma_wait3A_409, %dma_wait3A_410] : memref<2x88xi32, #tpu.memory_space<vmem>> -> memref<1x88xi32, #tpu.memory_space<vmem>>
      %dma_wait3A_412 = tpu.memref_squeeze %dma_wait3A_411 : memref<1x88xi32, #tpu.memory_space<vmem>> -> memref<88xi32, #tpu.memory_space<vmem>>
      %dma_wait3A_413 = arith.constant 0 : i32
      %dma_wait3A_414 = arith.constant 0 : i32
      %dma_wait3A_415 = tpu.memref_slice %arg2[%dma_wait3A_413, %dma_wait3A_414] : memref<20480x128xf32, #tpu.memory_space<hbm>> -> memref<20480x128xf32, #tpu.memory_space<hbm>>
      tpu.wait_indirect_dma semaphore(%arg28 : memref<!tpu.dma_semaphore, #tpu.memory_space<semaphore_mem>>) src(%dma_wait3A_415 : memref<20480x128xf32, #tpu.memory_space<hbm>>) dst(%arg15 : memref<88x128xf32, #tpu.memory_space<vmem>>)
      %dma_start3A_416 = arith.constant 1 : i32
      %dma_start3A_417 = arith.constant 0 : i32
      %dma_start3A_418 = tpu.memref_slice %arg11[%dma_start3A_416, %dma_start3A_417] : memref<2x88xi32, #tpu.memory_space<vmem>> -> memref<1x88xi32, #tpu.memory_space<vmem>>
      %dma_start3A_419 = tpu.memref_squeeze %dma_start3A_418 : memref<1x88xi32, #tpu.memory_space<vmem>> -> memref<88xi32, #tpu.memory_space<vmem>>
      %dma_start3A_420 = arith.constant 0 : i32
      %dma_start3A_421 = arith.constant 0 : i32
      %dma_start3A_422 = tpu.memref_slice %arg17[%dma_start3A_420, %dma_start3A_421] : memref<10240x128xf32, #tpu.memory_space<vmem_shared>> -> memref<10240x128xf32, #tpu.memory_space<vmem_shared>>
      tpu.enqueue_indirect_dma source(%arg15 : memref<88x128xf32, #tpu.memory_space<vmem>>) target(%dma_start3A_422 : memref<10240x128xf32, #tpu.memory_space<vmem_shared>>) offsets(%dma_start3A_419 : memref<88xi32, #tpu.memory_space<vmem>>) semaphore(%arg32 : memref<!tpu.dma_semaphore, #tpu.memory_space<semaphore_mem>>) {add = true}
      %add3A_423 = arith.constant 7 : i32
      %add3A_424 = arith.addi %mul3A_147, %add3A_423 : i32
      %add3A_425 = arith.constant 5 : i32
      %add3A_426 = arith.addi %add3A_424, %add3A_425 : i32
      %lt3A_427 = arith.constant 232 : i32
      %lt3A_428 = arith.cmpi slt, %add3A_426, %lt3A_427 : i32
      %convert_element_type3A_429 = arith.extui %lt3A_428 : i1 to i32
      %cond3A_430 = arith.constant 0 : i32
      %cond3A_431 = arith.cmpi ne, %convert_element_type3A_429, %cond3A_430 : i32
      scf.if %cond3A_431 {
        %add3A_463 = arith.constant 5 : i32
        %add3A_464 = arith.addi %add3A_424, %add3A_463 : i32
        %dma_start3A_465 = arith.constant 0 : i32
        %dma_start3A_466 = arith.constant 0 : i32
        %dma_start3A_467 = tpu.memref_slice %arg3[%add3A, %add3A_464, %dma_start3A_465, %dma_start3A_466] : memref<32x232x2x88xi32, #tpu.memory_space<hbm>> -> memref<1x1x2x88xi32, #tpu.memory_space<hbm>>
        %dma_start3A_468 = tpu.memref_squeeze %dma_start3A_467 : memref<1x1x2x88xi32, #tpu.memory_space<hbm>> -> memref<2x88xi32, #tpu.memory_space<hbm>>
        %dma_start3A_469 = arith.constant 0 : i32
        %dma_start3A_470 = arith.constant 0 : i32
        %dma_start3A_471 = tpu.memref_slice %arg3[%add3A, %add3A_464, %dma_start3A_469, %dma_start3A_470] : memref<32x232x2x88xi32, #tpu.memory_space<hbm>> -> memref<1x1x2x88xi32, #tpu.memory_space<hbm>>
        %dma_start3A_472 = tpu.memref_squeeze %dma_start3A_471 : memref<1x1x2x88xi32, #tpu.memory_space<hbm>> -> memref<2x88xi32, #tpu.memory_space<hbm>>
        tpu.enqueue_dma source(%dma_start3A_472 : memref<2x88xi32, #tpu.memory_space<hbm>>) target(%arg9 : memref<2x88xi32, #tpu.memory_space<vmem>>) target_semaphore(%arg22 : memref<!tpu.dma_semaphore, #tpu.memory_space<semaphore_mem>>)
      } else {
      }
      %ge3A_432 = arith.constant 1 : i32
      %ge3A_433 = arith.cmpi sge, %add3A_424, %ge3A_432 : i32
      %add3A_434 = arith.constant 3 : i32
      %add3A_435 = arith.addi %add3A_424, %add3A_434 : i32
      %lt3A_436 = arith.constant 232 : i32
      %lt3A_437 = arith.cmpi slt, %add3A_435, %lt3A_436 : i32
      %and3A_438 = arith.andi %ge3A_433, %lt3A_437 : i1
      %convert_element_type3A_439 = arith.extui %and3A_438 : i1 to i32
      %cond3A_440 = arith.constant 0 : i32
      %cond3A_441 = arith.cmpi ne, %convert_element_type3A_439, %cond3A_440 : i32
      scf.if %cond3A_441 {
        %dma_wait3A_463 = arith.constant 1 : i32
        %dma_wait3A_464 = arith.constant 0 : i32
        %dma_wait3A_465 = tpu.memref_slice %arg11[%dma_wait3A_463, %dma_wait3A_464] : memref<2x88xi32, #tpu.memory_space<vmem>> -> memref<1x88xi32, #tpu.memory_space<vmem>>
        %dma_wait3A_466 = tpu.memref_squeeze %dma_wait3A_465 : memref<1x88xi32, #tpu.memory_space<vmem>> -> memref<88xi32, #tpu.memory_space<vmem>>
        %dma_wait3A_467 = arith.constant 0 : i32
        %dma_wait3A_468 = arith.constant 0 : i32
        %dma_wait3A_469 = tpu.memref_slice %arg17[%dma_wait3A_467, %dma_wait3A_468] : memref<10240x128xf32, #tpu.memory_space<vmem_shared>> -> memref<10240x128xf32, #tpu.memory_space<vmem_shared>>
        tpu.wait_indirect_dma semaphore(%arg32 : memref<!tpu.dma_semaphore, #tpu.memory_space<semaphore_mem>>) src(%arg15 : memref<88x128xf32, #tpu.memory_space<vmem>>) dst(%dma_wait3A_469 : memref<10240x128xf32, #tpu.memory_space<vmem_shared>>)
      } else {
      }
      %add3A_442 = arith.constant 3 : i32
      %add3A_443 = arith.addi %add3A_424, %add3A_442 : i32
      %lt3A_444 = arith.constant 232 : i32
      %lt3A_445 = arith.cmpi slt, %add3A_443, %lt3A_444 : i32
      %convert_element_type3A_446 = arith.extui %lt3A_445 : i1 to i32
      %cond3A_447 = arith.constant 0 : i32
      %cond3A_448 = arith.cmpi ne, %convert_element_type3A_446, %cond3A_447 : i32
      scf.if %cond3A_448 {
        %add3A_463 = arith.constant 3 : i32
        %add3A_464 = arith.addi %add3A_424, %add3A_463 : i32
        %dma_wait3A_465 = arith.constant 0 : i32
        %dma_wait3A_466 = arith.constant 0 : i32
        %dma_wait3A_467 = tpu.memref_slice %arg3[%add3A, %add3A_464, %dma_wait3A_465, %dma_wait3A_466] : memref<32x232x2x88xi32, #tpu.memory_space<hbm>> -> memref<1x1x2x88xi32, #tpu.memory_space<hbm>>
        %dma_wait3A_468 = tpu.memref_squeeze %dma_wait3A_467 : memref<1x1x2x88xi32, #tpu.memory_space<hbm>> -> memref<2x88xi32, #tpu.memory_space<hbm>>
        %dma_wait3A_469 = arith.constant 0 : i32
        %dma_wait3A_470 = arith.constant 0 : i32
        %dma_wait3A_471 = tpu.memref_slice %arg3[%add3A, %add3A_464, %dma_wait3A_469, %dma_wait3A_470] : memref<32x232x2x88xi32, #tpu.memory_space<hbm>> -> memref<1x1x2x88xi32, #tpu.memory_space<hbm>>
        %dma_wait3A_472 = tpu.memref_squeeze %dma_wait3A_471 : memref<1x1x2x88xi32, #tpu.memory_space<hbm>> -> memref<2x88xi32, #tpu.memory_space<hbm>>
        tpu.wait_dma2 semaphore(%arg20 : memref<!tpu.dma_semaphore, #tpu.memory_space<semaphore_mem>>) src(%dma_wait3A_472 : memref<2x88xi32, #tpu.memory_space<hbm>>) dst(%arg7 : memref<2x88xi32, #tpu.memory_space<vmem>>)
        %dma_start3A_473 = arith.constant 0 : i32
        %dma_start3A_474 = arith.constant 0 : i32
        %dma_start3A_475 = tpu.memref_slice %arg7[%dma_start3A_473, %dma_start3A_474] : memref<2x88xi32, #tpu.memory_space<vmem>> -> memref<1x88xi32, #tpu.memory_space<vmem>>
        %dma_start3A_476 = tpu.memref_squeeze %dma_start3A_475 : memref<1x88xi32, #tpu.memory_space<vmem>> -> memref<88xi32, #tpu.memory_space<vmem>>
        %dma_start3A_477 = arith.constant 0 : i32
        %dma_start3A_478 = arith.constant 0 : i32
        %dma_start3A_479 = tpu.memref_slice %arg2[%dma_start3A_477, %dma_start3A_478] : memref<20480x128xf32, #tpu.memory_space<hbm>> -> memref<20480x128xf32, #tpu.memory_space<hbm>>
        tpu.enqueue_indirect_dma source(%dma_start3A_479 : memref<20480x128xf32, #tpu.memory_space<hbm>>) target(%arg15 : memref<88x128xf32, #tpu.memory_space<vmem>>) offsets(%dma_start3A_476 : memref<88xi32, #tpu.memory_space<vmem>>) semaphore(%arg28 : memref<!tpu.dma_semaphore, #tpu.memory_space<semaphore_mem>>)
      } else {
      }
      %dma_wait3A_449 = arith.constant 0 : i32
      %dma_wait3A_450 = arith.constant 0 : i32
      %dma_wait3A_451 = tpu.memref_slice %arg12[%dma_wait3A_449, %dma_wait3A_450] : memref<2x88xi32, #tpu.memory_space<vmem>> -> memref<1x88xi32, #tpu.memory_space<vmem>>
      %dma_wait3A_452 = tpu.memref_squeeze %dma_wait3A_451 : memref<1x88xi32, #tpu.memory_space<vmem>> -> memref<88xi32, #tpu.memory_space<vmem>>
      %dma_wait3A_453 = arith.constant 0 : i32
      %dma_wait3A_454 = arith.constant 0 : i32
      %dma_wait3A_455 = tpu.memref_slice %arg2[%dma_wait3A_453, %dma_wait3A_454] : memref<20480x128xf32, #tpu.memory_space<hbm>> -> memref<20480x128xf32, #tpu.memory_space<hbm>>
      tpu.wait_indirect_dma semaphore(%arg29 : memref<!tpu.dma_semaphore, #tpu.memory_space<semaphore_mem>>) src(%dma_wait3A_455 : memref<20480x128xf32, #tpu.memory_space<hbm>>) dst(%arg16 : memref<88x128xf32, #tpu.memory_space<vmem>>)
      %dma_start3A_456 = arith.constant 1 : i32
      %dma_start3A_457 = arith.constant 0 : i32
      %dma_start3A_458 = tpu.memref_slice %arg12[%dma_start3A_456, %dma_start3A_457] : memref<2x88xi32, #tpu.memory_space<vmem>> -> memref<1x88xi32, #tpu.memory_space<vmem>>
      %dma_start3A_459 = tpu.memref_squeeze %dma_start3A_458 : memref<1x88xi32, #tpu.memory_space<vmem>> -> memref<88xi32, #tpu.memory_space<vmem>>
      %dma_start3A_460 = arith.constant 0 : i32
      %dma_start3A_461 = arith.constant 0 : i32
      %dma_start3A_462 = tpu.memref_slice %arg17[%dma_start3A_460, %dma_start3A_461] : memref<10240x128xf32, #tpu.memory_space<vmem_shared>> -> memref<10240x128xf32, #tpu.memory_space<vmem_shared>>
      tpu.enqueue_indirect_dma source(%arg16 : memref<88x128xf32, #tpu.memory_space<vmem>>) target(%dma_start3A_462 : memref<10240x128xf32, #tpu.memory_space<vmem_shared>>) offsets(%dma_start3A_459 : memref<88xi32, #tpu.memory_space<vmem>>) semaphore(%arg33 : memref<!tpu.dma_semaphore, #tpu.memory_space<semaphore_mem>>) {add = true}
    }
    %scan3A_106 = arith.constant 29 : i32
    %dma_wait3A_107 = arith.constant 1 : i32
    %dma_wait3A_108 = arith.constant 0 : i32
    %dma_wait3A_109 = tpu.memref_slice %arg9[%dma_wait3A_107, %dma_wait3A_108] : memref<2x88xi32, #tpu.memory_space<vmem>> -> memref<1x88xi32, #tpu.memory_space<vmem>>
    %dma_wait3A_110 = tpu.memref_squeeze %dma_wait3A_109 : memref<1x88xi32, #tpu.memory_space<vmem>> -> memref<88xi32, #tpu.memory_space<vmem>>
    %dma_wait3A_111 = arith.constant 0 : i32
    %dma_wait3A_112 = arith.constant 0 : i32
    %dma_wait3A_113 = tpu.memref_slice %arg17[%dma_wait3A_111, %dma_wait3A_112] : memref<10240x128xf32, #tpu.memory_space<vmem_shared>> -> memref<10240x128xf32, #tpu.memory_space<vmem_shared>>
    tpu.wait_indirect_dma semaphore(%arg30 : memref<!tpu.dma_semaphore, #tpu.memory_space<semaphore_mem>>) src(%arg13 : memref<88x128xf32, #tpu.memory_space<vmem>>) dst(%dma_wait3A_113 : memref<10240x128xf32, #tpu.memory_space<vmem_shared>>)
    %dma_wait3A_114 = arith.constant 1 : i32
    %dma_wait3A_115 = arith.constant 0 : i32
    %dma_wait3A_116 = tpu.memref_slice %arg10[%dma_wait3A_114, %dma_wait3A_115] : memref<2x88xi32, #tpu.memory_space<vmem>> -> memref<1x88xi32, #tpu.memory_space<vmem>>
    %dma_wait3A_117 = tpu.memref_squeeze %dma_wait3A_116 : memref<1x88xi32, #tpu.memory_space<vmem>> -> memref<88xi32, #tpu.memory_space<vmem>>
    %dma_wait3A_118 = arith.constant 0 : i32
    %dma_wait3A_119 = arith.constant 0 : i32
    %dma_wait3A_120 = tpu.memref_slice %arg17[%dma_wait3A_118, %dma_wait3A_119] : memref<10240x128xf32, #tpu.memory_space<vmem_shared>> -> memref<10240x128xf32, #tpu.memory_space<vmem_shared>>
    tpu.wait_indirect_dma semaphore(%arg31 : memref<!tpu.dma_semaphore, #tpu.memory_space<semaphore_mem>>) src(%arg14 : memref<88x128xf32, #tpu.memory_space<vmem>>) dst(%dma_wait3A_120 : memref<10240x128xf32, #tpu.memory_space<vmem_shared>>)
    %dma_wait3A_121 = arith.constant 1 : i32
    %dma_wait3A_122 = arith.constant 0 : i32
    %dma_wait3A_123 = tpu.memref_slice %arg11[%dma_wait3A_121, %dma_wait3A_122] : memref<2x88xi32, #tpu.memory_space<vmem>> -> memref<1x88xi32, #tpu.memory_space<vmem>>
    %dma_wait3A_124 = tpu.memref_squeeze %dma_wait3A_123 : memref<1x88xi32, #tpu.memory_space<vmem>> -> memref<88xi32, #tpu.memory_space<vmem>>
    %dma_wait3A_125 = arith.constant 0 : i32
    %dma_wait3A_126 = arith.constant 0 : i32
    %dma_wait3A_127 = tpu.memref_slice %arg17[%dma_wait3A_125, %dma_wait3A_126] : memref<10240x128xf32, #tpu.memory_space<vmem_shared>> -> memref<10240x128xf32, #tpu.memory_space<vmem_shared>>
    tpu.wait_indirect_dma semaphore(%arg32 : memref<!tpu.dma_semaphore, #tpu.memory_space<semaphore_mem>>) src(%arg15 : memref<88x128xf32, #tpu.memory_space<vmem>>) dst(%dma_wait3A_127 : memref<10240x128xf32, #tpu.memory_space<vmem_shared>>)
    %dma_wait3A_128 = arith.constant 1 : i32
    %dma_wait3A_129 = arith.constant 0 : i32
    %dma_wait3A_130 = tpu.memref_slice %arg12[%dma_wait3A_128, %dma_wait3A_129] : memref<2x88xi32, #tpu.memory_space<vmem>> -> memref<1x88xi32, #tpu.memory_space<vmem>>
    %dma_wait3A_131 = tpu.memref_squeeze %dma_wait3A_130 : memref<1x88xi32, #tpu.memory_space<vmem>> -> memref<88xi32, #tpu.memory_space<vmem>>
    %dma_wait3A_132 = arith.constant 0 : i32
    %dma_wait3A_133 = arith.constant 0 : i32
    %dma_wait3A_134 = tpu.memref_slice %arg17[%dma_wait3A_132, %dma_wait3A_133] : memref<10240x128xf32, #tpu.memory_space<vmem_shared>> -> memref<10240x128xf32, #tpu.memory_space<vmem_shared>>
    tpu.wait_indirect_dma semaphore(%arg33 : memref<!tpu.dma_semaphore, #tpu.memory_space<semaphore_mem>>) src(%arg16 : memref<88x128xf32, #tpu.memory_space<vmem>>) dst(%dma_wait3A_134 : memref<10240x128xf32, #tpu.memory_space<vmem_shared>>)
    %barrier3A_135 = arith.constant 0 : index
    tpu.barrier barrier_id(%barrier3A_135)
    %scan3A_136 = arith.constant 0 : i32
    %scan3A_137 = arith.constant 8 : i32
    %scan3A_138 = arith.addi %scan3A_136, %scan3A_137 : i32
    %scan3A_139 = arith.constant 1 : i32
    scf.for %scan3A_141 = %scan3A_136 to %scan3A_138 step %scan3A_139  : i32 {
      %mul3A_142 = arith.constant 1 : i32
      %mul3A_143 = arith.muli %scan3A_141, %mul3A_142 : i32
      %add3A_144 = arith.constant 0 : i32
      %add3A_145 = arith.addi %add3A_144, %mul3A_143 : i32
      %mul3A_146 = arith.constant 640 : i32
      %mul3A_147 = arith.muli %arg1, %mul3A_146 : i32
      %mul3A_148 = arith.constant 80 : i32
      %mul3A_149 = arith.muli %add3A_145, %mul3A_148 : i32
      %add3A_150 = arith.addi %mul3A_147, %mul3A_149 : i32
      "tpu.region"() ({
        %run_scoped3A = tpu.sem_alloc : memref<!tpu.dma_semaphore, #tpu.memory_space<semaphore_mem>>
        %dma_start3A_151 = arith.constant 0 : i32
        %dma_start3A_152 = arith.constant 0 : i32
        %dma_start3A_153 = tpu.memref_slice %arg13[%dma_start3A_151, %dma_start3A_152] : memref<88x128xf32, #tpu.memory_space<vmem>> -> memref<80x128xf32, #tpu.memory_space<vmem>>
        %dma_start3A_154 = arith.constant 0 : i32
        %dma_start3A_155 = tpu.memref_slice %arg17[%add3A_150, %dma_start3A_154] : memref<10240x128xf32, #tpu.memory_space<vmem_shared>> -> memref<80x128xf32, #tpu.memory_space<vmem_shared>>
        %dma_start3A_156 = arith.constant 0 : i32
        %dma_start3A_157 = arith.constant 0 : i32
        %dma_start3A_158 = tpu.memref_slice %arg13[%dma_start3A_156, %dma_start3A_157] : memref<88x128xf32, #tpu.memory_space<vmem>> -> memref<80x128xf32, #tpu.memory_space<vmem>>
        %dma_start3A_159 = arith.constant 0 : i32
        %dma_start3A_160 = tpu.memref_slice %arg17[%add3A_150, %dma_start3A_159] : memref<10240x128xf32, #tpu.memory_space<vmem_shared>> -> memref<80x128xf32, #tpu.memory_space<vmem_shared>>
        tpu.enqueue_dma source(%dma_start3A_160 : memref<80x128xf32, #tpu.memory_space<vmem_shared>>) target(%dma_start3A_158 : memref<80x128xf32, #tpu.memory_space<vmem>>) target_semaphore(%run_scoped3A : memref<!tpu.dma_semaphore, #tpu.memory_space<semaphore_mem>>)
        %dma_wait3A_161 = arith.constant 0 : i32
        %dma_wait3A_162 = arith.constant 0 : i32
        %dma_wait3A_163 = tpu.memref_slice %arg13[%dma_wait3A_161, %dma_wait3A_162] : memref<88x128xf32, #tpu.memory_space<vmem>> -> memref<80x128xf32, #tpu.memory_space<vmem>>
        %dma_wait3A_164 = arith.constant 0 : i32
        %dma_wait3A_165 = tpu.memref_slice %arg17[%add3A_150, %dma_wait3A_164] : memref<10240x128xf32, #tpu.memory_space<vmem_shared>> -> memref<80x128xf32, #tpu.memory_space<vmem_shared>>
        %dma_wait3A_166 = arith.constant 0 : i32
        %dma_wait3A_167 = arith.constant 0 : i32
        %dma_wait3A_168 = tpu.memref_slice %arg13[%dma_wait3A_166, %dma_wait3A_167] : memref<88x128xf32, #tpu.memory_space<vmem>> -> memref<80x128xf32, #tpu.memory_space<vmem>>
        %dma_wait3A_169 = arith.constant 0 : i32
        %dma_wait3A_170 = tpu.memref_slice %arg17[%add3A_150, %dma_wait3A_169] : memref<10240x128xf32, #tpu.memory_space<vmem_shared>> -> memref<80x128xf32, #tpu.memory_space<vmem_shared>>
        tpu.wait_dma2 semaphore(%run_scoped3A : memref<!tpu.dma_semaphore, #tpu.memory_space<semaphore_mem>>) src(%dma_wait3A_170 : memref<80x128xf32, #tpu.memory_space<vmem_shared>>) dst(%dma_wait3A_168 : memref<80x128xf32, #tpu.memory_space<vmem>>)
        tpu.yield
      }) : () -> ()
      "tpu.region"() ({
        %run_scoped3A = tpu.sem_alloc : memref<!tpu.dma_semaphore, #tpu.memory_space<semaphore_mem>>
        %dma_start3A_151 = arith.constant 0 : i32
        %dma_start3A_152 = arith.constant 0 : i32
        %dma_start3A_153 = tpu.memref_slice %arg13[%dma_start3A_151, %dma_start3A_152] : memref<88x128xf32, #tpu.memory_space<vmem>> -> memref<80x128xf32, #tpu.memory_space<vmem>>
        %dma_start3A_154 = arith.constant 0 : i32
        %dma_start3A_155 = tpu.memref_slice %arg4[%arg0, %add3A_150, %dma_start3A_154] : memref<2x10240x128xf32, #tpu.memory_space<hbm>> -> memref<1x80x128xf32, #tpu.memory_space<hbm>>
        %dma_start3A_156 = tpu.memref_squeeze %dma_start3A_155 : memref<1x80x128xf32, #tpu.memory_space<hbm>> -> memref<80x128xf32, #tpu.memory_space<hbm>>
        %dma_start3A_157 = arith.constant 0 : i32
        %dma_start3A_158 = tpu.memref_slice %arg4[%arg0, %add3A_150, %dma_start3A_157] : memref<2x10240x128xf32, #tpu.memory_space<hbm>> -> memref<1x80x128xf32, #tpu.memory_space<hbm>>
        %dma_start3A_159 = tpu.memref_squeeze %dma_start3A_158 : memref<1x80x128xf32, #tpu.memory_space<hbm>> -> memref<80x128xf32, #tpu.memory_space<hbm>>
        %dma_start3A_160 = arith.constant 0 : i32
        %dma_start3A_161 = arith.constant 0 : i32
        %dma_start3A_162 = tpu.memref_slice %arg13[%dma_start3A_160, %dma_start3A_161] : memref<88x128xf32, #tpu.memory_space<vmem>> -> memref<80x128xf32, #tpu.memory_space<vmem>>
        tpu.enqueue_dma source(%dma_start3A_162 : memref<80x128xf32, #tpu.memory_space<vmem>>) target(%dma_start3A_159 : memref<80x128xf32, #tpu.memory_space<hbm>>) target_semaphore(%run_scoped3A : memref<!tpu.dma_semaphore, #tpu.memory_space<semaphore_mem>>)
        %dma_wait3A_163 = arith.constant 0 : i32
        %dma_wait3A_164 = arith.constant 0 : i32
        %dma_wait3A_165 = tpu.memref_slice %arg13[%dma_wait3A_163, %dma_wait3A_164] : memref<88x128xf32, #tpu.memory_space<vmem>> -> memref<80x128xf32, #tpu.memory_space<vmem>>
        %dma_wait3A_166 = arith.constant 0 : i32
        %dma_wait3A_167 = tpu.memref_slice %arg4[%arg0, %add3A_150, %dma_wait3A_166] : memref<2x10240x128xf32, #tpu.memory_space<hbm>> -> memref<1x80x128xf32, #tpu.memory_space<hbm>>
        %dma_wait3A_168 = tpu.memref_squeeze %dma_wait3A_167 : memref<1x80x128xf32, #tpu.memory_space<hbm>> -> memref<80x128xf32, #tpu.memory_space<hbm>>
        %dma_wait3A_169 = arith.constant 0 : i32
        %dma_wait3A_170 = tpu.memref_slice %arg4[%arg0, %add3A_150, %dma_wait3A_169] : memref<2x10240x128xf32, #tpu.memory_space<hbm>> -> memref<1x80x128xf32, #tpu.memory_space<hbm>>
        %dma_wait3A_171 = tpu.memref_squeeze %dma_wait3A_170 : memref<1x80x128xf32, #tpu.memory_space<hbm>> -> memref<80x128xf32, #tpu.memory_space<hbm>>
        %dma_wait3A_172 = arith.constant 0 : i32
        %dma_wait3A_173 = arith.constant 0 : i32
        %dma_wait3A_174 = tpu.memref_slice %arg13[%dma_wait3A_172, %dma_wait3A_173] : memref<88x128xf32, #tpu.memory_space<vmem>> -> memref<80x128xf32, #tpu.memory_space<vmem>>
        tpu.wait_dma2 semaphore(%run_scoped3A : memref<!tpu.dma_semaphore, #tpu.memory_space<semaphore_mem>>) src(%dma_wait3A_174 : memref<80x128xf32, #tpu.memory_space<vmem>>) dst(%dma_wait3A_171 : memref<80x128xf32, #tpu.memory_space<hbm>>)
        tpu.yield
      }) : () -> ()
    }
    %scan3A_140 = arith.constant 8 : i32
    return
  }
}

#map = affine_map<(d0, d1) -> (0, 0, 0, 0)>
#map1 = affine_map<(d0, d1) -> (0, 0, 0)>
module attributes {stable_mosaic.version = 14 : i64} {
  func.func @sc_gcn_deg(%arg0: i32, %arg1: i32, %arg2: memref<32x232x2x88xi32, #tpu.memory_space<hbm>>, %arg3: memref<2x1x10240xf32, #tpu.memory_space<hbm>>, %arg4: memref<232x2x88xi32, #tpu.memory_space<vmem>>, %arg5: memref<88xf32, #tpu.memory_space<vmem>>, %arg6: memref<640xf32, #tpu.memory_space<vmem>>, %arg7: memref<10240xf32, #tpu.memory_space<vmem_shared>>, %arg8: memref<!tpu.dma_semaphore, #tpu.memory_space<semaphore_mem>>, %arg9: memref<!tpu.dma_semaphore, #tpu.memory_space<semaphore_mem>>, %arg10: memref<!tpu.dma_semaphore, #tpu.memory_space<semaphore_mem>>, %arg11: memref<!tpu.dma_semaphore, #tpu.memory_space<semaphore_mem>>) attributes {dimension_semantics = [#tpu.dimension_semantics<core_parallel>, #tpu.dimension_semantics<subcore_parallel>], iteration_bounds = array<i64: 2, 16>, scalar_prefetch = 0 : i64, scratch_operands = 8 : i64, tpu.core_type = #tpu.core_type<sc_vector_subcore>, window_params = [{transform_indices = #map}, {transform_indices = #map1}]} {
    %broadcast_in_dim3A = arith.constant 1.000000e+00 : f32
    %broadcast_in_dim3A_0 = vector.broadcast %broadcast_in_dim3A : f32 to vector<16xf32>
    %broadcast_in_dim3A_1 = arith.constant 0.000000e+00 : f32
    %broadcast_in_dim3A_2 = vector.broadcast %broadcast_in_dim3A_1 : f32 to vector<16xf32>
    %scan3A = arith.constant 0 : i32
    %scan3A_3 = arith.constant 5 : i32
    %scan3A_4 = arith.addi %scan3A, %scan3A_3 : i32
    %scan3A_5 = arith.constant 1 : i32
    scf.for %scan3A_53 = %scan3A to %scan3A_4 step %scan3A_5  : i32 {
      %mul3A_54 = arith.constant 1 : i32
      %mul3A_55 = arith.muli %scan3A_53, %mul3A_54 : i32
      %add3A_56 = arith.constant 0 : i32
      %add3A_57 = arith.addi %add3A_56, %mul3A_55 : i32
      %mul3A_58 = arith.constant 16 : i32
      %mul3A_59 = arith.muli %add3A_57, %mul3A_58 : i32
      %swap3A_60 = arith.index_cast %mul3A_59 : i32 to index
      %swap3A_61 = tpu.vector_load %arg5[%swap3A_60] {strides = array<i32>} : memref<88xf32, #tpu.memory_space<vmem>>, vector<16xf32>,
      %swap3A_62 = vector.shape_cast %swap3A_61 : vector<16xf32> to vector<16xf32>
      %swap3A_63 = vector.shape_cast %broadcast_in_dim3A_0 : vector<16xf32> to vector<16xf32>
      tpu.vector_store %arg5[%swap3A_60], %swap3A_63 {strides = array<i32>} : memref<88xf32, #tpu.memory_space<vmem>>, vector<16xf32>,
    }
    %scan3A_6 = arith.constant 5 : i32
    %swap3A = arith.constant 72 : index
    %swap3A_7 = tpu.vector_load %arg5[%swap3A] {strides = array<i32>} : memref<88xf32, #tpu.memory_space<vmem>>, vector<16xf32>,
    %swap3A_8 = vector.shape_cast %swap3A_7 : vector<16xf32> to vector<16xf32>
    %swap3A_9 = vector.shape_cast %broadcast_in_dim3A_0 : vector<16xf32> to vector<16xf32>
    tpu.vector_store %arg5[%swap3A], %swap3A_9 {strides = array<i32>} : memref<88xf32, #tpu.memory_space<vmem>>, vector<16xf32>,
    %scan3A_10 = arith.constant 0 : i32
    %scan3A_11 = arith.constant 40 : i32
    %scan3A_12 = arith.addi %scan3A_10, %scan3A_11 : i32
    %scan3A_13 = arith.constant 1 : i32
    scf.for %scan3A_53 = %scan3A_10 to %scan3A_12 step %scan3A_13  : i32 {
      %mul3A_54 = arith.constant 1 : i32
      %mul3A_55 = arith.muli %scan3A_53, %mul3A_54 : i32
      %add3A_56 = arith.constant 0 : i32
      %add3A_57 = arith.addi %add3A_56, %mul3A_55 : i32
      %mul3A_58 = arith.constant 16 : i32
      %mul3A_59 = arith.muli %add3A_57, %mul3A_58 : i32
      %swap3A_60 = arith.index_cast %mul3A_59 : i32 to index
      %swap3A_61 = tpu.vector_load %arg6[%swap3A_60] {strides = array<i32>} : memref<640xf32, #tpu.memory_space<vmem>>, vector<16xf32>,
      %swap3A_62 = vector.shape_cast %swap3A_61 : vector<16xf32> to vector<16xf32>
      %swap3A_63 = vector.shape_cast %broadcast_in_dim3A_2 : vector<16xf32> to vector<16xf32>
      tpu.vector_store %arg6[%swap3A_60], %swap3A_63 {strides = array<i32>} : memref<640xf32, #tpu.memory_space<vmem>>, vector<16xf32>,
    }
    %scan3A_14 = arith.constant 40 : i32
    %mul3A = arith.constant 640 : i32
    %mul3A_15 = arith.muli %arg1, %mul3A : i32
    "tpu.region"() ({
      %run_scoped3A_53 = tpu.sem_alloc : memref<!tpu.dma_semaphore, #tpu.memory_space<semaphore_mem>>
      %dma_start3A_54 = tpu.memref_slice %arg7[%mul3A_15] : memref<10240xf32, #tpu.memory_space<vmem_shared>> -> memref<640xf32, #tpu.memory_space<vmem_shared>>
      %dma_start3A_55 = tpu.memref_slice %arg7[%mul3A_15] : memref<10240xf32, #tpu.memory_space<vmem_shared>> -> memref<640xf32, #tpu.memory_space<vmem_shared>>
      tpu.enqueue_dma source(%arg6 : memref<640xf32, #tpu.memory_space<vmem>>) target(%dma_start3A_55 : memref<640xf32, #tpu.memory_space<vmem_shared>>) target_semaphore(%run_scoped3A_53 : memref<!tpu.dma_semaphore, #tpu.memory_space<semaphore_mem>>)
      %dma_wait3A = tpu.memref_slice %arg7[%mul3A_15] : memref<10240xf32, #tpu.memory_space<vmem_shared>> -> memref<640xf32, #tpu.memory_space<vmem_shared>>
      %dma_wait3A_56 = tpu.memref_slice %arg7[%mul3A_15] : memref<10240xf32, #tpu.memory_space<vmem_shared>> -> memref<640xf32, #tpu.memory_space<vmem_shared>>
      tpu.wait_dma2 semaphore(%run_scoped3A_53 : memref<!tpu.dma_semaphore, #tpu.memory_space<semaphore_mem>>) src(%arg6 : memref<640xf32, #tpu.memory_space<vmem>>) dst(%dma_wait3A_56 : memref<640xf32, #tpu.memory_space<vmem_shared>>)
      tpu.yield
    }) : () -> ()
    %mul3A_16 = arith.constant 16 : i32
    %mul3A_17 = arith.muli %arg0, %mul3A_16 : i32
    %add3A = arith.addi %mul3A_17, %arg1 : i32
    "tpu.region"() ({
      %run_scoped3A_53 = tpu.sem_alloc : memref<!tpu.dma_semaphore, #tpu.memory_space<semaphore_mem>>
      %dma_start3A_54 = arith.constant 0 : i32
      %dma_start3A_55 = arith.constant 0 : i32
      %dma_start3A_56 = arith.constant 0 : i32
      %dma_start3A_57 = tpu.memref_slice %arg2[%add3A, %dma_start3A_54, %dma_start3A_55, %dma_start3A_56] : memref<32x232x2x88xi32, #tpu.memory_space<hbm>> -> memref<1x232x2x88xi32, #tpu.memory_space<hbm>>
      %dma_start3A_58 = tpu.memref_squeeze %dma_start3A_57 : memref<1x232x2x88xi32, #tpu.memory_space<hbm>> -> memref<232x2x88xi32, #tpu.memory_space<hbm>>
      %dma_start3A_59 = arith.constant 0 : i32
      %dma_start3A_60 = arith.constant 0 : i32
      %dma_start3A_61 = arith.constant 0 : i32
      %dma_start3A_62 = tpu.memref_slice %arg2[%add3A, %dma_start3A_59, %dma_start3A_60, %dma_start3A_61] : memref<32x232x2x88xi32, #tpu.memory_space<hbm>> -> memref<1x232x2x88xi32, #tpu.memory_space<hbm>>
      %dma_start3A_63 = tpu.memref_squeeze %dma_start3A_62 : memref<1x232x2x88xi32, #tpu.memory_space<hbm>> -> memref<232x2x88xi32, #tpu.memory_space<hbm>>
      tpu.enqueue_dma source(%dma_start3A_63 : memref<232x2x88xi32, #tpu.memory_space<hbm>>) target(%arg4 : memref<232x2x88xi32, #tpu.memory_space<vmem>>) target_semaphore(%run_scoped3A_53 : memref<!tpu.dma_semaphore, #tpu.memory_space<semaphore_mem>>)
      %dma_wait3A = arith.constant 0 : i32
      %dma_wait3A_64 = arith.constant 0 : i32
      %dma_wait3A_65 = arith.constant 0 : i32
      %dma_wait3A_66 = tpu.memref_slice %arg2[%add3A, %dma_wait3A, %dma_wait3A_64, %dma_wait3A_65] : memref<32x232x2x88xi32, #tpu.memory_space<hbm>> -> memref<1x232x2x88xi32, #tpu.memory_space<hbm>>
      %dma_wait3A_67 = tpu.memref_squeeze %dma_wait3A_66 : memref<1x232x2x88xi32, #tpu.memory_space<hbm>> -> memref<232x2x88xi32, #tpu.memory_space<hbm>>
      %dma_wait3A_68 = arith.constant 0 : i32
      %dma_wait3A_69 = arith.constant 0 : i32
      %dma_wait3A_70 = arith.constant 0 : i32
      %dma_wait3A_71 = tpu.memref_slice %arg2[%add3A, %dma_wait3A_68, %dma_wait3A_69, %dma_wait3A_70] : memref<32x232x2x88xi32, #tpu.memory_space<hbm>> -> memref<1x232x2x88xi32, #tpu.memory_space<hbm>>
      %dma_wait3A_72 = tpu.memref_squeeze %dma_wait3A_71 : memref<1x232x2x88xi32, #tpu.memory_space<hbm>> -> memref<232x2x88xi32, #tpu.memory_space<hbm>>
      tpu.wait_dma2 semaphore(%run_scoped3A_53 : memref<!tpu.dma_semaphore, #tpu.memory_space<semaphore_mem>>) src(%dma_wait3A_72 : memref<232x2x88xi32, #tpu.memory_space<hbm>>) dst(%arg4 : memref<232x2x88xi32, #tpu.memory_space<vmem>>)
      tpu.yield
    }) : () -> ()
    %barrier3A = arith.constant 0 : index
    tpu.barrier barrier_id(%barrier3A)
    %dma_start3A = arith.constant 0 : i32
    %dma_start3A_18 = arith.constant 1 : i32
    %dma_start3A_19 = arith.constant 0 : i32
    %dma_start3A_20 = tpu.memref_slice %arg4[%dma_start3A, %dma_start3A_18, %dma_start3A_19] : memref<232x2x88xi32, #tpu.memory_space<vmem>> -> memref<1x1x88xi32, #tpu.memory_space<vmem>>
    %dma_start3A_21 = tpu.memref_squeeze %dma_start3A_20 : memref<1x1x88xi32, #tpu.memory_space<vmem>> -> memref<88xi32, #tpu.memory_space<vmem>>
    %dma_start3A_22 = arith.constant 0 : i32
    %dma_start3A_23 = tpu.memref_slice %arg7[%dma_start3A_22] : memref<10240xf32, #tpu.memory_space<vmem_shared>> -> memref<10240xf32, #tpu.memory_space<vmem_shared>>
    tpu.enqueue_indirect_dma source(%arg5 : memref<88xf32, #tpu.memory_space<vmem>>) target(%dma_start3A_23 : memref<10240xf32, #tpu.memory_space<vmem_shared>>) offsets(%dma_start3A_21 : memref<88xi32, #tpu.memory_space<vmem>>) semaphore(%arg8 : memref<!tpu.dma_semaphore, #tpu.memory_space<semaphore_mem>>) {add = true}
    %dma_start3A_24 = arith.constant 1 : i32
    %dma_start3A_25 = arith.constant 1 : i32
    %dma_start3A_26 = arith.constant 0 : i32
    %dma_start3A_27 = tpu.memref_slice %arg4[%dma_start3A_24, %dma_start3A_25, %dma_start3A_26] : memref<232x2x88xi32, #tpu.memory_space<vmem>> -> memref<1x1x88xi32, #tpu.memory_space<vmem>>
    %dma_start3A_28 = tpu.memref_squeeze %dma_start3A_27 : memref<1x1x88xi32, #tpu.memory_space<vmem>> -> memref<88xi32, #tpu.memory_space<vmem>>
    %dma_start3A_29 = arith.constant 0 : i32
    %dma_start3A_30 = tpu.memref_slice %arg7[%dma_start3A_29] : memref<10240xf32, #tpu.memory_space<vmem_shared>> -> memref<10240xf32, #tpu.memory_space<vmem_shared>>
    tpu.enqueue_indirect_dma source(%arg5 : memref<88xf32, #tpu.memory_space<vmem>>) target(%dma_start3A_30 : memref<10240xf32, #tpu.memory_space<vmem_shared>>) offsets(%dma_start3A_28 : memref<88xi32, #tpu.memory_space<vmem>>) semaphore(%arg9 : memref<!tpu.dma_semaphore, #tpu.memory_space<semaphore_mem>>) {add = true}
    %dma_start3A_31 = arith.constant 2 : i32
    %dma_start3A_32 = arith.constant 1 : i32
    %dma_start3A_33 = arith.constant 0 : i32
    %dma_start3A_34 = tpu.memref_slice %arg4[%dma_start3A_31, %dma_start3A_32, %dma_start3A_33] : memref<232x2x88xi32, #tpu.memory_space<vmem>> -> memref<1x1x88xi32, #tpu.memory_space<vmem>>
    %dma_start3A_35 = tpu.memref_squeeze %dma_start3A_34 : memref<1x1x88xi32, #tpu.memory_space<vmem>> -> memref<88xi32, #tpu.memory_space<vmem>>
    %dma_start3A_36 = arith.constant 0 : i32
    %dma_start3A_37 = tpu.memref_slice %arg7[%dma_start3A_36] : memref<10240xf32, #tpu.memory_space<vmem_shared>> -> memref<10240xf32, #tpu.memory_space<vmem_shared>>
    tpu.enqueue_indirect_dma source(%arg5 : memref<88xf32, #tpu.memory_space<vmem>>) target(%dma_start3A_37 : memref<10240xf32, #tpu.memory_space<vmem_shared>>) offsets(%dma_start3A_35 : memref<88xi32, #tpu.memory_space<vmem>>) semaphore(%arg10 : memref<!tpu.dma_semaphore, #tpu.memory_space<semaphore_mem>>) {add = true}
    %dma_start3A_38 = arith.constant 3 : i32
    %dma_start3A_39 = arith.constant 1 : i32
    %dma_start3A_40 = arith.constant 0 : i32
    %dma_start3A_41 = tpu.memref_slice %arg4[%dma_start3A_38, %dma_start3A_39, %dma_start3A_40] : memref<232x2x88xi32, #tpu.memory_space<vmem>> -> memref<1x1x88xi32, #tpu.memory_space<vmem>>
    %dma_start3A_42 = tpu.memref_squeeze %dma_start3A_41 : memref<1x1x88xi32, #tpu.memory_space<vmem>> -> memref<88xi32, #tpu.memory_space<vmem>>
    %dma_start3A_43 = arith.constant 0 : i32
    %dma_start3A_44 = tpu.memref_slice %arg7[%dma_start3A_43] : memref<10240xf32, #tpu.memory_space<vmem_shared>> -> memref<10240xf32, #tpu.memory_space<vmem_shared>>
    tpu.enqueue_indirect_dma source(%arg5 : memref<88xf32, #tpu.memory_space<vmem>>) target(%dma_start3A_44 : memref<10240xf32, #tpu.memory_space<vmem_shared>>) offsets(%dma_start3A_42 : memref<88xi32, #tpu.memory_space<vmem>>) semaphore(%arg11 : memref<!tpu.dma_semaphore, #tpu.memory_space<semaphore_mem>>) {add = true}
    %scan3A_45 = arith.constant 0 : i32
    %scan3A_46 = arith.constant 58 : i32
    %scan3A_47 = arith.addi %scan3A_45, %scan3A_46 : i32
    %scan3A_48 = arith.constant 1 : i32
    scf.for %scan3A_53 = %scan3A_45 to %scan3A_47 step %scan3A_48  : i32 {
      %mul3A_54 = arith.constant 1 : i32
      %mul3A_55 = arith.muli %scan3A_53, %mul3A_54 : i32
      %add3A_56 = arith.constant 0 : i32
      %add3A_57 = arith.addi %add3A_56, %mul3A_55 : i32
      %mul3A_58 = arith.constant 4 : i32
      %mul3A_59 = arith.muli %add3A_57, %mul3A_58 : i32
      %add3A_60 = arith.constant 0 : i32
      %add3A_61 = arith.addi %mul3A_59, %add3A_60 : i32
      %dma_wait3A = arith.constant 1 : i32
      %dma_wait3A_62 = arith.constant 0 : i32
      %dma_wait3A_63 = tpu.memref_slice %arg4[%add3A_61, %dma_wait3A, %dma_wait3A_62] : memref<232x2x88xi32, #tpu.memory_space<vmem>> -> memref<1x1x88xi32, #tpu.memory_space<vmem>>
      %dma_wait3A_64 = tpu.memref_squeeze %dma_wait3A_63 : memref<1x1x88xi32, #tpu.memory_space<vmem>> -> memref<88xi32, #tpu.memory_space<vmem>>
      %dma_wait3A_65 = arith.constant 0 : i32
      %dma_wait3A_66 = tpu.memref_slice %arg7[%dma_wait3A_65] : memref<10240xf32, #tpu.memory_space<vmem_shared>> -> memref<10240xf32, #tpu.memory_space<vmem_shared>>
      tpu.wait_indirect_dma semaphore(%arg8 : memref<!tpu.dma_semaphore, #tpu.memory_space<semaphore_mem>>) src(%arg5 : memref<88xf32, #tpu.memory_space<vmem>>) dst(%dma_wait3A_66 : memref<10240xf32, #tpu.memory_space<vmem_shared>>)
      %add3A_67 = arith.constant 4 : i32
      %add3A_68 = arith.addi %add3A_61, %add3A_67 : i32
      %lt3A = arith.constant 232 : i32
      %lt3A_69 = arith.cmpi slt, %add3A_68, %lt3A : i32
      %convert_element_type3A = arith.extui %lt3A_69 : i1 to i32
      %cond3A = arith.constant 0 : i32
      %cond3A_70 = arith.cmpi ne, %convert_element_type3A, %cond3A : i32
      scf.if %cond3A_70 {
        %add3A_116 = arith.constant 4 : i32
        %add3A_117 = arith.addi %add3A_61, %add3A_116 : i32
        %dma_start3A_118 = arith.constant 1 : i32
        %dma_start3A_119 = arith.constant 0 : i32
        %dma_start3A_120 = tpu.memref_slice %arg4[%add3A_117, %dma_start3A_118, %dma_start3A_119] : memref<232x2x88xi32, #tpu.memory_space<vmem>> -> memref<1x1x88xi32, #tpu.memory_space<vmem>>
        %dma_start3A_121 = tpu.memref_squeeze %dma_start3A_120 : memref<1x1x88xi32, #tpu.memory_space<vmem>> -> memref<88xi32, #tpu.memory_space<vmem>>
        %dma_start3A_122 = arith.constant 0 : i32
        %dma_start3A_123 = tpu.memref_slice %arg7[%dma_start3A_122] : memref<10240xf32, #tpu.memory_space<vmem_shared>> -> memref<10240xf32, #tpu.memory_space<vmem_shared>>
        tpu.enqueue_indirect_dma source(%arg5 : memref<88xf32, #tpu.memory_space<vmem>>) target(%dma_start3A_123 : memref<10240xf32, #tpu.memory_space<vmem_shared>>) offsets(%dma_start3A_121 : memref<88xi32, #tpu.memory_space<vmem>>) semaphore(%arg8 : memref<!tpu.dma_semaphore, #tpu.memory_space<semaphore_mem>>) {add = true}
      } else {
      }
      %add3A_71 = arith.constant 1 : i32
      %add3A_72 = arith.addi %mul3A_59, %add3A_71 : i32
      %dma_wait3A_73 = arith.constant 1 : i32
      %dma_wait3A_74 = arith.constant 0 : i32
      %dma_wait3A_75 = tpu.memref_slice %arg4[%add3A_72, %dma_wait3A_73, %dma_wait3A_74] : memref<232x2x88xi32, #tpu.memory_space<vmem>> -> memref<1x1x88xi32, #tpu.memory_space<vmem>>
      %dma_wait3A_76 = tpu.memref_squeeze %dma_wait3A_75 : memref<1x1x88xi32, #tpu.memory_space<vmem>> -> memref<88xi32, #tpu.memory_space<vmem>>
      %dma_wait3A_77 = arith.constant 0 : i32
      %dma_wait3A_78 = tpu.memref_slice %arg7[%dma_wait3A_77] : memref<10240xf32, #tpu.memory_space<vmem_shared>> -> memref<10240xf32, #tpu.memory_space<vmem_shared>>
      tpu.wait_indirect_dma semaphore(%arg9 : memref<!tpu.dma_semaphore, #tpu.memory_space<semaphore_mem>>) src(%arg5 : memref<88xf32, #tpu.memory_space<vmem>>) dst(%dma_wait3A_78 : memref<10240xf32, #tpu.memory_space<vmem_shared>>)
      %add3A_79 = arith.constant 4 : i32
      %add3A_80 = arith.addi %add3A_72, %add3A_79 : i32
      %lt3A_81 = arith.constant 232 : i32
      %lt3A_82 = arith.cmpi slt, %add3A_80, %lt3A_81 : i32
      %convert_element_type3A_83 = arith.extui %lt3A_82 : i1 to i32
      %cond3A_84 = arith.constant 0 : i32
      %cond3A_85 = arith.cmpi ne, %convert_element_type3A_83, %cond3A_84 : i32
      scf.if %cond3A_85 {
        %add3A_116 = arith.constant 4 : i32
        %add3A_117 = arith.addi %add3A_72, %add3A_116 : i32
        %dma_start3A_118 = arith.constant 1 : i32
        %dma_start3A_119 = arith.constant 0 : i32
        %dma_start3A_120 = tpu.memref_slice %arg4[%add3A_117, %dma_start3A_118, %dma_start3A_119] : memref<232x2x88xi32, #tpu.memory_space<vmem>> -> memref<1x1x88xi32, #tpu.memory_space<vmem>>
        %dma_start3A_121 = tpu.memref_squeeze %dma_start3A_120 : memref<1x1x88xi32, #tpu.memory_space<vmem>> -> memref<88xi32, #tpu.memory_space<vmem>>
        %dma_start3A_122 = arith.constant 0 : i32
        %dma_start3A_123 = tpu.memref_slice %arg7[%dma_start3A_122] : memref<10240xf32, #tpu.memory_space<vmem_shared>> -> memref<10240xf32, #tpu.memory_space<vmem_shared>>
        tpu.enqueue_indirect_dma source(%arg5 : memref<88xf32, #tpu.memory_space<vmem>>) target(%dma_start3A_123 : memref<10240xf32, #tpu.memory_space<vmem_shared>>) offsets(%dma_start3A_121 : memref<88xi32, #tpu.memory_space<vmem>>) semaphore(%arg9 : memref<!tpu.dma_semaphore, #tpu.memory_space<semaphore_mem>>) {add = true}
      } else {
      }
      %add3A_86 = arith.constant 2 : i32
      %add3A_87 = arith.addi %mul3A_59, %add3A_86 : i32
      %dma_wait3A_88 = arith.constant 1 : i32
      %dma_wait3A_89 = arith.constant 0 : i32
      %dma_wait3A_90 = tpu.memref_slice %arg4[%add3A_87, %dma_wait3A_88, %dma_wait3A_89] : memref<232x2x88xi32, #tpu.memory_space<vmem>> -> memref<1x1x88xi32, #tpu.memory_space<vmem>>
      %dma_wait3A_91 = tpu.memref_squeeze %dma_wait3A_90 : memref<1x1x88xi32, #tpu.memory_space<vmem>> -> memref<88xi32, #tpu.memory_space<vmem>>
      %dma_wait3A_92 = arith.constant 0 : i32
      %dma_wait3A_93 = tpu.memref_slice %arg7[%dma_wait3A_92] : memref<10240xf32, #tpu.memory_space<vmem_shared>> -> memref<10240xf32, #tpu.memory_space<vmem_shared>>
      tpu.wait_indirect_dma semaphore(%arg10 : memref<!tpu.dma_semaphore, #tpu.memory_space<semaphore_mem>>) src(%arg5 : memref<88xf32, #tpu.memory_space<vmem>>) dst(%dma_wait3A_93 : memref<10240xf32, #tpu.memory_space<vmem_shared>>)
      %add3A_94 = arith.constant 4 : i32
      %add3A_95 = arith.addi %add3A_87, %add3A_94 : i32
      %lt3A_96 = arith.constant 232 : i32
      %lt3A_97 = arith.cmpi slt, %add3A_95, %lt3A_96 : i32
      %convert_element_type3A_98 = arith.extui %lt3A_97 : i1 to i32
      %cond3A_99 = arith.constant 0 : i32
      %cond3A_100 = arith.cmpi ne, %convert_element_type3A_98, %cond3A_99 : i32
      scf.if %cond3A_100 {
        %add3A_116 = arith.constant 4 : i32
        %add3A_117 = arith.addi %add3A_87, %add3A_116 : i32
        %dma_start3A_118 = arith.constant 1 : i32
        %dma_start3A_119 = arith.constant 0 : i32
        %dma_start3A_120 = tpu.memref_slice %arg4[%add3A_117, %dma_start3A_118, %dma_start3A_119] : memref<232x2x88xi32, #tpu.memory_space<vmem>> -> memref<1x1x88xi32, #tpu.memory_space<vmem>>
        %dma_start3A_121 = tpu.memref_squeeze %dma_start3A_120 : memref<1x1x88xi32, #tpu.memory_space<vmem>> -> memref<88xi32, #tpu.memory_space<vmem>>
        %dma_start3A_122 = arith.constant 0 : i32
        %dma_start3A_123 = tpu.memref_slice %arg7[%dma_start3A_122] : memref<10240xf32, #tpu.memory_space<vmem_shared>> -> memref<10240xf32, #tpu.memory_space<vmem_shared>>
        tpu.enqueue_indirect_dma source(%arg5 : memref<88xf32, #tpu.memory_space<vmem>>) target(%dma_start3A_123 : memref<10240xf32, #tpu.memory_space<vmem_shared>>) offsets(%dma_start3A_121 : memref<88xi32, #tpu.memory_space<vmem>>) semaphore(%arg10 : memref<!tpu.dma_semaphore, #tpu.memory_space<semaphore_mem>>) {add = true}
      } else {
      }
      %add3A_101 = arith.constant 3 : i32
      %add3A_102 = arith.addi %mul3A_59, %add3A_101 : i32
      %dma_wait3A_103 = arith.constant 1 : i32
      %dma_wait3A_104 = arith.constant 0 : i32
      %dma_wait3A_105 = tpu.memref_slice %arg4[%add3A_102, %dma_wait3A_103, %dma_wait3A_104] : memref<232x2x88xi32, #tpu.memory_space<vmem>> -> memref<1x1x88xi32, #tpu.memory_space<vmem>>
      %dma_wait3A_106 = tpu.memref_squeeze %dma_wait3A_105 : memref<1x1x88xi32, #tpu.memory_space<vmem>> -> memref<88xi32, #tpu.memory_space<vmem>>
      %dma_wait3A_107 = arith.constant 0 : i32
      %dma_wait3A_108 = tpu.memref_slice %arg7[%dma_wait3A_107] : memref<10240xf32, #tpu.memory_space<vmem_shared>> -> memref<10240xf32, #tpu.memory_space<vmem_shared>>
      tpu.wait_indirect_dma semaphore(%arg11 : memref<!tpu.dma_semaphore, #tpu.memory_space<semaphore_mem>>) src(%arg5 : memref<88xf32, #tpu.memory_space<vmem>>) dst(%dma_wait3A_108 : memref<10240xf32, #tpu.memory_space<vmem_shared>>)
      %add3A_109 = arith.constant 4 : i32
      %add3A_110 = arith.addi %add3A_102, %add3A_109 : i32
      %lt3A_111 = arith.constant 232 : i32
      %lt3A_112 = arith.cmpi slt, %add3A_110, %lt3A_111 : i32
      %convert_element_type3A_113 = arith.extui %lt3A_112 : i1 to i32
      %cond3A_114 = arith.constant 0 : i32
      %cond3A_115 = arith.cmpi ne, %convert_element_type3A_113, %cond3A_114 : i32
      scf.if %cond3A_115 {
        %add3A_116 = arith.constant 4 : i32
        %add3A_117 = arith.addi %add3A_102, %add3A_116 : i32
        %dma_start3A_118 = arith.constant 1 : i32
        %dma_start3A_119 = arith.constant 0 : i32
        %dma_start3A_120 = tpu.memref_slice %arg4[%add3A_117, %dma_start3A_118, %dma_start3A_119] : memref<232x2x88xi32, #tpu.memory_space<vmem>> -> memref<1x1x88xi32, #tpu.memory_space<vmem>>
        %dma_start3A_121 = tpu.memref_squeeze %dma_start3A_120 : memref<1x1x88xi32, #tpu.memory_space<vmem>> -> memref<88xi32, #tpu.memory_space<vmem>>
        %dma_start3A_122 = arith.constant 0 : i32
        %dma_start3A_123 = tpu.memref_slice %arg7[%dma_start3A_122] : memref<10240xf32, #tpu.memory_space<vmem_shared>> -> memref<10240xf32, #tpu.memory_space<vmem_shared>>
        tpu.enqueue_indirect_dma source(%arg5 : memref<88xf32, #tpu.memory_space<vmem>>) target(%dma_start3A_123 : memref<10240xf32, #tpu.memory_space<vmem_shared>>) offsets(%dma_start3A_121 : memref<88xi32, #tpu.memory_space<vmem>>) semaphore(%arg11 : memref<!tpu.dma_semaphore, #tpu.memory_space<semaphore_mem>>) {add = true}
      } else {
      }
    }
    %scan3A_49 = arith.constant 58 : i32
    %barrier3A_50 = arith.constant 0 : index
    tpu.barrier barrier_id(%barrier3A_50)
    %mul3A_51 = arith.constant 640 : i32
    %mul3A_52 = arith.muli %arg1, %mul3A_51 : i32
    "tpu.region"() ({
      %run_scoped3A_53 = tpu.sem_alloc : memref<!tpu.dma_semaphore, #tpu.memory_space<semaphore_mem>>
      %dma_start3A_54 = tpu.memref_slice %arg7[%mul3A_52] : memref<10240xf32, #tpu.memory_space<vmem_shared>> -> memref<640xf32, #tpu.memory_space<vmem_shared>>
      %dma_start3A_55 = tpu.memref_slice %arg7[%mul3A_52] : memref<10240xf32, #tpu.memory_space<vmem_shared>> -> memref<640xf32, #tpu.memory_space<vmem_shared>>
      tpu.enqueue_dma source(%dma_start3A_55 : memref<640xf32, #tpu.memory_space<vmem_shared>>) target(%arg6 : memref<640xf32, #tpu.memory_space<vmem>>) target_semaphore(%run_scoped3A_53 : memref<!tpu.dma_semaphore, #tpu.memory_space<semaphore_mem>>)
      %dma_wait3A = tpu.memref_slice %arg7[%mul3A_52] : memref<10240xf32, #tpu.memory_space<vmem_shared>> -> memref<640xf32, #tpu.memory_space<vmem_shared>>
      %dma_wait3A_56 = tpu.memref_slice %arg7[%mul3A_52] : memref<10240xf32, #tpu.memory_space<vmem_shared>> -> memref<640xf32, #tpu.memory_space<vmem_shared>>
      tpu.wait_dma2 semaphore(%run_scoped3A_53 : memref<!tpu.dma_semaphore, #tpu.memory_space<semaphore_mem>>) src(%dma_wait3A_56 : memref<640xf32, #tpu.memory_space<vmem_shared>>) dst(%arg6 : memref<640xf32, #tpu.memory_space<vmem>>)
      tpu.yield
    }) : () -> ()
    %run_scoped3A = arith.constant 0 : i32
    "tpu.region"() ({
      %run_scoped3A_53 = tpu.sem_alloc : memref<!tpu.dma_semaphore, #tpu.memory_space<semaphore_mem>>
      %dma_start3A_54 = tpu.memref_slice %arg3[%arg0, %run_scoped3A, %mul3A_52] : memref<2x1x10240xf32, #tpu.memory_space<hbm>> -> memref<1x1x640xf32, #tpu.memory_space<hbm>>
      %dma_start3A_55 = tpu.memref_squeeze %dma_start3A_54 : memref<1x1x640xf32, #tpu.memory_space<hbm>> -> memref<640xf32, #tpu.memory_space<hbm>>
      %dma_start3A_56 = tpu.memref_slice %arg3[%arg0, %run_scoped3A, %mul3A_52] : memref<2x1x10240xf32, #tpu.memory_space<hbm>> -> memref<1x1x640xf32, #tpu.memory_space<hbm>>
      %dma_start3A_57 = tpu.memref_squeeze %dma_start3A_56 : memref<1x1x640xf32, #tpu.memory_space<hbm>> -> memref<640xf32, #tpu.memory_space<hbm>>
      tpu.enqueue_dma source(%arg6 : memref<640xf32, #tpu.memory_space<vmem>>) target(%dma_start3A_57 : memref<640xf32, #tpu.memory_space<hbm>>) target_semaphore(%run_scoped3A_53 : memref<!tpu.dma_semaphore, #tpu.memory_space<semaphore_mem>>)
      %dma_wait3A = tpu.memref_slice %arg3[%arg0, %run_scoped3A, %mul3A_52] : memref<2x1x10240xf32, #tpu.memory_space<hbm>> -> memref<1x1x640xf32, #tpu.memory_space<hbm>>
      %dma_wait3A_58 = tpu.memref_squeeze %dma_wait3A : memref<1x1x640xf32, #tpu.memory_space<hbm>> -> memref<640xf32, #tpu.memory_space<hbm>>
      %dma_wait3A_59 = tpu.memref_slice %arg3[%arg0, %run_scoped3A, %mul3A_52] : memref<2x1x10240xf32, #tpu.memory_space<hbm>> -> memref<1x1x640xf32, #tpu.memory_space<hbm>>
      %dma_wait3A_60 = tpu.memref_squeeze %dma_wait3A_59 : memref<1x1x640xf32, #tpu.memory_space<hbm>> -> memref<640xf32, #tpu.memory_space<hbm>>
      tpu.wait_dma2 semaphore(%run_scoped3A_53 : memref<!tpu.dma_semaphore, #tpu.memory_space<semaphore_mem>>) src(%arg6 : memref<640xf32, #tpu.memory_space<vmem>>) dst(%dma_wait3A_60 : memref<640xf32, #tpu.memory_space<hbm>>)
      tpu.yield
    }) : () -> ()
    return
  }
}

#map = affine_map<(d0, d1) -> (0, 0)>
#map1 = affine_map<(d0, d1) -> (0, 0, 0, 0)>
#map2 = affine_map<(d0, d1) -> (0, 0, 0)>
module attributes {stable_mosaic.version = 14 : i64} {
  func.func @sc_gcn_prop(%arg0: i32, %arg1: i32, %arg2: memref<20480x128xf32, #tpu.memory_space<hbm>>, %arg3: memref<32x232x2x88xi32, #tpu.memory_space<hbm>>, %arg4: memref<2x10240x128xf32, #tpu.memory_space<hbm>>, %arg5: memref<2x88xi32, #tpu.memory_space<vmem>>, %arg6: memref<2x88xi32, #tpu.memory_space<vmem>>, %arg7: memref<2x88xi32, #tpu.memory_space<vmem>>, %arg8: memref<2x88xi32, #tpu.memory_space<vmem>>, %arg9: memref<2x88xi32, #tpu.memory_space<vmem>>, %arg10: memref<2x88xi32, #tpu.memory_space<vmem>>, %arg11: memref<2x88xi32, #tpu.memory_space<vmem>>, %arg12: memref<2x88xi32, #tpu.memory_space<vmem>>, %arg13: memref<88x128xf32, #tpu.memory_space<vmem>>, %arg14: memref<88x128xf32, #tpu.memory_space<vmem>>, %arg15: memref<88x128xf32, #tpu.memory_space<vmem>>, %arg16: memref<88x128xf32, #tpu.memory_space<vmem>>, %arg17: memref<10240x128xf32, #tpu.memory_space<vmem_shared>>, %arg18: memref<!tpu.dma_semaphore, #tpu.memory_space<semaphore_mem>>, %arg19: memref<!tpu.dma_semaphore, #tpu.memory_space<semaphore_mem>>, %arg20: memref<!tpu.dma_semaphore, #tpu.memory_space<semaphore_mem>>, %arg21: memref<!tpu.dma_semaphore, #tpu.memory_space<semaphore_mem>>, %arg22: memref<!tpu.dma_semaphore, #tpu.memory_space<semaphore_mem>>, %arg23: memref<!tpu.dma_semaphore, #tpu.memory_space<semaphore_mem>>, %arg24: memref<!tpu.dma_semaphore, #tpu.memory_space<semaphore_mem>>, %arg25: memref<!tpu.dma_semaphore, #tpu.memory_space<semaphore_mem>>, %arg26: memref<!tpu.dma_semaphore, #tpu.memory_space<semaphore_mem>>, %arg27: memref<!tpu.dma_semaphore, #tpu.memory_space<semaphore_mem>>, %arg28: memref<!tpu.dma_semaphore, #tpu.memory_space<semaphore_mem>>, %arg29: memref<!tpu.dma_semaphore, #tpu.memory_space<semaphore_mem>>, %arg30: memref<!tpu.dma_semaphore, #tpu.memory_space<semaphore_mem>>, %arg31: memref<!tpu.dma_semaphore, #tpu.memory_space<semaphore_mem>>, %arg32: memref<!tpu.dma_semaphore, #tpu.memory_space<semaphore_mem>>, %arg33: memref<!tpu.dma_semaphore, #tpu.memory_space<semaphore_mem>>) attributes {dimension_semantics = [#tpu.dimension_semantics<core_parallel>, #tpu.dimension_semantics<subcore_parallel>], iteration_bounds = array<i64: 2, 16>, scalar_prefetch = 0 : i64, scratch_operands = 29 : i64, tpu.core_type = #tpu.core_type<sc_vector_subcore>, window_params = [{transform_indices = #map}, {transform_indices = #map1}, {transform_indices = #map2}]} {
    %broadcast_in_dim3A = arith.constant 0.000000e+00 : f32
    %broadcast_in_dim3A_0 = vector.broadcast %broadcast_in_dim3A : f32 to vector<16xf32>
    %scan3A = arith.constant 0 : i32
    %scan3A_1 = arith.constant 88 : i32
    %scan3A_2 = arith.addi %scan3A, %scan3A_1 : i32
    %scan3A_3 = arith.constant 1 : i32
    scf.for %scan3A_141 = %scan3A to %scan3A_2 step %scan3A_3  : i32 {
      %mul3A_142 = arith.constant 1 : i32
      %mul3A_143 = arith.muli %scan3A_141, %mul3A_142 : i32
      %add3A_144 = arith.constant 0 : i32
      %add3A_145 = arith.addi %add3A_144, %mul3A_143 : i32
      %scan3A_146 = arith.constant 0 : i32
      %scan3A_147 = arith.constant 8 : i32
      %scan3A_148 = arith.addi %scan3A_146, %scan3A_147 : i32
      %scan3A_149 = arith.constant 1 : i32
      scf.for %scan3A_151 = %scan3A_146 to %scan3A_148 step %scan3A_149  : i32 {
        %mul3A_152 = arith.constant 1 : i32
        %mul3A_153 = arith.muli %scan3A_151, %mul3A_152 : i32
        %add3A_154 = arith.constant 0 : i32
        %add3A_155 = arith.addi %add3A_154, %mul3A_153 : i32
        %mul3A_156 = arith.constant 16 : i32
        %mul3A_157 = arith.muli %add3A_155, %mul3A_156 : i32
        %swap3A = arith.index_cast %add3A_145 : i32 to index
        %swap3A_158 = arith.index_cast %mul3A_157 : i32 to index
        %swap3A_159 = tpu.vector_load %arg13[%swap3A, %swap3A_158] {strides = array<i32>} : memref<88x128xf32, #tpu.memory_space<vmem>>, vector<1x16xf32>,
        %swap3A_160 = vector.shape_cast %swap3A_159 : vector<1x16xf32> to vector<16xf32>
        %swap3A_161 = vector.shape_cast %broadcast_in_dim3A_0 : vector<16xf32> to vector<1x16xf32>
        tpu.vector_store %arg13[%swap3A, %swap3A_158], %swap3A_161 {strides = array<i32>} : memref<88x128xf32, #tpu.memory_space<vmem>>, vector<1x16xf32>,
      }
      %scan3A_150 = arith.constant 8 : i32
    }
    %scan3A_4 = arith.constant 88 : i32
    %scan3A_5 = arith.constant 0 : i32
    %scan3A_6 = arith.constant 8 : i32
    %scan3A_7 = arith.addi %scan3A_5, %scan3A_6 : i32
    %scan3A_8 = arith.constant 1 : i32
    scf.for %scan3A_141 = %scan3A_5 to %scan3A_7 step %scan3A_8  : i32 {
      %mul3A_142 = arith.constant 1 : i32
      %mul3A_143 = arith.muli %scan3A_141, %mul3A_142 : i32
      %add3A_144 = arith.constant 0 : i32
      %add3A_145 = arith.addi %add3A_144, %mul3A_143 : i32
      %mul3A_146 = arith.constant 640 : i32
      %mul3A_147 = arith.muli %arg1, %mul3A_146 : i32
      %mul3A_148 = arith.constant 80 : i32
      %mul3A_149 = arith.muli %add3A_145, %mul3A_148 : i32
      %add3A_150 = arith.addi %mul3A_147, %mul3A_149 : i32
      "tpu.region"() ({
        %run_scoped3A = tpu.sem_alloc : memref<!tpu.dma_semaphore, #tpu.memory_space<semaphore_mem>>
        %dma_start3A_151 = arith.constant 0 : i32
        %dma_start3A_152 = arith.constant 0 : i32
        %dma_start3A_153 = tpu.memref_slice %arg13[%dma_start3A_151, %dma_start3A_152] : memref<88x128xf32, #tpu.memory_space<vmem>> -> memref<80x128xf32, #tpu.memory_space<vmem>>
        %dma_start3A_154 = arith.constant 0 : i32
        %dma_start3A_155 = tpu.memref_slice %arg17[%add3A_150, %dma_start3A_154] : memref<10240x128xf32, #tpu.memory_space<vmem_shared>> -> memref<80x128xf32, #tpu.memory_space<vmem_shared>>
        %dma_start3A_156 = arith.constant 0 : i32
        %dma_start3A_157 = tpu.memref_slice %arg17[%add3A_150, %dma_start3A_156] : memref<10240x128xf32, #tpu.memory_space<vmem_shared>> -> memref<80x128xf32, #tpu.memory_space<vmem_shared>>
        %dma_start3A_158 = arith.constant 0 : i32
        %dma_start3A_159 = arith.constant 0 : i32
        %dma_start3A_160 = tpu.memref_slice %arg13[%dma_start3A_158, %dma_start3A_159] : memref<88x128xf32, #tpu.memory_space<vmem>> -> memref<80x128xf32, #tpu.memory_space<vmem>>
        tpu.enqueue_dma source(%dma_start3A_160 : memref<80x128xf32, #tpu.memory_space<vmem>>) target(%dma_start3A_157 : memref<80x128xf32, #tpu.memory_space<vmem_shared>>) target_semaphore(%run_scoped3A : memref<!tpu.dma_semaphore, #tpu.memory_space<semaphore_mem>>)
        %dma_wait3A_161 = arith.constant 0 : i32
        %dma_wait3A_162 = arith.constant 0 : i32
        %dma_wait3A_163 = tpu.memref_slice %arg13[%dma_wait3A_161, %dma_wait3A_162] : memref<88x128xf32, #tpu.memory_space<vmem>> -> memref<80x128xf32, #tpu.memory_space<vmem>>
        %dma_wait3A_164 = arith.constant 0 : i32
        %dma_wait3A_165 = tpu.memref_slice %arg17[%add3A_150, %dma_wait3A_164] : memref<10240x128xf32, #tpu.memory_space<vmem_shared>> -> memref<80x128xf32, #tpu.memory_space<vmem_shared>>
        %dma_wait3A_166 = arith.constant 0 : i32
        %dma_wait3A_167 = tpu.memref_slice %arg17[%add3A_150, %dma_wait3A_166] : memref<10240x128xf32, #tpu.memory_space<vmem_shared>> -> memref<80x128xf32, #tpu.memory_space<vmem_shared>>
        %dma_wait3A_168 = arith.constant 0 : i32
        %dma_wait3A_169 = arith.constant 0 : i32
        %dma_wait3A_170 = tpu.memref_slice %arg13[%dma_wait3A_168, %dma_wait3A_169] : memref<88x128xf32, #tpu.memory_space<vmem>> -> memref<80x128xf32, #tpu.memory_space<vmem>>
        tpu.wait_dma2 semaphore(%run_scoped3A : memref<!tpu.dma_semaphore, #tpu.memory_space<semaphore_mem>>) src(%dma_wait3A_170 : memref<80x128xf32, #tpu.memory_space<vmem>>) dst(%dma_wait3A_167 : memref<80x128xf32, #tpu.memory_space<vmem_shared>>)
        tpu.yield
      }) : () -> ()
    }
    %scan3A_9 = arith.constant 8 : i32
    %mul3A = arith.constant 16 : i32
    %mul3A_10 = arith.muli %arg0, %mul3A : i32
    %add3A = arith.addi %mul3A_10, %arg1 : i32
    %barrier3A = arith.constant 0 : index
    tpu.barrier barrier_id(%barrier3A)
    %dma_start3A = arith.constant 0 : i32
    %dma_start3A_11 = arith.constant 0 : i32
    %dma_start3A_12 = arith.constant 0 : i32
    %dma_start3A_13 = tpu.memref_slice %arg3[%add3A, %dma_start3A, %dma_start3A_11, %dma_start3A_12] : memref<32x232x2x88xi32, #tpu.memory_space<hbm>> -> memref<1x1x2x88xi32, #tpu.memory_space<hbm>>
    %dma_start3A_14 = tpu.memref_squeeze %dma_start3A_13 : memref<1x1x2x88xi32, #tpu.memory_space<hbm>> -> memref<2x88xi32, #tpu.memory_space<hbm>>
    %dma_start3A_15 = arith.constant 0 : i32
    %dma_start3A_16 = arith.constant 0 : i32
    %dma_start3A_17 = tpu.memref_slice %arg3[%add3A, %dma_start3A, %dma_start3A_15, %dma_start3A_16] : memref<32x232x2x88xi32, #tpu.memory_space<hbm>> -> memref<1x1x2x88xi32, #tpu.memory_space<hbm>>
    %dma_start3A_18 = tpu.memref_squeeze %dma_start3A_17 : memref<1x1x2x88xi32, #tpu.memory_space<hbm>> -> memref<2x88xi32, #tpu.memory_space<hbm>>
    tpu.enqueue_dma source(%dma_start3A_18 : memref<2x88xi32, #tpu.memory_space<hbm>>) target(%arg5 : memref<2x88xi32, #tpu.memory_space<vmem>>) target_semaphore(%arg18 : memref<!tpu.dma_semaphore, #tpu.memory_space<semaphore_mem>>)
    %dma_start3A_19 = arith.constant 1 : i32
    %dma_start3A_20 = arith.constant 0 : i32
    %dma_start3A_21 = arith.constant 0 : i32
    %dma_start3A_22 = tpu.memref_slice %arg3[%add3A, %dma_start3A_19, %dma_start3A_20, %dma_start3A_21] : memref<32x232x2x88xi32, #tpu.memory_space<hbm>> -> memref<1x1x2x88xi32, #tpu.memory_space<hbm>>
    %dma_start3A_23 = tpu.memref_squeeze %dma_start3A_22 : memref<1x1x2x88xi32, #tpu.memory_space<hbm>> -> memref<2x88xi32, #tpu.memory_space<hbm>>
    %dma_start3A_24 = arith.constant 0 : i32
    %dma_start3A_25 = arith.constant 0 : i32
    %dma_start3A_26 = tpu.memref_slice %arg3[%add3A, %dma_start3A_19, %dma_start3A_24, %dma_start3A_25] : memref<32x232x2x88xi32, #tpu.memory_space<hbm>> -> memref<1x1x2x88xi32, #tpu.memory_space<hbm>>
    %dma_start3A_27 = tpu.memref_squeeze %dma_start3A_26 : memref<1x1x2x88xi32, #tpu.memory_space<hbm>> -> memref<2x88xi32, #tpu.memory_space<hbm>>
    tpu.enqueue_dma source(%dma_start3A_27 : memref<2x88xi32, #tpu.memory_space<hbm>>) target(%arg6 : memref<2x88xi32, #tpu.memory_space<vmem>>) target_semaphore(%arg19 : memref<!tpu.dma_semaphore, #tpu.memory_space<semaphore_mem>>)
    %dma_start3A_28 = arith.constant 2 : i32
    %dma_start3A_29 = arith.constant 0 : i32
    %dma_start3A_30 = arith.constant 0 : i32
    %dma_start3A_31 = tpu.memref_slice %arg3[%add3A, %dma_start3A_28, %dma_start3A_29, %dma_start3A_30] : memref<32x232x2x88xi32, #tpu.memory_space<hbm>> -> memref<1x1x2x88xi32, #tpu.memory_space<hbm>>
    %dma_start3A_32 = tpu.memref_squeeze %dma_start3A_31 : memref<1x1x2x88xi32, #tpu.memory_space<hbm>> -> memref<2x88xi32, #tpu.memory_space<hbm>>
    %dma_start3A_33 = arith.constant 0 : i32
    %dma_start3A_34 = arith.constant 0 : i32
    %dma_start3A_35 = tpu.memref_slice %arg3[%add3A, %dma_start3A_28, %dma_start3A_33, %dma_start3A_34] : memref<32x232x2x88xi32, #tpu.memory_space<hbm>> -> memref<1x1x2x88xi32, #tpu.memory_space<hbm>>
    %dma_start3A_36 = tpu.memref_squeeze %dma_start3A_35 : memref<1x1x2x88xi32, #tpu.memory_space<hbm>> -> memref<2x88xi32, #tpu.memory_space<hbm>>
    tpu.enqueue_dma source(%dma_start3A_36 : memref<2x88xi32, #tpu.memory_space<hbm>>) target(%arg7 : memref<2x88xi32, #tpu.memory_space<vmem>>) target_semaphore(%arg20 : memref<!tpu.dma_semaphore, #tpu.memory_space<semaphore_mem>>)
    %dma_start3A_37 = arith.constant 3 : i32
    %dma_start3A_38 = arith.constant 0 : i32
    %dma_start3A_39 = arith.constant 0 : i32
    %dma_start3A_40 = tpu.memref_slice %arg3[%add3A, %dma_start3A_37, %dma_start3A_38, %dma_start3A_39] : memref<32x232x2x88xi32, #tpu.memory_space<hbm>> -> memref<1x1x2x88xi32, #tpu.memory_space<hbm>>
    %dma_start3A_41 = tpu.memref_squeeze %dma_start3A_40 : memref<1x1x2x88xi32, #tpu.memory_space<hbm>> -> memref<2x88xi32, #tpu.memory_space<hbm>>
    %dma_start3A_42 = arith.constant 0 : i32
    %dma_start3A_43 = arith.constant 0 : i32
    %dma_start3A_44 = tpu.memref_slice %arg3[%add3A, %dma_start3A_37, %dma_start3A_42, %dma_start3A_43] : memref<32x232x2x88xi32, #tpu.memory_space<hbm>> -> memref<1x1x2x88xi32, #tpu.memory_space<hbm>>
    %dma_start3A_45 = tpu.memref_squeeze %dma_start3A_44 : memref<1x1x2x88xi32, #tpu.memory_space<hbm>> -> memref<2x88xi32, #tpu.memory_space<hbm>>
    tpu.enqueue_dma source(%dma_start3A_45 : memref<2x88xi32, #tpu.memory_space<hbm>>) target(%arg8 : memref<2x88xi32, #tpu.memory_space<vmem>>) target_semaphore(%arg21 : memref<!tpu.dma_semaphore, #tpu.memory_space<semaphore_mem>>)
    %dma_start3A_46 = arith.constant 4 : i32
    %dma_start3A_47 = arith.constant 0 : i32
    %dma_start3A_48 = arith.constant 0 : i32
    %dma_start3A_49 = tpu.memref_slice %arg3[%add3A, %dma_start3A_46, %dma_start3A_47, %dma_start3A_48] : memref<32x232x2x88xi32, #tpu.memory_space<hbm>> -> memref<1x1x2x88xi32, #tpu.memory_space<hbm>>
    %dma_start3A_50 = tpu.memref_squeeze %dma_start3A_49 : memref<1x1x2x88xi32, #tpu.memory_space<hbm>> -> memref<2x88xi32, #tpu.memory_space<hbm>>
    %dma_start3A_51 = arith.constant 0 : i32
    %dma_start3A_52 = arith.constant 0 : i32
    %dma_start3A_53 = tpu.memref_slice %arg3[%add3A, %dma_start3A_46, %dma_start3A_51, %dma_start3A_52] : memref<32x232x2x88xi32, #tpu.memory_space<hbm>> -> memref<1x1x2x88xi32, #tpu.memory_space<hbm>>
    %dma_start3A_54 = tpu.memref_squeeze %dma_start3A_53 : memref<1x1x2x88xi32, #tpu.memory_space<hbm>> -> memref<2x88xi32, #tpu.memory_space<hbm>>
    tpu.enqueue_dma source(%dma_start3A_54 : memref<2x88xi32, #tpu.memory_space<hbm>>) target(%arg9 : memref<2x88xi32, #tpu.memory_space<vmem>>) target_semaphore(%arg22 : memref<!tpu.dma_semaphore, #tpu.memory_space<semaphore_mem>>)
    %dma_wait3A = arith.constant 0 : i32
    %dma_wait3A_55 = arith.constant 0 : i32
    %dma_wait3A_56 = arith.constant 0 : i32
    %dma_wait3A_57 = tpu.memref_slice %arg3[%add3A, %dma_wait3A, %dma_wait3A_55, %dma_wait3A_56] : memref<32x232x2x88xi32, #tpu.memory_space<hbm>> -> memref<1x1x2x88xi32, #tpu.memory_space<hbm>>
    %dma_wait3A_58 = tpu.memref_squeeze %dma_wait3A_57 : memref<1x1x2x88xi32, #tpu.memory_space<hbm>> -> memref<2x88xi32, #tpu.memory_space<hbm>>
    %dma_wait3A_59 = arith.constant 0 : i32
    %dma_wait3A_60 = arith.constant 0 : i32
    %dma_wait3A_61 = tpu.memref_slice %arg3[%add3A, %dma_wait3A, %dma_wait3A_59, %dma_wait3A_60] : memref<32x232x2x88xi32, #tpu.memory_space<hbm>> -> memref<1x1x2x88xi32, #tpu.memory_space<hbm>>
    %dma_wait3A_62 = tpu.memref_squeeze %dma_wait3A_61 : memref<1x1x2x88xi32, #tpu.memory_space<hbm>> -> memref<2x88xi32, #tpu.memory_space<hbm>>
    tpu.wait_dma2 semaphore(%arg18 : memref<!tpu.dma_semaphore, #tpu.memory_space<semaphore_mem>>) src(%dma_wait3A_62 : memref<2x88xi32, #tpu.memory_space<hbm>>) dst(%arg5 : memref<2x88xi32, #tpu.memory_space<vmem>>)
    %dma_start3A_63 = arith.constant 0 : i32
    %dma_start3A_64 = arith.constant 0 : i32
    %dma_start3A_65 = tpu.memref_slice %arg5[%dma_start3A_63, %dma_start3A_64] : memref<2x88xi32, #tpu.memory_space<vmem>> -> memref<1x88xi32, #tpu.memory_space<vmem>>
    %dma_start3A_66 = tpu.memref_squeeze %dma_start3A_65 : memref<1x88xi32, #tpu.memory_space<vmem>> -> memref<88xi32, #tpu.memory_space<vmem>>
    %dma_start3A_67 = arith.constant 0 : i32
    %dma_start3A_68 = arith.constant 0 : i32
    %dma_start3A_69 = tpu.memref_slice %arg2[%dma_start3A_67, %dma_start3A_68] : memref<20480x128xf32, #tpu.memory_space<hbm>> -> memref<20480x128xf32, #tpu.memory_space<hbm>>
    tpu.enqueue_indirect_dma source(%dma_start3A_69 : memref<20480x128xf32, #tpu.memory_space<hbm>>) target(%arg13 : memref<88x128xf32, #tpu.memory_space<vmem>>) offsets(%dma_start3A_66 : memref<88xi32, #tpu.memory_space<vmem>>) semaphore(%arg26 : memref<!tpu.dma_semaphore, #tpu.memory_space<semaphore_mem>>)
    %dma_wait3A_70 = arith.constant 1 : i32
    %dma_wait3A_71 = arith.constant 0 : i32
    %dma_wait3A_72 = arith.constant 0 : i32
    %dma_wait3A_73 = tpu.memref_slice %arg3[%add3A, %dma_wait3A_70, %dma_wait3A_71, %dma_wait3A_72] : memref<32x232x2x88xi32, #tpu.memory_space<hbm>> -> memref<1x1x2x88xi32, #tpu.memory_space<hbm>>
    %dma_wait3A_74 = tpu.memref_squeeze %dma_wait3A_73 : memref<1x1x2x88xi32, #tpu.memory_space<hbm>> -> memref<2x88xi32, #tpu.memory_space<hbm>>
    %dma_wait3A_75 = arith.constant 0 : i32
    %dma_wait3A_76 = arith.constant 0 : i32
    %dma_wait3A_77 = tpu.memref_slice %arg3[%add3A, %dma_wait3A_70, %dma_wait3A_75, %dma_wait3A_76] : memref<32x232x2x88xi32, #tpu.memory_space<hbm>> -> memref<1x1x2x88xi32, #tpu.memory_space<hbm>>
    %dma_wait3A_78 = tpu.memref_squeeze %dma_wait3A_77 : memref<1x1x2x88xi32, #tpu.memory_space<hbm>> -> memref<2x88xi32, #tpu.memory_space<hbm>>
    tpu.wait_dma2 semaphore(%arg19 : memref<!tpu.dma_semaphore, #tpu.memory_space<semaphore_mem>>) src(%dma_wait3A_78 : memref<2x88xi32, #tpu.memory_space<hbm>>) dst(%arg6 : memref<2x88xi32, #tpu.memory_space<vmem>>)
    %dma_start3A_79 = arith.constant 0 : i32
    %dma_start3A_80 = arith.constant 0 : i32
    %dma_start3A_81 = tpu.memref_slice %arg6[%dma_start3A_79, %dma_start3A_80] : memref<2x88xi32, #tpu.memory_space<vmem>> -> memref<1x88xi32, #tpu.memory_space<vmem>>
    %dma_start3A_82 = tpu.memref_squeeze %dma_start3A_81 : memref<1x88xi32, #tpu.memory_space<vmem>> -> memref<88xi32, #tpu.memory_space<vmem>>
    %dma_start3A_83 = arith.constant 0 : i32
    %dma_start3A_84 = arith.constant 0 : i32
    %dma_start3A_85 = tpu.memref_slice %arg2[%dma_start3A_83, %dma_start3A_84] : memref<20480x128xf32, #tpu.memory_space<hbm>> -> memref<20480x128xf32, #tpu.memory_space<hbm>>
    tpu.enqueue_indirect_dma source(%dma_start3A_85 : memref<20480x128xf32, #tpu.memory_space<hbm>>) target(%arg14 : memref<88x128xf32, #tpu.memory_space<vmem>>) offsets(%dma_start3A_82 : memref<88xi32, #tpu.memory_space<vmem>>) semaphore(%arg27 : memref<!tpu.dma_semaphore, #tpu.memory_space<semaphore_mem>>)
    %dma_wait3A_86 = arith.constant 2 : i32
    %dma_wait3A_87 = arith.constant 0 : i32
    %dma_wait3A_88 = arith.constant 0 : i32
    %dma_wait3A_89 = tpu.memref_slice %arg3[%add3A, %dma_wait3A_86, %dma_wait3A_87, %dma_wait3A_88] : memref<32x232x2x88xi32, #tpu.memory_space<hbm>> -> memref<1x1x2x88xi32, #tpu.memory_space<hbm>>
    %dma_wait3A_90 = tpu.memref_squeeze %dma_wait3A_89 : memref<1x1x2x88xi32, #tpu.memory_space<hbm>> -> memref<2x88xi32, #tpu.memory_space<hbm>>
    %dma_wait3A_91 = arith.constant 0 : i32
    %dma_wait3A_92 = arith.constant 0 : i32
    %dma_wait3A_93 = tpu.memref_slice %arg3[%add3A, %dma_wait3A_86, %dma_wait3A_91, %dma_wait3A_92] : memref<32x232x2x88xi32, #tpu.memory_space<hbm>> -> memref<1x1x2x88xi32, #tpu.memory_space<hbm>>
    %dma_wait3A_94 = tpu.memref_squeeze %dma_wait3A_93 : memref<1x1x2x88xi32, #tpu.memory_space<hbm>> -> memref<2x88xi32, #tpu.memory_space<hbm>>
    tpu.wait_dma2 semaphore(%arg20 : memref<!tpu.dma_semaphore, #tpu.memory_space<semaphore_mem>>) src(%dma_wait3A_94 : memref<2x88xi32, #tpu.memory_space<hbm>>) dst(%arg7 : memref<2x88xi32, #tpu.memory_space<vmem>>)
    %dma_start3A_95 = arith.constant 0 : i32
    %dma_start3A_96 = arith.constant 0 : i32
    %dma_start3A_97 = tpu.memref_slice %arg7[%dma_start3A_95, %dma_start3A_96] : memref<2x88xi32, #tpu.memory_space<vmem>> -> memref<1x88xi32, #tpu.memory_space<vmem>>
    %dma_start3A_98 = tpu.memref_squeeze %dma_start3A_97 : memref<1x88xi32, #tpu.memory_space<vmem>> -> memref<88xi32, #tpu.memory_space<vmem>>
    %dma_start3A_99 = arith.constant 0 : i32
    %dma_start3A_100 = arith.constant 0 : i32
    %dma_start3A_101 = tpu.memref_slice %arg2[%dma_start3A_99, %dma_start3A_100] : memref<20480x128xf32, #tpu.memory_space<hbm>> -> memref<20480x128xf32, #tpu.memory_space<hbm>>
    tpu.enqueue_indirect_dma source(%dma_start3A_101 : memref<20480x128xf32, #tpu.memory_space<hbm>>) target(%arg15 : memref<88x128xf32, #tpu.memory_space<vmem>>) offsets(%dma_start3A_98 : memref<88xi32, #tpu.memory_space<vmem>>) semaphore(%arg28 : memref<!tpu.dma_semaphore, #tpu.memory_space<semaphore_mem>>)
    %scan3A_102 = arith.constant 0 : i32
    %scan3A_103 = arith.constant 29 : i32
    %scan3A_104 = arith.addi %scan3A_102, %scan3A_103 : i32
    %scan3A_105 = arith.constant 1 : i32
    scf.for %scan3A_141 = %scan3A_102 to %scan3A_104 step %scan3A_105  : i32 {
      %mul3A_142 = arith.constant 1 : i32
      %mul3A_143 = arith.muli %scan3A_141, %mul3A_142 : i32
      %add3A_144 = arith.constant 0 : i32
      %add3A_145 = arith.addi %add3A_144, %mul3A_143 : i32
      %mul3A_146 = arith.constant 8 : i32
      %mul3A_147 = arith.muli %add3A_145, %mul3A_146 : i32
      %add3A_148 = arith.constant 0 : i32
      %add3A_149 = arith.addi %mul3A_147, %add3A_148 : i32
      %add3A_150 = arith.constant 5 : i32
      %add3A_151 = arith.addi %add3A_149, %add3A_150 : i32
      %lt3A = arith.constant 232 : i32
      %lt3A_152 = arith.cmpi slt, %add3A_151, %lt3A : i32
      %convert_element_type3A = arith.extui %lt3A_152 : i1 to i32
      %cond3A = arith.constant 0 : i32
      %cond3A_153 = arith.cmpi ne, %convert_element_type3A, %cond3A : i32
      scf.if %cond3A_153 {
        %add3A_463 = arith.constant 5 : i32
        %add3A_464 = arith.addi %add3A_149, %add3A_463 : i32
        %dma_start3A_465 = arith.constant 0 : i32
        %dma_start3A_466 = arith.constant 0 : i32
        %dma_start3A_467 = tpu.memref_slice %arg3[%add3A, %add3A_464, %dma_start3A_465, %dma_start3A_466] : memref<32x232x2x88xi32, #tpu.memory_space<hbm>> -> memref<1x1x2x88xi32, #tpu.memory_space<hbm>>
        %dma_start3A_468 = tpu.memref_squeeze %dma_start3A_467 : memref<1x1x2x88xi32, #tpu.memory_space<hbm>> -> memref<2x88xi32, #tpu.memory_space<hbm>>
        %dma_start3A_469 = arith.constant 0 : i32
        %dma_start3A_470 = arith.constant 0 : i32
        %dma_start3A_471 = tpu.memref_slice %arg3[%add3A, %add3A_464, %dma_start3A_469, %dma_start3A_470] : memref<32x232x2x88xi32, #tpu.memory_space<hbm>> -> memref<1x1x2x88xi32, #tpu.memory_space<hbm>>
        %dma_start3A_472 = tpu.memref_squeeze %dma_start3A_471 : memref<1x1x2x88xi32, #tpu.memory_space<hbm>> -> memref<2x88xi32, #tpu.memory_space<hbm>>
        tpu.enqueue_dma source(%dma_start3A_472 : memref<2x88xi32, #tpu.memory_space<hbm>>) target(%arg10 : memref<2x88xi32, #tpu.memory_space<vmem>>) target_semaphore(%arg23 : memref<!tpu.dma_semaphore, #tpu.memory_space<semaphore_mem>>)
      } else {
      }
      %ge3A = arith.constant 1 : i32
      %ge3A_154 = arith.cmpi sge, %add3A_149, %ge3A : i32
      %add3A_155 = arith.constant 3 : i32
      %add3A_156 = arith.addi %add3A_149, %add3A_155 : i32
      %lt3A_157 = arith.constant 232 : i32
      %lt3A_158 = arith.cmpi slt, %add3A_156, %lt3A_157 : i32
      %and3A = arith.andi %ge3A_154, %lt3A_158 : i1
      %convert_element_type3A_159 = arith.extui %and3A : i1 to i32
      %cond3A_160 = arith.constant 0 : i32
      %cond3A_161 = arith.cmpi ne, %convert_element_type3A_159, %cond3A_160 : i32
      scf.if %cond3A_161 {
        %dma_wait3A_463 = arith.constant 1 : i32
        %dma_wait3A_464 = arith.constant 0 : i32
        %dma_wait3A_465 = tpu.memref_slice %arg12[%dma_wait3A_463, %dma_wait3A_464] : memref<2x88xi32, #tpu.memory_space<vmem>> -> memref<1x88xi32, #tpu.memory_space<vmem>>
        %dma_wait3A_466 = tpu.memref_squeeze %dma_wait3A_465 : memref<1x88xi32, #tpu.memory_space<vmem>> -> memref<88xi32, #tpu.memory_space<vmem>>
        %dma_wait3A_467 = arith.constant 0 : i32
        %dma_wait3A_468 = arith.constant 0 : i32
        %dma_wait3A_469 = tpu.memref_slice %arg17[%dma_wait3A_467, %dma_wait3A_468] : memref<10240x128xf32, #tpu.memory_space<vmem_shared>> -> memref<10240x128xf32, #tpu.memory_space<vmem_shared>>
        tpu.wait_indirect_dma semaphore(%arg33 : memref<!tpu.dma_semaphore, #tpu.memory_space<semaphore_mem>>) src(%arg16 : memref<88x128xf32, #tpu.memory_space<vmem>>) dst(%dma_wait3A_469 : memref<10240x128xf32, #tpu.memory_space<vmem_shared>>)
      } else {
      }
      %add3A_162 = arith.constant 3 : i32
      %add3A_163 = arith.addi %add3A_149, %add3A_162 : i32
      %lt3A_164 = arith.constant 232 : i32
      %lt3A_165 = arith.cmpi slt, %add3A_163, %lt3A_164 : i32
      %convert_element_type3A_166 = arith.extui %lt3A_165 : i1 to i32
      %cond3A_167 = arith.constant 0 : i32
      %cond3A_168 = arith.cmpi ne, %convert_element_type3A_166, %cond3A_167 : i32
      scf.if %cond3A_168 {
        %add3A_463 = arith.constant 3 : i32
        %add3A_464 = arith.addi %add3A_149, %add3A_463 : i32
        %dma_wait3A_465 = arith.constant 0 : i32
        %dma_wait3A_466 = arith.constant 0 : i32
        %dma_wait3A_467 = tpu.memref_slice %arg3[%add3A, %add3A_464, %dma_wait3A_465, %dma_wait3A_466] : memref<32x232x2x88xi32, #tpu.memory_space<hbm>> -> memref<1x1x2x88xi32, #tpu.memory_space<hbm>>
        %dma_wait3A_468 = tpu.memref_squeeze %dma_wait3A_467 : memref<1x1x2x88xi32, #tpu.memory_space<hbm>> -> memref<2x88xi32, #tpu.memory_space<hbm>>
        %dma_wait3A_469 = arith.constant 0 : i32
        %dma_wait3A_470 = arith.constant 0 : i32
        %dma_wait3A_471 = tpu.memref_slice %arg3[%add3A, %add3A_464, %dma_wait3A_469, %dma_wait3A_470] : memref<32x232x2x88xi32, #tpu.memory_space<hbm>> -> memref<1x1x2x88xi32, #tpu.memory_space<hbm>>
        %dma_wait3A_472 = tpu.memref_squeeze %dma_wait3A_471 : memref<1x1x2x88xi32, #tpu.memory_space<hbm>> -> memref<2x88xi32, #tpu.memory_space<hbm>>
        tpu.wait_dma2 semaphore(%arg21 : memref<!tpu.dma_semaphore, #tpu.memory_space<semaphore_mem>>) src(%dma_wait3A_472 : memref<2x88xi32, #tpu.memory_space<hbm>>) dst(%arg8 : memref<2x88xi32, #tpu.memory_space<vmem>>)
        %dma_start3A_473 = arith.constant 0 : i32
        %dma_start3A_474 = arith.constant 0 : i32
        %dma_start3A_475 = tpu.memref_slice %arg8[%dma_start3A_473, %dma_start3A_474] : memref<2x88xi32, #tpu.memory_space<vmem>> -> memref<1x88xi32, #tpu.memory_space<vmem>>
        %dma_start3A_476 = tpu.memref_squeeze %dma_start3A_475 : memref<1x88xi32, #tpu.memory_space<vmem>> -> memref<88xi32, #tpu.memory_space<vmem>>
        %dma_start3A_477 = arith.constant 0 : i32
        %dma_start3A_478 = arith.constant 0 : i32
        %dma_start3A_479 = tpu.memref_slice %arg2[%dma_start3A_477, %dma_start3A_478] : memref<20480x128xf32, #tpu.memory_space<hbm>> -> memref<20480x128xf32, #tpu.memory_space<hbm>>
        tpu.enqueue_indirect_dma source(%dma_start3A_479 : memref<20480x128xf32, #tpu.memory_space<hbm>>) target(%arg16 : memref<88x128xf32, #tpu.memory_space<vmem>>) offsets(%dma_start3A_476 : memref<88xi32, #tpu.memory_space<vmem>>) semaphore(%arg29 : memref<!tpu.dma_semaphore, #tpu.memory_space<semaphore_mem>>)
      } else {
      }
      %dma_wait3A_169 = arith.constant 0 : i32
      %dma_wait3A_170 = arith.constant 0 : i32
      %dma_wait3A_171 = tpu.memref_slice %arg5[%dma_wait3A_169, %dma_wait3A_170] : memref<2x88xi32, #tpu.memory_space<vmem>> -> memref<1x88xi32, #tpu.memory_space<vmem>>
      %dma_wait3A_172 = tpu.memref_squeeze %dma_wait3A_171 : memref<1x88xi32, #tpu.memory_space<vmem>> -> memref<88xi32, #tpu.memory_space<vmem>>
      %dma_wait3A_173 = arith.constant 0 : i32
      %dma_wait3A_174 = arith.constant 0 : i32
      %dma_wait3A_175 = tpu.memref_slice %arg2[%dma_wait3A_173, %dma_wait3A_174] : memref<20480x128xf32, #tpu.memory_space<hbm>> -> memref<20480x128xf32, #tpu.memory_space<hbm>>
      tpu.wait_indirect_dma semaphore(%arg26 : memref<!tpu.dma_semaphore, #tpu.memory_space<semaphore_mem>>) src(%dma_wait3A_175 : memref<20480x128xf32, #tpu.memory_space<hbm>>) dst(%arg13 : memref<88x128xf32, #tpu.memory_space<vmem>>)
      %dma_start3A_176 = arith.constant 1 : i32
      %dma_start3A_177 = arith.constant 0 : i32
      %dma_start3A_178 = tpu.memref_slice %arg5[%dma_start3A_176, %dma_start3A_177] : memref<2x88xi32, #tpu.memory_space<vmem>> -> memref<1x88xi32, #tpu.memory_space<vmem>>
      %dma_start3A_179 = tpu.memref_squeeze %dma_start3A_178 : memref<1x88xi32, #tpu.memory_space<vmem>> -> memref<88xi32, #tpu.memory_space<vmem>>
      %dma_start3A_180 = arith.constant 0 : i32
      %dma_start3A_181 = arith.constant 0 : i32
      %dma_start3A_182 = tpu.memref_slice %arg17[%dma_start3A_180, %dma_start3A_181] : memref<10240x128xf32, #tpu.memory_space<vmem_shared>> -> memref<10240x128xf32, #tpu.memory_space<vmem_shared>>
      tpu.enqueue_indirect_dma source(%arg13 : memref<88x128xf32, #tpu.memory_space<vmem>>) target(%dma_start3A_182 : memref<10240x128xf32, #tpu.memory_space<vmem_shared>>) offsets(%dma_start3A_179 : memref<88xi32, #tpu.memory_space<vmem>>) semaphore(%arg30 : memref<!tpu.dma_semaphore, #tpu.memory_space<semaphore_mem>>) {add = true}
      %add3A_183 = arith.constant 1 : i32
      %add3A_184 = arith.addi %mul3A_147, %add3A_183 : i32
      %add3A_185 = arith.constant 5 : i32
      %add3A_186 = arith.addi %add3A_184, %add3A_185 : i32
      %lt3A_187 = arith.constant 232 : i32
      %lt3A_188 = arith.cmpi slt, %add3A_186, %lt3A_187 : i32
      %convert_element_type3A_189 = arith.extui %lt3A_188 : i1 to i32
      %cond3A_190 = arith.constant 0 : i32
      %cond3A_191 = arith.cmpi ne, %convert_element_type3A_189, %cond3A_190 : i32
      scf.if %cond3A_191 {
        %add3A_463 = arith.constant 5 : i32
        %add3A_464 = arith.addi %add3A_184, %add3A_463 : i32
        %dma_start3A_465 = arith.constant 0 : i32
        %dma_start3A_466 = arith.constant 0 : i32
        %dma_start3A_467 = tpu.memref_slice %arg3[%add3A, %add3A_464, %dma_start3A_465, %dma_start3A_466] : memref<32x232x2x88xi32, #tpu.memory_space<hbm>> -> memref<1x1x2x88xi32, #tpu.memory_space<hbm>>
        %dma_start3A_468 = tpu.memref_squeeze %dma_start3A_467 : memref<1x1x2x88xi32, #tpu.memory_space<hbm>> -> memref<2x88xi32, #tpu.memory_space<hbm>>
        %dma_start3A_469 = arith.constant 0 : i32
        %dma_start3A_470 = arith.constant 0 : i32
        %dma_start3A_471 = tpu.memref_slice %arg3[%add3A, %add3A_464, %dma_start3A_469, %dma_start3A_470] : memref<32x232x2x88xi32, #tpu.memory_space<hbm>> -> memref<1x1x2x88xi32, #tpu.memory_space<hbm>>
        %dma_start3A_472 = tpu.memref_squeeze %dma_start3A_471 : memref<1x1x2x88xi32, #tpu.memory_space<hbm>> -> memref<2x88xi32, #tpu.memory_space<hbm>>
        tpu.enqueue_dma source(%dma_start3A_472 : memref<2x88xi32, #tpu.memory_space<hbm>>) target(%arg11 : memref<2x88xi32, #tpu.memory_space<vmem>>) target_semaphore(%arg24 : memref<!tpu.dma_semaphore, #tpu.memory_space<semaphore_mem>>)
      } else {
      }
      %ge3A_192 = arith.constant 1 : i32
      %ge3A_193 = arith.cmpi sge, %add3A_184, %ge3A_192 : i32
      %add3A_194 = arith.constant 3 : i32
      %add3A_195 = arith.addi %add3A_184, %add3A_194 : i32
      %lt3A_196 = arith.constant 232 : i32
      %lt3A_197 = arith.cmpi slt, %add3A_195, %lt3A_196 : i32
      %and3A_198 = arith.andi %ge3A_193, %lt3A_197 : i1
      %convert_element_type3A_199 = arith.extui %and3A_198 : i1 to i32
      %cond3A_200 = arith.constant 0 : i32
      %cond3A_201 = arith.cmpi ne, %convert_element_type3A_199, %cond3A_200 : i32
      scf.if %cond3A_201 {
        %dma_wait3A_463 = arith.constant 1 : i32
        %dma_wait3A_464 = arith.constant 0 : i32
        %dma_wait3A_465 = tpu.memref_slice %arg5[%dma_wait3A_463, %dma_wait3A_464] : memref<2x88xi32, #tpu.memory_space<vmem>> -> memref<1x88xi32, #tpu.memory_space<vmem>>
        %dma_wait3A_466 = tpu.memref_squeeze %dma_wait3A_465 : memref<1x88xi32, #tpu.memory_space<vmem>> -> memref<88xi32, #tpu.memory_space<vmem>>
        %dma_wait3A_467 = arith.constant 0 : i32
        %dma_wait3A_468 = arith.constant 0 : i32
        %dma_wait3A_469 = tpu.memref_slice %arg17[%dma_wait3A_467, %dma_wait3A_468] : memref<10240x128xf32, #tpu.memory_space<vmem_shared>> -> memref<10240x128xf32, #tpu.memory_space<vmem_shared>>
        tpu.wait_indirect_dma semaphore(%arg30 : memref<!tpu.dma_semaphore, #tpu.memory_space<semaphore_mem>>) src(%arg13 : memref<88x128xf32, #tpu.memory_space<vmem>>) dst(%dma_wait3A_469 : memref<10240x128xf32, #tpu.memory_space<vmem_shared>>)
      } else {
      }
      %add3A_202 = arith.constant 3 : i32
      %add3A_203 = arith.addi %add3A_184, %add3A_202 : i32
      %lt3A_204 = arith.constant 232 : i32
      %lt3A_205 = arith.cmpi slt, %add3A_203, %lt3A_204 : i32
      %convert_element_type3A_206 = arith.extui %lt3A_205 : i1 to i32
      %cond3A_207 = arith.constant 0 : i32
      %cond3A_208 = arith.cmpi ne, %convert_element_type3A_206, %cond3A_207 : i32
      scf.if %cond3A_208 {
        %add3A_463 = arith.constant 3 : i32
        %add3A_464 = arith.addi %add3A_184, %add3A_463 : i32
        %dma_wait3A_465 = arith.constant 0 : i32
        %dma_wait3A_466 = arith.constant 0 : i32
        %dma_wait3A_467 = tpu.memref_slice %arg3[%add3A, %add3A_464, %dma_wait3A_465, %dma_wait3A_466] : memref<32x232x2x88xi32, #tpu.memory_space<hbm>> -> memref<1x1x2x88xi32, #tpu.memory_space<hbm>>
        %dma_wait3A_468 = tpu.memref_squeeze %dma_wait3A_467 : memref<1x1x2x88xi32, #tpu.memory_space<hbm>> -> memref<2x88xi32, #tpu.memory_space<hbm>>
        %dma_wait3A_469 = arith.constant 0 : i32
        %dma_wait3A_470 = arith.constant 0 : i32
        %dma_wait3A_471 = tpu.memref_slice %arg3[%add3A, %add3A_464, %dma_wait3A_469, %dma_wait3A_470] : memref<32x232x2x88xi32, #tpu.memory_space<hbm>> -> memref<1x1x2x88xi32, #tpu.memory_space<hbm>>
        %dma_wait3A_472 = tpu.memref_squeeze %dma_wait3A_471 : memref<1x1x2x88xi32, #tpu.memory_space<hbm>> -> memref<2x88xi32, #tpu.memory_space<hbm>>
        tpu.wait_dma2 semaphore(%arg22 : memref<!tpu.dma_semaphore, #tpu.memory_space<semaphore_mem>>) src(%dma_wait3A_472 : memref<2x88xi32, #tpu.memory_space<hbm>>) dst(%arg9 : memref<2x88xi32, #tpu.memory_space<vmem>>)
        %dma_start3A_473 = arith.constant 0 : i32
        %dma_start3A_474 = arith.constant 0 : i32
        %dma_start3A_475 = tpu.memref_slice %arg9[%dma_start3A_473, %dma_start3A_474] : memref<2x88xi32, #tpu.memory_space<vmem>> -> memref<1x88xi32, #tpu.memory_space<vmem>>
        %dma_start3A_476 = tpu.memref_squeeze %dma_start3A_475 : memref<1x88xi32, #tpu.memory_space<vmem>> -> memref<88xi32, #tpu.memory_space<vmem>>
        %dma_start3A_477 = arith.constant 0 : i32
        %dma_start3A_478 = arith.constant 0 : i32
        %dma_start3A_479 = tpu.memref_slice %arg2[%dma_start3A_477, %dma_start3A_478] : memref<20480x128xf32, #tpu.memory_space<hbm>> -> memref<20480x128xf32, #tpu.memory_space<hbm>>
        tpu.enqueue_indirect_dma source(%dma_start3A_479 : memref<20480x128xf32, #tpu.memory_space<hbm>>) target(%arg13 : memref<88x128xf32, #tpu.memory_space<vmem>>) offsets(%dma_start3A_476 : memref<88xi32, #tpu.memory_space<vmem>>) semaphore(%arg26 : memref<!tpu.dma_semaphore, #tpu.memory_space<semaphore_mem>>)
      } else {
      }
      %dma_wait3A_209 = arith.constant 0 : i32
      %dma_wait3A_210 = arith.constant 0 : i32
      %dma_wait3A_211 = tpu.memref_slice %arg6[%dma_wait3A_209, %dma_wait3A_210] : memref<2x88xi32, #tpu.memory_space<vmem>> -> memref<1x88xi32, #tpu.memory_space<vmem>>
      %dma_wait3A_212 = tpu.memref_squeeze %dma_wait3A_211 : memref<1x88xi32, #tpu.memory_space<vmem>> -> memref<88xi32, #tpu.memory_space<vmem>>
      %dma_wait3A_213 = arith.constant 0 : i32
      %dma_wait3A_214 = arith.constant 0 : i32
      %dma_wait3A_215 = tpu.memref_slice %arg2[%dma_wait3A_213, %dma_wait3A_214] : memref<20480x128xf32, #tpu.memory_space<hbm>> -> memref<20480x128xf32, #tpu.memory_space<hbm>>
      tpu.wait_indirect_dma semaphore(%arg27 : memref<!tpu.dma_semaphore, #tpu.memory_space<semaphore_mem>>) src(%dma_wait3A_215 : memref<20480x128xf32, #tpu.memory_space<hbm>>) dst(%arg14 : memref<88x128xf32, #tpu.memory_space<vmem>>)
      %dma_start3A_216 = arith.constant 1 : i32
      %dma_start3A_217 = arith.constant 0 : i32
      %dma_start3A_218 = tpu.memref_slice %arg6[%dma_start3A_216, %dma_start3A_217] : memref<2x88xi32, #tpu.memory_space<vmem>> -> memref<1x88xi32, #tpu.memory_space<vmem>>
      %dma_start3A_219 = tpu.memref_squeeze %dma_start3A_218 : memref<1x88xi32, #tpu.memory_space<vmem>> -> memref<88xi32, #tpu.memory_space<vmem>>
      %dma_start3A_220 = arith.constant 0 : i32
      %dma_start3A_221 = arith.constant 0 : i32
      %dma_start3A_222 = tpu.memref_slice %arg17[%dma_start3A_220, %dma_start3A_221] : memref<10240x128xf32, #tpu.memory_space<vmem_shared>> -> memref<10240x128xf32, #tpu.memory_space<vmem_shared>>
      tpu.enqueue_indirect_dma source(%arg14 : memref<88x128xf32, #tpu.memory_space<vmem>>) target(%dma_start3A_222 : memref<10240x128xf32, #tpu.memory_space<vmem_shared>>) offsets(%dma_start3A_219 : memref<88xi32, #tpu.memory_space<vmem>>) semaphore(%arg31 : memref<!tpu.dma_semaphore, #tpu.memory_space<semaphore_mem>>) {add = true}
      %add3A_223 = arith.constant 2 : i32
      %add3A_224 = arith.addi %mul3A_147, %add3A_223 : i32
      %add3A_225 = arith.constant 5 : i32
      %add3A_226 = arith.addi %add3A_224, %add3A_225 : i32
      %lt3A_227 = arith.constant 232 : i32
      %lt3A_228 = arith.cmpi slt, %add3A_226, %lt3A_227 : i32
      %convert_element_type3A_229 = arith.extui %lt3A_228 : i1 to i32
      %cond3A_230 = arith.constant 0 : i32
      %cond3A_231 = arith.cmpi ne, %convert_element_type3A_229, %cond3A_230 : i32
      scf.if %cond3A_231 {
        %add3A_463 = arith.constant 5 : i32
        %add3A_464 = arith.addi %add3A_224, %add3A_463 : i32
        %dma_start3A_465 = arith.constant 0 : i32
        %dma_start3A_466 = arith.constant 0 : i32
        %dma_start3A_467 = tpu.memref_slice %arg3[%add3A, %add3A_464, %dma_start3A_465, %dma_start3A_466] : memref<32x232x2x88xi32, #tpu.memory_space<hbm>> -> memref<1x1x2x88xi32, #tpu.memory_space<hbm>>
        %dma_start3A_468 = tpu.memref_squeeze %dma_start3A_467 : memref<1x1x2x88xi32, #tpu.memory_space<hbm>> -> memref<2x88xi32, #tpu.memory_space<hbm>>
        %dma_start3A_469 = arith.constant 0 : i32
        %dma_start3A_470 = arith.constant 0 : i32
        %dma_start3A_471 = tpu.memref_slice %arg3[%add3A, %add3A_464, %dma_start3A_469, %dma_start3A_470] : memref<32x232x2x88xi32, #tpu.memory_space<hbm>> -> memref<1x1x2x88xi32, #tpu.memory_space<hbm>>
        %dma_start3A_472 = tpu.memref_squeeze %dma_start3A_471 : memref<1x1x2x88xi32, #tpu.memory_space<hbm>> -> memref<2x88xi32, #tpu.memory_space<hbm>>
        tpu.enqueue_dma source(%dma_start3A_472 : memref<2x88xi32, #tpu.memory_space<hbm>>) target(%arg12 : memref<2x88xi32, #tpu.memory_space<vmem>>) target_semaphore(%arg25 : memref<!tpu.dma_semaphore, #tpu.memory_space<semaphore_mem>>)
      } else {
      }
      %ge3A_232 = arith.constant 1 : i32
      %ge3A_233 = arith.cmpi sge, %add3A_224, %ge3A_232 : i32
      %add3A_234 = arith.constant 3 : i32
      %add3A_235 = arith.addi %add3A_224, %add3A_234 : i32
      %lt3A_236 = arith.constant 232 : i32
      %lt3A_237 = arith.cmpi slt, %add3A_235, %lt3A_236 : i32
      %and3A_238 = arith.andi %ge3A_233, %lt3A_237 : i1
      %convert_element_type3A_239 = arith.extui %and3A_238 : i1 to i32
      %cond3A_240 = arith.constant 0 : i32
      %cond3A_241 = arith.cmpi ne, %convert_element_type3A_239, %cond3A_240 : i32
      scf.if %cond3A_241 {
        %dma_wait3A_463 = arith.constant 1 : i32
        %dma_wait3A_464 = arith.constant 0 : i32
        %dma_wait3A_465 = tpu.memref_slice %arg6[%dma_wait3A_463, %dma_wait3A_464] : memref<2x88xi32, #tpu.memory_space<vmem>> -> memref<1x88xi32, #tpu.memory_space<vmem>>
        %dma_wait3A_466 = tpu.memref_squeeze %dma_wait3A_465 : memref<1x88xi32, #tpu.memory_space<vmem>> -> memref<88xi32, #tpu.memory_space<vmem>>
        %dma_wait3A_467 = arith.constant 0 : i32
        %dma_wait3A_468 = arith.constant 0 : i32
        %dma_wait3A_469 = tpu.memref_slice %arg17[%dma_wait3A_467, %dma_wait3A_468] : memref<10240x128xf32, #tpu.memory_space<vmem_shared>> -> memref<10240x128xf32, #tpu.memory_space<vmem_shared>>
        tpu.wait_indirect_dma semaphore(%arg31 : memref<!tpu.dma_semaphore, #tpu.memory_space<semaphore_mem>>) src(%arg14 : memref<88x128xf32, #tpu.memory_space<vmem>>) dst(%dma_wait3A_469 : memref<10240x128xf32, #tpu.memory_space<vmem_shared>>)
      } else {
      }
      %add3A_242 = arith.constant 3 : i32
      %add3A_243 = arith.addi %add3A_224, %add3A_242 : i32
      %lt3A_244 = arith.constant 232 : i32
      %lt3A_245 = arith.cmpi slt, %add3A_243, %lt3A_244 : i32
      %convert_element_type3A_246 = arith.extui %lt3A_245 : i1 to i32
      %cond3A_247 = arith.constant 0 : i32
      %cond3A_248 = arith.cmpi ne, %convert_element_type3A_246, %cond3A_247 : i32
      scf.if %cond3A_248 {
        %add3A_463 = arith.constant 3 : i32
        %add3A_464 = arith.addi %add3A_224, %add3A_463 : i32
        %dma_wait3A_465 = arith.constant 0 : i32
        %dma_wait3A_466 = arith.constant 0 : i32
        %dma_wait3A_467 = tpu.memref_slice %arg3[%add3A, %add3A_464, %dma_wait3A_465, %dma_wait3A_466] : memref<32x232x2x88xi32, #tpu.memory_space<hbm>> -> memref<1x1x2x88xi32, #tpu.memory_space<hbm>>
        %dma_wait3A_468 = tpu.memref_squeeze %dma_wait3A_467 : memref<1x1x2x88xi32, #tpu.memory_space<hbm>> -> memref<2x88xi32, #tpu.memory_space<hbm>>
        %dma_wait3A_469 = arith.constant 0 : i32
        %dma_wait3A_470 = arith.constant 0 : i32
        %dma_wait3A_471 = tpu.memref_slice %arg3[%add3A, %add3A_464, %dma_wait3A_469, %dma_wait3A_470] : memref<32x232x2x88xi32, #tpu.memory_space<hbm>> -> memref<1x1x2x88xi32, #tpu.memory_space<hbm>>
        %dma_wait3A_472 = tpu.memref_squeeze %dma_wait3A_471 : memref<1x1x2x88xi32, #tpu.memory_space<hbm>> -> memref<2x88xi32, #tpu.memory_space<hbm>>
        tpu.wait_dma2 semaphore(%arg23 : memref<!tpu.dma_semaphore, #tpu.memory_space<semaphore_mem>>) src(%dma_wait3A_472 : memref<2x88xi32, #tpu.memory_space<hbm>>) dst(%arg10 : memref<2x88xi32, #tpu.memory_space<vmem>>)
        %dma_start3A_473 = arith.constant 0 : i32
        %dma_start3A_474 = arith.constant 0 : i32
        %dma_start3A_475 = tpu.memref_slice %arg10[%dma_start3A_473, %dma_start3A_474] : memref<2x88xi32, #tpu.memory_space<vmem>> -> memref<1x88xi32, #tpu.memory_space<vmem>>
        %dma_start3A_476 = tpu.memref_squeeze %dma_start3A_475 : memref<1x88xi32, #tpu.memory_space<vmem>> -> memref<88xi32, #tpu.memory_space<vmem>>
        %dma_start3A_477 = arith.constant 0 : i32
        %dma_start3A_478 = arith.constant 0 : i32
        %dma_start3A_479 = tpu.memref_slice %arg2[%dma_start3A_477, %dma_start3A_478] : memref<20480x128xf32, #tpu.memory_space<hbm>> -> memref<20480x128xf32, #tpu.memory_space<hbm>>
        tpu.enqueue_indirect_dma source(%dma_start3A_479 : memref<20480x128xf32, #tpu.memory_space<hbm>>) target(%arg14 : memref<88x128xf32, #tpu.memory_space<vmem>>) offsets(%dma_start3A_476 : memref<88xi32, #tpu.memory_space<vmem>>) semaphore(%arg27 : memref<!tpu.dma_semaphore, #tpu.memory_space<semaphore_mem>>)
      } else {
      }
      %dma_wait3A_249 = arith.constant 0 : i32
      %dma_wait3A_250 = arith.constant 0 : i32
      %dma_wait3A_251 = tpu.memref_slice %arg7[%dma_wait3A_249, %dma_wait3A_250] : memref<2x88xi32, #tpu.memory_space<vmem>> -> memref<1x88xi32, #tpu.memory_space<vmem>>
      %dma_wait3A_252 = tpu.memref_squeeze %dma_wait3A_251 : memref<1x88xi32, #tpu.memory_space<vmem>> -> memref<88xi32, #tpu.memory_space<vmem>>
      %dma_wait3A_253 = arith.constant 0 : i32
      %dma_wait3A_254 = arith.constant 0 : i32
      %dma_wait3A_255 = tpu.memref_slice %arg2[%dma_wait3A_253, %dma_wait3A_254] : memref<20480x128xf32, #tpu.memory_space<hbm>> -> memref<20480x128xf32, #tpu.memory_space<hbm>>
      tpu.wait_indirect_dma semaphore(%arg28 : memref<!tpu.dma_semaphore, #tpu.memory_space<semaphore_mem>>) src(%dma_wait3A_255 : memref<20480x128xf32, #tpu.memory_space<hbm>>) dst(%arg15 : memref<88x128xf32, #tpu.memory_space<vmem>>)
      %dma_start3A_256 = arith.constant 1 : i32
      %dma_start3A_257 = arith.constant 0 : i32
      %dma_start3A_258 = tpu.memref_slice %arg7[%dma_start3A_256, %dma_start3A_257] : memref<2x88xi32, #tpu.memory_space<vmem>> -> memref<1x88xi32, #tpu.memory_space<vmem>>
      %dma_start3A_259 = tpu.memref_squeeze %dma_start3A_258 : memref<1x88xi32, #tpu.memory_space<vmem>> -> memref<88xi32, #tpu.memory_space<vmem>>
      %dma_start3A_260 = arith.constant 0 : i32
      %dma_start3A_261 = arith.constant 0 : i32
      %dma_start3A_262 = tpu.memref_slice %arg17[%dma_start3A_260, %dma_start3A_261] : memref<10240x128xf32, #tpu.memory_space<vmem_shared>> -> memref<10240x128xf32, #tpu.memory_space<vmem_shared>>
      tpu.enqueue_indirect_dma source(%arg15 : memref<88x128xf32, #tpu.memory_space<vmem>>) target(%dma_start3A_262 : memref<10240x128xf32, #tpu.memory_space<vmem_shared>>) offsets(%dma_start3A_259 : memref<88xi32, #tpu.memory_space<vmem>>) semaphore(%arg32 : memref<!tpu.dma_semaphore, #tpu.memory_space<semaphore_mem>>) {add = true}
      %add3A_263 = arith.constant 3 : i32
      %add3A_264 = arith.addi %mul3A_147, %add3A_263 : i32
      %add3A_265 = arith.constant 5 : i32
      %add3A_266 = arith.addi %add3A_264, %add3A_265 : i32
      %lt3A_267 = arith.constant 232 : i32
      %lt3A_268 = arith.cmpi slt, %add3A_266, %lt3A_267 : i32
      %convert_element_type3A_269 = arith.extui %lt3A_268 : i1 to i32
      %cond3A_270 = arith.constant 0 : i32
      %cond3A_271 = arith.cmpi ne, %convert_element_type3A_269, %cond3A_270 : i32
      scf.if %cond3A_271 {
        %add3A_463 = arith.constant 5 : i32
        %add3A_464 = arith.addi %add3A_264, %add3A_463 : i32
        %dma_start3A_465 = arith.constant 0 : i32
        %dma_start3A_466 = arith.constant 0 : i32
        %dma_start3A_467 = tpu.memref_slice %arg3[%add3A, %add3A_464, %dma_start3A_465, %dma_start3A_466] : memref<32x232x2x88xi32, #tpu.memory_space<hbm>> -> memref<1x1x2x88xi32, #tpu.memory_space<hbm>>
        %dma_start3A_468 = tpu.memref_squeeze %dma_start3A_467 : memref<1x1x2x88xi32, #tpu.memory_space<hbm>> -> memref<2x88xi32, #tpu.memory_space<hbm>>
        %dma_start3A_469 = arith.constant 0 : i32
        %dma_start3A_470 = arith.constant 0 : i32
        %dma_start3A_471 = tpu.memref_slice %arg3[%add3A, %add3A_464, %dma_start3A_469, %dma_start3A_470] : memref<32x232x2x88xi32, #tpu.memory_space<hbm>> -> memref<1x1x2x88xi32, #tpu.memory_space<hbm>>
        %dma_start3A_472 = tpu.memref_squeeze %dma_start3A_471 : memref<1x1x2x88xi32, #tpu.memory_space<hbm>> -> memref<2x88xi32, #tpu.memory_space<hbm>>
        tpu.enqueue_dma source(%dma_start3A_472 : memref<2x88xi32, #tpu.memory_space<hbm>>) target(%arg5 : memref<2x88xi32, #tpu.memory_space<vmem>>) target_semaphore(%arg18 : memref<!tpu.dma_semaphore, #tpu.memory_space<semaphore_mem>>)
      } else {
      }
      %ge3A_272 = arith.constant 1 : i32
      %ge3A_273 = arith.cmpi sge, %add3A_264, %ge3A_272 : i32
      %add3A_274 = arith.constant 3 : i32
      %add3A_275 = arith.addi %add3A_264, %add3A_274 : i32
      %lt3A_276 = arith.constant 232 : i32
      %lt3A_277 = arith.cmpi slt, %add3A_275, %lt3A_276 : i32
      %and3A_278 = arith.andi %ge3A_273, %lt3A_277 : i1
      %convert_element_type3A_279 = arith.extui %and3A_278 : i1 to i32
      %cond3A_280 = arith.constant 0 : i32
      %cond3A_281 = arith.cmpi ne, %convert_element_type3A_279, %cond3A_280 : i32
      scf.if %cond3A_281 {
        %dma_wait3A_463 = arith.constant 1 : i32
        %dma_wait3A_464 = arith.constant 0 : i32
        %dma_wait3A_465 = tpu.memref_slice %arg7[%dma_wait3A_463, %dma_wait3A_464] : memref<2x88xi32, #tpu.memory_space<vmem>> -> memref<1x88xi32, #tpu.memory_space<vmem>>
        %dma_wait3A_466 = tpu.memref_squeeze %dma_wait3A_465 : memref<1x88xi32, #tpu.memory_space<vmem>> -> memref<88xi32, #tpu.memory_space<vmem>>
        %dma_wait3A_467 = arith.constant 0 : i32
        %dma_wait3A_468 = arith.constant 0 : i32
        %dma_wait3A_469 = tpu.memref_slice %arg17[%dma_wait3A_467, %dma_wait3A_468] : memref<10240x128xf32, #tpu.memory_space<vmem_shared>> -> memref<10240x128xf32, #tpu.memory_space<vmem_shared>>
        tpu.wait_indirect_dma semaphore(%arg32 : memref<!tpu.dma_semaphore, #tpu.memory_space<semaphore_mem>>) src(%arg15 : memref<88x128xf32, #tpu.memory_space<vmem>>) dst(%dma_wait3A_469 : memref<10240x128xf32, #tpu.memory_space<vmem_shared>>)
      } else {
      }
      %add3A_282 = arith.constant 3 : i32
      %add3A_283 = arith.addi %add3A_264, %add3A_282 : i32
      %lt3A_284 = arith.constant 232 : i32
      %lt3A_285 = arith.cmpi slt, %add3A_283, %lt3A_284 : i32
      %convert_element_type3A_286 = arith.extui %lt3A_285 : i1 to i32
      %cond3A_287 = arith.constant 0 : i32
      %cond3A_288 = arith.cmpi ne, %convert_element_type3A_286, %cond3A_287 : i32
      scf.if %cond3A_288 {
        %add3A_463 = arith.constant 3 : i32
        %add3A_464 = arith.addi %add3A_264, %add3A_463 : i32
        %dma_wait3A_465 = arith.constant 0 : i32
        %dma_wait3A_466 = arith.constant 0 : i32
        %dma_wait3A_467 = tpu.memref_slice %arg3[%add3A, %add3A_464, %dma_wait3A_465, %dma_wait3A_466] : memref<32x232x2x88xi32, #tpu.memory_space<hbm>> -> memref<1x1x2x88xi32, #tpu.memory_space<hbm>>
        %dma_wait3A_468 = tpu.memref_squeeze %dma_wait3A_467 : memref<1x1x2x88xi32, #tpu.memory_space<hbm>> -> memref<2x88xi32, #tpu.memory_space<hbm>>
        %dma_wait3A_469 = arith.constant 0 : i32
        %dma_wait3A_470 = arith.constant 0 : i32
        %dma_wait3A_471 = tpu.memref_slice %arg3[%add3A, %add3A_464, %dma_wait3A_469, %dma_wait3A_470] : memref<32x232x2x88xi32, #tpu.memory_space<hbm>> -> memref<1x1x2x88xi32, #tpu.memory_space<hbm>>
        %dma_wait3A_472 = tpu.memref_squeeze %dma_wait3A_471 : memref<1x1x2x88xi32, #tpu.memory_space<hbm>> -> memref<2x88xi32, #tpu.memory_space<hbm>>
        tpu.wait_dma2 semaphore(%arg24 : memref<!tpu.dma_semaphore, #tpu.memory_space<semaphore_mem>>) src(%dma_wait3A_472 : memref<2x88xi32, #tpu.memory_space<hbm>>) dst(%arg11 : memref<2x88xi32, #tpu.memory_space<vmem>>)
        %dma_start3A_473 = arith.constant 0 : i32
        %dma_start3A_474 = arith.constant 0 : i32
        %dma_start3A_475 = tpu.memref_slice %arg11[%dma_start3A_473, %dma_start3A_474] : memref<2x88xi32, #tpu.memory_space<vmem>> -> memref<1x88xi32, #tpu.memory_space<vmem>>
        %dma_start3A_476 = tpu.memref_squeeze %dma_start3A_475 : memref<1x88xi32, #tpu.memory_space<vmem>> -> memref<88xi32, #tpu.memory_space<vmem>>
        %dma_start3A_477 = arith.constant 0 : i32
        %dma_start3A_478 = arith.constant 0 : i32
        %dma_start3A_479 = tpu.memref_slice %arg2[%dma_start3A_477, %dma_start3A_478] : memref<20480x128xf32, #tpu.memory_space<hbm>> -> memref<20480x128xf32, #tpu.memory_space<hbm>>
        tpu.enqueue_indirect_dma source(%dma_start3A_479 : memref<20480x128xf32, #tpu.memory_space<hbm>>) target(%arg15 : memref<88x128xf32, #tpu.memory_space<vmem>>) offsets(%dma_start3A_476 : memref<88xi32, #tpu.memory_space<vmem>>) semaphore(%arg28 : memref<!tpu.dma_semaphore, #tpu.memory_space<semaphore_mem>>)
      } else {
      }
      %dma_wait3A_289 = arith.constant 0 : i32
      %dma_wait3A_290 = arith.constant 0 : i32
      %dma_wait3A_291 = tpu.memref_slice %arg8[%dma_wait3A_289, %dma_wait3A_290] : memref<2x88xi32, #tpu.memory_space<vmem>> -> memref<1x88xi32, #tpu.memory_space<vmem>>
      %dma_wait3A_292 = tpu.memref_squeeze %dma_wait3A_291 : memref<1x88xi32, #tpu.memory_space<vmem>> -> memref<88xi32, #tpu.memory_space<vmem>>
      %dma_wait3A_293 = arith.constant 0 : i32
      %dma_wait3A_294 = arith.constant 0 : i32
      %dma_wait3A_295 = tpu.memref_slice %arg2[%dma_wait3A_293, %dma_wait3A_294] : memref<20480x128xf32, #tpu.memory_space<hbm>> -> memref<20480x128xf32, #tpu.memory_space<hbm>>
      tpu.wait_indirect_dma semaphore(%arg29 : memref<!tpu.dma_semaphore, #tpu.memory_space<semaphore_mem>>) src(%dma_wait3A_295 : memref<20480x128xf32, #tpu.memory_space<hbm>>) dst(%arg16 : memref<88x128xf32, #tpu.memory_space<vmem>>)
      %dma_start3A_296 = arith.constant 1 : i32
      %dma_start3A_297 = arith.constant 0 : i32
      %dma_start3A_298 = tpu.memref_slice %arg8[%dma_start3A_296, %dma_start3A_297] : memref<2x88xi32, #tpu.memory_space<vmem>> -> memref<1x88xi32, #tpu.memory_space<vmem>>
      %dma_start3A_299 = tpu.memref_squeeze %dma_start3A_298 : memref<1x88xi32, #tpu.memory_space<vmem>> -> memref<88xi32, #tpu.memory_space<vmem>>
      %dma_start3A_300 = arith.constant 0 : i32
      %dma_start3A_301 = arith.constant 0 : i32
      %dma_start3A_302 = tpu.memref_slice %arg17[%dma_start3A_300, %dma_start3A_301] : memref<10240x128xf32, #tpu.memory_space<vmem_shared>> -> memref<10240x128xf32, #tpu.memory_space<vmem_shared>>
      tpu.enqueue_indirect_dma source(%arg16 : memref<88x128xf32, #tpu.memory_space<vmem>>) target(%dma_start3A_302 : memref<10240x128xf32, #tpu.memory_space<vmem_shared>>) offsets(%dma_start3A_299 : memref<88xi32, #tpu.memory_space<vmem>>) semaphore(%arg33 : memref<!tpu.dma_semaphore, #tpu.memory_space<semaphore_mem>>) {add = true}
      %add3A_303 = arith.constant 4 : i32
      %add3A_304 = arith.addi %mul3A_147, %add3A_303 : i32
      %add3A_305 = arith.constant 5 : i32
      %add3A_306 = arith.addi %add3A_304, %add3A_305 : i32
      %lt3A_307 = arith.constant 232 : i32
      %lt3A_308 = arith.cmpi slt, %add3A_306, %lt3A_307 : i32
      %convert_element_type3A_309 = arith.extui %lt3A_308 : i1 to i32
      %cond3A_310 = arith.constant 0 : i32
      %cond3A_311 = arith.cmpi ne, %convert_element_type3A_309, %cond3A_310 : i32
      scf.if %cond3A_311 {
        %add3A_463 = arith.constant 5 : i32
        %add3A_464 = arith.addi %add3A_304, %add3A_463 : i32
        %dma_start3A_465 = arith.constant 0 : i32
        %dma_start3A_466 = arith.constant 0 : i32
        %dma_start3A_467 = tpu.memref_slice %arg3[%add3A, %add3A_464, %dma_start3A_465, %dma_start3A_466] : memref<32x232x2x88xi32, #tpu.memory_space<hbm>> -> memref<1x1x2x88xi32, #tpu.memory_space<hbm>>
        %dma_start3A_468 = tpu.memref_squeeze %dma_start3A_467 : memref<1x1x2x88xi32, #tpu.memory_space<hbm>> -> memref<2x88xi32, #tpu.memory_space<hbm>>
        %dma_start3A_469 = arith.constant 0 : i32
        %dma_start3A_470 = arith.constant 0 : i32
        %dma_start3A_471 = tpu.memref_slice %arg3[%add3A, %add3A_464, %dma_start3A_469, %dma_start3A_470] : memref<32x232x2x88xi32, #tpu.memory_space<hbm>> -> memref<1x1x2x88xi32, #tpu.memory_space<hbm>>
        %dma_start3A_472 = tpu.memref_squeeze %dma_start3A_471 : memref<1x1x2x88xi32, #tpu.memory_space<hbm>> -> memref<2x88xi32, #tpu.memory_space<hbm>>
        tpu.enqueue_dma source(%dma_start3A_472 : memref<2x88xi32, #tpu.memory_space<hbm>>) target(%arg6 : memref<2x88xi32, #tpu.memory_space<vmem>>) target_semaphore(%arg19 : memref<!tpu.dma_semaphore, #tpu.memory_space<semaphore_mem>>)
      } else {
      }
      %ge3A_312 = arith.constant 1 : i32
      %ge3A_313 = arith.cmpi sge, %add3A_304, %ge3A_312 : i32
      %add3A_314 = arith.constant 3 : i32
      %add3A_315 = arith.addi %add3A_304, %add3A_314 : i32
      %lt3A_316 = arith.constant 232 : i32
      %lt3A_317 = arith.cmpi slt, %add3A_315, %lt3A_316 : i32
      %and3A_318 = arith.andi %ge3A_313, %lt3A_317 : i1
      %convert_element_type3A_319 = arith.extui %and3A_318 : i1 to i32
      %cond3A_320 = arith.constant 0 : i32
      %cond3A_321 = arith.cmpi ne, %convert_element_type3A_319, %cond3A_320 : i32
      scf.if %cond3A_321 {
        %dma_wait3A_463 = arith.constant 1 : i32
        %dma_wait3A_464 = arith.constant 0 : i32
        %dma_wait3A_465 = tpu.memref_slice %arg8[%dma_wait3A_463, %dma_wait3A_464] : memref<2x88xi32, #tpu.memory_space<vmem>> -> memref<1x88xi32, #tpu.memory_space<vmem>>
        %dma_wait3A_466 = tpu.memref_squeeze %dma_wait3A_465 : memref<1x88xi32, #tpu.memory_space<vmem>> -> memref<88xi32, #tpu.memory_space<vmem>>
        %dma_wait3A_467 = arith.constant 0 : i32
        %dma_wait3A_468 = arith.constant 0 : i32
        %dma_wait3A_469 = tpu.memref_slice %arg17[%dma_wait3A_467, %dma_wait3A_468] : memref<10240x128xf32, #tpu.memory_space<vmem_shared>> -> memref<10240x128xf32, #tpu.memory_space<vmem_shared>>
        tpu.wait_indirect_dma semaphore(%arg33 : memref<!tpu.dma_semaphore, #tpu.memory_space<semaphore_mem>>) src(%arg16 : memref<88x128xf32, #tpu.memory_space<vmem>>) dst(%dma_wait3A_469 : memref<10240x128xf32, #tpu.memory_space<vmem_shared>>)
      } else {
      }
      %add3A_322 = arith.constant 3 : i32
      %add3A_323 = arith.addi %add3A_304, %add3A_322 : i32
      %lt3A_324 = arith.constant 232 : i32
      %lt3A_325 = arith.cmpi slt, %add3A_323, %lt3A_324 : i32
      %convert_element_type3A_326 = arith.extui %lt3A_325 : i1 to i32
      %cond3A_327 = arith.constant 0 : i32
      %cond3A_328 = arith.cmpi ne, %convert_element_type3A_326, %cond3A_327 : i32
      scf.if %cond3A_328 {
        %add3A_463 = arith.constant 3 : i32
        %add3A_464 = arith.addi %add3A_304, %add3A_463 : i32
        %dma_wait3A_465 = arith.constant 0 : i32
        %dma_wait3A_466 = arith.constant 0 : i32
        %dma_wait3A_467 = tpu.memref_slice %arg3[%add3A, %add3A_464, %dma_wait3A_465, %dma_wait3A_466] : memref<32x232x2x88xi32, #tpu.memory_space<hbm>> -> memref<1x1x2x88xi32, #tpu.memory_space<hbm>>
        %dma_wait3A_468 = tpu.memref_squeeze %dma_wait3A_467 : memref<1x1x2x88xi32, #tpu.memory_space<hbm>> -> memref<2x88xi32, #tpu.memory_space<hbm>>
        %dma_wait3A_469 = arith.constant 0 : i32
        %dma_wait3A_470 = arith.constant 0 : i32
        %dma_wait3A_471 = tpu.memref_slice %arg3[%add3A, %add3A_464, %dma_wait3A_469, %dma_wait3A_470] : memref<32x232x2x88xi32, #tpu.memory_space<hbm>> -> memref<1x1x2x88xi32, #tpu.memory_space<hbm>>
        %dma_wait3A_472 = tpu.memref_squeeze %dma_wait3A_471 : memref<1x1x2x88xi32, #tpu.memory_space<hbm>> -> memref<2x88xi32, #tpu.memory_space<hbm>>
        tpu.wait_dma2 semaphore(%arg25 : memref<!tpu.dma_semaphore, #tpu.memory_space<semaphore_mem>>) src(%dma_wait3A_472 : memref<2x88xi32, #tpu.memory_space<hbm>>) dst(%arg12 : memref<2x88xi32, #tpu.memory_space<vmem>>)
        %dma_start3A_473 = arith.constant 0 : i32
        %dma_start3A_474 = arith.constant 0 : i32
        %dma_start3A_475 = tpu.memref_slice %arg12[%dma_start3A_473, %dma_start3A_474] : memref<2x88xi32, #tpu.memory_space<vmem>> -> memref<1x88xi32, #tpu.memory_space<vmem>>
        %dma_start3A_476 = tpu.memref_squeeze %dma_start3A_475 : memref<1x88xi32, #tpu.memory_space<vmem>> -> memref<88xi32, #tpu.memory_space<vmem>>
        %dma_start3A_477 = arith.constant 0 : i32
        %dma_start3A_478 = arith.constant 0 : i32
        %dma_start3A_479 = tpu.memref_slice %arg2[%dma_start3A_477, %dma_start3A_478] : memref<20480x128xf32, #tpu.memory_space<hbm>> -> memref<20480x128xf32, #tpu.memory_space<hbm>>
        tpu.enqueue_indirect_dma source(%dma_start3A_479 : memref<20480x128xf32, #tpu.memory_space<hbm>>) target(%arg16 : memref<88x128xf32, #tpu.memory_space<vmem>>) offsets(%dma_start3A_476 : memref<88xi32, #tpu.memory_space<vmem>>) semaphore(%arg29 : memref<!tpu.dma_semaphore, #tpu.memory_space<semaphore_mem>>)
      } else {
      }
      %dma_wait3A_329 = arith.constant 0 : i32
      %dma_wait3A_330 = arith.constant 0 : i32
      %dma_wait3A_331 = tpu.memref_slice %arg9[%dma_wait3A_329, %dma_wait3A_330] : memref<2x88xi32, #tpu.memory_space<vmem>> -> memref<1x88xi32, #tpu.memory_space<vmem>>
      %dma_wait3A_332 = tpu.memref_squeeze %dma_wait3A_331 : memref<1x88xi32, #tpu.memory_space<vmem>> -> memref<88xi32, #tpu.memory_space<vmem>>
      %dma_wait3A_333 = arith.constant 0 : i32
      %dma_wait3A_334 = arith.constant 0 : i32
      %dma_wait3A_335 = tpu.memref_slice %arg2[%dma_wait3A_333, %dma_wait3A_334] : memref<20480x128xf32, #tpu.memory_space<hbm>> -> memref<20480x128xf32, #tpu.memory_space<hbm>>
      tpu.wait_indirect_dma semaphore(%arg26 : memref<!tpu.dma_semaphore, #tpu.memory_space<semaphore_mem>>) src(%dma_wait3A_335 : memref<20480x128xf32, #tpu.memory_space<hbm>>) dst(%arg13 : memref<88x128xf32, #tpu.memory_space<vmem>>)
      %dma_start3A_336 = arith.constant 1 : i32
      %dma_start3A_337 = arith.constant 0 : i32
      %dma_start3A_338 = tpu.memref_slice %arg9[%dma_start3A_336, %dma_start3A_337] : memref<2x88xi32, #tpu.memory_space<vmem>> -> memref<1x88xi32, #tpu.memory_space<vmem>>
      %dma_start3A_339 = tpu.memref_squeeze %dma_start3A_338 : memref<1x88xi32, #tpu.memory_space<vmem>> -> memref<88xi32, #tpu.memory_space<vmem>>
      %dma_start3A_340 = arith.constant 0 : i32
      %dma_start3A_341 = arith.constant 0 : i32
      %dma_start3A_342 = tpu.memref_slice %arg17[%dma_start3A_340, %dma_start3A_341] : memref<10240x128xf32, #tpu.memory_space<vmem_shared>> -> memref<10240x128xf32, #tpu.memory_space<vmem_shared>>
      tpu.enqueue_indirect_dma source(%arg13 : memref<88x128xf32, #tpu.memory_space<vmem>>) target(%dma_start3A_342 : memref<10240x128xf32, #tpu.memory_space<vmem_shared>>) offsets(%dma_start3A_339 : memref<88xi32, #tpu.memory_space<vmem>>) semaphore(%arg30 : memref<!tpu.dma_semaphore, #tpu.memory_space<semaphore_mem>>) {add = true}
      %add3A_343 = arith.constant 5 : i32
      %add3A_344 = arith.addi %mul3A_147, %add3A_343 : i32
      %add3A_345 = arith.constant 5 : i32
      %add3A_346 = arith.addi %add3A_344, %add3A_345 : i32
      %lt3A_347 = arith.constant 232 : i32
      %lt3A_348 = arith.cmpi slt, %add3A_346, %lt3A_347 : i32
      %convert_element_type3A_349 = arith.extui %lt3A_348 : i1 to i32
      %cond3A_350 = arith.constant 0 : i32
      %cond3A_351 = arith.cmpi ne, %convert_element_type3A_349, %cond3A_350 : i32
      scf.if %cond3A_351 {
        %add3A_463 = arith.constant 5 : i32
        %add3A_464 = arith.addi %add3A_344, %add3A_463 : i32
        %dma_start3A_465 = arith.constant 0 : i32
        %dma_start3A_466 = arith.constant 0 : i32
        %dma_start3A_467 = tpu.memref_slice %arg3[%add3A, %add3A_464, %dma_start3A_465, %dma_start3A_466] : memref<32x232x2x88xi32, #tpu.memory_space<hbm>> -> memref<1x1x2x88xi32, #tpu.memory_space<hbm>>
        %dma_start3A_468 = tpu.memref_squeeze %dma_start3A_467 : memref<1x1x2x88xi32, #tpu.memory_space<hbm>> -> memref<2x88xi32, #tpu.memory_space<hbm>>
        %dma_start3A_469 = arith.constant 0 : i32
        %dma_start3A_470 = arith.constant 0 : i32
        %dma_start3A_471 = tpu.memref_slice %arg3[%add3A, %add3A_464, %dma_start3A_469, %dma_start3A_470] : memref<32x232x2x88xi32, #tpu.memory_space<hbm>> -> memref<1x1x2x88xi32, #tpu.memory_space<hbm>>
        %dma_start3A_472 = tpu.memref_squeeze %dma_start3A_471 : memref<1x1x2x88xi32, #tpu.memory_space<hbm>> -> memref<2x88xi32, #tpu.memory_space<hbm>>
        tpu.enqueue_dma source(%dma_start3A_472 : memref<2x88xi32, #tpu.memory_space<hbm>>) target(%arg7 : memref<2x88xi32, #tpu.memory_space<vmem>>) target_semaphore(%arg20 : memref<!tpu.dma_semaphore, #tpu.memory_space<semaphore_mem>>)
      } else {
      }
      %ge3A_352 = arith.constant 1 : i32
      %ge3A_353 = arith.cmpi sge, %add3A_344, %ge3A_352 : i32
      %add3A_354 = arith.constant 3 : i32
      %add3A_355 = arith.addi %add3A_344, %add3A_354 : i32
      %lt3A_356 = arith.constant 232 : i32
      %lt3A_357 = arith.cmpi slt, %add3A_355, %lt3A_356 : i32
      %and3A_358 = arith.andi %ge3A_353, %lt3A_357 : i1
      %convert_element_type3A_359 = arith.extui %and3A_358 : i1 to i32
      %cond3A_360 = arith.constant 0 : i32
      %cond3A_361 = arith.cmpi ne, %convert_element_type3A_359, %cond3A_360 : i32
      scf.if %cond3A_361 {
        %dma_wait3A_463 = arith.constant 1 : i32
        %dma_wait3A_464 = arith.constant 0 : i32
        %dma_wait3A_465 = tpu.memref_slice %arg9[%dma_wait3A_463, %dma_wait3A_464] : memref<2x88xi32, #tpu.memory_space<vmem>> -> memref<1x88xi32, #tpu.memory_space<vmem>>
        %dma_wait3A_466 = tpu.memref_squeeze %dma_wait3A_465 : memref<1x88xi32, #tpu.memory_space<vmem>> -> memref<88xi32, #tpu.memory_space<vmem>>
        %dma_wait3A_467 = arith.constant 0 : i32
        %dma_wait3A_468 = arith.constant 0 : i32
        %dma_wait3A_469 = tpu.memref_slice %arg17[%dma_wait3A_467, %dma_wait3A_468] : memref<10240x128xf32, #tpu.memory_space<vmem_shared>> -> memref<10240x128xf32, #tpu.memory_space<vmem_shared>>
        tpu.wait_indirect_dma semaphore(%arg30 : memref<!tpu.dma_semaphore, #tpu.memory_space<semaphore_mem>>) src(%arg13 : memref<88x128xf32, #tpu.memory_space<vmem>>) dst(%dma_wait3A_469 : memref<10240x128xf32, #tpu.memory_space<vmem_shared>>)
      } else {
      }
      %add3A_362 = arith.constant 3 : i32
      %add3A_363 = arith.addi %add3A_344, %add3A_362 : i32
      %lt3A_364 = arith.constant 232 : i32
      %lt3A_365 = arith.cmpi slt, %add3A_363, %lt3A_364 : i32
      %convert_element_type3A_366 = arith.extui %lt3A_365 : i1 to i32
      %cond3A_367 = arith.constant 0 : i32
      %cond3A_368 = arith.cmpi ne, %convert_element_type3A_366, %cond3A_367 : i32
      scf.if %cond3A_368 {
        %add3A_463 = arith.constant 3 : i32
        %add3A_464 = arith.addi %add3A_344, %add3A_463 : i32
        %dma_wait3A_465 = arith.constant 0 : i32
        %dma_wait3A_466 = arith.constant 0 : i32
        %dma_wait3A_467 = tpu.memref_slice %arg3[%add3A, %add3A_464, %dma_wait3A_465, %dma_wait3A_466] : memref<32x232x2x88xi32, #tpu.memory_space<hbm>> -> memref<1x1x2x88xi32, #tpu.memory_space<hbm>>
        %dma_wait3A_468 = tpu.memref_squeeze %dma_wait3A_467 : memref<1x1x2x88xi32, #tpu.memory_space<hbm>> -> memref<2x88xi32, #tpu.memory_space<hbm>>
        %dma_wait3A_469 = arith.constant 0 : i32
        %dma_wait3A_470 = arith.constant 0 : i32
        %dma_wait3A_471 = tpu.memref_slice %arg3[%add3A, %add3A_464, %dma_wait3A_469, %dma_wait3A_470] : memref<32x232x2x88xi32, #tpu.memory_space<hbm>> -> memref<1x1x2x88xi32, #tpu.memory_space<hbm>>
        %dma_wait3A_472 = tpu.memref_squeeze %dma_wait3A_471 : memref<1x1x2x88xi32, #tpu.memory_space<hbm>> -> memref<2x88xi32, #tpu.memory_space<hbm>>
        tpu.wait_dma2 semaphore(%arg18 : memref<!tpu.dma_semaphore, #tpu.memory_space<semaphore_mem>>) src(%dma_wait3A_472 : memref<2x88xi32, #tpu.memory_space<hbm>>) dst(%arg5 : memref<2x88xi32, #tpu.memory_space<vmem>>)
        %dma_start3A_473 = arith.constant 0 : i32
        %dma_start3A_474 = arith.constant 0 : i32
        %dma_start3A_475 = tpu.memref_slice %arg5[%dma_start3A_473, %dma_start3A_474] : memref<2x88xi32, #tpu.memory_space<vmem>> -> memref<1x88xi32, #tpu.memory_space<vmem>>
        %dma_start3A_476 = tpu.memref_squeeze %dma_start3A_475 : memref<1x88xi32, #tpu.memory_space<vmem>> -> memref<88xi32, #tpu.memory_space<vmem>>
        %dma_start3A_477 = arith.constant 0 : i32
        %dma_start3A_478 = arith.constant 0 : i32
        %dma_start3A_479 = tpu.memref_slice %arg2[%dma_start3A_477, %dma_start3A_478] : memref<20480x128xf32, #tpu.memory_space<hbm>> -> memref<20480x128xf32, #tpu.memory_space<hbm>>
        tpu.enqueue_indirect_dma source(%dma_start3A_479 : memref<20480x128xf32, #tpu.memory_space<hbm>>) target(%arg13 : memref<88x128xf32, #tpu.memory_space<vmem>>) offsets(%dma_start3A_476 : memref<88xi32, #tpu.memory_space<vmem>>) semaphore(%arg26 : memref<!tpu.dma_semaphore, #tpu.memory_space<semaphore_mem>>)
      } else {
      }
      %dma_wait3A_369 = arith.constant 0 : i32
      %dma_wait3A_370 = arith.constant 0 : i32
      %dma_wait3A_371 = tpu.memref_slice %arg10[%dma_wait3A_369, %dma_wait3A_370] : memref<2x88xi32, #tpu.memory_space<vmem>> -> memref<1x88xi32, #tpu.memory_space<vmem>>
      %dma_wait3A_372 = tpu.memref_squeeze %dma_wait3A_371 : memref<1x88xi32, #tpu.memory_space<vmem>> -> memref<88xi32, #tpu.memory_space<vmem>>
      %dma_wait3A_373 = arith.constant 0 : i32
      %dma_wait3A_374 = arith.constant 0 : i32
      %dma_wait3A_375 = tpu.memref_slice %arg2[%dma_wait3A_373, %dma_wait3A_374] : memref<20480x128xf32, #tpu.memory_space<hbm>> -> memref<20480x128xf32, #tpu.memory_space<hbm>>
      tpu.wait_indirect_dma semaphore(%arg27 : memref<!tpu.dma_semaphore, #tpu.memory_space<semaphore_mem>>) src(%dma_wait3A_375 : memref<20480x128xf32, #tpu.memory_space<hbm>>) dst(%arg14 : memref<88x128xf32, #tpu.memory_space<vmem>>)
      %dma_start3A_376 = arith.constant 1 : i32
      %dma_start3A_377 = arith.constant 0 : i32
      %dma_start3A_378 = tpu.memref_slice %arg10[%dma_start3A_376, %dma_start3A_377] : memref<2x88xi32, #tpu.memory_space<vmem>> -> memref<1x88xi32, #tpu.memory_space<vmem>>
      %dma_start3A_379 = tpu.memref_squeeze %dma_start3A_378 : memref<1x88xi32, #tpu.memory_space<vmem>> -> memref<88xi32, #tpu.memory_space<vmem>>
      %dma_start3A_380 = arith.constant 0 : i32
      %dma_start3A_381 = arith.constant 0 : i32
      %dma_start3A_382 = tpu.memref_slice %arg17[%dma_start3A_380, %dma_start3A_381] : memref<10240x128xf32, #tpu.memory_space<vmem_shared>> -> memref<10240x128xf32, #tpu.memory_space<vmem_shared>>
      tpu.enqueue_indirect_dma source(%arg14 : memref<88x128xf32, #tpu.memory_space<vmem>>) target(%dma_start3A_382 : memref<10240x128xf32, #tpu.memory_space<vmem_shared>>) offsets(%dma_start3A_379 : memref<88xi32, #tpu.memory_space<vmem>>) semaphore(%arg31 : memref<!tpu.dma_semaphore, #tpu.memory_space<semaphore_mem>>) {add = true}
      %add3A_383 = arith.constant 6 : i32
      %add3A_384 = arith.addi %mul3A_147, %add3A_383 : i32
      %add3A_385 = arith.constant 5 : i32
      %add3A_386 = arith.addi %add3A_384, %add3A_385 : i32
      %lt3A_387 = arith.constant 232 : i32
      %lt3A_388 = arith.cmpi slt, %add3A_386, %lt3A_387 : i32
      %convert_element_type3A_389 = arith.extui %lt3A_388 : i1 to i32
      %cond3A_390 = arith.constant 0 : i32
      %cond3A_391 = arith.cmpi ne, %convert_element_type3A_389, %cond3A_390 : i32
      scf.if %cond3A_391 {
        %add3A_463 = arith.constant 5 : i32
        %add3A_464 = arith.addi %add3A_384, %add3A_463 : i32
        %dma_start3A_465 = arith.constant 0 : i32
        %dma_start3A_466 = arith.constant 0 : i32
        %dma_start3A_467 = tpu.memref_slice %arg3[%add3A, %add3A_464, %dma_start3A_465, %dma_start3A_466] : memref<32x232x2x88xi32, #tpu.memory_space<hbm>> -> memref<1x1x2x88xi32, #tpu.memory_space<hbm>>
        %dma_start3A_468 = tpu.memref_squeeze %dma_start3A_467 : memref<1x1x2x88xi32, #tpu.memory_space<hbm>> -> memref<2x88xi32, #tpu.memory_space<hbm>>
        %dma_start3A_469 = arith.constant 0 : i32
        %dma_start3A_470 = arith.constant 0 : i32
        %dma_start3A_471 = tpu.memref_slice %arg3[%add3A, %add3A_464, %dma_start3A_469, %dma_start3A_470] : memref<32x232x2x88xi32, #tpu.memory_space<hbm>> -> memref<1x1x2x88xi32, #tpu.memory_space<hbm>>
        %dma_start3A_472 = tpu.memref_squeeze %dma_start3A_471 : memref<1x1x2x88xi32, #tpu.memory_space<hbm>> -> memref<2x88xi32, #tpu.memory_space<hbm>>
        tpu.enqueue_dma source(%dma_start3A_472 : memref<2x88xi32, #tpu.memory_space<hbm>>) target(%arg8 : memref<2x88xi32, #tpu.memory_space<vmem>>) target_semaphore(%arg21 : memref<!tpu.dma_semaphore, #tpu.memory_space<semaphore_mem>>)
      } else {
      }
      %ge3A_392 = arith.constant 1 : i32
      %ge3A_393 = arith.cmpi sge, %add3A_384, %ge3A_392 : i32
      %add3A_394 = arith.constant 3 : i32
      %add3A_395 = arith.addi %add3A_384, %add3A_394 : i32
      %lt3A_396 = arith.constant 232 : i32
      %lt3A_397 = arith.cmpi slt, %add3A_395, %lt3A_396 : i32
      %and3A_398 = arith.andi %ge3A_393, %lt3A_397 : i1
      %convert_element_type3A_399 = arith.extui %and3A_398 : i1 to i32
      %cond3A_400 = arith.constant 0 : i32
      %cond3A_401 = arith.cmpi ne, %convert_element_type3A_399, %cond3A_400 : i32
      scf.if %cond3A_401 {
        %dma_wait3A_463 = arith.constant 1 : i32
        %dma_wait3A_464 = arith.constant 0 : i32
        %dma_wait3A_465 = tpu.memref_slice %arg10[%dma_wait3A_463, %dma_wait3A_464] : memref<2x88xi32, #tpu.memory_space<vmem>> -> memref<1x88xi32, #tpu.memory_space<vmem>>
        %dma_wait3A_466 = tpu.memref_squeeze %dma_wait3A_465 : memref<1x88xi32, #tpu.memory_space<vmem>> -> memref<88xi32, #tpu.memory_space<vmem>>
        %dma_wait3A_467 = arith.constant 0 : i32
        %dma_wait3A_468 = arith.constant 0 : i32
        %dma_wait3A_469 = tpu.memref_slice %arg17[%dma_wait3A_467, %dma_wait3A_468] : memref<10240x128xf32, #tpu.memory_space<vmem_shared>> -> memref<10240x128xf32, #tpu.memory_space<vmem_shared>>
        tpu.wait_indirect_dma semaphore(%arg31 : memref<!tpu.dma_semaphore, #tpu.memory_space<semaphore_mem>>) src(%arg14 : memref<88x128xf32, #tpu.memory_space<vmem>>) dst(%dma_wait3A_469 : memref<10240x128xf32, #tpu.memory_space<vmem_shared>>)
      } else {
      }
      %add3A_402 = arith.constant 3 : i32
      %add3A_403 = arith.addi %add3A_384, %add3A_402 : i32
      %lt3A_404 = arith.constant 232 : i32
      %lt3A_405 = arith.cmpi slt, %add3A_403, %lt3A_404 : i32
      %convert_element_type3A_406 = arith.extui %lt3A_405 : i1 to i32
      %cond3A_407 = arith.constant 0 : i32
      %cond3A_408 = arith.cmpi ne, %convert_element_type3A_406, %cond3A_407 : i32
      scf.if %cond3A_408 {
        %add3A_463 = arith.constant 3 : i32
        %add3A_464 = arith.addi %add3A_384, %add3A_463 : i32
        %dma_wait3A_465 = arith.constant 0 : i32
        %dma_wait3A_466 = arith.constant 0 : i32
        %dma_wait3A_467 = tpu.memref_slice %arg3[%add3A, %add3A_464, %dma_wait3A_465, %dma_wait3A_466] : memref<32x232x2x88xi32, #tpu.memory_space<hbm>> -> memref<1x1x2x88xi32, #tpu.memory_space<hbm>>
        %dma_wait3A_468 = tpu.memref_squeeze %dma_wait3A_467 : memref<1x1x2x88xi32, #tpu.memory_space<hbm>> -> memref<2x88xi32, #tpu.memory_space<hbm>>
        %dma_wait3A_469 = arith.constant 0 : i32
        %dma_wait3A_470 = arith.constant 0 : i32
        %dma_wait3A_471 = tpu.memref_slice %arg3[%add3A, %add3A_464, %dma_wait3A_469, %dma_wait3A_470] : memref<32x232x2x88xi32, #tpu.memory_space<hbm>> -> memref<1x1x2x88xi32, #tpu.memory_space<hbm>>
        %dma_wait3A_472 = tpu.memref_squeeze %dma_wait3A_471 : memref<1x1x2x88xi32, #tpu.memory_space<hbm>> -> memref<2x88xi32, #tpu.memory_space<hbm>>
        tpu.wait_dma2 semaphore(%arg19 : memref<!tpu.dma_semaphore, #tpu.memory_space<semaphore_mem>>) src(%dma_wait3A_472 : memref<2x88xi32, #tpu.memory_space<hbm>>) dst(%arg6 : memref<2x88xi32, #tpu.memory_space<vmem>>)
        %dma_start3A_473 = arith.constant 0 : i32
        %dma_start3A_474 = arith.constant 0 : i32
        %dma_start3A_475 = tpu.memref_slice %arg6[%dma_start3A_473, %dma_start3A_474] : memref<2x88xi32, #tpu.memory_space<vmem>> -> memref<1x88xi32, #tpu.memory_space<vmem>>
        %dma_start3A_476 = tpu.memref_squeeze %dma_start3A_475 : memref<1x88xi32, #tpu.memory_space<vmem>> -> memref<88xi32, #tpu.memory_space<vmem>>
        %dma_start3A_477 = arith.constant 0 : i32
        %dma_start3A_478 = arith.constant 0 : i32
        %dma_start3A_479 = tpu.memref_slice %arg2[%dma_start3A_477, %dma_start3A_478] : memref<20480x128xf32, #tpu.memory_space<hbm>> -> memref<20480x128xf32, #tpu.memory_space<hbm>>
        tpu.enqueue_indirect_dma source(%dma_start3A_479 : memref<20480x128xf32, #tpu.memory_space<hbm>>) target(%arg14 : memref<88x128xf32, #tpu.memory_space<vmem>>) offsets(%dma_start3A_476 : memref<88xi32, #tpu.memory_space<vmem>>) semaphore(%arg27 : memref<!tpu.dma_semaphore, #tpu.memory_space<semaphore_mem>>)
      } else {
      }
      %dma_wait3A_409 = arith.constant 0 : i32
      %dma_wait3A_410 = arith.constant 0 : i32
      %dma_wait3A_411 = tpu.memref_slice %arg11[%dma_wait3A_409, %dma_wait3A_410] : memref<2x88xi32, #tpu.memory_space<vmem>> -> memref<1x88xi32, #tpu.memory_space<vmem>>
      %dma_wait3A_412 = tpu.memref_squeeze %dma_wait3A_411 : memref<1x88xi32, #tpu.memory_space<vmem>> -> memref<88xi32, #tpu.memory_space<vmem>>
      %dma_wait3A_413 = arith.constant 0 : i32
      %dma_wait3A_414 = arith.constant 0 : i32
      %dma_wait3A_415 = tpu.memref_slice %arg2[%dma_wait3A_413, %dma_wait3A_414] : memref<20480x128xf32, #tpu.memory_space<hbm>> -> memref<20480x128xf32, #tpu.memory_space<hbm>>
      tpu.wait_indirect_dma semaphore(%arg28 : memref<!tpu.dma_semaphore, #tpu.memory_space<semaphore_mem>>) src(%dma_wait3A_415 : memref<20480x128xf32, #tpu.memory_space<hbm>>) dst(%arg15 : memref<88x128xf32, #tpu.memory_space<vmem>>)
      %dma_start3A_416 = arith.constant 1 : i32
      %dma_start3A_417 = arith.constant 0 : i32
      %dma_start3A_418 = tpu.memref_slice %arg11[%dma_start3A_416, %dma_start3A_417] : memref<2x88xi32, #tpu.memory_space<vmem>> -> memref<1x88xi32, #tpu.memory_space<vmem>>
      %dma_start3A_419 = tpu.memref_squeeze %dma_start3A_418 : memref<1x88xi32, #tpu.memory_space<vmem>> -> memref<88xi32, #tpu.memory_space<vmem>>
      %dma_start3A_420 = arith.constant 0 : i32
      %dma_start3A_421 = arith.constant 0 : i32
      %dma_start3A_422 = tpu.memref_slice %arg17[%dma_start3A_420, %dma_start3A_421] : memref<10240x128xf32, #tpu.memory_space<vmem_shared>> -> memref<10240x128xf32, #tpu.memory_space<vmem_shared>>
      tpu.enqueue_indirect_dma source(%arg15 : memref<88x128xf32, #tpu.memory_space<vmem>>) target(%dma_start3A_422 : memref<10240x128xf32, #tpu.memory_space<vmem_shared>>) offsets(%dma_start3A_419 : memref<88xi32, #tpu.memory_space<vmem>>) semaphore(%arg32 : memref<!tpu.dma_semaphore, #tpu.memory_space<semaphore_mem>>) {add = true}
      %add3A_423 = arith.constant 7 : i32
      %add3A_424 = arith.addi %mul3A_147, %add3A_423 : i32
      %add3A_425 = arith.constant 5 : i32
      %add3A_426 = arith.addi %add3A_424, %add3A_425 : i32
      %lt3A_427 = arith.constant 232 : i32
      %lt3A_428 = arith.cmpi slt, %add3A_426, %lt3A_427 : i32
      %convert_element_type3A_429 = arith.extui %lt3A_428 : i1 to i32
      %cond3A_430 = arith.constant 0 : i32
      %cond3A_431 = arith.cmpi ne, %convert_element_type3A_429, %cond3A_430 : i32
      scf.if %cond3A_431 {
        %add3A_463 = arith.constant 5 : i32
        %add3A_464 = arith.addi %add3A_424, %add3A_463 : i32
        %dma_start3A_465 = arith.constant 0 : i32
        %dma_start3A_466 = arith.constant 0 : i32
        %dma_start3A_467 = tpu.memref_slice %arg3[%add3A, %add3A_464, %dma_start3A_465, %dma_start3A_466] : memref<32x232x2x88xi32, #tpu.memory_space<hbm>> -> memref<1x1x2x88xi32, #tpu.memory_space<hbm>>
        %dma_start3A_468 = tpu.memref_squeeze %dma_start3A_467 : memref<1x1x2x88xi32, #tpu.memory_space<hbm>> -> memref<2x88xi32, #tpu.memory_space<hbm>>
        %dma_start3A_469 = arith.constant 0 : i32
        %dma_start3A_470 = arith.constant 0 : i32
        %dma_start3A_471 = tpu.memref_slice %arg3[%add3A, %add3A_464, %dma_start3A_469, %dma_start3A_470] : memref<32x232x2x88xi32, #tpu.memory_space<hbm>> -> memref<1x1x2x88xi32, #tpu.memory_space<hbm>>
        %dma_start3A_472 = tpu.memref_squeeze %dma_start3A_471 : memref<1x1x2x88xi32, #tpu.memory_space<hbm>> -> memref<2x88xi32, #tpu.memory_space<hbm>>
        tpu.enqueue_dma source(%dma_start3A_472 : memref<2x88xi32, #tpu.memory_space<hbm>>) target(%arg9 : memref<2x88xi32, #tpu.memory_space<vmem>>) target_semaphore(%arg22 : memref<!tpu.dma_semaphore, #tpu.memory_space<semaphore_mem>>)
      } else {
      }
      %ge3A_432 = arith.constant 1 : i32
      %ge3A_433 = arith.cmpi sge, %add3A_424, %ge3A_432 : i32
      %add3A_434 = arith.constant 3 : i32
      %add3A_435 = arith.addi %add3A_424, %add3A_434 : i32
      %lt3A_436 = arith.constant 232 : i32
      %lt3A_437 = arith.cmpi slt, %add3A_435, %lt3A_436 : i32
      %and3A_438 = arith.andi %ge3A_433, %lt3A_437 : i1
      %convert_element_type3A_439 = arith.extui %and3A_438 : i1 to i32
      %cond3A_440 = arith.constant 0 : i32
      %cond3A_441 = arith.cmpi ne, %convert_element_type3A_439, %cond3A_440 : i32
      scf.if %cond3A_441 {
        %dma_wait3A_463 = arith.constant 1 : i32
        %dma_wait3A_464 = arith.constant 0 : i32
        %dma_wait3A_465 = tpu.memref_slice %arg11[%dma_wait3A_463, %dma_wait3A_464] : memref<2x88xi32, #tpu.memory_space<vmem>> -> memref<1x88xi32, #tpu.memory_space<vmem>>
        %dma_wait3A_466 = tpu.memref_squeeze %dma_wait3A_465 : memref<1x88xi32, #tpu.memory_space<vmem>> -> memref<88xi32, #tpu.memory_space<vmem>>
        %dma_wait3A_467 = arith.constant 0 : i32
        %dma_wait3A_468 = arith.constant 0 : i32
        %dma_wait3A_469 = tpu.memref_slice %arg17[%dma_wait3A_467, %dma_wait3A_468] : memref<10240x128xf32, #tpu.memory_space<vmem_shared>> -> memref<10240x128xf32, #tpu.memory_space<vmem_shared>>
        tpu.wait_indirect_dma semaphore(%arg32 : memref<!tpu.dma_semaphore, #tpu.memory_space<semaphore_mem>>) src(%arg15 : memref<88x128xf32, #tpu.memory_space<vmem>>) dst(%dma_wait3A_469 : memref<10240x128xf32, #tpu.memory_space<vmem_shared>>)
      } else {
      }
      %add3A_442 = arith.constant 3 : i32
      %add3A_443 = arith.addi %add3A_424, %add3A_442 : i32
      %lt3A_444 = arith.constant 232 : i32
      %lt3A_445 = arith.cmpi slt, %add3A_443, %lt3A_444 : i32
      %convert_element_type3A_446 = arith.extui %lt3A_445 : i1 to i32
      %cond3A_447 = arith.constant 0 : i32
      %cond3A_448 = arith.cmpi ne, %convert_element_type3A_446, %cond3A_447 : i32
      scf.if %cond3A_448 {
        %add3A_463 = arith.constant 3 : i32
        %add3A_464 = arith.addi %add3A_424, %add3A_463 : i32
        %dma_wait3A_465 = arith.constant 0 : i32
        %dma_wait3A_466 = arith.constant 0 : i32
        %dma_wait3A_467 = tpu.memref_slice %arg3[%add3A, %add3A_464, %dma_wait3A_465, %dma_wait3A_466] : memref<32x232x2x88xi32, #tpu.memory_space<hbm>> -> memref<1x1x2x88xi32, #tpu.memory_space<hbm>>
        %dma_wait3A_468 = tpu.memref_squeeze %dma_wait3A_467 : memref<1x1x2x88xi32, #tpu.memory_space<hbm>> -> memref<2x88xi32, #tpu.memory_space<hbm>>
        %dma_wait3A_469 = arith.constant 0 : i32
        %dma_wait3A_470 = arith.constant 0 : i32
        %dma_wait3A_471 = tpu.memref_slice %arg3[%add3A, %add3A_464, %dma_wait3A_469, %dma_wait3A_470] : memref<32x232x2x88xi32, #tpu.memory_space<hbm>> -> memref<1x1x2x88xi32, #tpu.memory_space<hbm>>
        %dma_wait3A_472 = tpu.memref_squeeze %dma_wait3A_471 : memref<1x1x2x88xi32, #tpu.memory_space<hbm>> -> memref<2x88xi32, #tpu.memory_space<hbm>>
        tpu.wait_dma2 semaphore(%arg20 : memref<!tpu.dma_semaphore, #tpu.memory_space<semaphore_mem>>) src(%dma_wait3A_472 : memref<2x88xi32, #tpu.memory_space<hbm>>) dst(%arg7 : memref<2x88xi32, #tpu.memory_space<vmem>>)
        %dma_start3A_473 = arith.constant 0 : i32
        %dma_start3A_474 = arith.constant 0 : i32
        %dma_start3A_475 = tpu.memref_slice %arg7[%dma_start3A_473, %dma_start3A_474] : memref<2x88xi32, #tpu.memory_space<vmem>> -> memref<1x88xi32, #tpu.memory_space<vmem>>
        %dma_start3A_476 = tpu.memref_squeeze %dma_start3A_475 : memref<1x88xi32, #tpu.memory_space<vmem>> -> memref<88xi32, #tpu.memory_space<vmem>>
        %dma_start3A_477 = arith.constant 0 : i32
        %dma_start3A_478 = arith.constant 0 : i32
        %dma_start3A_479 = tpu.memref_slice %arg2[%dma_start3A_477, %dma_start3A_478] : memref<20480x128xf32, #tpu.memory_space<hbm>> -> memref<20480x128xf32, #tpu.memory_space<hbm>>
        tpu.enqueue_indirect_dma source(%dma_start3A_479 : memref<20480x128xf32, #tpu.memory_space<hbm>>) target(%arg15 : memref<88x128xf32, #tpu.memory_space<vmem>>) offsets(%dma_start3A_476 : memref<88xi32, #tpu.memory_space<vmem>>) semaphore(%arg28 : memref<!tpu.dma_semaphore, #tpu.memory_space<semaphore_mem>>)
      } else {
      }
      %dma_wait3A_449 = arith.constant 0 : i32
      %dma_wait3A_450 = arith.constant 0 : i32
      %dma_wait3A_451 = tpu.memref_slice %arg12[%dma_wait3A_449, %dma_wait3A_450] : memref<2x88xi32, #tpu.memory_space<vmem>> -> memref<1x88xi32, #tpu.memory_space<vmem>>
      %dma_wait3A_452 = tpu.memref_squeeze %dma_wait3A_451 : memref<1x88xi32, #tpu.memory_space<vmem>> -> memref<88xi32, #tpu.memory_space<vmem>>
      %dma_wait3A_453 = arith.constant 0 : i32
      %dma_wait3A_454 = arith.constant 0 : i32
      %dma_wait3A_455 = tpu.memref_slice %arg2[%dma_wait3A_453, %dma_wait3A_454] : memref<20480x128xf32, #tpu.memory_space<hbm>> -> memref<20480x128xf32, #tpu.memory_space<hbm>>
      tpu.wait_indirect_dma semaphore(%arg29 : memref<!tpu.dma_semaphore, #tpu.memory_space<semaphore_mem>>) src(%dma_wait3A_455 : memref<20480x128xf32, #tpu.memory_space<hbm>>) dst(%arg16 : memref<88x128xf32, #tpu.memory_space<vmem>>)
      %dma_start3A_456 = arith.constant 1 : i32
      %dma_start3A_457 = arith.constant 0 : i32
      %dma_start3A_458 = tpu.memref_slice %arg12[%dma_start3A_456, %dma_start3A_457] : memref<2x88xi32, #tpu.memory_space<vmem>> -> memref<1x88xi32, #tpu.memory_space<vmem>>
      %dma_start3A_459 = tpu.memref_squeeze %dma_start3A_458 : memref<1x88xi32, #tpu.memory_space<vmem>> -> memref<88xi32, #tpu.memory_space<vmem>>
      %dma_start3A_460 = arith.constant 0 : i32
      %dma_start3A_461 = arith.constant 0 : i32
      %dma_start3A_462 = tpu.memref_slice %arg17[%dma_start3A_460, %dma_start3A_461] : memref<10240x128xf32, #tpu.memory_space<vmem_shared>> -> memref<10240x128xf32, #tpu.memory_space<vmem_shared>>
      tpu.enqueue_indirect_dma source(%arg16 : memref<88x128xf32, #tpu.memory_space<vmem>>) target(%dma_start3A_462 : memref<10240x128xf32, #tpu.memory_space<vmem_shared>>) offsets(%dma_start3A_459 : memref<88xi32, #tpu.memory_space<vmem>>) semaphore(%arg33 : memref<!tpu.dma_semaphore, #tpu.memory_space<semaphore_mem>>) {add = true}
    }
    %scan3A_106 = arith.constant 29 : i32
    %dma_wait3A_107 = arith.constant 1 : i32
    %dma_wait3A_108 = arith.constant 0 : i32
    %dma_wait3A_109 = tpu.memref_slice %arg9[%dma_wait3A_107, %dma_wait3A_108] : memref<2x88xi32, #tpu.memory_space<vmem>> -> memref<1x88xi32, #tpu.memory_space<vmem>>
    %dma_wait3A_110 = tpu.memref_squeeze %dma_wait3A_109 : memref<1x88xi32, #tpu.memory_space<vmem>> -> memref<88xi32, #tpu.memory_space<vmem>>
    %dma_wait3A_111 = arith.constant 0 : i32
    %dma_wait3A_112 = arith.constant 0 : i32
    %dma_wait3A_113 = tpu.memref_slice %arg17[%dma_wait3A_111, %dma_wait3A_112] : memref<10240x128xf32, #tpu.memory_space<vmem_shared>> -> memref<10240x128xf32, #tpu.memory_space<vmem_shared>>
    tpu.wait_indirect_dma semaphore(%arg30 : memref<!tpu.dma_semaphore, #tpu.memory_space<semaphore_mem>>) src(%arg13 : memref<88x128xf32, #tpu.memory_space<vmem>>) dst(%dma_wait3A_113 : memref<10240x128xf32, #tpu.memory_space<vmem_shared>>)
    %dma_wait3A_114 = arith.constant 1 : i32
    %dma_wait3A_115 = arith.constant 0 : i32
    %dma_wait3A_116 = tpu.memref_slice %arg10[%dma_wait3A_114, %dma_wait3A_115] : memref<2x88xi32, #tpu.memory_space<vmem>> -> memref<1x88xi32, #tpu.memory_space<vmem>>
    %dma_wait3A_117 = tpu.memref_squeeze %dma_wait3A_116 : memref<1x88xi32, #tpu.memory_space<vmem>> -> memref<88xi32, #tpu.memory_space<vmem>>
    %dma_wait3A_118 = arith.constant 0 : i32
    %dma_wait3A_119 = arith.constant 0 : i32
    %dma_wait3A_120 = tpu.memref_slice %arg17[%dma_wait3A_118, %dma_wait3A_119] : memref<10240x128xf32, #tpu.memory_space<vmem_shared>> -> memref<10240x128xf32, #tpu.memory_space<vmem_shared>>
    tpu.wait_indirect_dma semaphore(%arg31 : memref<!tpu.dma_semaphore, #tpu.memory_space<semaphore_mem>>) src(%arg14 : memref<88x128xf32, #tpu.memory_space<vmem>>) dst(%dma_wait3A_120 : memref<10240x128xf32, #tpu.memory_space<vmem_shared>>)
    %dma_wait3A_121 = arith.constant 1 : i32
    %dma_wait3A_122 = arith.constant 0 : i32
    %dma_wait3A_123 = tpu.memref_slice %arg11[%dma_wait3A_121, %dma_wait3A_122] : memref<2x88xi32, #tpu.memory_space<vmem>> -> memref<1x88xi32, #tpu.memory_space<vmem>>
    %dma_wait3A_124 = tpu.memref_squeeze %dma_wait3A_123 : memref<1x88xi32, #tpu.memory_space<vmem>> -> memref<88xi32, #tpu.memory_space<vmem>>
    %dma_wait3A_125 = arith.constant 0 : i32
    %dma_wait3A_126 = arith.constant 0 : i32
    %dma_wait3A_127 = tpu.memref_slice %arg17[%dma_wait3A_125, %dma_wait3A_126] : memref<10240x128xf32, #tpu.memory_space<vmem_shared>> -> memref<10240x128xf32, #tpu.memory_space<vmem_shared>>
    tpu.wait_indirect_dma semaphore(%arg32 : memref<!tpu.dma_semaphore, #tpu.memory_space<semaphore_mem>>) src(%arg15 : memref<88x128xf32, #tpu.memory_space<vmem>>) dst(%dma_wait3A_127 : memref<10240x128xf32, #tpu.memory_space<vmem_shared>>)
    %dma_wait3A_128 = arith.constant 1 : i32
    %dma_wait3A_129 = arith.constant 0 : i32
    %dma_wait3A_130 = tpu.memref_slice %arg12[%dma_wait3A_128, %dma_wait3A_129] : memref<2x88xi32, #tpu.memory_space<vmem>> -> memref<1x88xi32, #tpu.memory_space<vmem>>
    %dma_wait3A_131 = tpu.memref_squeeze %dma_wait3A_130 : memref<1x88xi32, #tpu.memory_space<vmem>> -> memref<88xi32, #tpu.memory_space<vmem>>
    %dma_wait3A_132 = arith.constant 0 : i32
    %dma_wait3A_133 = arith.constant 0 : i32
    %dma_wait3A_134 = tpu.memref_slice %arg17[%dma_wait3A_132, %dma_wait3A_133] : memref<10240x128xf32, #tpu.memory_space<vmem_shared>> -> memref<10240x128xf32, #tpu.memory_space<vmem_shared>>
    tpu.wait_indirect_dma semaphore(%arg33 : memref<!tpu.dma_semaphore, #tpu.memory_space<semaphore_mem>>) src(%arg16 : memref<88x128xf32, #tpu.memory_space<vmem>>) dst(%dma_wait3A_134 : memref<10240x128xf32, #tpu.memory_space<vmem_shared>>)
    %barrier3A_135 = arith.constant 0 : index
    tpu.barrier barrier_id(%barrier3A_135)
    %scan3A_136 = arith.constant 0 : i32
    %scan3A_137 = arith.constant 8 : i32
    %scan3A_138 = arith.addi %scan3A_136, %scan3A_137 : i32
    %scan3A_139 = arith.constant 1 : i32
    scf.for %scan3A_141 = %scan3A_136 to %scan3A_138 step %scan3A_139  : i32 {
      %mul3A_142 = arith.constant 1 : i32
      %mul3A_143 = arith.muli %scan3A_141, %mul3A_142 : i32
      %add3A_144 = arith.constant 0 : i32
      %add3A_145 = arith.addi %add3A_144, %mul3A_143 : i32
      %mul3A_146 = arith.constant 640 : i32
      %mul3A_147 = arith.muli %arg1, %mul3A_146 : i32
      %mul3A_148 = arith.constant 80 : i32
      %mul3A_149 = arith.muli %add3A_145, %mul3A_148 : i32
      %add3A_150 = arith.addi %mul3A_147, %mul3A_149 : i32
      "tpu.region"() ({
        %run_scoped3A = tpu.sem_alloc : memref<!tpu.dma_semaphore, #tpu.memory_space<semaphore_mem>>
        %dma_start3A_151 = arith.constant 0 : i32
        %dma_start3A_152 = arith.constant 0 : i32
        %dma_start3A_153 = tpu.memref_slice %arg13[%dma_start3A_151, %dma_start3A_152] : memref<88x128xf32, #tpu.memory_space<vmem>> -> memref<80x128xf32, #tpu.memory_space<vmem>>
        %dma_start3A_154 = arith.constant 0 : i32
        %dma_start3A_155 = tpu.memref_slice %arg17[%add3A_150, %dma_start3A_154] : memref<10240x128xf32, #tpu.memory_space<vmem_shared>> -> memref<80x128xf32, #tpu.memory_space<vmem_shared>>
        %dma_start3A_156 = arith.constant 0 : i32
        %dma_start3A_157 = arith.constant 0 : i32
        %dma_start3A_158 = tpu.memref_slice %arg13[%dma_start3A_156, %dma_start3A_157] : memref<88x128xf32, #tpu.memory_space<vmem>> -> memref<80x128xf32, #tpu.memory_space<vmem>>
        %dma_start3A_159 = arith.constant 0 : i32
        %dma_start3A_160 = tpu.memref_slice %arg17[%add3A_150, %dma_start3A_159] : memref<10240x128xf32, #tpu.memory_space<vmem_shared>> -> memref<80x128xf32, #tpu.memory_space<vmem_shared>>
        tpu.enqueue_dma source(%dma_start3A_160 : memref<80x128xf32, #tpu.memory_space<vmem_shared>>) target(%dma_start3A_158 : memref<80x128xf32, #tpu.memory_space<vmem>>) target_semaphore(%run_scoped3A : memref<!tpu.dma_semaphore, #tpu.memory_space<semaphore_mem>>)
        %dma_wait3A_161 = arith.constant 0 : i32
        %dma_wait3A_162 = arith.constant 0 : i32
        %dma_wait3A_163 = tpu.memref_slice %arg13[%dma_wait3A_161, %dma_wait3A_162] : memref<88x128xf32, #tpu.memory_space<vmem>> -> memref<80x128xf32, #tpu.memory_space<vmem>>
        %dma_wait3A_164 = arith.constant 0 : i32
        %dma_wait3A_165 = tpu.memref_slice %arg17[%add3A_150, %dma_wait3A_164] : memref<10240x128xf32, #tpu.memory_space<vmem_shared>> -> memref<80x128xf32, #tpu.memory_space<vmem_shared>>
        %dma_wait3A_166 = arith.constant 0 : i32
        %dma_wait3A_167 = arith.constant 0 : i32
        %dma_wait3A_168 = tpu.memref_slice %arg13[%dma_wait3A_166, %dma_wait3A_167] : memref<88x128xf32, #tpu.memory_space<vmem>> -> memref<80x128xf32, #tpu.memory_space<vmem>>
        %dma_wait3A_169 = arith.constant 0 : i32
        %dma_wait3A_170 = tpu.memref_slice %arg17[%add3A_150, %dma_wait3A_169] : memref<10240x128xf32, #tpu.memory_space<vmem_shared>> -> memref<80x128xf32, #tpu.memory_space<vmem_shared>>
        tpu.wait_dma2 semaphore(%run_scoped3A : memref<!tpu.dma_semaphore, #tpu.memory_space<semaphore_mem>>) src(%dma_wait3A_170 : memref<80x128xf32, #tpu.memory_space<vmem_shared>>) dst(%dma_wait3A_168 : memref<80x128xf32, #tpu.memory_space<vmem>>)
        tpu.yield
      }) : () -> ()
      "tpu.region"() ({
        %run_scoped3A = tpu.sem_alloc : memref<!tpu.dma_semaphore, #tpu.memory_space<semaphore_mem>>
        %dma_start3A_151 = arith.constant 0 : i32
        %dma_start3A_152 = arith.constant 0 : i32
        %dma_start3A_153 = tpu.memref_slice %arg13[%dma_start3A_151, %dma_start3A_152] : memref<88x128xf32, #tpu.memory_space<vmem>> -> memref<80x128xf32, #tpu.memory_space<vmem>>
        %dma_start3A_154 = arith.constant 0 : i32
        %dma_start3A_155 = tpu.memref_slice %arg4[%arg0, %add3A_150, %dma_start3A_154] : memref<2x10240x128xf32, #tpu.memory_space<hbm>> -> memref<1x80x128xf32, #tpu.memory_space<hbm>>
        %dma_start3A_156 = tpu.memref_squeeze %dma_start3A_155 : memref<1x80x128xf32, #tpu.memory_space<hbm>> -> memref<80x128xf32, #tpu.memory_space<hbm>>
        %dma_start3A_157 = arith.constant 0 : i32
        %dma_start3A_158 = tpu.memref_slice %arg4[%arg0, %add3A_150, %dma_start3A_157] : memref<2x10240x128xf32, #tpu.memory_space<hbm>> -> memref<1x80x128xf32, #tpu.memory_space<hbm>>
        %dma_start3A_159 = tpu.memref_squeeze %dma_start3A_158 : memref<1x80x128xf32, #tpu.memory_space<hbm>> -> memref<80x128xf32, #tpu.memory_space<hbm>>
        %dma_start3A_160 = arith.constant 0 : i32
        %dma_start3A_161 = arith.constant 0 : i32
        %dma_start3A_162 = tpu.memref_slice %arg13[%dma_start3A_160, %dma_start3A_161] : memref<88x128xf32, #tpu.memory_space<vmem>> -> memref<80x128xf32, #tpu.memory_space<vmem>>
        tpu.enqueue_dma source(%dma_start3A_162 : memref<80x128xf32, #tpu.memory_space<vmem>>) target(%dma_start3A_159 : memref<80x128xf32, #tpu.memory_space<hbm>>) target_semaphore(%run_scoped3A : memref<!tpu.dma_semaphore, #tpu.memory_space<semaphore_mem>>)
        %dma_wait3A_163 = arith.constant 0 : i32
        %dma_wait3A_164 = arith.constant 0 : i32
        %dma_wait3A_165 = tpu.memref_slice %arg13[%dma_wait3A_163, %dma_wait3A_164] : memref<88x128xf32, #tpu.memory_space<vmem>> -> memref<80x128xf32, #tpu.memory_space<vmem>>
        %dma_wait3A_166 = arith.constant 0 : i32
        %dma_wait3A_167 = tpu.memref_slice %arg4[%arg0, %add3A_150, %dma_wait3A_166] : memref<2x10240x128xf32, #tpu.memory_space<hbm>> -> memref<1x80x128xf32, #tpu.memory_space<hbm>>
        %dma_wait3A_168 = tpu.memref_squeeze %dma_wait3A_167 : memref<1x80x128xf32, #tpu.memory_space<hbm>> -> memref<80x128xf32, #tpu.memory_space<hbm>>
        %dma_wait3A_169 = arith.constant 0 : i32
        %dma_wait3A_170 = tpu.memref_slice %arg4[%arg0, %add3A_150, %dma_wait3A_169] : memref<2x10240x128xf32, #tpu.memory_space<hbm>> -> memref<1x80x128xf32, #tpu.memory_space<hbm>>
        %dma_wait3A_171 = tpu.memref_squeeze %dma_wait3A_170 : memref<1x80x128xf32, #tpu.memory_space<hbm>> -> memref<80x128xf32, #tpu.memory_space<hbm>>
        %dma_wait3A_172 = arith.constant 0 : i32
        %dma_wait3A_173 = arith.constant 0 : i32
        %dma_wait3A_174 = tpu.memref_slice %arg13[%dma_wait3A_172, %dma_wait3A_173] : memref<88x128xf32, #tpu.memory_space<vmem>> -> memref<80x128xf32, #tpu.memory_space<vmem>>
        tpu.wait_dma2 semaphore(%run_scoped3A : memref<!tpu.dma_semaphore, #tpu.memory_space<semaphore_mem>>) src(%dma_wait3A_174 : memref<80x128xf32, #tpu.memory_space<vmem>>) dst(%dma_wait3A_171 : memref<80x128xf32, #tpu.memory_space<hbm>>)
        tpu.yield
      }) : () -> ()
    }
    %scan3A_140 = arith.constant 8 : i32
    return
  }
}

module attributes {stable_mosaic.version = 14 : i64} {
  func.func @tc_gcn_pre(%arg0: i32, %arg1: memref<256x128xf32, #tpu.memory_space<vmem>>, %arg2: memref<128x128xf32, #tpu.memory_space<vmem>>, %arg3: memref<2x256xf32, #tpu.memory_space<vmem>>, %arg4: memref<2x256x128xf32, #tpu.memory_space<vmem>>, %arg5: memref<2x256xf32, #tpu.memory_space<vmem>>) attributes {dimension_semantics = [#tpu.dimension_semantics<arbitrary>], iteration_bounds = array<i64: 40>, scalar_prefetch = 0 : i64, scratch_operands = 0 : i64, tpu.core_type = #tpu.core_type<tc>, window_params = [{transform_indices = @transform_0, window_bounds = array<i64: 256, 128>}, {pipeline_mode = #tpu.pipeline_mode<synchronous>, transform_indices = @transform_1, window_bounds = array<i64: 128, 128>}, {transform_indices = @transform_2, window_bounds = array<i64: 2, 256>}, {transform_indices = @transform_3, window_bounds = array<i64: 2, 256, 128>}, {transform_indices = @transform_4, window_bounds = array<i64: 2, 256>}]} {
    %get3A = arith.constant 0 : index
    %get3A_0 = arith.constant 0 : index
    %get3A_1 = vector.load %arg1[%get3A, %get3A_0] : memref<256x128xf32, #tpu.memory_space<vmem>>, vector<256x128xf32>
    %get3A_2 = arith.constant 0 : index
    %get3A_3 = arith.constant 0 : index
    %get3A_4 = vector.load %arg2[%get3A_2, %get3A_3] : memref<128x128xf32, #tpu.memory_space<vmem>>, vector<128x128xf32>
    %dot_general3A = arith.constant dense<0.000000e+00> : vector<256x128xf32>
    %dot_general3A_5 = tpu.matmul %get3A_1, %get3A_4, %dot_general3A {dimension_numbers = #tpu.dot_dimension_numbers<[1], [0], [0], [1], [0, 0, 1, 1], [], []>, transpose_lhs_hint = false} : vector<256x128xf32>, vector<128x128xf32>, vector<256x128xf32> -> vector<256x128xf32>
    %get3A_6 = arith.constant 0 : index
    %get3A_7 = arith.constant 0 : index
    %get3A_8 = vector.load %arg3[%get3A_6, %get3A_7] : memref<2x256xf32, #tpu.memory_space<vmem>>, vector<2x256xf32>
    %add3A = arith.constant 1.000000e+00 : f32
    %add3A_9 = vector.broadcast %add3A : f32 to vector<2x256xf32>
    %add3A_10 = arith.addf %get3A_8, %add3A_9 : vector<2x256xf32>
    %rsqrt3A = math.rsqrt %add3A_10 : vector<2x256xf32>
    %swap3A = arith.constant 0 : index
    %swap3A_11 = arith.constant 0 : index
    %swap3A_12 = vector.load %arg5[%swap3A, %swap3A_11] : memref<2x256xf32, #tpu.memory_space<vmem>>, vector<2x256xf32>
    tpu.vector_store %arg5[%swap3A, %swap3A_11], %rsqrt3A {strides = array<i32>} : memref<2x256xf32, #tpu.memory_space<vmem>>, vector<2x256xf32>,
    %slice3A = vector.extract_strided_slice %rsqrt3A {offsets = [0, 0], sizes = [1, 256], strides = [1, 1]} : vector<2x256xf32> to vector<1x256xf32>
    %squeeze3A = vector.shape_cast %slice3A : vector<1x256xf32> to vector<256xf32>
    %broadcast_in_dim3A = vector.shape_cast %squeeze3A : vector<256xf32> to vector<256x1xf32>
    %mul3A = vector.broadcast %broadcast_in_dim3A : vector<256x1xf32> to vector<256x128xf32>
    %mul3A_13 = arith.mulf %mul3A, %dot_general3A_5 : vector<256x128xf32>
    %swap3A_14 = arith.constant 0 : index
    %swap3A_15 = arith.constant 0 : index
    %swap3A_16 = arith.constant 0 : index
    %swap3A_17 = vector.load %arg4[%swap3A_14, %swap3A_15, %swap3A_16] : memref<2x256x128xf32, #tpu.memory_space<vmem>>, vector<1x256x128xf32>
    %swap3A_18 = vector.shape_cast %swap3A_17 : vector<1x256x128xf32> to vector<256x128xf32>
    %swap3A_19 = vector.shape_cast %mul3A_13 : vector<256x128xf32> to vector<1x256x128xf32>
    tpu.vector_store %arg4[%swap3A_14, %swap3A_15, %swap3A_16], %swap3A_19 {strides = array<i32>} : memref<2x256x128xf32, #tpu.memory_space<vmem>>, vector<1x256x128xf32>,
    %slice3A_20 = vector.extract_strided_slice %rsqrt3A {offsets = [1, 0], sizes = [1, 256], strides = [1, 1]} : vector<2x256xf32> to vector<1x256xf32>
    %squeeze3A_21 = vector.shape_cast %slice3A_20 : vector<1x256xf32> to vector<256xf32>
    %broadcast_in_dim3A_22 = vector.shape_cast %squeeze3A_21 : vector<256xf32> to vector<256x1xf32>
    %mul3A_23 = vector.broadcast %broadcast_in_dim3A_22 : vector<256x1xf32> to vector<256x128xf32>
    %mul3A_24 = arith.mulf %mul3A_23, %dot_general3A_5 : vector<256x128xf32>
    %swap3A_25 = arith.constant 1 : index
    %swap3A_26 = arith.constant 0 : index
    %swap3A_27 = arith.constant 0 : index
    %swap3A_28 = vector.load %arg4[%swap3A_25, %swap3A_26, %swap3A_27] : memref<2x256x128xf32, #tpu.memory_space<vmem>>, vector<1x256x128xf32>
    %swap3A_29 = vector.shape_cast %swap3A_28 : vector<1x256x128xf32> to vector<256x128xf32>
    %swap3A_30 = vector.shape_cast %mul3A_24 : vector<256x128xf32> to vector<1x256x128xf32>
    tpu.vector_store %arg4[%swap3A_25, %swap3A_26, %swap3A_27], %swap3A_30 {strides = array<i32>} : memref<2x256x128xf32, #tpu.memory_space<vmem>>, vector<1x256x128xf32>,
    return
  }
  func.func @transform_0(%arg0: i32) -> (i32, i32) {
    %c0_i32 = arith.constant 0 : i32
    %c0_i32_0 = arith.constant 0 : i32
    return %arg0, %c0_i32 : i32, i32
  }
  func.func @transform_1(%arg0: i32) -> (i32, i32) {
    %c0_i32 = arith.constant 0 : i32
    %c0_i32_0 = arith.constant 0 : i32
    %c0_i32_1 = arith.constant 0 : i32
    return %c0_i32, %c0_i32_0 : i32, i32
  }
  func.func @transform_2(%arg0: i32) -> (i32, i32) {
    %c0_i32 = arith.constant 0 : i32
    %c0_i32_0 = arith.constant 0 : i32
    return %c0_i32, %arg0 : i32, i32
  }
  func.func @transform_3(%arg0: i32) -> (i32, i32, i32) {
    %c0_i32 = arith.constant 0 : i32
    %c0_i32_0 = arith.constant 0 : i32
    %c0_i32_1 = arith.constant 0 : i32
    return %c0_i32, %arg0, %c0_i32_0 : i32, i32, i32
  }
  func.func @transform_4(%arg0: i32) -> (i32, i32) {
    %c0_i32 = arith.constant 0 : i32
    %c0_i32_0 = arith.constant 0 : i32
    return %c0_i32, %arg0 : i32, i32
  }
}

module attributes {stable_mosaic.version = 14 : i64} {
  func.func @tc_gcn_mid(%arg0: i32, %arg1: memref<2x256x128xf32, #tpu.memory_space<vmem>>, %arg2: memref<2x256x128xf32, #tpu.memory_space<vmem>>, %arg3: memref<2x256xf32, #tpu.memory_space<vmem>>, %arg4: memref<1x128xf32, #tpu.memory_space<vmem>>, %arg5: memref<1x128xf32, #tpu.memory_space<vmem>>, %arg6: memref<1x128xf32, #tpu.memory_space<vmem>>, %arg7: memref<128x128xf32, #tpu.memory_space<vmem>>, %arg8: memref<2x256x128xf32, #tpu.memory_space<vmem>>) attributes {dimension_semantics = [#tpu.dimension_semantics<arbitrary>], iteration_bounds = array<i64: 40>, scalar_prefetch = 0 : i64, scratch_operands = 0 : i64, tpu.core_type = #tpu.core_type<tc>, window_params = [{transform_indices = @transform_0, window_bounds = array<i64: 2, 256, 128>}, {transform_indices = @transform_1, window_bounds = array<i64: 2, 256, 128>}, {transform_indices = @transform_2, window_bounds = array<i64: 2, 256>}, {pipeline_mode = #tpu.pipeline_mode<synchronous>, transform_indices = @transform_3, window_bounds = array<i64: 1, 128>}, {pipeline_mode = #tpu.pipeline_mode<synchronous>, transform_indices = @transform_4, window_bounds = array<i64: 1, 128>}, {pipeline_mode = #tpu.pipeline_mode<synchronous>, transform_indices = @transform_5, window_bounds = array<i64: 1, 128>}, {pipeline_mode = #tpu.pipeline_mode<synchronous>, transform_indices = @transform_6, window_bounds = array<i64: 128, 128>}, {transform_indices = @transform_7, window_bounds = array<i64: 2, 256, 128>}]} {
    %get3A = arith.constant 0 : index
    %get3A_0 = arith.constant 0 : index
    %get3A_1 = vector.load %arg3[%get3A, %get3A_0] : memref<2x256xf32, #tpu.memory_space<vmem>>, vector<1x256xf32>
    %get3A_2 = vector.shape_cast %get3A_1 : vector<1x256xf32> to vector<256xf32>
    %broadcast_in_dim3A = vector.shape_cast %get3A_2 : vector<256xf32> to vector<256x1xf32>
    %get3A_3 = arith.constant 0 : index
    %get3A_4 = arith.constant 0 : index
    %get3A_5 = arith.constant 0 : index
    %get3A_6 = vector.load %arg1[%get3A_3, %get3A_4, %get3A_5] : memref<2x256x128xf32, #tpu.memory_space<vmem>>, vector<1x256x128xf32>
    %get3A_7 = vector.shape_cast %get3A_6 : vector<1x256x128xf32> to vector<256x128xf32>
    %get3A_8 = arith.constant 0 : index
    %get3A_9 = arith.constant 0 : index
    %get3A_10 = arith.constant 0 : index
    %get3A_11 = vector.load %arg2[%get3A_8, %get3A_9, %get3A_10] : memref<2x256x128xf32, #tpu.memory_space<vmem>>, vector<1x256x128xf32>
    %get3A_12 = vector.shape_cast %get3A_11 : vector<1x256x128xf32> to vector<256x128xf32>
    %add3A = arith.addf %get3A_7, %get3A_12 : vector<256x128xf32>
    %mul3A = vector.broadcast %broadcast_in_dim3A : vector<256x1xf32> to vector<256x128xf32>
    %mul3A_13 = arith.mulf %mul3A, %add3A : vector<256x128xf32>
    %get3A_14 = arith.constant 0 : index
    %get3A_15 = arith.constant 0 : index
    %get3A_16 = vector.load %arg4[%get3A_14, %get3A_15] : memref<1x128xf32, #tpu.memory_space<vmem>>, vector<1x128xf32>
    %add3A_17 = vector.broadcast %get3A_16 : vector<1x128xf32> to vector<256x128xf32>
    %add3A_18 = arith.addf %mul3A_13, %add3A_17 : vector<256x128xf32>
    %get3A_19 = arith.constant 0 : index
    %get3A_20 = arith.constant 0 : index
    %get3A_21 = vector.load %arg5[%get3A_19, %get3A_20] : memref<1x128xf32, #tpu.memory_space<vmem>>, vector<1x128xf32>
    %get3A_22 = arith.constant 0 : index
    %get3A_23 = arith.constant 0 : index
    %get3A_24 = vector.load %arg6[%get3A_22, %get3A_23] : memref<1x128xf32, #tpu.memory_space<vmem>>, vector<1x128xf32>
    %reduce_sum3A = arith.constant dense<0.000000e+00> : vector<256xf32>
    %reduce_sum3A_25 = vector.multi_reduction <add>, %add3A_18, %reduce_sum3A [1] : vector<256x128xf32> to vector<256xf32>
    %broadcast_in_dim3A_26 = vector.shape_cast %reduce_sum3A_25 : vector<256xf32> to vector<256x1xf32>
    %div3A = arith.constant 1.280000e+02 : f32
    %div3A_27 = vector.broadcast %div3A : f32 to vector<256x1xf32>
    %div3A_28 = arith.divf %broadcast_in_dim3A_26, %div3A_27 : vector<256x1xf32>
    %sub3A = vector.broadcast %div3A_28 : vector<256x1xf32> to vector<256x128xf32>
    %sub3A_29 = arith.subf %add3A_18, %sub3A : vector<256x128xf32>
    %integer_pow3A = arith.mulf %sub3A_29, %sub3A_29 : vector<256x128xf32>
    %reduce_sum3A_30 = arith.constant dense<0.000000e+00> : vector<256xf32>
    %reduce_sum3A_31 = vector.multi_reduction <add>, %integer_pow3A, %reduce_sum3A_30 [1] : vector<256x128xf32> to vector<256xf32>
    %broadcast_in_dim3A_32 = vector.shape_cast %reduce_sum3A_31 : vector<256xf32> to vector<256x1xf32>
    %div3A_33 = arith.constant 1.280000e+02 : f32
    %div3A_34 = vector.broadcast %div3A_33 : f32 to vector<256x1xf32>
    %div3A_35 = arith.divf %broadcast_in_dim3A_32, %div3A_34 : vector<256x1xf32>
    %sub3A_36 = vector.broadcast %div3A_28 : vector<256x1xf32> to vector<256x128xf32>
    %sub3A_37 = arith.subf %add3A_18, %sub3A_36 : vector<256x128xf32>
    %add3A_38 = arith.constant 9.99999974E-6 : f32
    %add3A_39 = vector.broadcast %add3A_38 : f32 to vector<256x1xf32>
    %add3A_40 = arith.addf %div3A_35, %add3A_39 : vector<256x1xf32>
    %sqrt3A = math.sqrt %add3A_40 : vector<256x1xf32>
    %div3A_41 = vector.broadcast %sqrt3A : vector<256x1xf32> to vector<256x128xf32>
    %div3A_42 = arith.divf %sub3A_37, %div3A_41 : vector<256x128xf32>
    %mul3A_43 = vector.broadcast %get3A_21 : vector<1x128xf32> to vector<256x128xf32>
    %mul3A_44 = arith.mulf %div3A_42, %mul3A_43 : vector<256x128xf32>
    %add3A_45 = vector.broadcast %get3A_24 : vector<1x128xf32> to vector<256x128xf32>
    %add3A_46 = arith.addf %mul3A_44, %add3A_45 : vector<256x128xf32>
    %max3A = arith.constant 0.000000e+00 : f32
    %max3A_47 = vector.broadcast %max3A : f32 to vector<256x128xf32>
    %max3A_48 = arith.maximumf %add3A_46, %max3A_47 : vector<256x128xf32>
    %get3A_49 = arith.constant 0 : index
    %get3A_50 = arith.constant 0 : index
    %get3A_51 = vector.load %arg7[%get3A_49, %get3A_50] : memref<128x128xf32, #tpu.memory_space<vmem>>, vector<128x128xf32>
    %dot_general3A = arith.constant dense<0.000000e+00> : vector<256x128xf32>
    %dot_general3A_52 = tpu.matmul %max3A_48, %get3A_51, %dot_general3A {dimension_numbers = #tpu.dot_dimension_numbers<[1], [0], [0], [1], [0, 0, 1, 1], [], []>, transpose_lhs_hint = false} : vector<256x128xf32>, vector<128x128xf32>, vector<256x128xf32> -> vector<256x128xf32>
    %mul3A_53 = vector.broadcast %broadcast_in_dim3A : vector<256x1xf32> to vector<256x128xf32>
    %mul3A_54 = arith.mulf %mul3A_53, %dot_general3A_52 : vector<256x128xf32>
    %swap3A = arith.constant 0 : index
    %swap3A_55 = arith.constant 0 : index
    %swap3A_56 = arith.constant 0 : index
    %swap3A_57 = vector.load %arg8[%swap3A, %swap3A_55, %swap3A_56] : memref<2x256x128xf32, #tpu.memory_space<vmem>>, vector<1x256x128xf32>
    %swap3A_58 = vector.shape_cast %swap3A_57 : vector<1x256x128xf32> to vector<256x128xf32>
    %swap3A_59 = vector.shape_cast %mul3A_54 : vector<256x128xf32> to vector<1x256x128xf32>
    tpu.vector_store %arg8[%swap3A, %swap3A_55, %swap3A_56], %swap3A_59 {strides = array<i32>} : memref<2x256x128xf32, #tpu.memory_space<vmem>>, vector<1x256x128xf32>,
    %get3A_60 = arith.constant 1 : index
    %get3A_61 = arith.constant 0 : index
    %get3A_62 = vector.load %arg3[%get3A_60, %get3A_61] : memref<2x256xf32, #tpu.memory_space<vmem>>, vector<1x256xf32>
    %get3A_63 = vector.shape_cast %get3A_62 : vector<1x256xf32> to vector<256xf32>
    %broadcast_in_dim3A_64 = vector.shape_cast %get3A_63 : vector<256xf32> to vector<256x1xf32>
    %get3A_65 = arith.constant 1 : index
    %get3A_66 = arith.constant 0 : index
    %get3A_67 = arith.constant 0 : index
    %get3A_68 = vector.load %arg1[%get3A_65, %get3A_66, %get3A_67] : memref<2x256x128xf32, #tpu.memory_space<vmem>>, vector<1x256x128xf32>
    %get3A_69 = vector.shape_cast %get3A_68 : vector<1x256x128xf32> to vector<256x128xf32>
    %get3A_70 = arith.constant 1 : index
    %get3A_71 = arith.constant 0 : index
    %get3A_72 = arith.constant 0 : index
    %get3A_73 = vector.load %arg2[%get3A_70, %get3A_71, %get3A_72] : memref<2x256x128xf32, #tpu.memory_space<vmem>>, vector<1x256x128xf32>
    %get3A_74 = vector.shape_cast %get3A_73 : vector<1x256x128xf32> to vector<256x128xf32>
    %add3A_75 = arith.addf %get3A_69, %get3A_74 : vector<256x128xf32>
    %mul3A_76 = vector.broadcast %broadcast_in_dim3A_64 : vector<256x1xf32> to vector<256x128xf32>
    %mul3A_77 = arith.mulf %mul3A_76, %add3A_75 : vector<256x128xf32>
    %get3A_78 = arith.constant 0 : index
    %get3A_79 = arith.constant 0 : index
    %get3A_80 = vector.load %arg4[%get3A_78, %get3A_79] : memref<1x128xf32, #tpu.memory_space<vmem>>, vector<1x128xf32>
    %add3A_81 = vector.broadcast %get3A_80 : vector<1x128xf32> to vector<256x128xf32>
    %add3A_82 = arith.addf %mul3A_77, %add3A_81 : vector<256x128xf32>
    %get3A_83 = arith.constant 0 : index
    %get3A_84 = arith.constant 0 : index
    %get3A_85 = vector.load %arg5[%get3A_83, %get3A_84] : memref<1x128xf32, #tpu.memory_space<vmem>>, vector<1x128xf32>
    %get3A_86 = arith.constant 0 : index
    %get3A_87 = arith.constant 0 : index
    %get3A_88 = vector.load %arg6[%get3A_86, %get3A_87] : memref<1x128xf32, #tpu.memory_space<vmem>>, vector<1x128xf32>
    %reduce_sum3A_89 = arith.constant dense<0.000000e+00> : vector<256xf32>
    %reduce_sum3A_90 = vector.multi_reduction <add>, %add3A_82, %reduce_sum3A_89 [1] : vector<256x128xf32> to vector<256xf32>
    %broadcast_in_dim3A_91 = vector.shape_cast %reduce_sum3A_90 : vector<256xf32> to vector<256x1xf32>
    %div3A_92 = arith.constant 1.280000e+02 : f32
    %div3A_93 = vector.broadcast %div3A_92 : f32 to vector<256x1xf32>
    %div3A_94 = arith.divf %broadcast_in_dim3A_91, %div3A_93 : vector<256x1xf32>
    %sub3A_95 = vector.broadcast %div3A_94 : vector<256x1xf32> to vector<256x128xf32>
    %sub3A_96 = arith.subf %add3A_82, %sub3A_95 : vector<256x128xf32>
    %integer_pow3A_97 = arith.mulf %sub3A_96, %sub3A_96 : vector<256x128xf32>
    %reduce_sum3A_98 = arith.constant dense<0.000000e+00> : vector<256xf32>
    %reduce_sum3A_99 = vector.multi_reduction <add>, %integer_pow3A_97, %reduce_sum3A_98 [1] : vector<256x128xf32> to vector<256xf32>
    %broadcast_in_dim3A_100 = vector.shape_cast %reduce_sum3A_99 : vector<256xf32> to vector<256x1xf32>
    %div3A_101 = arith.constant 1.280000e+02 : f32
    %div3A_102 = vector.broadcast %div3A_101 : f32 to vector<256x1xf32>
    %div3A_103 = arith.divf %broadcast_in_dim3A_100, %div3A_102 : vector<256x1xf32>
    %sub3A_104 = vector.broadcast %div3A_94 : vector<256x1xf32> to vector<256x128xf32>
    %sub3A_105 = arith.subf %add3A_82, %sub3A_104 : vector<256x128xf32>
    %add3A_106 = arith.constant 9.99999974E-6 : f32
    %add3A_107 = vector.broadcast %add3A_106 : f32 to vector<256x1xf32>
    %add3A_108 = arith.addf %div3A_103, %add3A_107 : vector<256x1xf32>
    %sqrt3A_109 = math.sqrt %add3A_108 : vector<256x1xf32>
    %div3A_110 = vector.broadcast %sqrt3A_109 : vector<256x1xf32> to vector<256x128xf32>
    %div3A_111 = arith.divf %sub3A_105, %div3A_110 : vector<256x128xf32>
    %mul3A_112 = vector.broadcast %get3A_85 : vector<1x128xf32> to vector<256x128xf32>
    %mul3A_113 = arith.mulf %div3A_111, %mul3A_112 : vector<256x128xf32>
    %add3A_114 = vector.broadcast %get3A_88 : vector<1x128xf32> to vector<256x128xf32>
    %add3A_115 = arith.addf %mul3A_113, %add3A_114 : vector<256x128xf32>
    %max3A_116 = arith.constant 0.000000e+00 : f32
    %max3A_117 = vector.broadcast %max3A_116 : f32 to vector<256x128xf32>
    %max3A_118 = arith.maximumf %add3A_115, %max3A_117 : vector<256x128xf32>
    %get3A_119 = arith.constant 0 : index
    %get3A_120 = arith.constant 0 : index
    %get3A_121 = vector.load %arg7[%get3A_119, %get3A_120] : memref<128x128xf32, #tpu.memory_space<vmem>>, vector<128x128xf32>
    %dot_general3A_122 = arith.constant dense<0.000000e+00> : vector<256x128xf32>
    %dot_general3A_123 = tpu.matmul %max3A_118, %get3A_121, %dot_general3A_122 {dimension_numbers = #tpu.dot_dimension_numbers<[1], [0], [0], [1], [0, 0, 1, 1], [], []>, transpose_lhs_hint = false} : vector<256x128xf32>, vector<128x128xf32>, vector<256x128xf32> -> vector<256x128xf32>
    %mul3A_124 = vector.broadcast %broadcast_in_dim3A_64 : vector<256x1xf32> to vector<256x128xf32>
    %mul3A_125 = arith.mulf %mul3A_124, %dot_general3A_123 : vector<256x128xf32>
    %swap3A_126 = arith.constant 1 : index
    %swap3A_127 = arith.constant 0 : index
    %swap3A_128 = arith.constant 0 : index
    %swap3A_129 = vector.load %arg8[%swap3A_126, %swap3A_127, %swap3A_128] : memref<2x256x128xf32, #tpu.memory_space<vmem>>, vector<1x256x128xf32>
    %swap3A_130 = vector.shape_cast %swap3A_129 : vector<1x256x128xf32> to vector<256x128xf32>
    %swap3A_131 = vector.shape_cast %mul3A_125 : vector<256x128xf32> to vector<1x256x128xf32>
    tpu.vector_store %arg8[%swap3A_126, %swap3A_127, %swap3A_128], %swap3A_131 {strides = array<i32>} : memref<2x256x128xf32, #tpu.memory_space<vmem>>, vector<1x256x128xf32>,
    return
  }
  func.func @transform_0(%arg0: i32) -> (i32, i32, i32) {
    %c0_i32 = arith.constant 0 : i32
    %c0_i32_0 = arith.constant 0 : i32
    %c0_i32_1 = arith.constant 0 : i32
    return %c0_i32, %arg0, %c0_i32_0 : i32, i32, i32
  }
  func.func @transform_1(%arg0: i32) -> (i32, i32, i32) {
    %c0_i32 = arith.constant 0 : i32
    %c0_i32_0 = arith.constant 0 : i32
    %c0_i32_1 = arith.constant 0 : i32
    return %c0_i32, %arg0, %c0_i32_0 : i32, i32, i32
  }
  func.func @transform_2(%arg0: i32) -> (i32, i32) {
    %c0_i32 = arith.constant 0 : i32
    %c0_i32_0 = arith.constant 0 : i32
    return %c0_i32, %arg0 : i32, i32
  }
  func.func @transform_3(%arg0: i32) -> (i32, i32) {
    %c0_i32 = arith.constant 0 : i32
    %c0_i32_0 = arith.constant 0 : i32
    %c0_i32_1 = arith.constant 0 : i32
    return %c0_i32, %c0_i32_0 : i32, i32
  }
  func.func @transform_4(%arg0: i32) -> (i32, i32) {
    %c0_i32 = arith.constant 0 : i32
    %c0_i32_0 = arith.constant 0 : i32
    %c0_i32_1 = arith.constant 0 : i32
    return %c0_i32, %c0_i32_0 : i32, i32
  }
  func.func @transform_5(%arg0: i32) -> (i32, i32) {
    %c0_i32 = arith.constant 0 : i32
    %c0_i32_0 = arith.constant 0 : i32
    %c0_i32_1 = arith.constant 0 : i32
    return %c0_i32, %c0_i32_0 : i32, i32
  }
  func.func @transform_6(%arg0: i32) -> (i32, i32) {
    %c0_i32 = arith.constant 0 : i32
    %c0_i32_0 = arith.constant 0 : i32
    %c0_i32_1 = arith.constant 0 : i32
    return %c0_i32, %c0_i32_0 : i32, i32
  }
  func.func @transform_7(%arg0: i32) -> (i32, i32, i32) {
    %c0_i32 = arith.constant 0 : i32
    %c0_i32_0 = arith.constant 0 : i32
    %c0_i32_1 = arith.constant 0 : i32
    return %c0_i32, %arg0, %c0_i32_0 : i32, i32, i32
  }
}

module attributes {stable_mosaic.version = 14 : i64} {
  func.func @tc_gcn_post(%arg0: i32, %arg1: memref<2x256x128xf32, #tpu.memory_space<vmem>>, %arg2: memref<2x256x128xf32, #tpu.memory_space<vmem>>, %arg3: memref<2x256xf32, #tpu.memory_space<vmem>>, %arg4: memref<1x128xf32, #tpu.memory_space<vmem>>, %arg5: memref<1x128xf32, #tpu.memory_space<vmem>>, %arg6: memref<1x128xf32, #tpu.memory_space<vmem>>, %arg7: memref<2x128x64xf32, #tpu.memory_space<vmem>>, %arg8: memref<1x64xf32, #tpu.memory_space<vmem>>, %arg9: memref<256x64xf32, #tpu.memory_space<vmem>>) attributes {dimension_semantics = [#tpu.dimension_semantics<arbitrary>], iteration_bounds = array<i64: 40>, scalar_prefetch = 0 : i64, scratch_operands = 0 : i64, tpu.core_type = #tpu.core_type<tc>, window_params = [{transform_indices = @transform_0, window_bounds = array<i64: 2, 256, 128>}, {transform_indices = @transform_1, window_bounds = array<i64: 2, 256, 128>}, {transform_indices = @transform_2, window_bounds = array<i64: 2, 256>}, {pipeline_mode = #tpu.pipeline_mode<synchronous>, transform_indices = @transform_3, window_bounds = array<i64: 1, 128>}, {pipeline_mode = #tpu.pipeline_mode<synchronous>, transform_indices = @transform_4, window_bounds = array<i64: 1, 128>}, {pipeline_mode = #tpu.pipeline_mode<synchronous>, transform_indices = @transform_5, window_bounds = array<i64: 1, 128>}, {pipeline_mode = #tpu.pipeline_mode<synchronous>, transform_indices = @transform_6, window_bounds = array<i64: 2, 128, 64>}, {pipeline_mode = #tpu.pipeline_mode<synchronous>, transform_indices = @transform_7, window_bounds = array<i64: 1, 64>}, {transform_indices = @transform_8, window_bounds = array<i64: 256, 64>}]} {
    %get3A = arith.constant 0 : index
    %get3A_0 = arith.constant 0 : index
    %get3A_1 = vector.load %arg8[%get3A, %get3A_0] : memref<1x64xf32, #tpu.memory_space<vmem>>, vector<1x64xf32>
    %broadcast_in_dim3A = vector.shape_cast %get3A_1 : vector<1x64xf32> to vector<1x64xf32>
    %broadcast_in_dim3A_2 = vector.broadcast %broadcast_in_dim3A : vector<1x64xf32> to vector<256x64xf32>
    %get3A_3 = arith.constant 0 : index
    %get3A_4 = arith.constant 0 : index
    %get3A_5 = vector.load %arg3[%get3A_3, %get3A_4] : memref<2x256xf32, #tpu.memory_space<vmem>>, vector<1x256xf32>
    %get3A_6 = vector.shape_cast %get3A_5 : vector<1x256xf32> to vector<256xf32>
    %broadcast_in_dim3A_7 = vector.shape_cast %get3A_6 : vector<256xf32> to vector<256x1xf32>
    %get3A_8 = arith.constant 0 : index
    %get3A_9 = arith.constant 0 : index
    %get3A_10 = arith.constant 0 : index
    %get3A_11 = vector.load %arg1[%get3A_8, %get3A_9, %get3A_10] : memref<2x256x128xf32, #tpu.memory_space<vmem>>, vector<1x256x128xf32>
    %get3A_12 = vector.shape_cast %get3A_11 : vector<1x256x128xf32> to vector<256x128xf32>
    %get3A_13 = arith.constant 0 : index
    %get3A_14 = arith.constant 0 : index
    %get3A_15 = arith.constant 0 : index
    %get3A_16 = vector.load %arg2[%get3A_13, %get3A_14, %get3A_15] : memref<2x256x128xf32, #tpu.memory_space<vmem>>, vector<1x256x128xf32>
    %get3A_17 = vector.shape_cast %get3A_16 : vector<1x256x128xf32> to vector<256x128xf32>
    %add3A = arith.addf %get3A_12, %get3A_17 : vector<256x128xf32>
    %mul3A = vector.broadcast %broadcast_in_dim3A_7 : vector<256x1xf32> to vector<256x128xf32>
    %mul3A_18 = arith.mulf %mul3A, %add3A : vector<256x128xf32>
    %get3A_19 = arith.constant 0 : index
    %get3A_20 = arith.constant 0 : index
    %get3A_21 = vector.load %arg4[%get3A_19, %get3A_20] : memref<1x128xf32, #tpu.memory_space<vmem>>, vector<1x128xf32>
    %add3A_22 = vector.broadcast %get3A_21 : vector<1x128xf32> to vector<256x128xf32>
    %add3A_23 = arith.addf %mul3A_18, %add3A_22 : vector<256x128xf32>
    %get3A_24 = arith.constant 0 : index
    %get3A_25 = arith.constant 0 : index
    %get3A_26 = vector.load %arg5[%get3A_24, %get3A_25] : memref<1x128xf32, #tpu.memory_space<vmem>>, vector<1x128xf32>
    %get3A_27 = arith.constant 0 : index
    %get3A_28 = arith.constant 0 : index
    %get3A_29 = vector.load %arg6[%get3A_27, %get3A_28] : memref<1x128xf32, #tpu.memory_space<vmem>>, vector<1x128xf32>
    %reduce_sum3A = arith.constant dense<0.000000e+00> : vector<256xf32>
    %reduce_sum3A_30 = vector.multi_reduction <add>, %add3A_23, %reduce_sum3A [1] : vector<256x128xf32> to vector<256xf32>
    %broadcast_in_dim3A_31 = vector.shape_cast %reduce_sum3A_30 : vector<256xf32> to vector<256x1xf32>
    %div3A = arith.constant 1.280000e+02 : f32
    %div3A_32 = vector.broadcast %div3A : f32 to vector<256x1xf32>
    %div3A_33 = arith.divf %broadcast_in_dim3A_31, %div3A_32 : vector<256x1xf32>
    %sub3A = vector.broadcast %div3A_33 : vector<256x1xf32> to vector<256x128xf32>
    %sub3A_34 = arith.subf %add3A_23, %sub3A : vector<256x128xf32>
    %integer_pow3A = arith.mulf %sub3A_34, %sub3A_34 : vector<256x128xf32>
    %reduce_sum3A_35 = arith.constant dense<0.000000e+00> : vector<256xf32>
    %reduce_sum3A_36 = vector.multi_reduction <add>, %integer_pow3A, %reduce_sum3A_35 [1] : vector<256x128xf32> to vector<256xf32>
    %broadcast_in_dim3A_37 = vector.shape_cast %reduce_sum3A_36 : vector<256xf32> to vector<256x1xf32>
    %div3A_38 = arith.constant 1.280000e+02 : f32
    %div3A_39 = vector.broadcast %div3A_38 : f32 to vector<256x1xf32>
    %div3A_40 = arith.divf %broadcast_in_dim3A_37, %div3A_39 : vector<256x1xf32>
    %sub3A_41 = vector.broadcast %div3A_33 : vector<256x1xf32> to vector<256x128xf32>
    %sub3A_42 = arith.subf %add3A_23, %sub3A_41 : vector<256x128xf32>
    %add3A_43 = arith.constant 9.99999974E-6 : f32
    %add3A_44 = vector.broadcast %add3A_43 : f32 to vector<256x1xf32>
    %add3A_45 = arith.addf %div3A_40, %add3A_44 : vector<256x1xf32>
    %sqrt3A = math.sqrt %add3A_45 : vector<256x1xf32>
    %div3A_46 = vector.broadcast %sqrt3A : vector<256x1xf32> to vector<256x128xf32>
    %div3A_47 = arith.divf %sub3A_42, %div3A_46 : vector<256x128xf32>
    %mul3A_48 = vector.broadcast %get3A_26 : vector<1x128xf32> to vector<256x128xf32>
    %mul3A_49 = arith.mulf %div3A_47, %mul3A_48 : vector<256x128xf32>
    %add3A_50 = vector.broadcast %get3A_29 : vector<1x128xf32> to vector<256x128xf32>
    %add3A_51 = arith.addf %mul3A_49, %add3A_50 : vector<256x128xf32>
    %max3A = arith.constant 0.000000e+00 : f32
    %max3A_52 = vector.broadcast %max3A : f32 to vector<256x128xf32>
    %max3A_53 = arith.maximumf %add3A_51, %max3A_52 : vector<256x128xf32>
    %get3A_54 = arith.constant 0 : index
    %get3A_55 = arith.constant 0 : index
    %get3A_56 = arith.constant 0 : index
    %get3A_57 = vector.load %arg7[%get3A_54, %get3A_55, %get3A_56] : memref<2x128x64xf32, #tpu.memory_space<vmem>>, vector<1x128x64xf32>
    %get3A_58 = vector.shape_cast %get3A_57 : vector<1x128x64xf32> to vector<128x64xf32>
    %dot_general3A = arith.constant dense<0.000000e+00> : vector<256x64xf32>
    %dot_general3A_59 = tpu.matmul %max3A_53, %get3A_58, %dot_general3A {dimension_numbers = #tpu.dot_dimension_numbers<[1], [0], [0], [1], [0, 0, 1, 1], [], []>, transpose_lhs_hint = false} : vector<256x128xf32>, vector<128x64xf32>, vector<256x64xf32> -> vector<256x64xf32>
    %add3A_60 = arith.addf %broadcast_in_dim3A_2, %dot_general3A_59 : vector<256x64xf32>
    %get3A_61 = arith.constant 1 : index
    %get3A_62 = arith.constant 0 : index
    %get3A_63 = vector.load %arg3[%get3A_61, %get3A_62] : memref<2x256xf32, #tpu.memory_space<vmem>>, vector<1x256xf32>
    %get3A_64 = vector.shape_cast %get3A_63 : vector<1x256xf32> to vector<256xf32>
    %broadcast_in_dim3A_65 = vector.shape_cast %get3A_64 : vector<256xf32> to vector<256x1xf32>
    %get3A_66 = arith.constant 1 : index
    %get3A_67 = arith.constant 0 : index
    %get3A_68 = arith.constant 0 : index
    %get3A_69 = vector.load %arg1[%get3A_66, %get3A_67, %get3A_68] : memref<2x256x128xf32, #tpu.memory_space<vmem>>, vector<1x256x128xf32>
    %get3A_70 = vector.shape_cast %get3A_69 : vector<1x256x128xf32> to vector<256x128xf32>
    %get3A_71 = arith.constant 1 : index
    %get3A_72 = arith.constant 0 : index
    %get3A_73 = arith.constant 0 : index
    %get3A_74 = vector.load %arg2[%get3A_71, %get3A_72, %get3A_73] : memref<2x256x128xf32, #tpu.memory_space<vmem>>, vector<1x256x128xf32>
    %get3A_75 = vector.shape_cast %get3A_74 : vector<1x256x128xf32> to vector<256x128xf32>
    %add3A_76 = arith.addf %get3A_70, %get3A_75 : vector<256x128xf32>
    %mul3A_77 = vector.broadcast %broadcast_in_dim3A_65 : vector<256x1xf32> to vector<256x128xf32>
    %mul3A_78 = arith.mulf %mul3A_77, %add3A_76 : vector<256x128xf32>
    %get3A_79 = arith.constant 0 : index
    %get3A_80 = arith.constant 0 : index
    %get3A_81 = vector.load %arg4[%get3A_79, %get3A_80] : memref<1x128xf32, #tpu.memory_space<vmem>>, vector<1x128xf32>
    %add3A_82 = vector.broadcast %get3A_81 : vector<1x128xf32> to vector<256x128xf32>
    %add3A_83 = arith.addf %mul3A_78, %add3A_82 : vector<256x128xf32>
    %get3A_84 = arith.constant 0 : index
    %get3A_85 = arith.constant 0 : index
    %get3A_86 = vector.load %arg5[%get3A_84, %get3A_85] : memref<1x128xf32, #tpu.memory_space<vmem>>, vector<1x128xf32>
    %get3A_87 = arith.constant 0 : index
    %get3A_88 = arith.constant 0 : index
    %get3A_89 = vector.load %arg6[%get3A_87, %get3A_88] : memref<1x128xf32, #tpu.memory_space<vmem>>, vector<1x128xf32>
    %reduce_sum3A_90 = arith.constant dense<0.000000e+00> : vector<256xf32>
    %reduce_sum3A_91 = vector.multi_reduction <add>, %add3A_83, %reduce_sum3A_90 [1] : vector<256x128xf32> to vector<256xf32>
    %broadcast_in_dim3A_92 = vector.shape_cast %reduce_sum3A_91 : vector<256xf32> to vector<256x1xf32>
    %div3A_93 = arith.constant 1.280000e+02 : f32
    %div3A_94 = vector.broadcast %div3A_93 : f32 to vector<256x1xf32>
    %div3A_95 = arith.divf %broadcast_in_dim3A_92, %div3A_94 : vector<256x1xf32>
    %sub3A_96 = vector.broadcast %div3A_95 : vector<256x1xf32> to vector<256x128xf32>
    %sub3A_97 = arith.subf %add3A_83, %sub3A_96 : vector<256x128xf32>
    %integer_pow3A_98 = arith.mulf %sub3A_97, %sub3A_97 : vector<256x128xf32>
    %reduce_sum3A_99 = arith.constant dense<0.000000e+00> : vector<256xf32>
    %reduce_sum3A_100 = vector.multi_reduction <add>, %integer_pow3A_98, %reduce_sum3A_99 [1] : vector<256x128xf32> to vector<256xf32>
    %broadcast_in_dim3A_101 = vector.shape_cast %reduce_sum3A_100 : vector<256xf32> to vector<256x1xf32>
    %div3A_102 = arith.constant 1.280000e+02 : f32
    %div3A_103 = vector.broadcast %div3A_102 : f32 to vector<256x1xf32>
    %div3A_104 = arith.divf %broadcast_in_dim3A_101, %div3A_103 : vector<256x1xf32>
    %sub3A_105 = vector.broadcast %div3A_95 : vector<256x1xf32> to vector<256x128xf32>
    %sub3A_106 = arith.subf %add3A_83, %sub3A_105 : vector<256x128xf32>
    %add3A_107 = arith.constant 9.99999974E-6 : f32
    %add3A_108 = vector.broadcast %add3A_107 : f32 to vector<256x1xf32>
    %add3A_109 = arith.addf %div3A_104, %add3A_108 : vector<256x1xf32>
    %sqrt3A_110 = math.sqrt %add3A_109 : vector<256x1xf32>
    %div3A_111 = vector.broadcast %sqrt3A_110 : vector<256x1xf32> to vector<256x128xf32>
    %div3A_112 = arith.divf %sub3A_106, %div3A_111 : vector<256x128xf32>
    %mul3A_113 = vector.broadcast %get3A_86 : vector<1x128xf32> to vector<256x128xf32>
    %mul3A_114 = arith.mulf %div3A_112, %mul3A_113 : vector<256x128xf32>
    %add3A_115 = vector.broadcast %get3A_89 : vector<1x128xf32> to vector<256x128xf32>
    %add3A_116 = arith.addf %mul3A_114, %add3A_115 : vector<256x128xf32>
    %max3A_117 = arith.constant 0.000000e+00 : f32
    %max3A_118 = vector.broadcast %max3A_117 : f32 to vector<256x128xf32>
    %max3A_119 = arith.maximumf %add3A_116, %max3A_118 : vector<256x128xf32>
    %get3A_120 = arith.constant 1 : index
    %get3A_121 = arith.constant 0 : index
    %get3A_122 = arith.constant 0 : index
    %get3A_123 = vector.load %arg7[%get3A_120, %get3A_121, %get3A_122] : memref<2x128x64xf32, #tpu.memory_space<vmem>>, vector<1x128x64xf32>
    %get3A_124 = vector.shape_cast %get3A_123 : vector<1x128x64xf32> to vector<128x64xf32>
    %dot_general3A_125 = arith.constant dense<0.000000e+00> : vector<256x64xf32>
    %dot_general3A_126 = tpu.matmul %max3A_119, %get3A_124, %dot_general3A_125 {dimension_numbers = #tpu.dot_dimension_numbers<[1], [0], [0], [1], [0, 0, 1, 1], [], []>, transpose_lhs_hint = false} : vector<256x128xf32>, vector<128x64xf32>, vector<256x64xf32> -> vector<256x64xf32>
    %add3A_127 = arith.addf %add3A_60, %dot_general3A_126 : vector<256x64xf32>
    %swap3A = arith.constant 0 : index
    %swap3A_128 = arith.constant 0 : index
    %swap3A_129 = vector.load %arg9[%swap3A, %swap3A_128] : memref<256x64xf32, #tpu.memory_space<vmem>>, vector<256x64xf32>
    tpu.vector_store %arg9[%swap3A, %swap3A_128], %add3A_127 {strides = array<i32>} : memref<256x64xf32, #tpu.memory_space<vmem>>, vector<256x64xf32>,
    return
  }
  func.func @transform_0(%arg0: i32) -> (i32, i32, i32) {
    %c0_i32 = arith.constant 0 : i32
    %c0_i32_0 = arith.constant 0 : i32
    %c0_i32_1 = arith.constant 0 : i32
    return %c0_i32, %arg0, %c0_i32_0 : i32, i32, i32
  }
  func.func @transform_1(%arg0: i32) -> (i32, i32, i32) {
    %c0_i32 = arith.constant 0 : i32
    %c0_i32_0 = arith.constant 0 : i32
    %c0_i32_1 = arith.constant 0 : i32
    return %c0_i32, %arg0, %c0_i32_0 : i32, i32, i32
  }
  func.func @transform_2(%arg0: i32) -> (i32, i32) {
    %c0_i32 = arith.constant 0 : i32
    %c0_i32_0 = arith.constant 0 : i32
    return %c0_i32, %arg0 : i32, i32
  }
  func.func @transform_3(%arg0: i32) -> (i32, i32) {
    %c0_i32 = arith.constant 0 : i32
    %c0_i32_0 = arith.constant 0 : i32
    %c0_i32_1 = arith.constant 0 : i32
    return %c0_i32, %c0_i32_0 : i32, i32
  }
  func.func @transform_4(%arg0: i32) -> (i32, i32) {
    %c0_i32 = arith.constant 0 : i32
    %c0_i32_0 = arith.constant 0 : i32
    %c0_i32_1 = arith.constant 0 : i32
    return %c0_i32, %c0_i32_0 : i32, i32
  }
  func.func @transform_5(%arg0: i32) -> (i32, i32) {
    %c0_i32 = arith.constant 0 : i32
    %c0_i32_0 = arith.constant 0 : i32
    %c0_i32_1 = arith.constant 0 : i32
    return %c0_i32, %c0_i32_0 : i32, i32
  }
  func.func @transform_6(%arg0: i32) -> (i32, i32, i32) {
    %c0_i32 = arith.constant 0 : i32
    %c0_i32_0 = arith.constant 0 : i32
    %c0_i32_1 = arith.constant 0 : i32
    %c0_i32_2 = arith.constant 0 : i32
    return %c0_i32, %c0_i32_0, %c0_i32_1 : i32, i32, i32
  }
  func.func @transform_7(%arg0: i32) -> (i32, i32) {
    %c0_i32 = arith.constant 0 : i32
    %c0_i32_0 = arith.constant 0 : i32
    %c0_i32_1 = arith.constant 0 : i32
    return %c0_i32, %c0_i32_0 : i32, i32
  }
  func.func @transform_8(%arg0: i32) -> (i32, i32) {
    %c0_i32 = arith.constant 0 : i32
    %c0_i32_0 = arith.constant 0 : i32
    return %arg0, %c0_i32 : i32, i32
  }
}

</mosaic_0001>

<sc_bundles>
// kernel: sc_gcn_deg.3.cloned.1.call-start
scs
__scs_entry_jumppad:
0x0: {  	(pc) =	sbr.rel $0x88, $3  }
0x1: {  	(tag) =	ssettag $0x0;
	lr =	simm.s32 $0x1  }
0x2: {  	[smem:$0x3F94] =	sst lr;
	_ =	strace $0xD0000000  }
0x3: {  	_ = 	snop  }
0x4: {  	_ = 	snop  }
0x5: {  	_ = 	snop  }
0x6: {  	_ = 	snop  }
0x7: {  	_ = 	snop  }
__scs_overlays_trampoline_lowered:
0x8: {  	[smem:$0x3FA3] =	sst s0  }
0x9: {  	[smem:$0x3FA4] =	sst s1  }
0xa: {  	[smem:$0x3FA5] =	sst s2  }
0xb: {  	[smem:$0x3FA6] =	sst s3  }
0xc: {  	[smem:$0x3FA7] =	sst s4  }
0xd: {  	[smem:$0x3FA8] =	sst s5  }
0xe: {  	[smem:$0x3FA9] =	sst s6  }
0xf: {  	[smem:$0x3FAA] =	sst s7  }
0x10: {  	[smem:$0x3FAB] =	sst s8  }
0x11: {  	[smem:$0x3FAC] =	sst s9;
	s0 =	simm.s32 @!p0 $0x0  }
0x12: {  	s1 =	sld [smem:$0x3F92];
	s0 =	simm.s32 @p0 $0x1  }
0x13: {  	[smem:$0x3FAD] =	sst s0;
	s0 =	simm.s32 @!p1 $0x0  }
0x14: {  	s2 =	sld [smem:$0x3F91];
	s0 =	simm.s32 @p1 $0x1  }
0x15: {  	[smem:$0x3FAE] =	sst s0;
	s0 =	simm.s32 @!p2 $0x0  }
0x16: {  	s3 =	sld [smem:$0x3FDB];
	s0 =	simm.s32 @p2 $0x1  }
0x17: {  	s4 =	simm.s32 $0x1BF5;
	[smem:$0x3FB0] =	sst s0  }
0x18: {  	s0 =	sld [smem:$0x3F93];
	_ =	swait.ge [sflag:s4], $0x0  }
0x19: {  	s7 =	sld [smem:$0x3F94]  }
0x1a: {  	s8 =	sadd.s32 $0xFFFFE003, lr  }
0x1b: {  	s9 =	sadd.s32 $0xFFFFFEF7, lr;
	s5 =	simm.s32 $0xFFFFFFFF;
	p2 =	slt.u32 s8, $0xFFFFF086  }
0x1c: {  	p1 =	slt.u32 s9, $0xF7A;
	s5 =	simm.s32 @!p2 $0x0  }
0x1d: {  	s5 =	simm.s32 @p1 $0x1;
	p0 =	seq.s32 s7, s2  }
0x1e: {  	s7 =	smul.u32 @!p0 $0xF7A, s2;
	p2 =	seq.s32 @!p0 s5, $0x0  }
0x1f: {  	s9 =	smul.u32 $0xF7A, s1;
	s8 =	simm.s32 @!p0 $0x1BF5;
	p2 =	por !p2, p0  }
0x20: {  	[sflag:s8] =	ssyncset.s32 @!p0 $0xFFFFF086;
	s6 =	sadd.s32 @!p0 s3, s7;
	s7 =	simm.s32 @!p0 $0x108  }
0x21: {  	s3 =	sadd.s32 s3, s9;
	s6 =	sadd.s32 @!p0 $0x88, s6;
	s7 =	simm.s32 @p2 $0x1082  }
0x22: {  	[simem:s7], [sflag:s8] =	dma.local @!p0 [hbm:s6], $0xF7A  }
0x23: {  	s9 =	sor.u32 $0xD0000000, s2;
	s6 =	simm.s32 $0x108;
	_ =	swait.ge @!p0 [sflag:s8], $0x0  }
0x24: {  	s3 =	sadd.s32 $0x88, s3;
	s6 =	simm.s32 @!p1 $0x1082;
	[sflag:s4] =	ssyncset.s32 $0xFFFFF086  }
0x25: {  	[simem:s6], [sflag:s4] =	dma.local [hbm:s3], $0xF7A  }
0x26: {  	[smem:$0x3F94] =	sst s1;
	(tag) =	ssettag s2;
	_ =	strace s9  }
0x27: {  	s1 =	sld [smem:$0x3FA4]  }
0x28: {  	s2 =	sld [smem:$0x3FA5]  }
0x29: {  	s4 =	sld [smem:$0x3FA7]  }
0x2a: {  	p0 =	seq.s32 s5, $0x0;
	s5 =	sld [smem:$0x3FA8]  }
0x2b: {  	s6 =	sld [smem:$0x3FA9]  }
0x2c: {  	s7 =	sld [smem:$0x3FAA]  }
0x2d: {  	s3 =	simm.s32 $0x108;
	s8 =	sld [smem:$0x3FAB]  }
0x2e: {  	s3 =	simm.s32 @!p0 $0x1082;
	s9 =	sld [smem:$0x3FAC]  }
0x2f: {  	lr =	sadd.s32 s0, s3;
	s0 =	sld [smem:$0x3FA3]  }
0x30: {  	s3 =	sld [smem:$0x3FA6]  }
0x31: {  	[smem:$0x3FAF] =	sst s10  }
0x32: {  	s10 =	sld [smem:$0x3FAD];
	_ =	sdelay $0x3  }
0x33: {  	p0 =	seq.s32 s10, $0x1;
	s10 =	sld [smem:$0x3FAF];
	_ =	sdelay $0x3  }
0x34: {  	[smem:$0x3FAF] =	sst s10  }
0x35: {  	s10 =	sld [smem:$0x3FAE];
	_ =	sdelay $0x3  }
0x36: {  	p1 =	seq.s32 s10, $0x1;
	s10 =	sld [smem:$0x3FAF];
	_ =	sdelay $0x3  }
0x37: {  	[smem:$0x3FAF] =	sst s10  }
0x38: {  	s10 =	sld [smem:$0x3FB0]  }
0x39: {  	_ = 	snop;
	(pc) =	sbr.ind lr, $3  }
0x3a: {  	_ = 	snop  }
0x3b: {  	_ = 	snop  }
0x3c: {  	p2 =	seq.s32 s10, $0x1;
	s10 =	sld [smem:$0x3FAF]  }
0x3d: {  	_ =	shalt  }
0x3e: {  	_ =	shalt  }
0x3f: {  	_ =	shalt  }
0x40: {  	_ =	shalt  }
0x41: {  	_ =	shalt  }
0x42: {  	_ =	shalt  }
0x43: {  	_ =	shalt  }
0x44: {  	_ =	shalt  }
0x45: {  	_ =	shalt  }
0x46: {  	_ =	shalt  }
0x47: {  	_ =	shalt  }
0x48: {  	_ =	shalt  }
0x49: {  	_ =	shalt  }
0x4a: {  	_ =	shalt  }
0x4b: {  	_ =	shalt  }
0x4c: {  	_ =	shalt  }
0x4d: {  	_ =	shalt  }
0x4e: {  	_ =	shalt  }
0x4f: {  	_ =	shalt  }
0x50: {  	_ =	shalt  }
0x51: {  	_ =	shalt  }
0x52: {  	_ =	shalt  }
0x53: {  	_ =	shalt  }
0x54: {  	_ =	shalt  }
0x55: {  	_ =	shalt  }
0x56: {  	_ =	shalt  }
0x57: {  	_ =	shalt  }
0x58: {  	_ =	shalt  }
0x59: {  	_ =	shalt  }
0x5a: {  	_ =	shalt  }
0x5b: {  	_ =	shalt  }
0x5c: {  	_ =	shalt  }
0x5d: {  	_ =	shalt  }
0x5e: {  	_ =	shalt  }
0x5f: {  	_ =	shalt  }
0x60: {  	_ =	shalt  }
0x61: {  	_ =	shalt  }
0x62: {  	_ =	shalt  }
0x63: {  	_ =	shalt  }
0x64: {  	_ =	shalt  }
0x65: {  	_ =	shalt  }
0x66: {  	_ =	shalt  }
0x67: {  	_ =	shalt  }
0x68: {  	_ =	shalt  }
0x69: {  	_ =	shalt  }
0x6a: {  	_ =	shalt  }
0x6b: {  	_ =	shalt  }
0x6c: {  	_ =	shalt  }
0x6d: {  	_ =	shalt  }
0x6e: {  	_ =	shalt  }
0x6f: {  	_ =	shalt  }
0x70: {  	_ =	shalt  }
0x71: {  	_ =	shalt  }
0x72: {  	_ =	shalt  }
0x73: {  	_ =	shalt  }
0x74: {  	_ =	shalt  }
0x75: {  	_ =	shalt  }
0x76: {  	_ =	shalt  }
0x77: {  	_ =	shalt  }
0x78: {  	_ =	shalt  }
0x79: {  	_ =	shalt  }
0x7a: {  	_ =	shalt  }
0x7b: {  	_ =	shalt  }
0x7c: {  	_ =	shalt  }
0x7d: {  	_ =	shalt  }
0x7e: {  	_ =	shalt  }
0x7f: {  	_ =	shalt  }
0x80: {  	_ =	shalt  }
0x81: {  	_ =	shalt  }
0x82: {  	_ =	shalt  }
0x83: {  	_ =	shalt  }
0x84: {  	_ =	shalt  }
0x85: {  	_ =	shalt  }
0x86: {  	_ =	shalt  }
0x87: {  	_ =	shalt  }
.Lfunc_end0:
.L_simem_size_0:
called_computation_lowered:
.L_overlay_start_0:
0x88: {  	s2 =	sld [smem:$0x3FD9]  }
0x89: {  	s3 =	sld [smem:$0x3FFE];
	_ =	sdelay $0x1  }
0x8a: {  	s1 =	srdreg.scid  }
0x8b: {  	s0 =	sand.u32 $0x1, s1  }
0x8c: {  	s17 =	sshll.u32 s0, $0xA;
	s2 =	sadd.s32 s3, s2  }
0x8d: {  	s2 =	sadd.s32 s2, s17  }
0x8e: {  	[smem:$0x3FBB] =	sst s2  }
0x8f: {  	_ = 	snop  }
0x90: {  	s2 =	sld [smem:$0x3FD0];
	(tm) =	ssettm $0x1  }
0x91: {  	s18 =	sld [smem:$0x3FFB];
	_ =	sdelay $0x3  }
0x92: {  	_ =	strace s18  }
0x93: {  	s3 =	sld [smem:$0x3FFC];
	_ =	sdelay $0x3  }
0x94: {  	_ =	strace s3  }
0x95: {  	s3 =	sld [smem:$0x3FFD];
	_ =	sdelay $0x3  }
0x96: {  	_ =	strace s3  }
0x97: {  	_ =	strace $0x8FFFFFFF  }
0x98: {  	s19 =	sld [smem:$0x3FDB];
	_ =	sdelay $0x1  }
0x99: {  	s4 =	simm.s32 $_scs_section_size  }
0x9a: {  	s5 =	simm.s32 $_size__tile_overlayer_lowered;
	s6 =	simm.s32 $_tile_overlayer_lowered  }
0x9b: {  	s22 =	simm.s32 $0x1BFF;
	s21 =	sshll.u32 s6, $0x1;
	s3 =	sadd.s32 s4, s19  }
0x9c: {  	s7 =	simm.s32 $0x0;
	s20 =	sshll.u32 s5, $0x1;
	s5 =	sadd.s32 s21, s3  }
0x9d: {  	[timem:s7], [sflag:s22] =	dma.local [hbm:s5], s20  }
0x9e: {  	_ =	swait.ge [sflag:s22], s20  }
0x9f: {  	s4 =	ssub.s32 $0x0, s20;
	[sflag:s22] =	ssyncset.done $0x0  }
0xa0: {  	[sflag:s22] =	ssyncadd.s32 s4;
	_ =	sdelay $0x1  }
0xa1: {  	s23 =	simm.s32 $0x1B8B  }
0xa2: {  	_ =	swait.ge [sflag:s23], $0x1  }
0xa3: {  	[sflag:s23] =	ssyncset.done $0x0  }
0xa4: {  	s25 =	simm.s32 $0x1B8E;
	s24 =	sld [smem:$0x3FFE];
	[sflag:s23] =	ssyncadd.s32 $0xFFFFFFFF  }
0xa5: {  	s26 =	simm.s32 $execute0_lowered;
	[smem:$0x3FD2] =	sst s25  }
0xa6: {  	s5 =	sshll.u32 s26, $0x1;
	_ =	strace $0x80000046;
	[dreg:$0x1] =	wrdreg $0xFFFFFFFF  }
0xa7: {  	s28 =	simm.s32 $_size_execute0_lowered;
	s3 =	sadd.s32 s3, s5;
	[dreg:$0x0] =	wrdreg $0x0  }
0xa8: {  	s5 =	sshll.u32 s28, $0x1;
	[dreg:$0x2] =	wrdreg s3  }
0xa9: {  	[dreg:$0x3] =	wrdreg s5  }
0xaa: {  	[dreg:$0x4] =	wrdreg $0xC0  }
0xab: {  	_ =	task [dreg:s7], $0x5FFFF  }
0xac: {  	[dreg:$0x1] =	wrdreg $0xFFFFFFFF  }
0xad: {  	[dreg:$0x0] =	wrdreg $0x60  }
0xae: {  	[dreg:$0x2] =	wrdreg s24  }
0xaf: {  	[dreg:$0x3] =	wrdreg s2  }
0xb0: {  	[dreg:$0x4] =	wrdreg $0xEB000  }
0xb1: {  	[dreg:$0x5] =	wrdreg $0x9  }
0xb2: {  	_ =	task.clear_ibuf [dreg:s7], $0x6FFFF;
	_ =	strace $0x90000046  }
0xb3: {  	s29 =	simm.s32 $0x9;
	_ =	strace $0x80000048  }
0xb4: {  	_ =	swait.ge [sflag:s29], $0x1  }
0xb5: {  	[sflag:s29] =	ssyncadd.s32 $0xFFFFFFFF  }
0xb6: {  	_ =	strace $0x90000048  }
0xb7: {  	_ =	sfence  }
0xb8: {  	s30 =	sld [smem:$0x0];
	_ =	sdelay $0x2  }
0xb9: {  	s31 =	sshll.u32 s1, $0xD;
	s1 =	sshrl.u32 s1, $0x2  }
0xba: {  	s3 =	sand.u32 $0x4000, s31;
	s1 =	sadd.s32 s1, s30  }
0xbb: {  	s0 =	sor.u32 s3, s0;
	s1 =	sshll.u32 s1, $0x11  }
0xbc: {  	s0 =	sor.u32 s1, s0  }
0xbd: {  	s0 =	sadd.s32 $0x8F2B, s0  }
0xbe: {  	[sflag:s0] =	ssyncadd.remote.s32 $0x1  }
0xbf: {  	_ =	sfence.sel $0xFFFF  }
0xc0: {  	[dreg:$0x0] =	wrdreg $0xFFFFFFFF;
	(pc) =	sbr.abs _section_cstart, $3  }
0xc1: {  	[dreg:$0x1] =	wrdreg $0xFFFFFFFF  }
0xc2: {  	_ =	task.clear_ibuf [dreg:s7], $0x2FFFF;
	_ =	strace $0x9FFFFFFF  }
0xc3: {  	(tm) =	ssettm $0x7FFFFFFF  }
tec
execute0_lowered:
.L_overlay_start_1:
0x0: {  	(tag) =	ssettag $0x1  }
0x1: {  	s5 =	rddreg [dreg:$0x0]  }
0x2: {  	s6 =	rddreg [dreg:$0x1]  }
0x3: {  	s0 =	srdreg.scid;
	s2 =	rddreg [dreg:$0x2];
	s3 =	simm.s32 $0x0  }
0x4: {  	s11 =	simm.s32 $0x80;
	s12 =	simm.s32 $0xE800;
	s13 =	simm.s32 $0x180  }
0x5: {  	s14 =	simm.s32 $0x280;
	s15 =	simm.s32 $0x380;
	s16 =	simm.s32 $0x1  }
0x6: {  	s17 =	simm.s32 $0x2;
	s18 =	simm.s32 $0x3;
	s19 =	simm.s32 $0x4  }
0x7: {  	s20 =	simm.s32 $0x0;
	s4 =	sand.u32 $0x1, s0;
	s0 =	stileid.u32  }
0x8: {  	[smem:$0x7FF] =	sst s3;
	s1 =	sshll.u32 s4, $0x4;
	s8 =	smul.u32 $0x280, s0  }
0x9: {  	s9 =	ssub.s32 $0x2, s4;
	s4 =	smul.u32 $0x2800, s4;
	s1 =	sor.u32 s0, s1  }
0xa: {  	s10 =	sshrl.u32 s9, $0x1;
	s7 =	smul.u32 $0x1D00, s1;
	s1 =	rddreg [dreg:$0x3]  }
0xb: {  	_ =	strace $0x80000047;
	s29 =	ssub.s32 s9, s10;
	s30 =	sadd.s32 s8, s4  }
0xc: {  	s4 =	sadd.s32 s8, s2;
	s8 =	simm.s32 $0xE880;
	s9 =	simm.s32 $0x5  }
0xd: {  	s10 =	simm.s32 $0x58;
	s31 =	sshrl.u32 s30, $0x3;
	s5 =	sadd.s32 s7, s5  }
0xe: {  	v0 =	vimm.f32 $1.000000000e+00;
	v1 =	vimm.f32 $0.0e+00;
	s6 =	sadd.s32 s6, s31;
	s7 =	smax.u32 s29, $0x1;
	s5 =	sadd.s32 $0x2200, s5  }
.LBB2_1:
0xf: {  	[tilespmem:$0xE800] =	vst v0  }
0x10: {  	[tilespmem:$0xE810] =	vst v0  }
0x11: {  	[tilespmem:$0xE820] =	vst v0  }
0x12: {  	[tilespmem:$0xE830] =	vst v0  }
0x13: {  	[tilespmem:$0xE840] =	vst v0  }
0x14: {  	[tilespmem:$0xE880] =	vst v1  }
0x15: {  	[tilespmem:$0xE890] =	vst v1  }
0x16: {  	[tilespmem:$0xE8A0] =	vst v1  }
0x17: {  	[tilespmem:$0xE8B0] =	vst v1  }
0x18: {  	[tilespmem:$0xE8C0] =	vst v1  }
0x19: {  	[tilespmem:$0xE8D0] =	vst v1  }
0x1a: {  	[tilespmem:$0xE8E0] =	vst v1  }
0x1b: {  	[tilespmem:$0xE8F0] =	vst v1  }
0x1c: {  	[tilespmem:$0xE900] =	vst v1  }
0x1d: {  	[tilespmem:$0xE910] =	vst v1  }
0x1e: {  	[tilespmem:$0xE920] =	vst v1  }
0x1f: {  	[tilespmem:$0xE930] =	vst v1  }
0x20: {  	[tilespmem:$0xE940] =	vst v1  }
0x21: {  	[tilespmem:$0xE950] =	vst v1  }
0x22: {  	[tilespmem:$0xE960] =	vst v1  }
0x23: {  	[tilespmem:$0xE970] =	vst v1  }
0x24: {  	[tilespmem:$0xE980] =	vst v1  }
0x25: {  	[tilespmem:$0xE990] =	vst v1  }
0x26: {  	[tilespmem:$0xE9A0] =	vst v1  }
0x27: {  	[tilespmem:$0xE9B0] =	vst v1  }
0x28: {  	[tilespmem:$0xE9C0] =	vst v1  }
0x29: {  	[tilespmem:$0xE9D0] =	vst v1  }
0x2a: {  	[tilespmem:$0xE9E0] =	vst v1  }
0x2b: {  	[tilespmem:$0xE9F0] =	vst v1  }
0x2c: {  	[tilespmem:$0xEA00] =	vst v1  }
0x2d: {  	[tilespmem:$0xEA10] =	vst v1  }
0x2e: {  	[tilespmem:$0xEA20] =	vst v1  }
0x2f: {  	[tilespmem:$0xEA30] =	vst v1  }
0x30: {  	[tilespmem:$0xEA40] =	vst v1  }
0x31: {  	[tilespmem:$0xEA50] =	vst v1  }
0x32: {  	[tilespmem:$0xEA60] =	vst v1  }
0x33: {  	[tilespmem:$0xEA70] =	vst v1  }
0x34: {  	[tilespmem:$0xEA80] =	vst v1  }
0x35: {  	[tilespmem:$0xEA90] =	vst v1  }
0x36: {  	[tilespmem:$0xEAA0] =	vst v1  }
0x37: {  	[tilespmem:$0xEAB0] =	vst v1  }
0x38: {  	[tilespmem:$0xEAC0] =	vst v1  }
0x39: {  	[tilespmem:$0xEAD0] =	vst v1  }
0x3a: {  	[tilespmem:$0xEAE0] =	vst v1  }
0x3b: {  	[tilespmem:$0xEAF0] =	vst v1  }
0x3c: {  	[tilespmem:$0xE848] =	vst v0  }
0x3d: {  	[spmem:s4] =	stream.linear.scatter [tilespmem:s8], [sflag:$0x5], $0x280, $0x38;
	[tilespmem:$0xED80] =	vst v63  }
0x3e: {  	_ =	swait.ge [sflag:s9], $0x280  }
0x3f: {  	[sflag:s9] =	ssyncset.done $0x0  }
0x40: {  	[sflag:s9] =	ssyncadd.s32 $0xFFFFFD80  }
0x41: {  	[tilespmem:s3], [sflag:$0x5] =	stream.linear.gather [hbm4b:s5+s3], $0xE800, $0x38;
	[tilespmem:$0xED80] =	vst v63  }
0x42: {  	_ =	swait.ge [sflag:s9], $0xE800  }
0x43: {  	[sflag:s9] =	ssyncset.done $0x0  }
0x44: {  	[sflag:s9] =	ssyncadd.s32 $0xFFFF1800  }
0x45: {  	[bflag:$0x0] =	sbarrier.arrive $0xFFFF  }
0x46: {  	[spmem:s2] =	stream.indirect.scatter.add.f32 [tilespmem:s12], [sflag:$0x1], $0x1, s11, s10, $0xb8;
	[tilespmem:$0xED80] =	vst v63  }
0x47: {  	_ = 	snop  }
0x48: {  	[spmem:s2] =	stream.indirect.scatter.add.f32 [tilespmem:s12], [sflag:$0x2], $0x1, s13, s10, $0xb8;
	[tilespmem:$0xED80] =	vst v63  }
0x49: {  	_ = 	snop  }
0x4a: {  	[spmem:s2] =	stream.indirect.scatter.add.f32 [tilespmem:s12], [sflag:$0x3], $0x1, s14, s10, $0xb8;
	[tilespmem:$0xED80] =	vst v63  }
0x4b: {  	_ = 	snop  }
0x4c: {  	[spmem:s2] =	stream.indirect.scatter.add.f32 [tilespmem:s12], [sflag:$0x4], $0x1, s15, s10, $0xb8;
	[tilespmem:$0xED80] =	vst v63  }
0x4d: {  	_ =	swait.ge [sflag:s16], $0x58  }
0x4e: {  	[sflag:s16] =	ssyncset.done $0x0  }
0x4f: {  	s21 =	simm.s32 $0x480;
	[sflag:s16] =	ssyncadd.s32 $0xFFFFFFA8  }
0x50: {  	[spmem:s2] =	stream.indirect.scatter.add.f32 [tilespmem:s12], [sflag:$0x1], $0x1, s21, s10, $0xb8;
	[tilespmem:$0xED80] =	vst v63  }
0x51: {  	_ =	swait.ge [sflag:s17], $0x58  }
0x52: {  	[sflag:s17] =	ssyncset.done $0x0  }
0x53: {  	s30 =	simm.s32 $0x580;
	[sflag:s17] =	ssyncadd.s32 $0xFFFFFFA8  }
0x54: {  	[spmem:s2] =	stream.indirect.scatter.add.f32 [tilespmem:s12], [sflag:$0x2], $0x1, s30, s10, $0xb8;
	[tilespmem:$0xED80] =	vst v63  }
0x55: {  	_ =	swait.ge [sflag:s18], $0x58  }
0x56: {  	[sflag:s18] =	ssyncset.done $0x0  }
0x57: {  	s31 =	simm.s32 $0x680;
	[sflag:s18] =	ssyncadd.s32 $0xFFFFFFA8  }
0x58: {  	[spmem:s2] =	stream.indirect.scatter.add.f32 [tilespmem:s12], [sflag:$0x3], $0x1, s31, s10, $0xb8;
	[tilespmem:$0xED80] =	vst v63  }
0x59: {  	_ =	swait.ge [sflag:s19], $0x58  }
0x5a: {  	[sflag:s19] =	ssyncset.done $0x0  }
0x5b: {  	s22 =	simm.s32 $0x780;
	s21 =	simm.s32 $0xFFFC8000;
	[sflag:s19] =	ssyncadd.s32 $0xFFFFFFA8  }
.LBB2_2:
0x5c: {  	[spmem:s2] =	stream.indirect.scatter.add.f32 [tilespmem:s12], [sflag:$0x4], $0x1, s22, s10, $0xb8;
	[tilespmem:$0xED80] =	vst v63  }
0x5d: {  	s22 =	smov.u32 s21  }
0x5e: {  	p0 =	sne.s32 s21, $0xFFFFF000;
	s21 =	sadd.s32 $0x1000, s21;
	_ =	swait.ge [sflag:s16], $0x58  }
0x5f: {  	s22 =	sshra.s32 s22, $0x2;
	[sflag:s16] =	ssyncset.done $0x0  }
0x60: {  	s23 =	sadd.s32 $0xE880, s22;
	[sflag:s16] =	ssyncadd.s32 $0xFFFFFFA8  }
0x61: {  	[spmem:s2] =	stream.indirect.scatter.add.f32 [tilespmem:s12], [sflag:$0x1], $0x1, s23, s10, $0xb8;
	[tilespmem:$0xED80] =	vst v63  }
0x62: {  	_ =	swait.ge [sflag:s17], $0x58  }
0x63: {  	[sflag:s17] =	ssyncset.done $0x0  }
0x64: {  	s23 =	sadd.s32 $0xE980, s22;
	[sflag:s17] =	ssyncadd.s32 $0xFFFFFFA8  }
0x65: {  	[spmem:s2] =	stream.indirect.scatter.add.f32 [tilespmem:s12], [sflag:$0x2], $0x1, s23, s10, $0xb8;
	[tilespmem:$0xED80] =	vst v63  }
0x66: {  	_ =	swait.ge [sflag:s18], $0x58  }
0x67: {  	[sflag:s18] =	ssyncset.done $0x0  }
.Ltmp0:
0x68: {  	s23 =	sadd.s32 $0xEA80, s22;
	[sflag:s18] =	ssyncadd.s32 $0xFFFFFFA8;
	(pc) =	sbr.rel @p0 .LBB2_2-.Ltmp0, $4  }
0x69: {  	[spmem:s2] =	stream.indirect.scatter.add.f32 [tilespmem:s12], [sflag:$0x3], $0x1, s23, s10, $0xb8;
	[tilespmem:$0xED80] =	vst v63  }
0x6a: {  	_ =	swait.ge [sflag:s19], $0x58  }
0x6b: {  	[sflag:s19] =	ssyncset.done $0x0  }
0x6c: {  	s22 =	sadd.s32 $0xEB80, s22;
	[sflag:s19] =	ssyncadd.s32 $0xFFFFFFA8  }
0x6d: {  	[spmem:s2] =	stream.indirect.scatter.add.f32 [tilespmem:s12], [sflag:$0x4], $0x1, s22, s10, $0xb8;
	[tilespmem:$0xED80] =	vst v63  }
0x6e: {  	_ =	swait.ge [sflag:s16], $0x58  }
0x6f: {  	[sflag:s16] =	ssyncset.done $0x0  }
0x70: {  	[sflag:s16] =	ssyncadd.s32 $0xFFFFFFA8  }
0x71: {  	_ =	swait.ge [sflag:s17], $0x58  }
0x72: {  	[sflag:s17] =	ssyncset.done $0x0  }
0x73: {  	[sflag:s17] =	ssyncadd.s32 $0xFFFFFFA8  }
0x74: {  	_ =	swait.ge [sflag:s18], $0x58  }
0x75: {  	[sflag:s18] =	ssyncset.done $0x0  }
0x76: {  	[sflag:s18] =	ssyncadd.s32 $0xFFFFFFA8  }
0x77: {  	_ =	swait.ge [sflag:s19], $0x58  }
0x78: {  	[sflag:s19] =	ssyncset.done $0x0  }
0x79: {  	[sflag:s19] =	ssyncadd.s32 $0xFFFFFFA8  }
0x7a: {  	[bflag:$0x0] =	sbarrier.arrive $0xFFFF  }
0x7b: {  	[tilespmem:s8], [sflag:$0x5] =	stream.linear.gather [spmem:s4], $0x280, $0x38;
	[tilespmem:$0xED80] =	vst v63  }
0x7c: {  	s20 =	sadd.s32 $0x1, s20;
	_ =	swait.ge [sflag:s9], $0x280  }
0x7d: {  	p0 =	sne.s32 s20, s7;
	[sflag:s9] =	ssyncset.done $0x0  }
.Ltmp1:
0x7e: {  	[sflag:s9] =	ssyncadd.s32 $0xFFFFFD80;
	(pc) =	sbr.rel @p0 .LBB2_1-.Ltmp1, $4  }
0x7f: {  	[hbm4b:s6+s3] =	stream.linear.scatter [tilespmem:s8], [sflag:$0x5], $0x280, $0x38;
	[tilespmem:$0xED80] =	vst v63  }
0x80: {  	_ =	swait.ge [sflag:s9], $0x280  }
0x81: {  	[sflag:s9] =	ssyncset.done $0x0  }
0x82: {  	[sflag:s9] =	ssyncadd.s32 $0xFFFFFD80  }
0x83: {  	_ =	sfence.sel $0x180000  }
0x84: {  	[bflag:$0x0] =	sbarrier.arrive $0xFFFF  }
0x85: {  	p0 =	sne.s32 s0, $0x0;
	_ =	strace $0x90000047  }
0x86: {  	s0 =	sadd.s32 @!p0 $0x100000, s1;
	[bflag:$0x2] =	sbarrier.arrive $0xFFFF  }
0x87: {  	[sflag:s0] =	ssyncadd.tile.s32 @!p0 $0x1;
	_ =	shalt  }
.Lfunc_end2:
_tile_overlayer_lowered:
.L_overlay_start_2:
0x88: {  	(tag) =	ssettag $0x2  }
0x89: {  	s0 =	rddreg [dreg:$0x0];
	s2 =	stileid.u32  }
0x8a: {  	s1 =	rddreg [dreg:$0x1];
	p0 =	sne.s32 s2, $0x0  }
0x8b: {  	s3 =	rddreg [dreg:$0x2];
	[bflag:$0x3] =	sbarrier.arrive $0xFFFF;
	s2 =	simm.s32 @!p0 $0x1C05  }
0x8c: {  	[timem:s3], [sflag:s2] =	dma.local @!p0 [hbm:s0], s1  }
0x8d: {  	s0 =	simm.s32 @!p0 $0x5  }
0x8e: {  	_ =	swait.ge @!p0 [sflag:s0], s1  }
0x8f: {  	s1 =	ssub.s32 @!p0 $0x0, s1;
	[sflag:s0] =	ssyncset.done @!p0 $0x0  }
0x90: {  	[sflag:s0] =	ssyncadd.s32 @!p0 s1  }
0x91: {  	[bflag:$0x3] =	sbarrier.arrive $0xFFFF  }
0x92: {  	_ =	shalt  }

// kernel: sc_gcn_prop.4.cloned.1.call-start
scs
__scs_entry_jumppad:
0x0: {  	(pc) =	sbr.rel $0x88, $3  }
0x1: {  	(tag) =	ssettag $0x0;
	lr =	simm.s32 $0x1  }
0x2: {  	[smem:$0x3F94] =	sst lr;
	_ =	strace $0xD0000000  }
0x3: {  	_ = 	snop  }
0x4: {  	_ = 	snop  }
0x5: {  	_ = 	snop  }
0x6: {  	_ = 	snop  }
0x7: {  	_ = 	snop  }
__scs_overlays_trampoline_lowered:
0x8: {  	[smem:$0x3FA3] =	sst s0  }
0x9: {  	[smem:$0x3FA4] =	sst s1  }
0xa: {  	[smem:$0x3FA5] =	sst s2  }
0xb: {  	[smem:$0x3FA6] =	sst s3  }
0xc: {  	[smem:$0x3FA7] =	sst s4  }
0xd: {  	[smem:$0x3FA8] =	sst s5  }
0xe: {  	[smem:$0x3FA9] =	sst s6  }
0xf: {  	[smem:$0x3FAA] =	sst s7  }
0x10: {  	[smem:$0x3FAB] =	sst s8  }
0x11: {  	[smem:$0x3FAC] =	sst s9;
	s0 =	simm.s32 @!p0 $0x0  }
0x12: {  	s1 =	sld [smem:$0x3F92];
	s0 =	simm.s32 @p0 $0x1  }
0x13: {  	[smem:$0x3FAD] =	sst s0;
	s0 =	simm.s32 @!p1 $0x0  }
0x14: {  	s2 =	sld [smem:$0x3F91];
	s0 =	simm.s32 @p1 $0x1  }
0x15: {  	[smem:$0x3FAE] =	sst s0;
	s0 =	simm.s32 @!p2 $0x0  }
0x16: {  	s3 =	sld [smem:$0x3FDB];
	s0 =	simm.s32 @p2 $0x1  }
0x17: {  	s4 =	simm.s32 $0x1BF5;
	[smem:$0x3FB0] =	sst s0  }
0x18: {  	s0 =	sld [smem:$0x3F93];
	_ =	swait.ge [sflag:s4], $0x0  }
0x19: {  	s7 =	sld [smem:$0x3F94]  }
0x1a: {  	s8 =	sadd.s32 $0xFFFFE003, lr  }
0x1b: {  	s9 =	sadd.s32 $0xFFFFFEF7, lr;
	s5 =	simm.s32 $0xFFFFFFFF;
	p2 =	slt.u32 s8, $0xFFFFF086  }
0x1c: {  	p1 =	slt.u32 s9, $0xF7A;
	s5 =	simm.s32 @!p2 $0x0  }
0x1d: {  	s5 =	simm.s32 @p1 $0x1;
	p0 =	seq.s32 s7, s2  }
0x1e: {  	s7 =	smul.u32 @!p0 $0xF7A, s2;
	p2 =	seq.s32 @!p0 s5, $0x0  }
0x1f: {  	s9 =	smul.u32 $0xF7A, s1;
	s8 =	simm.s32 @!p0 $0x1BF5;
	p2 =	por !p2, p0  }
0x20: {  	[sflag:s8] =	ssyncset.s32 @!p0 $0xFFFFF086;
	s6 =	sadd.s32 @!p0 s3, s7;
	s7 =	simm.s32 @!p0 $0x108  }
0x21: {  	s3 =	sadd.s32 s3, s9;
	s6 =	sadd.s32 @!p0 $0x88, s6;
	s7 =	simm.s32 @p2 $0x1082  }
0x22: {  	[simem:s7], [sflag:s8] =	dma.local @!p0 [hbm:s6], $0xF7A  }
0x23: {  	s9 =	sor.u32 $0xD0000000, s2;
	s6 =	simm.s32 $0x108;
	_ =	swait.ge @!p0 [sflag:s8], $0x0  }
0x24: {  	s3 =	sadd.s32 $0x88, s3;
	s6 =	simm.s32 @!p1 $0x1082;
	[sflag:s4] =	ssyncset.s32 $0xFFFFF086  }
0x25: {  	[simem:s6], [sflag:s4] =	dma.local [hbm:s3], $0xF7A  }
0x26: {  	[smem:$0x3F94] =	sst s1;
	(tag) =	ssettag s2;
	_ =	strace s9  }
0x27: {  	s1 =	sld [smem:$0x3FA4]  }
0x28: {  	s2 =	sld [smem:$0x3FA5]  }
0x29: {  	s4 =	sld [smem:$0x3FA7]  }
0x2a: {  	p0 =	seq.s32 s5, $0x0;
	s5 =	sld [smem:$0x3FA8]  }
0x2b: {  	s6 =	sld [smem:$0x3FA9]  }
0x2c: {  	s7 =	sld [smem:$0x3FAA]  }
0x2d: {  	s3 =	simm.s32 $0x108;
	s8 =	sld [smem:$0x3FAB]  }
0x2e: {  	s3 =	simm.s32 @!p0 $0x1082;
	s9 =	sld [smem:$0x3FAC]  }
0x2f: {  	lr =	sadd.s32 s0, s3;
	s0 =	sld [smem:$0x3FA3]  }
0x30: {  	s3 =	sld [smem:$0x3FA6]  }
0x31: {  	[smem:$0x3FAF] =	sst s10  }
0x32: {  	s10 =	sld [smem:$0x3FAD];
	_ =	sdelay $0x3  }
0x33: {  	p0 =	seq.s32 s10, $0x1;
	s10 =	sld [smem:$0x3FAF];
	_ =	sdelay $0x3  }
0x34: {  	[smem:$0x3FAF] =	sst s10  }
0x35: {  	s10 =	sld [smem:$0x3FAE];
	_ =	sdelay $0x3  }
0x36: {  	p1 =	seq.s32 s10, $0x1;
	s10 =	sld [smem:$0x3FAF];
	_ =	sdelay $0x3  }
0x37: {  	[smem:$0x3FAF] =	sst s10  }
0x38: {  	s10 =	sld [smem:$0x3FB0]  }
0x39: {  	_ = 	snop;
	(pc) =	sbr.ind lr, $3  }
0x3a: {  	_ = 	snop  }
0x3b: {  	_ = 	snop  }
0x3c: {  	p2 =	seq.s32 s10, $0x1;
	s10 =	sld [smem:$0x3FAF]  }
0x3d: {  	_ =	shalt  }
0x3e: {  	_ =	shalt  }
0x3f: {  	_ =	shalt  }
0x40: {  	_ =	shalt  }
0x41: {  	_ =	shalt  }
0x42: {  	_ =	shalt  }
0x43: {  	_ =	shalt  }
0x44: {  	_ =	shalt  }
0x45: {  	_ =	shalt  }
0x46: {  	_ =	shalt  }
0x47: {  	_ =	shalt  }
0x48: {  	_ =	shalt  }
0x49: {  	_ =	shalt  }
0x4a: {  	_ =	shalt  }
0x4b: {  	_ =	shalt  }
0x4c: {  	_ =	shalt  }
0x4d: {  	_ =	shalt  }
0x4e: {  	_ =	shalt  }
0x4f: {  	_ =	shalt  }
0x50: {  	_ =	shalt  }
0x51: {  	_ =	shalt  }
0x52: {  	_ =	shalt  }
0x53: {  	_ =	shalt  }
0x54: {  	_ =	shalt  }
0x55: {  	_ =	shalt  }
0x56: {  	_ =	shalt  }
0x57: {  	_ =	shalt  }
0x58: {  	_ =	shalt  }
0x59: {  	_ =	shalt  }
0x5a: {  	_ =	shalt  }
0x5b: {  	_ =	shalt  }
0x5c: {  	_ =	shalt  }
0x5d: {  	_ =	shalt  }
0x5e: {  	_ =	shalt  }
0x5f: {  	_ =	shalt  }
0x60: {  	_ =	shalt  }
0x61: {  	_ =	shalt  }
0x62: {  	_ =	shalt  }
0x63: {  	_ =	shalt  }
0x64: {  	_ =	shalt  }
0x65: {  	_ =	shalt  }
0x66: {  	_ =	shalt  }
0x67: {  	_ =	shalt  }
0x68: {  	_ =	shalt  }
0x69: {  	_ =	shalt  }
0x6a: {  	_ =	shalt  }
0x6b: {  	_ =	shalt  }
0x6c: {  	_ =	shalt  }
0x6d: {  	_ =	shalt  }
0x6e: {  	_ =	shalt  }
0x6f: {  	_ =	shalt  }
0x70: {  	_ =	shalt  }
0x71: {  	_ =	shalt  }
0x72: {  	_ =	shalt  }
0x73: {  	_ =	shalt  }
0x74: {  	_ =	shalt  }
0x75: {  	_ =	shalt  }
0x76: {  	_ =	shalt  }
0x77: {  	_ =	shalt  }
0x78: {  	_ =	shalt  }
0x79: {  	_ =	shalt  }
0x7a: {  	_ =	shalt  }
0x7b: {  	_ =	shalt  }
0x7c: {  	_ =	shalt  }
0x7d: {  	_ =	shalt  }
0x7e: {  	_ =	shalt  }
0x7f: {  	_ =	shalt  }
0x80: {  	_ =	shalt  }
0x81: {  	_ =	shalt  }
0x82: {  	_ =	shalt  }
0x83: {  	_ =	shalt  }
0x84: {  	_ =	shalt  }
0x85: {  	_ =	shalt  }
0x86: {  	_ =	shalt  }
0x87: {  	_ =	shalt  }
.Lfunc_end0:
.L_simem_size_0:
called_computation.1_lowered:
.L_overlay_start_0:
0x88: {  	s2 =	sld [smem:$0x3FD9]  }
0x89: {  	s3 =	sld [smem:$0x3FFE];
	_ =	sdelay $0x1  }
0x8a: {  	s1 =	srdreg.scid  }
0x8b: {  	s0 =	sand.u32 $0x1, s1  }
0x8c: {  	s16 =	sshll.u32 s0, $0xA;
	s2 =	sadd.s32 s3, s2  }
0x8d: {  	s2 =	sadd.s32 s2, s16  }
0x8e: {  	[smem:$0x3FBB] =	sst s2  }
0x8f: {  	_ = 	snop  }
0x90: {  	(tm) =	ssettm $0x1  }
0x91: {  	s17 =	sld [smem:$0x3FFB];
	_ =	sdelay $0x3  }
0x92: {  	_ =	strace s17  }
0x93: {  	s2 =	sld [smem:$0x3FFC];
	_ =	sdelay $0x3  }
0x94: {  	_ =	strace s2  }
0x95: {  	s2 =	sld [smem:$0x3FFD];
	_ =	sdelay $0x3  }
0x96: {  	_ =	strace s2  }
0x97: {  	_ =	strace $0x8FFFFFFF  }
0x98: {  	s18 =	sld [smem:$0x3FDB];
	_ =	sdelay $0x1  }
0x99: {  	s19 =	simm.s32 $_scs_section_size  }
0x9a: {  	s4 =	simm.s32 $_size__tile_overlayer_lowered;
	s5 =	simm.s32 $_tile_overlayer_lowered  }
0x9b: {  	s22 =	simm.s32 $0x1BFF;
	s21 =	sshll.u32 s5, $0x1;
	s2 =	sadd.s32 s19, s18  }
0x9c: {  	s6 =	simm.s32 $0x0;
	s20 =	sshll.u32 s4, $0x1;
	s4 =	sadd.s32 s21, s2  }
0x9d: {  	[timem:s6], [sflag:s22] =	dma.local [hbm:s4], s20  }
0x9e: {  	_ =	swait.ge [sflag:s22], s20  }
0x9f: {  	s3 =	ssub.s32 $0x0, s20;
	[sflag:s22] =	ssyncset.done $0x0  }
0xa0: {  	[sflag:s22] =	ssyncadd.s32 s3;
	_ =	sdelay $0x1  }
0xa1: {  	s23 =	simm.s32 $0x1B8B  }
0xa2: {  	_ =	swait.ge [sflag:s23], $0x1  }
0xa3: {  	[sflag:s23] =	ssyncset.done $0x0  }
0xa4: {  	s25 =	simm.s32 $0x1B8E;
	s24 =	sld [smem:$0x3FFE];
	[sflag:s23] =	ssyncadd.s32 $0xFFFFFFFF  }
0xa5: {  	s26 =	simm.s32 $execute0_lowered;
	[smem:$0x3FD2] =	sst s25  }
0xa6: {  	s4 =	sshll.u32 s26, $0x1;
	_ =	strace $0x80000049;
	[dreg:$0x1] =	wrdreg $0xFFFFFFFF  }
0xa7: {  	s28 =	simm.s32 $_size_execute0_lowered;
	s2 =	sadd.s32 s2, s4;
	[dreg:$0x0] =	wrdreg $0x0  }
0xa8: {  	s4 =	sshll.u32 s28, $0x1;
	[dreg:$0x2] =	wrdreg s2  }
0xa9: {  	[dreg:$0x3] =	wrdreg s4  }
0xaa: {  	[dreg:$0x4] =	wrdreg $0xC0  }
0xab: {  	_ =	task [dreg:s6], $0x5FFFF  }
0xac: {  	[dreg:$0x1] =	wrdreg $0xFFFFFFFF  }
0xad: {  	[dreg:$0x0] =	wrdreg $0x60  }
0xae: {  	[dreg:$0x2] =	wrdreg s24  }
0xaf: {  	[dreg:$0x3] =	wrdreg $0xB8000  }
0xb0: {  	[dreg:$0x4] =	wrdreg $0x9  }
0xb1: {  	_ =	task.clear_ibuf [dreg:s6], $0x5FFFF;
	_ =	strace $0x90000049  }
0xb2: {  	s29 =	simm.s32 $0x9;
	_ =	strace $0x8000004B  }
0xb3: {  	_ =	swait.ge [sflag:s29], $0x1  }
0xb4: {  	[sflag:s29] =	ssyncadd.s32 $0xFFFFFFFF  }
0xb5: {  	_ =	strace $0x9000004B  }
0xb6: {  	_ =	sfence  }
0xb7: {  	s30 =	sld [smem:$0x0];
	_ =	sdelay $0x2  }
0xb8: {  	s31 =	sshll.u32 s1, $0xD;
	s1 =	sshrl.u32 s1, $0x2  }
0xb9: {  	s3 =	sand.u32 $0x4000, s31;
	s1 =	sadd.s32 s1, s30  }
0xba: {  	s0 =	sor.u32 s3, s0;
	s1 =	sshll.u32 s1, $0x11  }
0xbb: {  	s0 =	sor.u32 s1, s0  }
0xbc: {  	s0 =	sadd.s32 $0x8F2B, s0  }
0xbd: {  	[sflag:s0] =	ssyncadd.remote.s32 $0x1  }
0xbe: {  	_ =	sfence.sel $0xFFFF  }
0xbf: {  	[dreg:$0x0] =	wrdreg $0xFFFFFFFF;
	(pc) =	sbr.abs _section_cstart, $3  }
0xc0: {  	[dreg:$0x1] =	wrdreg $0xFFFFFFFF  }
0xc1: {  	_ =	task.clear_ibuf [dreg:s6], $0x2FFFF;
	_ =	strace $0x9FFFFFFF  }
0xc2: {  	(tm) =	ssettm $0x7FFFFFFF  }
0xc3: {  	_ =	shalt  }
tec
execute0_lowered:
.L_overlay_start_1:
0x0: {  	(tag) =	ssettag $0x1  }
0x1: {  	s0 =	rddreg [dreg:$0x0]  }
0x2: {  	s1 =	rddreg [dreg:$0x1];
	s2 =	srdreg.scid;
	s26 =	simm.s32 $0x0  }
0x3: {  	s3 =	stileid.u32;
	s13 =	sand.u32 $0x1, s2;
	[smem:$0x7FF] =	sst s26  }
0x4: {  	s4 =	sadd.s32 $0x3C200, s0;
	s30 =	sadd.s32 $0x2200, s0;
	s10 =	smul.u32 $0x14000, s3  }
0x5: {  	s12 =	sadd.s32 $0x8C200, s0;
	s17 =	smul.u32 $0xE800, s3;
	s2 =	sshll.u32 s13, $0x4  }
0x6: {  	_ =	strace $0x8000004A;
	s5 =	ssub.s32 $0x2, s13;
	s14 =	smul.u32 $0x140000, s13  }
0x7: {  	s13 =	smul.u32 $0xE8000, s13;
	s2 =	sor.u32 s3, s2;
	s24 =	sshrl.u32 s5, $0x1  }
0x8: {  	s6 =	sadd.s32 $0x7800, s10;
	s7 =	sadd.s32 $0xA000, s10;
	s8 =	sadd.s32 $0xC800, s10  }
0x9: {  	s9 =	sadd.s32 $0xF000, s10;
	s2 =	smul.u32 $0xE800, s2;
	s0 =	ssub.s32 s5, s24  }
0xa: {  	s5 =	sadd.s32 $0x5000, s10;
	s15 =	sadd.s32 s14, s10;
	s18 =	sadd.s32 s14, s6  }
0xb: {  	s13 =	sadd.s32 s17, s13;
	s20 =	sadd.s32 s14, s7;
	s7 =	sadd.s32 s7, s1  }
0xc: {  	s15 =	sshrl.u32 s15, $0x3;
	s16 =	sadd.s32 s14, s5;
	s19 =	sshrl.u32 s18, $0x3  }
0xd: {  	s21 =	sadd.s32 $0xC00, s13;
	s17 =	sadd.s32 $0xB00, s13;
	s18 =	sadd.s32 s14, s8  }
0xe: {  	s0 =	smax.u32 s0, $0x1;
	s8 =	sadd.s32 s8, s1;
	[smem:$0x7FA] =	sst s7  }
0xf: {  	s11 =	sshrl.u32 s2, $0x3;
	s2 =	sor.u32 $0x2800, s10;
	s10 =	sadd.s32 $0x11800, s10  }
0x10: {  	s15 =	sadd.s32 s12, s15;
	s16 =	sshrl.u32 s16, $0x3;
	[dreg:$0x1c] =	wrdreg s0  }
0x11: {  	s23 =	sshrl.u32 s17, $0x3;
	s17 =	sadd.s32 $0x900, s13;
	[smem:$0x7FB] =	sst s8  }
0x12: {  	[dreg:$0x11] =	wrdreg s15;
	s25 =	sadd.s32 s14, s2;
	s24 =	sadd.s32 s23, s30  }
0x13: {  	s31 =	sadd.s32 s10, s1;
	s15 =	sshrl.u32 s25, $0x3;
	[dreg:$0x4] =	wrdreg s24  }
0x14: {  	s25 =	sadd.s32 $0xA00, s13;
	[smem:$0x7FD] =	sst s31;
	s15 =	sadd.s32 s12, s15  }
0x15: {  	[dreg:$0x12] =	wrdreg s15;
	s15 =	sadd.s32 s12, s16;
	s16 =	sshrl.u32 s21, $0x3  }
0x16: {  	[dreg:$0x13] =	wrdreg s15;
	s15 =	sadd.s32 s12, s19;
	s22 =	sadd.s32 s16, s30  }
0x17: {  	s16 =	sshrl.u32 s25, $0x3;
	[dreg:$0x14] =	wrdreg s15;
	s15 =	sshrl.u32 s20, $0x3  }
0x18: {  	[dreg:$0x3] =	wrdreg s22;
	s20 =	sor.u32 $0x700, s13;
	s15 =	sadd.s32 s12, s15  }
0x19: {  	[dreg:$0x15] =	wrdreg s15;
	s15 =	sadd.s32 s16, s30;
	s16 =	sshrl.u32 s17, $0x3  }
0x1a: {  	s17 =	sshrl.u32 s18, $0x3;
	s18 =	simm.s32 $0x280;
	[dreg:$0x5] =	wrdreg s15  }
0x1b: {  	s21 =	sshrl.u32 s20, $0x3;
	s19 =	sadd.s32 s16, s30;
	[dreg:$0xc] =	wrdreg s18  }
0x1c: {  	s15 =	sadd.s32 s21, s30;
	[dreg:$0x6] =	wrdreg s19  }
0x1d: {  	s17 =	sadd.s32 s12, s17;
	[dreg:$0x7] =	wrdreg s15  }
0x1e: {  	s22 =	sor.u32 $0x600, s13;
	s21 =	simm.s32 $0x480;
	[dreg:$0x16] =	wrdreg s17  }
0x1f: {  	s16 =	sshrl.u32 s22, $0x3;
	s22 =	sadd.s32 s30, s11;
	[dreg:$0xe] =	wrdreg s21  }
0x20: {  	s23 =	sadd.s32 s16, s30;
	[dreg:$0x19] =	wrdreg s22  }
0x21: {  	s17 =	simm.s32 $0x180;
	[dreg:$0x8] =	wrdreg s23  }
0x22: {  	s29 =	simm.s32 $0xF;
	s19 =	simm.s32 $0x380;
	[dreg:$0xb] =	wrdreg s17  }
0x23: {  	s24 =	sor.u32 $0x500, s13;
	s18 =	sadd.s32 $0x20, s22;
	[dreg:$0xd] =	wrdreg s19  }
0x24: {  	s25 =	sadd.s32 s14, s9;
	s21 =	sadd.s32 $0x60, s22;
	[dreg:$0x1a] =	wrdreg s18  }
0x25: {  	s16 =	sshrl.u32 s24, $0x3;
	s24 =	sadd.s32 s6, s1;
	[smem:$0x7F8] =	sst s21  }
0x26: {  	s15 =	sshrl.u32 s25, $0x3;
	s25 =	sadd.s32 s9, s1;
	[dreg:$0x1f] =	wrdreg s24  }
0x27: {  	s14 =	sadd.s32 s14, s10;
	s15 =	sadd.s32 s12, s15;
	[smem:$0x7FC] =	sst s25  }
0x28: {  	s14 =	sshrl.u32 s14, $0x3;
	s16 =	sadd.s32 s16, s30;
	[dreg:$0x17] =	wrdreg s15  }
0x29: {  	s28 =	simm.s32 $0x600;
	s12 =	sadd.s32 s12, s14;
	[dreg:$0x9] =	wrdreg s16  }
0x2a: {  	s0 =	simm.s32 $0x8C00;
	s17 =	simm.s32 $0x780;
	[dreg:$0x18] =	wrdreg s12  }
0x2b: {  	s20 =	smul.u32 $0x50000, s3;
	s19 =	sadd.s32 $0x800, s13;
	[dreg:$0x10] =	wrdreg s17  }
0x2c: {  	s9 =	simm.s32 $0x58;
	s23 =	sadd.s32 s5, s1;
	[smem:$0x7F6] =	sst s19  }
0x2d: {  	s6 =	simm.s32 $0x0;
	s16 =	simm.s32 $0x80;
	[dreg:$0x1e] =	wrdreg s23  }
0x2e: {  	s13 =	simm.s32 $0x800;
	s15 =	simm.s32 $0x680;
	[dreg:$0xa] =	wrdreg s16  }
0x2f: {  	s16 =	sshrl.u32 s20, $0x2;
	[dreg:$0xf] =	wrdreg s15;
	s20 =	sadd.s32 $0x40, s22  }
0x30: {  	s21 =	simm.s32 $0x7;
	s22 =	sadd.s32 $0x80, s22;
	[smem:$0x7F7] =	sst s20  }
0x31: {  	s19 =	simm.s32 $0xA;
	s15 =	sadd.s32 s2, s1;
	[smem:$0x7F9] =	sst s22  }
0x32: {  	s2 =	simm.s32 $0x9;
	s11 =	sadd.s32 s16, s1;
	[dreg:$0x1d] =	wrdreg s15  }
0x33: {  	v0 =	vimm.f32 $0.0e+00;
	s16 =	simm.s32 $0xB;
	s20 =	simm.s32 $0xC;
	[dreg:$0x1b] =	wrdreg s11  }
.LBB2_1:
0x34: {  	[smem:$0x7F5] =	sst s6;
	s5 =	simm.s32 $0x70;
	s6 =	simm.s32 $0x3C0  }
.LBB2_2:
0x35: {  	p0 =	sne.s32 s6, $0xAFC0;
	[tilespmem:s5+$0x800] =	vst v0  }
0x36: {  	[tilespmem:s5+$0x790] =	vst v0  }
0x37: {  	[tilespmem:s5+$0x7A0] =	vst v0  }
.Ltmp0:
0x38: {  	[tilespmem:s5+$0x7B0] =	vst v0;
	(pc) =	sbr.rel @p0 .LBB2_2-.Ltmp0, $4  }
0x39: {  	[tilespmem:s5+$0x7C0] =	vst v0  }
0x3a: {  	[tilespmem:s5+$0x7D0] =	vst v0  }
0x3b: {  	[tilespmem:s5+$0x7E0] =	vst v0  }
0x3c: {  	[tilespmem:s5+$0x7F0] =	vst v0;
	s5 =	sshra.s32 s6, $0x2;
	s6 =	sadd.s32 $0x200, s6  }
0x3d: {  	[tilespmem:s5+$0x800] =	vst v0  }
0x3e: {  	[tilespmem:s5+$0x790] =	vst v0  }
0x3f: {  	[tilespmem:s5+$0x7A0] =	vst v0  }
0x40: {  	[tilespmem:s5+$0x7B0] =	vst v0  }
0x41: {  	[tilespmem:s5+$0x7C0] =	vst v0  }
0x42: {  	[tilespmem:s5+$0x7D0] =	vst v0  }
0x43: {  	[tilespmem:s5+$0x7E0] =	vst v0  }
0x44: {  	[tilespmem:s5+$0x7F0] =	vst v0;
	s3 =	simm.s32 $0x11  }
0x45: {  	[spmem:s11] =	stream.linear.scatter [tilespmem:s13], [sflag:$0x11], $0x2800, $0x38;
	[tilespmem:$0x1F800] =	vst v63  }
0x46: {  	_ =	swait.ge [sflag:s3], $0x2800  }
0x47: {  	[sflag:s3] =	ssyncset.done $0x0  }
0x48: {  	[sflag:s3] =	ssyncadd.s32 $0xFFFFD800  }
0x49: {  	[spmem:s15] =	stream.linear.scatter [tilespmem:s13], [sflag:$0x11], $0x2800, $0x38;
	[tilespmem:$0x1F800] =	vst v63  }
0x4a: {  	_ =	swait.ge [sflag:s3], $0x2800  }
0x4b: {  	[sflag:s3] =	ssyncset.done $0x0  }
0x4c: {  	[sflag:s3] =	ssyncadd.s32 $0xFFFFD800  }
0x4d: {  	[spmem:s23] =	stream.linear.scatter [tilespmem:s13], [sflag:$0x11], $0x2800, $0x38;
	[tilespmem:$0x1F800] =	vst v63  }
0x4e: {  	_ =	swait.ge [sflag:s3], $0x2800  }
0x4f: {  	[sflag:s3] =	ssyncset.done $0x0  }
0x50: {  	[sflag:s3] =	ssyncadd.s32 $0xFFFFD800  }
0x51: {  	[spmem:s24] =	stream.linear.scatter [tilespmem:s13], [sflag:$0x11], $0x2800, $0x38;
	[tilespmem:$0x1F800] =	vst v63  }
0x52: {  	_ =	swait.ge [sflag:s3], $0x2800  }
0x53: {  	[sflag:s3] =	ssyncset.done $0x0  }
0x54: {  	[sflag:s3] =	ssyncadd.s32 $0xFFFFD800  }
0x55: {  	[spmem:s7] =	stream.linear.scatter [tilespmem:s13], [sflag:$0x11], $0x2800, $0x38;
	[tilespmem:$0x1F800] =	vst v63  }
0x56: {  	_ =	swait.ge [sflag:s3], $0x2800  }
0x57: {  	[sflag:s3] =	ssyncset.done $0x0  }
0x58: {  	[sflag:s3] =	ssyncadd.s32 $0xFFFFD800  }
0x59: {  	[spmem:s8] =	stream.linear.scatter [tilespmem:s13], [sflag:$0x11], $0x2800, $0x38;
	[tilespmem:$0x1F800] =	vst v63  }
0x5a: {  	_ =	swait.ge [sflag:s3], $0x2800  }
0x5b: {  	[sflag:s3] =	ssyncset.done $0x0  }
0x5c: {  	[sflag:s3] =	ssyncadd.s32 $0xFFFFD800  }
0x5d: {  	[spmem:s25] =	stream.linear.scatter [tilespmem:s13], [sflag:$0x11], $0x2800, $0x38;
	[tilespmem:$0x1F800] =	vst v63  }
0x5e: {  	_ =	swait.ge [sflag:s3], $0x2800  }
0x5f: {  	[sflag:s3] =	ssyncset.done $0x0  }
0x60: {  	[sflag:s3] =	ssyncadd.s32 $0xFFFFD800  }
0x61: {  	[spmem:s31] =	stream.linear.scatter [tilespmem:s13], [sflag:$0x11], $0x2800, $0x38;
	[tilespmem:$0x1F800] =	vst v63  }
0x62: {  	_ =	swait.ge [sflag:s3], $0x2800  }
0x63: {  	[sflag:s3] =	ssyncset.done $0x0  }
0x64: {  	[sflag:s3] =	ssyncadd.s32 $0xFFFFD800  }
0x65: {  	[bflag:$0x0] =	sbarrier.arrive $0xFFFF  }
0x66: {  	s8 =	rddreg [dreg:$0x19]  }
0x67: {  	s7 =	simm.s32 $0x0;
	s10 =	rddreg [dreg:$0x1a]  }
0x68: {  	[tilespmem:s7], [sflag:$0x1] =	stream.linear.gather [hbm4b:s8+s7], $0x100, $0x38;
	[tilespmem:$0x1F800] =	vst v63  }
0x69: {  	s6 =	simm.s32 $0x100;
	s11 =	sld [smem:$0x7F7]  }
0x6a: {  	[tilespmem:s6], [sflag:$0x2] =	stream.linear.gather [hbm4b:s10+s7], $0x100, $0x38;
	[tilespmem:$0x1F800] =	vst v63  }
0x6b: {  	s12 =	simm.s32 $0x200;
	s14 =	sld [smem:$0x7F8]  }
0x6c: {  	[tilespmem:s12], [sflag:$0x3] =	stream.linear.gather [hbm4b:s11+s7], $0x100, $0x38;
	[tilespmem:$0x1F800] =	vst v63  }
0x6d: {  	s15 =	sld [smem:$0x7F9];
	s8 =	simm.s32 $0x300  }
0x6e: {  	[tilespmem:s8], [sflag:$0x4] =	stream.linear.gather [hbm4b:s14+s7], $0x100, $0x38;
	[tilespmem:$0x1F800] =	vst v63  }
0x6f: {  	s17 =	simm.s32 $0x400;
	s18 =	simm.s32 $0x1  }
0x70: {  	[tilespmem:s17], [sflag:$0x5] =	stream.linear.gather [hbm4b:s15+s7], $0x100, $0x38;
	[tilespmem:$0x1F800] =	vst v63  }
0x71: {  	_ =	swait.ge [sflag:s18], $0x100  }
0x72: {  	[sflag:s18] =	ssyncset.done $0x0  }
0x73: {  	s22 =	simm.s32 $0x2;
	[sflag:s18] =	ssyncadd.s32 $0xFFFFFF00  }
0x74: {  	[tilespmem:s13], [sflag:$0x9] =	stream.indirect.gather [hbm4b:s4+s9], $0x80, s7, s9, $0xb8;
	[tilespmem:$0x1F800] =	vst v63  }
0x75: {  	_ =	swait.ge [sflag:s22], $0x100  }
0x76: {  	[sflag:s22] =	ssyncset.done $0x0  }
0x77: {  	s23 =	simm.s32 $0x3;
	s10 =	simm.s32 $0x3400;
	[sflag:s22] =	ssyncadd.s32 $0xFFFFFF00  }
0x78: {  	[tilespmem:s10], [sflag:$0xA] =	stream.indirect.gather [hbm4b:s4+s9], $0x80, s6, s9, $0xb8;
	[tilespmem:$0x1F800] =	vst v63  }
0x79: {  	_ =	swait.ge [sflag:s23], $0x100  }
0x7a: {  	[sflag:s23] =	ssyncset.done $0x0  }
0x7b: {  	s22 =	simm.s32 $0x6000;
	s24 =	rddreg [dreg:$0x9];
	[sflag:s23] =	ssyncadd.s32 $0xFFFFFF00  }
0x7c: {  	[tilespmem:s22], [sflag:$0xB] =	stream.indirect.gather [hbm4b:s4+s9], $0x80, s12, s9, $0xb8;
	[tilespmem:$0x1F800] =	vst v63  }
0x7d: {  	p0 =	por $0x1, $0x1;
	s7 =	simm.s32 $0x500;
	s5 =	sadd.s32 $0x0, s24  }
0x7e: {  	[tilespmem:s7], [sflag:$0x6] =	stream.linear.gather [hbm4b:s5+s26], $0x100, $0x38;
	[tilespmem:$0x1F800] =	vst v63  }
0x7f: {  	s5 =	simm.s32 @!p0 $0x10  }
0x80: {  	_ =	swait.ge @!p0 [sflag:s5], $0x2C00  }
0x81: {  	[sflag:s5] =	ssyncset.done @!p0 $0x0  }
0x82: {  	s14 =	simm.s32 $0x4;
	[sflag:s5] =	ssyncadd.s32 @!p0 $0xFFFFD400  }
0x83: {  	_ =	swait.ge [sflag:s14], $0x100  }
0x84: {  	[sflag:s14] =	ssyncset.done $0x0  }
0x85: {  	[sflag:s14] =	ssyncadd.s32 $0xFFFFFF00  }
0x86: {  	[tilespmem:s0], [sflag:$0xC] =	stream.indirect.gather [hbm4b:s4+s9], $0x80, s8, s9, $0xb8;
	[tilespmem:$0x1F800] =	vst v63  }
0x87: {  	_ =	swait.ge [sflag:s2], $0x2C00  }
0x88: {  	s25 =	rddreg [dreg:$0xa];
	[sflag:s2] =	ssyncset.done $0x0  }
0x89: {  	s3 =	rddreg [dreg:$0x8];
	[sflag:s2] =	ssyncadd.s32 $0xFFFFD400  }
0x8a: {  	[spmem:s1] =	stream.indirect.scatter.add.f32 [tilespmem:s13], [sflag:$0xD], $0x80, s25, s9, $0xb8;
	[tilespmem:$0x1F800] =	vst v63  }
0x8b: {  	s15 =	simm.s32 $0xD;
	s12 =	simm.s32 $0x600;
	s6 =	sadd.s32 $0x0, s3  }
0x8c: {  	[tilespmem:s12], [sflag:$0x7] =	stream.linear.gather [hbm4b:s6+s26], $0x100, $0x38;
	[tilespmem:$0x1F800] =	vst v63  }
0x8d: {  	_ =	swait.ge [sflag:s15], $0x2C00  }
0x8e: {  	[sflag:s15] =	ssyncset.done $0x0  }
0x8f: {  	s18 =	simm.s32 $0x5;
	[sflag:s15] =	ssyncadd.s32 $0xFFFFD400  }
0x90: {  	_ =	swait.ge [sflag:s18], $0x100  }
0x91: {  	[sflag:s18] =	ssyncset.done $0x0  }
0x92: {  	[sflag:s18] =	ssyncadd.s32 $0xFFFFFF00  }
0x93: {  	[tilespmem:s13], [sflag:$0x9] =	stream.indirect.gather [hbm4b:s4+s9], $0x80, s17, s9, $0xb8;
	[tilespmem:$0x1F800] =	vst v63  }
0x94: {  	_ =	swait.ge [sflag:s19], $0x2C00  }
0x95: {  	s17 =	rddreg [dreg:$0xb];
	[sflag:s19] =	ssyncset.done $0x0  }
0x96: {  	s23 =	rddreg [dreg:$0x7];
	[sflag:s19] =	ssyncadd.s32 $0xFFFFD400  }
0x97: {  	[spmem:s1] =	stream.indirect.scatter.add.f32 [tilespmem:s10], [sflag:$0xE], $0x80, s17, s9, $0xb8;
	[tilespmem:$0x1F800] =	vst v63  }
0x98: {  	s25 =	simm.s32 $0x700;
	s6 =	simm.s32 $0xE;
	s24 =	sadd.s32 $0x0, s23  }
0x99: {  	[tilespmem:s25], [sflag:$0x8] =	stream.linear.gather [hbm4b:s24+s26], $0x100, $0x38;
	[tilespmem:$0x1F800] =	vst v63  }
0x9a: {  	_ =	swait.ge [sflag:s6], $0x2C00  }
0x9b: {  	[sflag:s6] =	ssyncset.done $0x0  }
0x9c: {  	s17 =	simm.s32 $0x6;
	[sflag:s6] =	ssyncadd.s32 $0xFFFFD400  }
0x9d: {  	_ =	swait.ge [sflag:s17], $0x100  }
0x9e: {  	[sflag:s17] =	ssyncset.done $0x0  }
0x9f: {  	[sflag:s17] =	ssyncadd.s32 $0xFFFFFF00  }
0xa0: {  	[tilespmem:s10], [sflag:$0xA] =	stream.indirect.gather [hbm4b:s4+s9], $0x80, s7, s9, $0xb8;
	[tilespmem:$0x1F800] =	vst v63  }
0xa1: {  	_ =	swait.ge [sflag:s16], $0x2C00  }
0xa2: {  	[sflag:s16] =	ssyncset.done $0x0;
	s3 =	sld [smem:$0x7F6]  }
0xa3: {  	p1 =	por $0x0, $0x0;
	s15 =	rddreg [dreg:$0xc];
	[sflag:s16] =	ssyncadd.s32 $0xFFFFD400  }
0xa4: {  	[spmem:s1] =	stream.indirect.scatter.add.f32 [tilespmem:s22], [sflag:$0xF], $0x80, s15, s9, $0xb8;
	[tilespmem:$0x1F800] =	vst v63  }
0xa5: {  	p0 =	por p1, p1;
	s6 =	sshrl.u32 @!p1 s3, $0x3  }
0xa6: {  	s5 =	simm.s32 @!p0 $0x0;
	s6 =	sadd.s32 @!p1 s30, s6  }
0xa7: {  	[tilespmem:s5], [sflag:$0x1] =	stream.linear.gather @!p0 [hbm4b:s6+s5], $0x100, $0x38;
	[tilespmem:$0x1F800] =	vst v63  }
0xa8: {  	_ =	swait.ge [sflag:s29], $0x2C00  }
0xa9: {  	[sflag:s29] =	ssyncset.done $0x0  }
0xaa: {  	[sflag:s29] =	ssyncadd.s32 $0xFFFFD400  }
0xab: {  	_ =	swait.ge [sflag:s21], $0x100  }
0xac: {  	[sflag:s21] =	ssyncset.done $0x0  }
0xad: {  	[sflag:s21] =	ssyncadd.s32 $0xFFFFFF00  }
0xae: {  	[tilespmem:s22], [sflag:$0xB] =	stream.indirect.gather [hbm4b:s4+s9], $0x80, s12, s9, $0xb8;
	[tilespmem:$0x1F800] =	vst v63  }
0xaf: {  	_ =	swait.ge [sflag:s20], $0x2C00  }
0xb0: {  	s23 =	rddreg [dreg:$0xd];
	[sflag:s20] =	ssyncset.done $0x0  }
0xb1: {  	s7 =	rddreg [dreg:$0x6];
	[sflag:s20] =	ssyncadd.s32 $0xFFFFD400  }
0xb2: {  	[spmem:s1] =	stream.indirect.scatter.add.f32 [tilespmem:s0], [sflag:$0x10], $0x80, s23, s9, $0xb8;
	[tilespmem:$0x1F800] =	vst v63  }
0xb3: {  	s10 =	simm.s32 $0x10;
	s6 =	simm.s32 @!p0 $0x100;
	s7 =	sadd.s32 @!p0 $0x0, s7  }
0xb4: {  	[tilespmem:s6], [sflag:$0x2] =	stream.linear.gather @!p0 [hbm4b:s7+s5], $0x100, $0x38;
	[tilespmem:$0x1F800] =	vst v63  }
0xb5: {  	_ =	swait.ge [sflag:s10], $0x2C00  }
0xb6: {  	[sflag:s10] =	ssyncset.done $0x0  }
0xb7: {  	s0 =	simm.s32 $0x8;
	[sflag:s10] =	ssyncadd.s32 $0xFFFFD400  }
0xb8: {  	_ =	swait.ge [sflag:s0], $0x100  }
0xb9: {  	[sflag:s0] =	ssyncset.done $0x0  }
0xba: {  	s12 =	simm.s32 $0x8C00;
	[sflag:s0] =	ssyncadd.s32 $0xFFFFFF00  }
0xbb: {  	[tilespmem:s12], [sflag:$0xC] =	stream.indirect.gather [hbm4b:s4+s9], $0x80, s25, s9, $0xb8;
	[tilespmem:$0x1F800] =	vst v63  }
0xbc: {  	_ =	swait.ge [sflag:s2], $0x2C00  }
0xbd: {  	[sflag:s2] =	ssyncset.done $0x0  }
0xbe: {  	s11 =	simm.s32 @p0 $0xA;
	s24 =	rddreg [dreg:$0xe];
	[sflag:s2] =	ssyncadd.s32 $0xFFFFD400  }
0xbf: {  	[spmem:s1] =	stream.indirect.scatter.add.f32 [tilespmem:s13], [sflag:$0xD], $0x80, s24, s9, $0xb8;
	[tilespmem:$0x1F800] =	vst v63  }
0xc0: {  	_ =	swait.ge @p0 [sflag:s11], $0x2C00  }
0xc1: {  	s23 =	simm.s32 @p0 $0x3400;
	s7 =	simm.s32 @p0 $0x580;
	[sflag:s11] =	ssyncset.done @p0 $0x0  }
0xc2: {  	s24 =	simm.s32 @p0 $0x58;
	s15 =	rddreg [dreg:$0x5];
	[sflag:s11] =	ssyncadd.s32 @p0 $0xFFFFD400  }
0xc3: {  	[spmem:s1] =	stream.indirect.scatter.add.f32 @p0 [tilespmem:s23], [sflag:$0xE], $0x80, s7, s24, $0xb8;
	[tilespmem:$0x1F800] =	vst v63  }
0xc4: {  	s11 =	sadd.s32 @!p0 $0x0, s15;
	s15 =	simm.s32 @!p0 $0xD;
	s7 =	simm.s32 @!p0 $0x200  }
0xc5: {  	[tilespmem:s7], [sflag:$0x3] =	stream.linear.gather @!p0 [hbm4b:s11+s5], $0x100, $0x38;
	[tilespmem:$0x1F800] =	vst v63  }
0xc6: {  	_ =	swait.ge @!p0 [sflag:s15], $0x2C00  }
0xc7: {  	[sflag:s15] =	ssyncset.done @!p0 $0x0  }
0xc8: {  	s11 =	simm.s32 @!p0 $0x1;
	[sflag:s15] =	ssyncadd.s32 @!p0 $0xFFFFD400  }
0xc9: {  	_ =	swait.ge @!p0 [sflag:s11], $0x100  }
0xca: {  	s23 =	simm.s32 @!p0 $0x800;
	[sflag:s11] =	ssyncset.done @!p0 $0x0  }
0xcb: {  	s15 =	simm.s32 @!p0 $0x58;
	[sflag:s11] =	ssyncadd.s32 @!p0 $0xFFFFFF00;
	s11 =	simm.s32 @!p0 $0xA  }
0xcc: {  	[tilespmem:s23], [sflag:$0x9] =	stream.indirect.gather @!p0 [hbm4b:s4+s15], $0x80, s5, s15, $0xb8;
	[tilespmem:$0x1F800] =	vst v63  }
0xcd: {  	_ =	swait.ge @!p0 [sflag:s11], $0x2C00  }
0xce: {  	s24 =	simm.s32 @!p0 $0x3400;
	[sflag:s11] =	ssyncset.done @!p0 $0x0  }
0xcf: {  	s23 =	rddreg [dreg:$0x4];
	[sflag:s11] =	ssyncadd.s32 @!p0 $0xFFFFD400;
	s11 =	simm.s32 @!p0 $0x580  }
0xd0: {  	[spmem:s1] =	stream.indirect.scatter.add.f32 @!p0 [tilespmem:s24], [sflag:$0xE], $0x80, s11, s15, $0xb8;
	[tilespmem:$0x1F800] =	vst v63  }
0xd1: {  	s23 =	sadd.s32 @!p0 $0x0, s23;
	s11 =	simm.s32 @!p0 $0x300  }
0xd2: {  	[tilespmem:s11], [sflag:$0x4] =	stream.linear.gather @!p0 [hbm4b:s23+s5], $0x100, $0x38;
	[tilespmem:$0x1F800] =	vst v63  }
0xd3: {  	s11 =	simm.s32 @!p0 $0xE  }
0xd4: {  	_ =	swait.ge @!p0 [sflag:s11], $0x2C00  }
0xd5: {  	[sflag:s11] =	ssyncset.done @!p0 $0x0  }
0xd6: {  	[sflag:s11] =	ssyncadd.s32 @!p0 $0xFFFFD400;
	s11 =	simm.s32 @!p0 $0x2  }
0xd7: {  	_ =	swait.ge @!p0 [sflag:s11], $0x100  }
0xd8: {  	[sflag:s11] =	ssyncset.done @!p0 $0x0  }
0xd9: {  	[sflag:s11] =	ssyncadd.s32 @!p0 $0xFFFFFF00  }
0xda: {  	[tilespmem:s24], [sflag:$0xA] =	stream.indirect.gather @!p0 [hbm4b:s4+s15], $0x80, s6, s15, $0xb8;
	[tilespmem:$0x1F800] =	vst v63  }
0xdb: {  	_ =	swait.ge [sflag:s16], $0x2C00  }
0xdc: {  	s25 =	rddreg [dreg:$0xf];
	[sflag:s16] =	ssyncset.done $0x0  }
0xdd: {  	s11 =	rddreg [dreg:$0x3];
	[sflag:s16] =	ssyncadd.s32 $0xFFFFD400  }
0xde: {  	[spmem:s1] =	stream.indirect.scatter.add.f32 [tilespmem:s22], [sflag:$0xF], $0x80, s25, s9, $0xb8;
	[tilespmem:$0x1F800] =	vst v63  }
0xdf: {  	s23 =	simm.s32 @!p0 $0xF;
	s6 =	simm.s32 @!p0 $0x400;
	s11 =	sadd.s32 @!p0 $0x0, s11  }
0xe0: {  	[tilespmem:s6], [sflag:$0x5] =	stream.linear.gather @!p0 [hbm4b:s11+s5], $0x100, $0x38;
	[tilespmem:$0x1F800] =	vst v63  }
0xe1: {  	_ =	swait.ge @!p0 [sflag:s23], $0x2C00  }
0xe2: {  	[sflag:s23] =	ssyncset.done @!p0 $0x0  }
0xe3: {  	s5 =	simm.s32 @!p0 $0x3;
	[sflag:s23] =	ssyncadd.s32 @!p0 $0xFFFFD400  }
0xe4: {  	_ =	swait.ge @!p0 [sflag:s5], $0x100  }
0xe5: {  	s31 =	simm.s32 $0x200;
	p1 =	por $0x0, $0x0;
	[sflag:s5] =	ssyncset.done @!p0 $0x0  }
0xe6: {  	s6 =	simm.s32 @!p0 $0x6000;
	s23 =	sadd.s32 $0x800, s3;
	[sflag:s5] =	ssyncadd.s32 @!p0 $0xFFFFFF00  }
0xe7: {  	[tilespmem:s6], [sflag:$0xB] =	stream.indirect.gather @!p0 [hbm4b:s4+s15], $0x80, s7, s15, $0xb8;
	[tilespmem:$0x1F800] =	vst v63  }
0xe8: {  	s24 =	simm.s32 $0x100;
	s5 =	sshrl.u32 @!p1 s23, $0x3;
	_ =	swait.ge [sflag:s20], $0x2C00  }
0xe9: {  	s25 =	sadd.s32 @!p1 s30, s5;
	[sflag:s20] =	ssyncset.done $0x0;
	s5 =	rddreg [dreg:$0x10]  }
0xea: {  	p0 =	por p1, p1;
	s7 =	rddreg [dreg:$0x9];
	[sflag:s20] =	ssyncadd.s32 $0xFFFFD400  }
.LBB2_4:
0xeb: {  	[spmem:s1] =	stream.indirect.scatter.add.f32 [tilespmem:s12], [sflag:$0x10], $0x80, s5, s9, $0xb8;
	[tilespmem:$0x1F800] =	vst v63  }
0xec: {  	s7 =	sadd.s32 s24, s7;
	p3 =	seq.s32 s24, $0x0;
	s15 =	simm.s32 $0x500  }
0xed: {  	[tilespmem:s15], [sflag:$0x6] =	stream.linear.gather [hbm4b:s7+s26], $0x100, $0x38;
	[tilespmem:$0x1F800] =	vst v63  }
0xee: {  	s7 =	simm.s32 @!p3 $0x10  }
0xef: {  	_ =	swait.ge @!p3 [sflag:s7], $0x2C00  }
0xf0: {  	[sflag:s7] =	ssyncset.done @!p3 $0x0  }
0xf1: {  	[sflag:s7] =	ssyncadd.s32 @!p3 $0xFFFFD400  }
0xf2: {  	_ =	swait.ge [sflag:s14], $0x100  }
0xf3: {  	[sflag:s14] =	ssyncset.done $0x0  }
0xf4: {  	[sflag:s14] =	ssyncadd.s32 $0xFFFFFF00  }
0xf5: {  	[tilespmem:s12], [sflag:$0xC] =	stream.indirect.gather [hbm4b:s4+s9], $0x80, s8, s9, $0xb8;
	[tilespmem:$0x1F800] =	vst v63  }
0xf6: {  	_ =	swait.ge [sflag:s2], $0x2C00  }
0xf7: {  	[sflag:s2] =	ssyncset.done $0x0;
	s3 =	rddreg [dreg:$0xa]  }
0xf8: {  	s11 =	rddreg [dreg:$0x8];
	[sflag:s2] =	ssyncadd.s32 $0xFFFFD400  }
0xf9: {  	[spmem:s1] =	stream.indirect.scatter.add.f32 [tilespmem:s13], [sflag:$0xD], $0x80, s3, s9, $0xb8;
	[tilespmem:$0x1F800] =	vst v63  }
0xfa: {  	s8 =	sadd.s32 s24, s11;
	s3 =	simm.s32 $0xD  }
0xfb: {  	[tilespmem:s28], [sflag:$0x7] =	stream.linear.gather [hbm4b:s8+s26], $0x100, $0x38;
	[tilespmem:$0x1F800] =	vst v63  }
0xfc: {  	_ =	swait.ge [sflag:s3], $0x2C00  }
0xfd: {  	[sflag:s3] =	ssyncset.done $0x0  }
0xfe: {  	[sflag:s3] =	ssyncadd.s32 $0xFFFFD400  }
0xff: {  	_ =	swait.ge [sflag:s18], $0x100  }
0x100: {  	[sflag:s18] =	ssyncset.done $0x0  }
0x101: {  	s11 =	simm.s32 $0x400;
	[sflag:s18] =	ssyncadd.s32 $0xFFFFFF00  }
0x102: {  	[tilespmem:s13], [sflag:$0x9] =	stream.indirect.gather [hbm4b:s4+s9], $0x80, s11, s9, $0xb8;
	[tilespmem:$0x1F800] =	vst v63  }
0x103: {  	_ =	swait.ge [sflag:s19], $0x2C00  }
0x104: {  	[sflag:s19] =	ssyncset.done $0x0;
	s22 =	rddreg [dreg:$0xb]  }
0x105: {  	s3 =	simm.s32 $0x3400;
	s8 =	rddreg [dreg:$0x7];
	[sflag:s19] =	ssyncadd.s32 $0xFFFFD400  }
0x106: {  	[spmem:s1] =	stream.indirect.scatter.add.f32 [tilespmem:s3], [sflag:$0xE], $0x80, s22, s9, $0xb8;
	[tilespmem:$0x1F800] =	vst v63  }
0x107: {  	s11 =	sadd.s32 s24, s8;
	s8 =	simm.s32 $0x700;
	s22 =	simm.s32 $0xE  }
0x108: {  	[tilespmem:s8], [sflag:$0x8] =	stream.linear.gather [hbm4b:s11+s26], $0x100, $0x38;
	[tilespmem:$0x1F800] =	vst v63  }
0x109: {  	_ =	swait.ge [sflag:s22], $0x2C00  }
0x10a: {  	[sflag:s22] =	ssyncset.done $0x0  }
0x10b: {  	[sflag:s22] =	ssyncadd.s32 $0xFFFFD400  }
0x10c: {  	_ =	swait.ge [sflag:s17], $0x100  }
0x10d: {  	[sflag:s17] =	ssyncset.done $0x0  }
0x10e: {  	[sflag:s17] =	ssyncadd.s32 $0xFFFFFF00  }
0x10f: {  	[tilespmem:s3], [sflag:$0xA] =	stream.indirect.gather [hbm4b:s4+s9], $0x80, s15, s9, $0xb8;
	[tilespmem:$0x1F800] =	vst v63  }
0x110: {  	_ =	swait.ge [sflag:s16], $0x2C00  }
0x111: {  	[sflag:s16] =	ssyncset.done $0x0  }
0x112: {  	s22 =	simm.s32 $0x6000;
	s26 =	rddreg [dreg:$0xc];
	[sflag:s16] =	ssyncadd.s32 $0xFFFFD400  }
0x113: {  	[spmem:s1] =	stream.indirect.scatter.add.f32 [tilespmem:s22], [sflag:$0xF], $0x80, s26, s9, $0xb8;
	[tilespmem:$0x1F800] =	vst v63  }
0x114: {  	s7 =	simm.s32 @!p0 $0x0  }
0x115: {  	[tilespmem:s7], [sflag:$0x1] =	stream.linear.gather @!p0 [hbm4b:s25+s7], $0x100, $0x38;
	[tilespmem:$0x1F800] =	vst v63  }
0x116: {  	_ =	swait.ge [sflag:s29], $0x2C00  }
0x117: {  	[sflag:s29] =	ssyncset.done $0x0  }
0x118: {  	[sflag:s29] =	ssyncadd.s32 $0xFFFFD400  }
0x119: {  	_ =	swait.ge [sflag:s21], $0x100  }
0x11a: {  	[sflag:s21] =	ssyncset.done $0x0  }
0x11b: {  	[sflag:s21] =	ssyncadd.s32 $0xFFFFFF00  }
0x11c: {  	[tilespmem:s22], [sflag:$0xB] =	stream.indirect.gather [hbm4b:s4+s9], $0x80, s28, s9, $0xb8;
	[tilespmem:$0x1F800] =	vst v63  }
0x11d: {  	p1 =	seq.s32 s31, $0x1C00;
	s23 =	sadd.s32 $0x800, s23;
	_ =	swait.ge [sflag:s20], $0x2C00  }
0x11e: {  	s5 =	sshrl.u32 @!p1 s23, $0x3;
	[sflag:s20] =	ssyncset.done $0x0;
	s3 =	rddreg [dreg:$0xd]  }
0x11f: {  	s5 =	sadd.s32 @!p1 s30, s5;
	s15 =	rddreg [dreg:$0x6];
	[sflag:s20] =	ssyncadd.s32 $0xFFFFD400  }
0x120: {  	[spmem:s1] =	stream.indirect.scatter.add.f32 [tilespmem:s12], [sflag:$0x10], $0x80, s3, s9, $0xb8;
	[tilespmem:$0x1F800] =	vst v63  }
0x121: {  	s25 =	smov.u32 s5;
	s5 =	simm.s32 @!p0 $0x100;
	s11 =	sadd.s32 @!p0 s24, s15  }
0x122: {  	[tilespmem:s5], [sflag:$0x2] =	stream.linear.gather @!p0 [hbm4b:s11+s7], $0x100, $0x38;
	[tilespmem:$0x1F800] =	vst v63  }
0x123: {  	_ =	swait.ge [sflag:s10], $0x2C00  }
0x124: {  	[sflag:s10] =	ssyncset.done $0x0  }
0x125: {  	[sflag:s10] =	ssyncadd.s32 $0xFFFFD400  }
0x126: {  	_ =	swait.ge [sflag:s0], $0x100  }
0x127: {  	[sflag:s0] =	ssyncset.done $0x0  }
0x128: {  	[sflag:s0] =	ssyncadd.s32 $0xFFFFFF00  }
0x129: {  	[tilespmem:s12], [sflag:$0xC] =	stream.indirect.gather [hbm4b:s4+s9], $0x80, s8, s9, $0xb8;
	[tilespmem:$0x1F800] =	vst v63  }
0x12a: {  	_ =	swait.ge [sflag:s2], $0x2C00  }
0x12b: {  	[sflag:s2] =	ssyncset.done $0x0  }
0x12c: {  	s15 =	simm.s32 @p0 $0xA;
	s26 =	rddreg [dreg:$0xe];
	[sflag:s2] =	ssyncadd.s32 $0xFFFFD400  }
0x12d: {  	[spmem:s1] =	stream.indirect.scatter.add.f32 [tilespmem:s13], [sflag:$0xD], $0x80, s26, s9, $0xb8;
	[tilespmem:$0x1F800] =	vst v63  }
0x12e: {  	s3 =	simm.s32 @p0 $0x58;
	_ =	swait.ge @p0 [sflag:s15], $0x2C00  }
0x12f: {  	s8 =	simm.s32 @p0 $0x3400;
	s26 =	simm.s32 @p0 $0x580;
	[sflag:s15] =	ssyncset.done @p0 $0x0  }
0x130: {  	s13 =	smov.u32 s30;
	s30 =	rddreg [dreg:$0x5];
	[sflag:s15] =	ssyncadd.s32 @p0 $0xFFFFD400  }
0x131: {  	[spmem:s1] =	stream.indirect.scatter.add.f32 @p0 [tilespmem:s8], [sflag:$0xE], $0x80, s26, s3, $0xb8;
	[tilespmem:$0x1F800] =	vst v63  }
0x132: {  	s11 =	simm.s32 @!p0 $0x200;
	s3 =	sadd.s32 @!p0 s24, s30;
	s8 =	simm.s32 @!p0 $0xD  }
0x133: {  	[tilespmem:s11], [sflag:$0x3] =	stream.linear.gather @!p0 [hbm4b:s3+s7], $0x100, $0x38;
	[tilespmem:$0x1F800] =	vst v63  }
0x134: {  	_ =	swait.ge @!p0 [sflag:s8], $0x2C00  }
0x135: {  	[sflag:s8] =	ssyncset.done @!p0 $0x0  }
0x136: {  	s3 =	simm.s32 @!p0 $0x1;
	[sflag:s8] =	ssyncadd.s32 @!p0 $0xFFFFD400  }
0x137: {  	_ =	swait.ge @!p0 [sflag:s3], $0x100  }
0x138: {  	s15 =	simm.s32 @!p0 $0x58;
	[sflag:s3] =	ssyncset.done @!p0 $0x0  }
0x139: {  	s8 =	simm.s32 @!p0 $0x800;
	[sflag:s3] =	ssyncadd.s32 @!p0 $0xFFFFFF00;
	s3 =	simm.s32 @!p0 $0xA  }
0x13a: {  	[tilespmem:s8], [sflag:$0x9] =	stream.indirect.gather @!p0 [hbm4b:s4+s15], $0x80, s7, s15, $0xb8;
	[tilespmem:$0x1F800] =	vst v63  }
0x13b: {  	_ =	swait.ge @!p0 [sflag:s3], $0x2C00  }
0x13c: {  	s26 =	simm.s32 @!p0 $0x580;
	[sflag:s3] =	ssyncset.done @!p0 $0x0  }
0x13d: {  	s8 =	simm.s32 @!p0 $0x3400;
	s30 =	rddreg [dreg:$0x4];
	[sflag:s3] =	ssyncadd.s32 @!p0 $0xFFFFD400  }
0x13e: {  	[spmem:s1] =	stream.indirect.scatter.add.f32 @!p0 [tilespmem:s8], [sflag:$0xE], $0x80, s26, s15, $0xb8;
	[tilespmem:$0x1F800] =	vst v63  }
0x13f: {  	s3 =	simm.s32 @!p0 $0x300;
	s26 =	sadd.s32 @!p0 s24, s30;
	s30 =	simm.s32 @!p0 $0xE  }
0x140: {  	[tilespmem:s3], [sflag:$0x4] =	stream.linear.gather @!p0 [hbm4b:s26+s7], $0x100, $0x38;
	[tilespmem:$0x1F800] =	vst v63  }
0x141: {  	_ =	swait.ge @!p0 [sflag:s30], $0x2C00  }
0x142: {  	[sflag:s30] =	ssyncset.done @!p0 $0x0  }
0x143: {  	s3 =	simm.s32 @!p0 $0x2;
	[sflag:s30] =	ssyncadd.s32 @!p0 $0xFFFFD400  }
0x144: {  	_ =	swait.ge @!p0 [sflag:s3], $0x100  }
0x145: {  	[sflag:s3] =	ssyncset.done @!p0 $0x0  }
0x146: {  	[sflag:s3] =	ssyncadd.s32 @!p0 $0xFFFFFF00  }
0x147: {  	[tilespmem:s8], [sflag:$0xA] =	stream.indirect.gather @!p0 [hbm4b:s4+s15], $0x80, s5, s15, $0xb8;
	[tilespmem:$0x1F800] =	vst v63  }
0x148: {  	_ =	swait.ge [sflag:s16], $0x2C00  }
0x149: {  	[sflag:s16] =	ssyncset.done $0x0;
	s3 =	rddreg [dreg:$0xf]  }
0x14a: {  	s5 =	rddreg [dreg:$0x3];
	[sflag:s16] =	ssyncadd.s32 $0xFFFFD400  }
0x14b: {  	[spmem:s1] =	stream.indirect.scatter.add.f32 [tilespmem:s22], [sflag:$0xF], $0x80, s3, s9, $0xb8;
	[tilespmem:$0x1F800] =	vst v63  }
0x14c: {  	s8 =	simm.s32 @!p0 $0x400;
	s3 =	sadd.s32 @!p0 s24, s5;
	s5 =	simm.s32 @!p0 $0xF  }
0x14d: {  	[tilespmem:s8], [sflag:$0x5] =	stream.linear.gather @!p0 [hbm4b:s3+s7], $0x100, $0x38;
	[tilespmem:$0x1F800] =	vst v63  }
0x14e: {  	_ =	swait.ge @!p0 [sflag:s5], $0x2C00  }
0x14f: {  	s6 =	smov.u32 s31;
	[sflag:s5] =	ssyncset.done @!p0 $0x0  }
0x150: {  	s31 =	sadd.s32 $0x100, s31;
	s3 =	simm.s32 @!p0 $0x3;
	[sflag:s5] =	ssyncadd.s32 @!p0 $0xFFFFD400  }
0x151: {  	p2 =	sne.s32 s31, $0x1D00;
	_ =	swait.ge @!p0 [sflag:s3], $0x100  }
0x152: {  	s26 =	simm.s32 $0x0;
	s30 =	smov.u32 s13;
	[sflag:s3] =	ssyncset.done @!p0 $0x0  }
.Ltmp1:
0x153: {  	s5 =	simm.s32 @!p0 $0x6000;
	[sflag:s3] =	ssyncadd.s32 @!p0 $0xFFFFFF00;
	(pc) =	sbr.rel @p2 .LBB2_4-.Ltmp1, $4  }
0x154: {  	[tilespmem:s5], [sflag:$0xB] =	stream.indirect.gather @!p0 [hbm4b:s4+s15], $0x80, s11, s15, $0xb8;
	[tilespmem:$0x1F800] =	vst v63  }
0x155: {  	s13 =	simm.s32 $0x800;
	s24 =	smov.u32 s6;
	_ =	swait.ge [sflag:s20], $0x2C00  }
0x156: {  	s8 =	simm.s32 $0x300;
	[sflag:s20] =	ssyncset.done $0x0;
	s5 =	rddreg [dreg:$0x10]  }
0x157: {  	p0 =	por p1, p1;
	s7 =	rddreg [dreg:$0x9];
	[sflag:s20] =	ssyncadd.s32 $0xFFFFD400  }
0x158: {  	[spmem:s1] =	stream.indirect.scatter.add.f32 [tilespmem:s12], [sflag:$0x10], $0x80, s5, s9, $0xb8;
	[tilespmem:$0x1F800] =	vst v63  }
0x159: {  	s3 =	sadd.s32 s24, s7;
	p1 =	seq.s32 s24, $0x0;
	s7 =	simm.s32 $0x500  }
0x15a: {  	[tilespmem:s7], [sflag:$0x6] =	stream.linear.gather [hbm4b:s3+s26], $0x100, $0x38;
	[tilespmem:$0x1F800] =	vst v63  }
0x15b: {  	s3 =	simm.s32 @!p1 $0x10  }
0x15c: {  	_ =	swait.ge @!p1 [sflag:s3], $0x2C00  }
0x15d: {  	[sflag:s3] =	ssyncset.done @!p1 $0x0  }
0x15e: {  	[sflag:s3] =	ssyncadd.s32 @!p1 $0xFFFFD400  }
0x15f: {  	_ =	swait.ge [sflag:s14], $0x100  }
0x160: {  	[sflag:s14] =	ssyncset.done $0x0  }
0x161: {  	[sflag:s14] =	ssyncadd.s32 $0xFFFFFF00  }
0x162: {  	[tilespmem:s12], [sflag:$0xC] =	stream.indirect.gather [hbm4b:s4+s9], $0x80, s8, s9, $0xb8;
	[tilespmem:$0x1F800] =	vst v63  }
0x163: {  	_ =	swait.ge [sflag:s2], $0x2C00  }
0x164: {  	s22 =	rddreg [dreg:$0xa];
	[sflag:s2] =	ssyncset.done $0x0  }
0x165: {  	s23 =	rddreg [dreg:$0x8];
	[sflag:s2] =	ssyncadd.s32 $0xFFFFD400  }
0x166: {  	[spmem:s1] =	stream.indirect.scatter.add.f32 [tilespmem:s13], [sflag:$0xD], $0x80, s22, s9, $0xb8;
	[tilespmem:$0x1F800] =	vst v63  }
0x167: {  	s11 =	simm.s32 $0x600;
	s14 =	simm.s32 $0xD;
	s6 =	sadd.s32 s24, s23  }
0x168: {  	[tilespmem:s11], [sflag:$0x7] =	stream.linear.gather [hbm4b:s6+s26], $0x100, $0x38;
	[tilespmem:$0x1F800] =	vst v63  }
0x169: {  	_ =	swait.ge [sflag:s14], $0x2C00  }
0x16a: {  	[sflag:s14] =	ssyncset.done $0x0  }
0x16b: {  	[sflag:s14] =	ssyncadd.s32 $0xFFFFD400  }
0x16c: {  	_ =	swait.ge [sflag:s18], $0x100  }
0x16d: {  	[sflag:s18] =	ssyncset.done $0x0  }
0x16e: {  	s8 =	simm.s32 $0x400;
	[sflag:s18] =	ssyncadd.s32 $0xFFFFFF00  }
0x16f: {  	[tilespmem:s13], [sflag:$0x9] =	stream.indirect.gather [hbm4b:s4+s9], $0x80, s8, s9, $0xb8;
	[tilespmem:$0x1F800] =	vst v63  }
0x170: {  	_ =	swait.ge [sflag:s19], $0x2C00  }
0x171: {  	s15 =	rddreg [dreg:$0xb];
	[sflag:s19] =	ssyncset.done $0x0  }
0x172: {  	s6 =	simm.s32 $0x3400;
	s18 =	rddreg [dreg:$0x7];
	[sflag:s19] =	ssyncadd.s32 $0xFFFFD400  }
0x173: {  	[spmem:s1] =	stream.indirect.scatter.add.f32 [tilespmem:s6], [sflag:$0xE], $0x80, s15, s9, $0xb8;
	[tilespmem:$0x1F800] =	vst v63  }
0x174: {  	s23 =	simm.s32 $0x700;
	s22 =	sadd.s32 s24, s18;
	s18 =	simm.s32 $0xE  }
0x175: {  	[tilespmem:s23], [sflag:$0x8] =	stream.linear.gather [hbm4b:s22+s26], $0x100, $0x38;
	[tilespmem:$0x1F800] =	vst v63  }
0x176: {  	_ =	swait.ge [sflag:s18], $0x2C00  }
0x177: {  	[sflag:s18] =	ssyncset.done $0x0  }
0x178: {  	[sflag:s18] =	ssyncadd.s32 $0xFFFFD400  }
0x179: {  	_ =	swait.ge [sflag:s17], $0x100  }
0x17a: {  	[sflag:s17] =	ssyncset.done $0x0  }
0x17b: {  	[sflag:s17] =	ssyncadd.s32 $0xFFFFFF00  }
0x17c: {  	[tilespmem:s6], [sflag:$0xA] =	stream.indirect.gather [hbm4b:s4+s9], $0x80, s7, s9, $0xb8;
	[tilespmem:$0x1F800] =	vst v63  }
0x17d: {  	_ =	swait.ge [sflag:s16], $0x2C00  }
0x17e: {  	[sflag:s16] =	ssyncset.done $0x0  }
0x17f: {  	s17 =	simm.s32 $0x6000;
	s7 =	rddreg [dreg:$0xc];
	[sflag:s16] =	ssyncadd.s32 $0xFFFFD400  }
0x180: {  	[spmem:s1] =	stream.indirect.scatter.add.f32 [tilespmem:s17], [sflag:$0xF], $0x80, s7, s9, $0xb8;
	[tilespmem:$0x1F800] =	vst v63  }
0x181: {  	s5 =	simm.s32 @!p0 $0x0  }
0x182: {  	[tilespmem:s5], [sflag:$0x1] =	stream.linear.gather @!p0 [hbm4b:s25+s5], $0x100, $0x38;
	[tilespmem:$0x1F800] =	vst v63  }
0x183: {  	_ =	swait.ge [sflag:s29], $0x2C00  }
0x184: {  	[sflag:s29] =	ssyncset.done $0x0  }
0x185: {  	[sflag:s29] =	ssyncadd.s32 $0xFFFFD400  }
0x186: {  	_ =	swait.ge [sflag:s21], $0x100  }
0x187: {  	[sflag:s21] =	ssyncset.done $0x0  }
0x188: {  	[sflag:s21] =	ssyncadd.s32 $0xFFFFFF00  }
0x189: {  	[tilespmem:s17], [sflag:$0xB] =	stream.indirect.gather [hbm4b:s4+s9], $0x80, s11, s9, $0xb8;
	[tilespmem:$0x1F800] =	vst v63  }
0x18a: {  	_ =	swait.ge [sflag:s20], $0x2C00  }
0x18b: {  	s15 =	rddreg [dreg:$0xd];
	[sflag:s20] =	ssyncset.done $0x0  }
0x18c: {  	s6 =	rddreg [dreg:$0x6];
	[sflag:s20] =	ssyncadd.s32 $0xFFFFD400  }
0x18d: {  	[spmem:s1] =	stream.indirect.scatter.add.f32 [tilespmem:s12], [sflag:$0x10], $0x80, s15, s9, $0xb8;
	[tilespmem:$0x1F800] =	vst v63  }
0x18e: {  	s3 =	simm.s32 @!p0 $0x100;
	s6 =	sadd.s32 @!p0 s24, s6  }
0x18f: {  	[tilespmem:s3], [sflag:$0x2] =	stream.linear.gather @!p0 [hbm4b:s6+s5], $0x100, $0x38;
	[tilespmem:$0x1F800] =	vst v63  }
0x190: {  	_ =	swait.ge [sflag:s10], $0x2C00  }
0x191: {  	[sflag:s10] =	ssyncset.done $0x0  }
0x192: {  	[sflag:s10] =	ssyncadd.s32 $0xFFFFD400  }
0x193: {  	_ =	swait.ge [sflag:s0], $0x100  }
0x194: {  	[sflag:s0] =	ssyncset.done $0x0  }
0x195: {  	[sflag:s0] =	ssyncadd.s32 $0xFFFFFF00  }
0x196: {  	[tilespmem:s12], [sflag:$0xC] =	stream.indirect.gather [hbm4b:s4+s9], $0x80, s23, s9, $0xb8;
	[tilespmem:$0x1F800] =	vst v63  }
0x197: {  	_ =	swait.ge [sflag:s2], $0x2C00  }
0x198: {  	[sflag:s2] =	ssyncset.done $0x0  }
0x199: {  	s7 =	simm.s32 @p0 $0xA;
	s22 =	rddreg [dreg:$0xe];
	[sflag:s2] =	ssyncadd.s32 $0xFFFFD400  }
0x19a: {  	[spmem:s1] =	stream.indirect.scatter.add.f32 [tilespmem:s13], [sflag:$0xD], $0x80, s22, s9, $0xb8;
	[tilespmem:$0x1F800] =	vst v63  }
0x19b: {  	_ =	swait.ge @p0 [sflag:s7], $0x2C00  }
0x19c: {  	s11 =	simm.s32 @p0 $0x3400;
	s15 =	simm.s32 @p0 $0x58;
	[sflag:s7] =	ssyncset.done @p0 $0x0  }
0x19d: {  	s6 =	simm.s32 @p0 $0x580;
	s8 =	rddreg [dreg:$0x5];
	[sflag:s7] =	ssyncadd.s32 @p0 $0xFFFFD400  }
0x19e: {  	[spmem:s1] =	stream.indirect.scatter.add.f32 @p0 [tilespmem:s11], [sflag:$0xE], $0x80, s6, s15, $0xb8;
	[tilespmem:$0x1F800] =	vst v63  }
0x19f: {  	s7 =	sadd.s32 @!p0 s24, s8;
	s8 =	simm.s32 @!p0 $0xD;
	s6 =	simm.s32 @!p0 $0x200  }
0x1a0: {  	[tilespmem:s6], [sflag:$0x3] =	stream.linear.gather @!p0 [hbm4b:s7+s5], $0x100, $0x38;
	[tilespmem:$0x1F800] =	vst v63  }
0x1a1: {  	_ =	swait.ge @!p0 [sflag:s8], $0x2C00  }
0x1a2: {  	[sflag:s8] =	ssyncset.done @!p0 $0x0  }
0x1a3: {  	s7 =	simm.s32 @!p0 $0x1;
	[sflag:s8] =	ssyncadd.s32 @!p0 $0xFFFFD400  }
0x1a4: {  	_ =	swait.ge @!p0 [sflag:s7], $0x100  }
0x1a5: {  	s11 =	simm.s32 @!p0 $0x800;
	[sflag:s7] =	ssyncset.done @!p0 $0x0  }
0x1a6: {  	s8 =	simm.s32 @!p0 $0x58;
	[sflag:s7] =	ssyncadd.s32 @!p0 $0xFFFFFF00;
	s7 =	simm.s32 @!p0 $0xA  }
0x1a7: {  	[tilespmem:s11], [sflag:$0x9] =	stream.indirect.gather @!p0 [hbm4b:s4+s8], $0x80, s5, s8, $0xb8;
	[tilespmem:$0x1F800] =	vst v63  }
0x1a8: {  	_ =	swait.ge @!p0 [sflag:s7], $0x2C00  }
0x1a9: {  	s15 =	simm.s32 @!p0 $0x3400;
	[sflag:s7] =	ssyncset.done @!p0 $0x0  }
0x1aa: {  	s11 =	rddreg [dreg:$0x4];
	[sflag:s7] =	ssyncadd.s32 @!p0 $0xFFFFD400;
	s7 =	simm.s32 @!p0 $0x580  }
0x1ab: {  	[spmem:s1] =	stream.indirect.scatter.add.f32 @!p0 [tilespmem:s15], [sflag:$0xE], $0x80, s7, s8, $0xb8;
	[tilespmem:$0x1F800] =	vst v63  }
0x1ac: {  	s11 =	sadd.s32 @!p0 s24, s11;
	s7 =	simm.s32 @!p0 $0x300  }
0x1ad: {  	[tilespmem:s7], [sflag:$0x4] =	stream.linear.gather @!p0 [hbm4b:s11+s5], $0x100, $0x38;
	[tilespmem:$0x1F800] =	vst v63  }
0x1ae: {  	s7 =	simm.s32 @!p0 $0xE  }
0x1af: {  	_ =	swait.ge @!p0 [sflag:s7], $0x2C00  }
0x1b0: {  	[sflag:s7] =	ssyncset.done @!p0 $0x0  }
0x1b1: {  	[sflag:s7] =	ssyncadd.s32 @!p0 $0xFFFFD400;
	s7 =	simm.s32 @!p0 $0x2  }
0x1b2: {  	_ =	swait.ge @!p0 [sflag:s7], $0x100  }
0x1b3: {  	[sflag:s7] =	ssyncset.done @!p0 $0x0  }
0x1b4: {  	[sflag:s7] =	ssyncadd.s32 @!p0 $0xFFFFFF00  }
0x1b5: {  	[tilespmem:s15], [sflag:$0xA] =	stream.indirect.gather @!p0 [hbm4b:s4+s8], $0x80, s3, s8, $0xb8;
	[tilespmem:$0x1F800] =	vst v63  }
0x1b6: {  	_ =	swait.ge [sflag:s16], $0x2C00  }
0x1b7: {  	s23 =	rddreg [dreg:$0xf];
	[sflag:s16] =	ssyncset.done $0x0  }
0x1b8: {  	s7 =	rddreg [dreg:$0x3];
	[sflag:s16] =	ssyncadd.s32 $0xFFFFD400  }
0x1b9: {  	[spmem:s1] =	stream.indirect.scatter.add.f32 [tilespmem:s17], [sflag:$0xF], $0x80, s23, s9, $0xb8;
	[tilespmem:$0x1F800] =	vst v63  }
0x1ba: {  	s3 =	sadd.s32 @!p0 s24, s7;
	s7 =	simm.s32 @!p0 $0x400  }
0x1bb: {  	[tilespmem:s7], [sflag:$0x5] =	stream.linear.gather @!p0 [hbm4b:s3+s5], $0x100, $0x38;
	[tilespmem:$0x1F800] =	vst v63  }
0x1bc: {  	s3 =	simm.s32 @!p0 $0xF  }
0x1bd: {  	_ =	swait.ge @!p0 [sflag:s3], $0x2C00  }
0x1be: {  	[sflag:s3] =	ssyncset.done @!p0 $0x0  }
0x1bf: {  	[sflag:s3] =	ssyncadd.s32 @!p0 $0xFFFFD400;
	s3 =	simm.s32 @!p0 $0x3  }
0x1c0: {  	_ =	swait.ge @!p0 [sflag:s3], $0x100  }
0x1c1: {  	[sflag:s3] =	ssyncset.done @!p0 $0x0  }
0x1c2: {  	[sflag:s3] =	ssyncadd.s32 @!p0 $0xFFFFFF00;
	s3 =	simm.s32 @!p0 $0x6000  }
0x1c3: {  	[tilespmem:s3], [sflag:$0xB] =	stream.indirect.gather @!p0 [hbm4b:s4+s8], $0x80, s6, s8, $0xb8;
	[tilespmem:$0x1F800] =	vst v63  }
0x1c4: {  	_ =	swait.ge [sflag:s20], $0x2C00  }
0x1c5: {  	[sflag:s20] =	ssyncset.done $0x0  }
0x1c6: {  	s25 =	rddreg [dreg:$0x10];
	[sflag:s20] =	ssyncadd.s32 $0xFFFFD400  }
0x1c7: {  	[spmem:s1] =	stream.indirect.scatter.add.f32 [tilespmem:s12], [sflag:$0x10], $0x80, s25, s9, $0xb8;
	[tilespmem:$0x1F800] =	vst v63  }
0x1c8: {  	_ =	swait.ge [sflag:s14], $0x2C00  }
0x1c9: {  	[sflag:s14] =	ssyncset.done $0x0  }
0x1ca: {  	[sflag:s14] =	ssyncadd.s32 $0xFFFFD400  }
0x1cb: {  	_ =	swait.ge [sflag:s18], $0x2C00  }
0x1cc: {  	[sflag:s18] =	ssyncset.done $0x0  }
0x1cd: {  	[sflag:s18] =	ssyncadd.s32 $0xFFFFD400  }
0x1ce: {  	_ =	swait.ge [sflag:s29], $0x2C00  }
0x1cf: {  	[sflag:s29] =	ssyncset.done $0x0  }
0x1d0: {  	[sflag:s29] =	ssyncadd.s32 $0xFFFFD400  }
0x1d1: {  	_ =	swait.ge [sflag:s10], $0x2C00  }
0x1d2: {  	[sflag:s10] =	ssyncset.done $0x0  }
0x1d3: {  	[sflag:s10] =	ssyncadd.s32 $0xFFFFD400  }
0x1d4: {  	[bflag:$0x0] =	sbarrier.arrive $0xFFFF  }
0x1d5: {  	s5 =	simm.s32 $0x11;
	s11 =	rddreg [dreg:$0x1b]  }
0x1d6: {  	[tilespmem:s13], [sflag:$0x11] =	stream.linear.gather [spmem:s11], $0x2800, $0x38;
	[tilespmem:$0x1F800] =	vst v63  }
0x1d7: {  	_ =	swait.ge [sflag:s5], $0x2800  }
0x1d8: {  	[sflag:s5] =	ssyncset.done $0x0  }
0x1d9: {  	s0 =	rddreg [dreg:$0x11];
	[sflag:s5] =	ssyncadd.s32 $0xFFFFD800  }
0x1da: {  	[hbm4b:s0+s26] =	stream.linear.scatter [tilespmem:s13], [sflag:$0x11], $0x2800, $0x38;
	[tilespmem:$0x1F800] =	vst v63  }
0x1db: {  	_ =	swait.ge [sflag:s5], $0x2800  }
0x1dc: {  	[sflag:s5] =	ssyncset.done $0x0  }
0x1dd: {  	s15 =	rddreg [dreg:$0x1d];
	[sflag:s5] =	ssyncadd.s32 $0xFFFFD800  }
0x1de: {  	[tilespmem:s13], [sflag:$0x11] =	stream.linear.gather [spmem:s15], $0x2800, $0x38;
	[tilespmem:$0x1F800] =	vst v63  }
0x1df: {  	_ =	swait.ge [sflag:s5], $0x2800  }
0x1e0: {  	[sflag:s5] =	ssyncset.done $0x0  }
0x1e1: {  	s6 =	rddreg [dreg:$0x12];
	[sflag:s5] =	ssyncadd.s32 $0xFFFFD800  }
0x1e2: {  	[hbm4b:s6+s26] =	stream.linear.scatter [tilespmem:s13], [sflag:$0x11], $0x2800, $0x38;
	[tilespmem:$0x1F800] =	vst v63  }
0x1e3: {  	_ =	swait.ge [sflag:s5], $0x2800  }
0x1e4: {  	[sflag:s5] =	ssyncset.done $0x0  }
0x1e5: {  	s23 =	rddreg [dreg:$0x1e];
	[sflag:s5] =	ssyncadd.s32 $0xFFFFD800  }
0x1e6: {  	[tilespmem:s13], [sflag:$0x11] =	stream.linear.gather [spmem:s23], $0x2800, $0x38;
	[tilespmem:$0x1F800] =	vst v63  }
0x1e7: {  	_ =	swait.ge [sflag:s5], $0x2800  }
0x1e8: {  	[sflag:s5] =	ssyncset.done $0x0  }
0x1e9: {  	s7 =	rddreg [dreg:$0x13];
	[sflag:s5] =	ssyncadd.s32 $0xFFFFD800  }
0x1ea: {  	[hbm4b:s7+s26] =	stream.linear.scatter [tilespmem:s13], [sflag:$0x11], $0x2800, $0x38;
	[tilespmem:$0x1F800] =	vst v63  }
0x1eb: {  	_ =	swait.ge [sflag:s5], $0x2800  }
0x1ec: {  	[sflag:s5] =	ssyncset.done $0x0  }
0x1ed: {  	s24 =	rddreg [dreg:$0x1f];
	[sflag:s5] =	ssyncadd.s32 $0xFFFFD800  }
0x1ee: {  	[tilespmem:s13], [sflag:$0x11] =	stream.linear.gather [spmem:s24], $0x2800, $0x38;
	[tilespmem:$0x1F800] =	vst v63  }
0x1ef: {  	_ =	swait.ge [sflag:s5], $0x2800  }
0x1f0: {  	[sflag:s5] =	ssyncset.done $0x0  }
0x1f1: {  	s8 =	rddreg [dreg:$0x14];
	[sflag:s5] =	ssyncadd.s32 $0xFFFFD800  }
0x1f2: {  	[hbm4b:s8+s26] =	stream.linear.scatter [tilespmem:s13], [sflag:$0x11], $0x2800, $0x38;
	[tilespmem:$0x1F800] =	vst v63  }
0x1f3: {  	_ =	swait.ge [sflag:s5], $0x2800  }
0x1f4: {  	s7 =	sld [smem:$0x7FA]  }
0x1f5: {  	[sflag:s5] =	ssyncset.done $0x0  }
0x1f6: {  	[sflag:s5] =	ssyncadd.s32 $0xFFFFD800  }
0x1f7: {  	[tilespmem:s13], [sflag:$0x11] =	stream.linear.gather [spmem:s7], $0x2800, $0x38;
	[tilespmem:$0x1F800] =	vst v63  }
0x1f8: {  	_ =	swait.ge [sflag:s5], $0x2800  }
0x1f9: {  	[sflag:s5] =	ssyncset.done $0x0  }
0x1fa: {  	s10 =	rddreg [dreg:$0x15];
	[sflag:s5] =	ssyncadd.s32 $0xFFFFD800  }
0x1fb: {  	[hbm4b:s10+s26] =	stream.linear.scatter [tilespmem:s13], [sflag:$0x11], $0x2800, $0x38;
	[tilespmem:$0x1F800] =	vst v63  }
0x1fc: {  	_ =	swait.ge [sflag:s5], $0x2800  }
0x1fd: {  	s8 =	sld [smem:$0x7FB]  }
0x1fe: {  	[sflag:s5] =	ssyncset.done $0x0  }
0x1ff: {  	[sflag:s5] =	ssyncadd.s32 $0xFFFFD800  }
0x200: {  	[tilespmem:s13], [sflag:$0x11] =	stream.linear.gather [spmem:s8], $0x2800, $0x38;
	[tilespmem:$0x1F800] =	vst v63  }
0x201: {  	_ =	swait.ge [sflag:s5], $0x2800  }
0x202: {  	[sflag:s5] =	ssyncset.done $0x0  }
0x203: {  	s12 =	rddreg [dreg:$0x16];
	[sflag:s5] =	ssyncadd.s32 $0xFFFFD800  }
0x204: {  	[hbm4b:s12+s26] =	stream.linear.scatter [tilespmem:s13], [sflag:$0x11], $0x2800, $0x38;
	[tilespmem:$0x1F800] =	vst v63  }
0x205: {  	_ =	swait.ge [sflag:s5], $0x2800  }
0x206: {  	s25 =	sld [smem:$0x7FC]  }
0x207: {  	[sflag:s5] =	ssyncset.done $0x0  }
0x208: {  	[sflag:s5] =	ssyncadd.s32 $0xFFFFD800  }
0x209: {  	[tilespmem:s13], [sflag:$0x11] =	stream.linear.gather [spmem:s25], $0x2800, $0x38;
	[tilespmem:$0x1F800] =	vst v63  }
0x20a: {  	_ =	swait.ge [sflag:s5], $0x2800  }
0x20b: {  	[sflag:s5] =	ssyncset.done $0x0  }
0x20c: {  	s14 =	rddreg [dreg:$0x17];
	[sflag:s5] =	ssyncadd.s32 $0xFFFFD800  }
0x20d: {  	[hbm4b:s14+s26] =	stream.linear.scatter [tilespmem:s13], [sflag:$0x11], $0x2800, $0x38;
	[tilespmem:$0x1F800] =	vst v63  }
0x20e: {  	_ =	swait.ge [sflag:s5], $0x2800  }
0x20f: {  	s31 =	sld [smem:$0x7FD]  }
0x210: {  	[sflag:s5] =	ssyncset.done $0x0  }
0x211: {  	[sflag:s5] =	ssyncadd.s32 $0xFFFFD800  }
0x212: {  	[tilespmem:s13], [sflag:$0x11] =	stream.linear.gather [spmem:s31], $0x2800, $0x38;
	[tilespmem:$0x1F800] =	vst v63  }
0x213: {  	_ =	swait.ge [sflag:s5], $0x2800  }
0x214: {  	[sflag:s5] =	ssyncset.done $0x0  }
0x215: {  	s17 =	rddreg [dreg:$0x18];
	[sflag:s5] =	ssyncadd.s32 $0xFFFFD800  }
0x216: {  	[hbm4b:s17+s26] =	stream.linear.scatter [tilespmem:s13], [sflag:$0x11], $0x2800, $0x38;
	[tilespmem:$0x1F800] =	vst v63  }
0x217: {  	_ =	swait.ge [sflag:s5], $0x2800  }
0x218: {  	s18 =	sld [smem:$0x7F5];
	_ =	sdelay $0x2  }
0x219: {  	s22 =	rddreg [dreg:$0x1c];
	s6 =	sadd.s32 $0x1, s18  }
0x21a: {  	p0 =	sne.s32 s6, s22  }
.Ltmp2:
0x21b: {  	_ = 	snop;
	(pc) =	sbr.rel @p0 .LBB2_1-.Ltmp2, $3  }
0x21c: {  	_ =	sdelay $0x1  }
0x21d: {  	[sflag:s5] =	ssyncset.done $0x0  }
0x21e: {  	s0 =	simm.s32 $0x8C00;
	[sflag:s5] =	ssyncadd.s32 $0xFFFFD800  }
0x21f: {  	_ =	sfence.sel $0x180000  }
0x220: {  	[bflag:$0x0] =	sbarrier.arrive $0xFFFF  }
0x221: {  	_ =	strace $0x9000004A  }
0x222: {  	s0 =	stileid.u32;
	[bflag:$0x2] =	sbarrier.arrive $0xFFFF  }
0x223: {  	p0 =	sne.s32 s0, $0x0;
	s0 =	rddreg [dreg:$0x2]  }
0x224: {  	s0 =	sadd.s32 @!p0 $0x100000, s0  }
0x225: {  	[sflag:s0] =	ssyncadd.tile.s32 @!p0 $0x1;
	_ =	shalt  }
.Lfunc_end2:
_tile_overlayer_lowered:
.L_overlay_start_2:
0x226: {  	(tag) =	ssettag $0x2  }
0x227: {  	s0 =	rddreg [dreg:$0x0];
	s2 =	stileid.u32  }
0x228: {  	s1 =	rddreg [dreg:$0x1];
	p0 =	sne.s32 s2, $0x0  }
0x229: {  	s3 =	rddreg [dreg:$0x2];
	[bflag:$0x3] =	sbarrier.arrive $0xFFFF;
	s2 =	simm.s32 @!p0 $0x1C11  }
0x22a: {  	[timem:s3], [sflag:s2] =	dma.local @!p0 [hbm:s0], s1  }
0x22b: {  	s0 =	simm.s32 @!p0 $0x11  }
0x22c: {  	_ =	swait.ge @!p0 [sflag:s0], s1  }
0x22d: {  	s1 =	ssub.s32 @!p0 $0x0, s1;
	[sflag:s0] =	ssyncset.done @!p0 $0x0  }
0x22e: {  	[sflag:s0] =	ssyncadd.s32 @!p0 s1  }
0x22f: {  	[bflag:$0x3] =	sbarrier.arrive $0xFFFF  }
0x230: {  	_ =	shalt  }

// kernel: sc_gcn_prop.7.cloned.1.call-start
scs
__scs_entry_jumppad:
0x0: {  	(pc) =	sbr.rel $0x88, $3  }
0x1: {  	(tag) =	ssettag $0x0;
	lr =	simm.s32 $0x1  }
0x2: {  	[smem:$0x3F94] =	sst lr;
	_ =	strace $0xD0000000  }
0x3: {  	_ = 	snop  }
0x4: {  	_ = 	snop  }
0x5: {  	_ = 	snop  }
0x6: {  	_ = 	snop  }
0x7: {  	_ = 	snop  }
__scs_overlays_trampoline_lowered:
0x8: {  	[smem:$0x3FA3] =	sst s0  }
0x9: {  	[smem:$0x3FA4] =	sst s1  }
0xa: {  	[smem:$0x3FA5] =	sst s2  }
0xb: {  	[smem:$0x3FA6] =	sst s3  }
0xc: {  	[smem:$0x3FA7] =	sst s4  }
0xd: {  	[smem:$0x3FA8] =	sst s5  }
0xe: {  	[smem:$0x3FA9] =	sst s6  }
0xf: {  	[smem:$0x3FAA] =	sst s7  }
0x10: {  	[smem:$0x3FAB] =	sst s8  }
0x11: {  	[smem:$0x3FAC] =	sst s9;
	s0 =	simm.s32 @!p0 $0x0  }
0x12: {  	s1 =	sld [smem:$0x3F92];
	s0 =	simm.s32 @p0 $0x1  }
0x13: {  	[smem:$0x3FAD] =	sst s0;
	s0 =	simm.s32 @!p1 $0x0  }
0x14: {  	s2 =	sld [smem:$0x3F91];
	s0 =	simm.s32 @p1 $0x1  }
0x15: {  	[smem:$0x3FAE] =	sst s0;
	s0 =	simm.s32 @!p2 $0x0  }
0x16: {  	s3 =	sld [smem:$0x3FDB];
	s0 =	simm.s32 @p2 $0x1  }
0x17: {  	s4 =	simm.s32 $0x1BF5;
	[smem:$0x3FB0] =	sst s0  }
0x18: {  	s0 =	sld [smem:$0x3F93];
	_ =	swait.ge [sflag:s4], $0x0  }
0x19: {  	s7 =	sld [smem:$0x3F94]  }
0x1a: {  	s8 =	sadd.s32 $0xFFFFE003, lr  }
0x1b: {  	s9 =	sadd.s32 $0xFFFFFEF7, lr;
	s5 =	simm.s32 $0xFFFFFFFF;
	p2 =	slt.u32 s8, $0xFFFFF086  }
0x1c: {  	p1 =	slt.u32 s9, $0xF7A;
	s5 =	simm.s32 @!p2 $0x0  }
0x1d: {  	s5 =	simm.s32 @p1 $0x1;
	p0 =	seq.s32 s7, s2  }
0x1e: {  	s7 =	smul.u32 @!p0 $0xF7A, s2;
	p2 =	seq.s32 @!p0 s5, $0x0  }
0x1f: {  	s9 =	smul.u32 $0xF7A, s1;
	s8 =	simm.s32 @!p0 $0x1BF5;
	p2 =	por !p2, p0  }
0x20: {  	[sflag:s8] =	ssyncset.s32 @!p0 $0xFFFFF086;
	s6 =	sadd.s32 @!p0 s3, s7;
	s7 =	simm.s32 @!p0 $0x108  }
0x21: {  	s3 =	sadd.s32 s3, s9;
	s6 =	sadd.s32 @!p0 $0x88, s6;
	s7 =	simm.s32 @p2 $0x1082  }
0x22: {  	[simem:s7], [sflag:s8] =	dma.local @!p0 [hbm:s6], $0xF7A  }
0x23: {  	s9 =	sor.u32 $0xD0000000, s2;
	s6 =	simm.s32 $0x108;
	_ =	swait.ge @!p0 [sflag:s8], $0x0  }
0x24: {  	s3 =	sadd.s32 $0x88, s3;
	s6 =	simm.s32 @!p1 $0x1082;
	[sflag:s4] =	ssyncset.s32 $0xFFFFF086  }
0x25: {  	[simem:s6], [sflag:s4] =	dma.local [hbm:s3], $0xF7A  }
0x26: {  	[smem:$0x3F94] =	sst s1;
	(tag) =	ssettag s2;
	_ =	strace s9  }
0x27: {  	s1 =	sld [smem:$0x3FA4]  }
0x28: {  	s2 =	sld [smem:$0x3FA5]  }
0x29: {  	s4 =	sld [smem:$0x3FA7]  }
0x2a: {  	p0 =	seq.s32 s5, $0x0;
	s5 =	sld [smem:$0x3FA8]  }
0x2b: {  	s6 =	sld [smem:$0x3FA9]  }
0x2c: {  	s7 =	sld [smem:$0x3FAA]  }
0x2d: {  	s3 =	simm.s32 $0x108;
	s8 =	sld [smem:$0x3FAB]  }
0x2e: {  	s3 =	simm.s32 @!p0 $0x1082;
	s9 =	sld [smem:$0x3FAC]  }
0x2f: {  	lr =	sadd.s32 s0, s3;
	s0 =	sld [smem:$0x3FA3]  }
0x30: {  	s3 =	sld [smem:$0x3FA6]  }
0x31: {  	[smem:$0x3FAF] =	sst s10  }
0x32: {  	s10 =	sld [smem:$0x3FAD];
	_ =	sdelay $0x3  }
0x33: {  	p0 =	seq.s32 s10, $0x1;
	s10 =	sld [smem:$0x3FAF];
	_ =	sdelay $0x3  }
0x34: {  	[smem:$0x3FAF] =	sst s10  }
0x35: {  	s10 =	sld [smem:$0x3FAE];
	_ =	sdelay $0x3  }
0x36: {  	p1 =	seq.s32 s10, $0x1;
	s10 =	sld [smem:$0x3FAF];
	_ =	sdelay $0x3  }
0x37: {  	[smem:$0x3FAF] =	sst s10  }
0x38: {  	s10 =	sld [smem:$0x3FB0]  }
0x39: {  	_ = 	snop;
	(pc) =	sbr.ind lr, $3  }
0x3a: {  	_ = 	snop  }
0x3b: {  	_ = 	snop  }
0x3c: {  	p2 =	seq.s32 s10, $0x1;
	s10 =	sld [smem:$0x3FAF]  }
0x3d: {  	_ =	shalt  }
0x3e: {  	_ =	shalt  }
0x3f: {  	_ =	shalt  }
0x40: {  	_ =	shalt  }
0x41: {  	_ =	shalt  }
0x42: {  	_ =	shalt  }
0x43: {  	_ =	shalt  }
0x44: {  	_ =	shalt  }
0x45: {  	_ =	shalt  }
0x46: {  	_ =	shalt  }
0x47: {  	_ =	shalt  }
0x48: {  	_ =	shalt  }
0x49: {  	_ =	shalt  }
0x4a: {  	_ =	shalt  }
0x4b: {  	_ =	shalt  }
0x4c: {  	_ =	shalt  }
0x4d: {  	_ =	shalt  }
0x4e: {  	_ =	shalt  }
0x4f: {  	_ =	shalt  }
0x50: {  	_ =	shalt  }
0x51: {  	_ =	shalt  }
0x52: {  	_ =	shalt  }
0x53: {  	_ =	shalt  }
0x54: {  	_ =	shalt  }
0x55: {  	_ =	shalt  }
0x56: {  	_ =	shalt  }
0x57: {  	_ =	shalt  }
0x58: {  	_ =	shalt  }
0x59: {  	_ =	shalt  }
0x5a: {  	_ =	shalt  }
0x5b: {  	_ =	shalt  }
0x5c: {  	_ =	shalt  }
0x5d: {  	_ =	shalt  }
0x5e: {  	_ =	shalt  }
0x5f: {  	_ =	shalt  }
0x60: {  	_ =	shalt  }
0x61: {  	_ =	shalt  }
0x62: {  	_ =	shalt  }
0x63: {  	_ =	shalt  }
0x64: {  	_ =	shalt  }
0x65: {  	_ =	shalt  }
0x66: {  	_ =	shalt  }
0x67: {  	_ =	shalt  }
0x68: {  	_ =	shalt  }
0x69: {  	_ =	shalt  }
0x6a: {  	_ =	shalt  }
0x6b: {  	_ =	shalt  }
0x6c: {  	_ =	shalt  }
0x6d: {  	_ =	shalt  }
0x6e: {  	_ =	shalt  }
0x6f: {  	_ =	shalt  }
0x70: {  	_ =	shalt  }
0x71: {  	_ =	shalt  }
0x72: {  	_ =	shalt  }
0x73: {  	_ =	shalt  }
0x74: {  	_ =	shalt  }
0x75: {  	_ =	shalt  }
0x76: {  	_ =	shalt  }
0x77: {  	_ =	shalt  }
0x78: {  	_ =	shalt  }
0x79: {  	_ =	shalt  }
0x7a: {  	_ =	shalt  }
0x7b: {  	_ =	shalt  }
0x7c: {  	_ =	shalt  }
0x7d: {  	_ =	shalt  }
0x7e: {  	_ =	shalt  }
0x7f: {  	_ =	shalt  }
0x80: {  	_ =	shalt  }
0x81: {  	_ =	shalt  }
0x82: {  	_ =	shalt  }
0x83: {  	_ =	shalt  }
0x84: {  	_ =	shalt  }
0x85: {  	_ =	shalt  }
0x86: {  	_ =	shalt  }
0x87: {  	_ =	shalt  }
.Lfunc_end0:
.L_simem_size_0:
called_computation.2_lowered:
.L_overlay_start_0:
0x88: {  	s2 =	sld [smem:$0x3FD9]  }
0x89: {  	s3 =	sld [smem:$0x3FFE];
	_ =	sdelay $0x1  }
0x8a: {  	s1 =	srdreg.scid  }
0x8b: {  	s0 =	sand.u32 $0x1, s1  }
0x8c: {  	s16 =	sshll.u32 s0, $0xA;
	s2 =	sadd.s32 s3, s2  }
0x8d: {  	s2 =	sadd.s32 s2, s16  }
0x8e: {  	[smem:$0x3FBB] =	sst s2  }
0x8f: {  	_ = 	snop  }
0x90: {  	(tm) =	ssettm $0x1  }
0x91: {  	s17 =	sld [smem:$0x3FFB];
	_ =	sdelay $0x3  }
0x92: {  	_ =	strace s17  }
0x93: {  	s2 =	sld [smem:$0x3FFC];
	_ =	sdelay $0x3  }
0x94: {  	_ =	strace s2  }
0x95: {  	s2 =	sld [smem:$0x3FFD];
	_ =	sdelay $0x3  }
0x96: {  	_ =	strace s2  }
0x97: {  	_ =	strace $0x8FFFFFFF  }
0x98: {  	s18 =	sld [smem:$0x3FDB];
	_ =	sdelay $0x1  }
0x99: {  	s19 =	simm.s32 $_scs_section_size  }
0x9a: {  	s4 =	simm.s32 $_size__tile_overlayer_lowered;
	s5 =	simm.s32 $_tile_overlayer_lowered  }
0x9b: {  	s22 =	simm.s32 $0x1BFF;
	s21 =	sshll.u32 s5, $0x1;
	s2 =	sadd.s32 s19, s18  }
0x9c: {  	s6 =	simm.s32 $0x0;
	s20 =	sshll.u32 s4, $0x1;
	s4 =	sadd.s32 s21, s2  }
0x9d: {  	[timem:s6], [sflag:s22] =	dma.local [hbm:s4], s20  }
0x9e: {  	_ =	swait.ge [sflag:s22], s20  }
0x9f: {  	s3 =	ssub.s32 $0x0, s20;
	[sflag:s22] =	ssyncset.done $0x0  }
0xa0: {  	[sflag:s22] =	ssyncadd.s32 s3;
	_ =	sdelay $0x1  }
0xa1: {  	s23 =	simm.s32 $0x1B8B  }
0xa2: {  	_ =	swait.ge [sflag:s23], $0x1  }
0xa3: {  	[sflag:s23] =	ssyncset.done $0x0  }
0xa4: {  	s25 =	simm.s32 $0x1B8E;
	s24 =	sld [smem:$0x3FFE];
	[sflag:s23] =	ssyncadd.s32 $0xFFFFFFFF  }
0xa5: {  	s26 =	simm.s32 $execute0_lowered;
	[smem:$0x3FD2] =	sst s25  }
0xa6: {  	s4 =	sshll.u32 s26, $0x1;
	_ =	strace $0x8000004C;
	[dreg:$0x1] =	wrdreg $0xFFFFFFFF  }
0xa7: {  	s28 =	simm.s32 $_size_execute0_lowered;
	s2 =	sadd.s32 s2, s4;
	[dreg:$0x0] =	wrdreg $0x0  }
0xa8: {  	s4 =	sshll.u32 s28, $0x1;
	[dreg:$0x2] =	wrdreg s2  }
0xa9: {  	[dreg:$0x3] =	wrdreg s4  }
0xaa: {  	[dreg:$0x4] =	wrdreg $0xC0  }
0xab: {  	_ =	task [dreg:s6], $0x5FFFF  }
0xac: {  	[dreg:$0x1] =	wrdreg $0xFFFFFFFF  }
0xad: {  	[dreg:$0x0] =	wrdreg $0x60  }
0xae: {  	[dreg:$0x2] =	wrdreg s24  }
0xaf: {  	[dreg:$0x3] =	wrdreg $0xB8000  }
0xb0: {  	[dreg:$0x4] =	wrdreg $0x9  }
0xb1: {  	_ =	task.clear_ibuf [dreg:s6], $0x5FFFF;
	_ =	strace $0x9000004C  }
0xb2: {  	s29 =	simm.s32 $0x9;
	_ =	strace $0x8000004E  }
0xb3: {  	_ =	swait.ge [sflag:s29], $0x1  }
0xb4: {  	[sflag:s29] =	ssyncadd.s32 $0xFFFFFFFF  }
0xb5: {  	_ =	strace $0x9000004E  }
0xb6: {  	_ =	sfence  }
0xb7: {  	s30 =	sld [smem:$0x0];
	_ =	sdelay $0x2  }
0xb8: {  	s31 =	sshll.u32 s1, $0xD;
	s1 =	sshrl.u32 s1, $0x2  }
0xb9: {  	s3 =	sand.u32 $0x4000, s31;
	s1 =	sadd.s32 s1, s30  }
0xba: {  	s0 =	sor.u32 s3, s0;
	s1 =	sshll.u32 s1, $0x11  }
0xbb: {  	s0 =	sor.u32 s1, s0  }
0xbc: {  	s0 =	sadd.s32 $0x8F2B, s0  }
0xbd: {  	[sflag:s0] =	ssyncadd.remote.s32 $0x1  }
0xbe: {  	_ =	sfence.sel $0xFFFF  }
0xbf: {  	[dreg:$0x0] =	wrdreg $0xFFFFFFFF;
	(pc) =	sbr.abs _section_cstart, $3  }
0xc0: {  	[dreg:$0x1] =	wrdreg $0xFFFFFFFF  }
0xc1: {  	_ =	task.clear_ibuf [dreg:s6], $0x2FFFF;
	_ =	strace $0x9FFFFFFF  }
0xc2: {  	(tm) =	ssettm $0x7FFFFFFF  }
0xc3: {  	_ =	shalt  }
tec
execute0_lowered:
.L_overlay_start_1:
0x0: {  	(tag) =	ssettag $0x1  }
0x1: {  	s0 =	rddreg [dreg:$0x0]  }
0x2: {  	s1 =	rddreg [dreg:$0x1];
	s2 =	srdreg.scid;
	s26 =	simm.s32 $0x0  }
0x3: {  	s3 =	stileid.u32;
	s13 =	sand.u32 $0x1, s2;
	[smem:$0x7FF] =	sst s26  }
0x4: {  	s4 =	sadd.s32 $0x3C200, s0;
	s30 =	sadd.s32 $0x2200, s0;
	s10 =	smul.u32 $0x14000, s3  }
0x5: {  	s12 =	sadd.s32 $0x8C200, s0;
	s17 =	smul.u32 $0xE800, s3;
	s2 =	sshll.u32 s13, $0x4  }
0x6: {  	_ =	strace $0x8000004D;
	s5 =	ssub.s32 $0x2, s13;
	s14 =	smul.u32 $0x140000, s13  }
0x7: {  	s13 =	smul.u32 $0xE8000, s13;
	s2 =	sor.u32 s3, s2;
	s24 =	sshrl.u32 s5, $0x1  }
0x8: {  	s6 =	sadd.s32 $0x7800, s10;
	s7 =	sadd.s32 $0xA000, s10;
	s8 =	sadd.s32 $0xC800, s10  }
0x9: {  	s9 =	sadd.s32 $0xF000, s10;
	s2 =	smul.u32 $0xE800, s2;
	s0 =	ssub.s32 s5, s24  }
0xa: {  	s5 =	sadd.s32 $0x5000, s10;
	s15 =	sadd.s32 s14, s10;
	s18 =	sadd.s32 s14, s6  }
0xb: {  	s13 =	sadd.s32 s17, s13;
	s20 =	sadd.s32 s14, s7;
	s7 =	sadd.s32 s7, s1  }
0xc: {  	s15 =	sshrl.u32 s15, $0x3;
	s16 =	sadd.s32 s14, s5;
	s19 =	sshrl.u32 s18, $0x3  }
0xd: {  	s21 =	sadd.s32 $0xC00, s13;
	s17 =	sadd.s32 $0xB00, s13;
	s18 =	sadd.s32 s14, s8  }
0xe: {  	s0 =	smax.u32 s0, $0x1;
	s8 =	sadd.s32 s8, s1;
	[smem:$0x7FA] =	sst s7  }
0xf: {  	s11 =	sshrl.u32 s2, $0x3;
	s2 =	sor.u32 $0x2800, s10;
	s10 =	sadd.s32 $0x11800, s10  }
0x10: {  	s15 =	sadd.s32 s12, s15;
	s16 =	sshrl.u32 s16, $0x3;
	[dreg:$0x1c] =	wrdreg s0  }
0x11: {  	s23 =	sshrl.u32 s17, $0x3;
	s17 =	sadd.s32 $0x900, s13;
	[smem:$0x7FB] =	sst s8  }
0x12: {  	[dreg:$0x11] =	wrdreg s15;
	s25 =	sadd.s32 s14, s2;
	s24 =	sadd.s32 s23, s30  }
0x13: {  	s31 =	sadd.s32 s10, s1;
	s15 =	sshrl.u32 s25, $0x3;
	[dreg:$0x4] =	wrdreg s24  }
0x14: {  	s25 =	sadd.s32 $0xA00, s13;
	[smem:$0x7FD] =	sst s31;
	s15 =	sadd.s32 s12, s15  }
0x15: {  	[dreg:$0x12] =	wrdreg s15;
	s15 =	sadd.s32 s12, s16;
	s16 =	sshrl.u32 s21, $0x3  }
0x16: {  	[dreg:$0x13] =	wrdreg s15;
	s15 =	sadd.s32 s12, s19;
	s22 =	sadd.s32 s16, s30  }
0x17: {  	s16 =	sshrl.u32 s25, $0x3;
	[dreg:$0x14] =	wrdreg s15;
	s15 =	sshrl.u32 s20, $0x3  }
0x18: {  	[dreg:$0x3] =	wrdreg s22;
	s20 =	sor.u32 $0x700, s13;
	s15 =	sadd.s32 s12, s15  }
0x19: {  	[dreg:$0x15] =	wrdreg s15;
	s15 =	sadd.s32 s16, s30;
	s16 =	sshrl.u32 s17, $0x3  }
0x1a: {  	s17 =	sshrl.u32 s18, $0x3;
	s18 =	simm.s32 $0x280;
	[dreg:$0x5] =	wrdreg s15  }
0x1b: {  	s21 =	sshrl.u32 s20, $0x3;
	s19 =	sadd.s32 s16, s30;
	[dreg:$0xc] =	wrdreg s18  }
0x1c: {  	s15 =	sadd.s32 s21, s30;
	[dreg:$0x6] =	wrdreg s19  }
0x1d: {  	s17 =	sadd.s32 s12, s17;
	[dreg:$0x7] =	wrdreg s15  }
0x1e: {  	s22 =	sor.u32 $0x600, s13;
	s21 =	simm.s32 $0x480;
	[dreg:$0x16] =	wrdreg s17  }
0x1f: {  	s16 =	sshrl.u32 s22, $0x3;
	s22 =	sadd.s32 s30, s11;
	[dreg:$0xe] =	wrdreg s21  }
0x20: {  	s23 =	sadd.s32 s16, s30;
	[dreg:$0x19] =	wrdreg s22  }
0x21: {  	s17 =	simm.s32 $0x180;
	[dreg:$0x8] =	wrdreg s23  }
0x22: {  	s29 =	simm.s32 $0xF;
	s19 =	simm.s32 $0x380;
	[dreg:$0xb] =	wrdreg s17  }
0x23: {  	s24 =	sor.u32 $0x500, s13;
	s18 =	sadd.s32 $0x20, s22;
	[dreg:$0xd] =	wrdreg s19  }
0x24: {  	s25 =	sadd.s32 s14, s9;
	s21 =	sadd.s32 $0x60, s22;
	[dreg:$0x1a] =	wrdreg s18  }
0x25: {  	s16 =	sshrl.u32 s24, $0x3;
	s24 =	sadd.s32 s6, s1;
	[smem:$0x7F8] =	sst s21  }
0x26: {  	s15 =	sshrl.u32 s25, $0x3;
	s25 =	sadd.s32 s9, s1;
	[dreg:$0x1f] =	wrdreg s24  }
0x27: {  	s14 =	sadd.s32 s14, s10;
	s15 =	sadd.s32 s12, s15;
	[smem:$0x7FC] =	sst s25  }
0x28: {  	s14 =	sshrl.u32 s14, $0x3;
	s16 =	sadd.s32 s16, s30;
	[dreg:$0x17] =	wrdreg s15  }
0x29: {  	s28 =	simm.s32 $0x600;
	s12 =	sadd.s32 s12, s14;
	[dreg:$0x9] =	wrdreg s16  }
0x2a: {  	s0 =	simm.s32 $0x8C00;
	s17 =	simm.s32 $0x780;
	[dreg:$0x18] =	wrdreg s12  }
0x2b: {  	s20 =	smul.u32 $0x50000, s3;
	s19 =	sadd.s32 $0x800, s13;
	[dreg:$0x10] =	wrdreg s17  }
0x2c: {  	s9 =	simm.s32 $0x58;
	s23 =	sadd.s32 s5, s1;
	[smem:$0x7F6] =	sst s19  }
0x2d: {  	s6 =	simm.s32 $0x0;
	s16 =	simm.s32 $0x80;
	[dreg:$0x1e] =	wrdreg s23  }
0x2e: {  	s13 =	simm.s32 $0x800;
	s15 =	simm.s32 $0x680;
	[dreg:$0xa] =	wrdreg s16  }
0x2f: {  	s16 =	sshrl.u32 s20, $0x2;
	[dreg:$0xf] =	wrdreg s15;
	s20 =	sadd.s32 $0x40, s22  }
0x30: {  	s21 =	simm.s32 $0x7;
	s22 =	sadd.s32 $0x80, s22;
	[smem:$0x7F7] =	sst s20  }
0x31: {  	s19 =	simm.s32 $0xA;
	s15 =	sadd.s32 s2, s1;
	[smem:$0x7F9] =	sst s22  }
0x32: {  	s2 =	simm.s32 $0x9;
	s11 =	sadd.s32 s16, s1;
	[dreg:$0x1d] =	wrdreg s15  }
0x33: {  	v0 =	vimm.f32 $0.0e+00;
	s16 =	simm.s32 $0xB;
	s20 =	simm.s32 $0xC;
	[dreg:$0x1b] =	wrdreg s11  }
.LBB2_1:
0x34: {  	[smem:$0x7F5] =	sst s6;
	s5 =	simm.s32 $0x70;
	s6 =	simm.s32 $0x3C0  }
.LBB2_2:
0x35: {  	p0 =	sne.s32 s6, $0xAFC0;
	[tilespmem:s5+$0x800] =	vst v0  }
0x36: {  	[tilespmem:s5+$0x790] =	vst v0  }
0x37: {  	[tilespmem:s5+$0x7A0] =	vst v0  }
.Ltmp0:
0x38: {  	[tilespmem:s5+$0x7B0] =	vst v0;
	(pc) =	sbr.rel @p0 .LBB2_2-.Ltmp0, $4  }
0x39: {  	[tilespmem:s5+$0x7C0] =	vst v0  }
0x3a: {  	[tilespmem:s5+$0x7D0] =	vst v0  }
0x3b: {  	[tilespmem:s5+$0x7E0] =	vst v0  }
0x3c: {  	[tilespmem:s5+$0x7F0] =	vst v0;
	s5 =	sshra.s32 s6, $0x2;
	s6 =	sadd.s32 $0x200, s6  }
0x3d: {  	[tilespmem:s5+$0x800] =	vst v0  }
0x3e: {  	[tilespmem:s5+$0x790] =	vst v0  }
0x3f: {  	[tilespmem:s5+$0x7A0] =	vst v0  }
0x40: {  	[tilespmem:s5+$0x7B0] =	vst v0  }
0x41: {  	[tilespmem:s5+$0x7C0] =	vst v0  }
0x42: {  	[tilespmem:s5+$0x7D0] =	vst v0  }
0x43: {  	[tilespmem:s5+$0x7E0] =	vst v0  }
0x44: {  	[tilespmem:s5+$0x7F0] =	vst v0;
	s3 =	simm.s32 $0x11  }
0x45: {  	[spmem:s11] =	stream.linear.scatter [tilespmem:s13], [sflag:$0x11], $0x2800, $0x38;
	[tilespmem:$0x1F800] =	vst v63  }
0x46: {  	_ =	swait.ge [sflag:s3], $0x2800  }
0x47: {  	[sflag:s3] =	ssyncset.done $0x0  }
0x48: {  	[sflag:s3] =	ssyncadd.s32 $0xFFFFD800  }
0x49: {  	[spmem:s15] =	stream.linear.scatter [tilespmem:s13], [sflag:$0x11], $0x2800, $0x38;
	[tilespmem:$0x1F800] =	vst v63  }
0x4a: {  	_ =	swait.ge [sflag:s3], $0x2800  }
0x4b: {  	[sflag:s3] =	ssyncset.done $0x0  }
0x4c: {  	[sflag:s3] =	ssyncadd.s32 $0xFFFFD800  }
0x4d: {  	[spmem:s23] =	stream.linear.scatter [tilespmem:s13], [sflag:$0x11], $0x2800, $0x38;
	[tilespmem:$0x1F800] =	vst v63  }
0x4e: {  	_ =	swait.ge [sflag:s3], $0x2800  }
0x4f: {  	[sflag:s3] =	ssyncset.done $0x0  }
0x50: {  	[sflag:s3] =	ssyncadd.s32 $0xFFFFD800  }
0x51: {  	[spmem:s24] =	stream.linear.scatter [tilespmem:s13], [sflag:$0x11], $0x2800, $0x38;
	[tilespmem:$0x1F800] =	vst v63  }
0x52: {  	_ =	swait.ge [sflag:s3], $0x2800  }
0x53: {  	[sflag:s3] =	ssyncset.done $0x0  }
0x54: {  	[sflag:s3] =	ssyncadd.s32 $0xFFFFD800  }
0x55: {  	[spmem:s7] =	stream.linear.scatter [tilespmem:s13], [sflag:$0x11], $0x2800, $0x38;
	[tilespmem:$0x1F800] =	vst v63  }
0x56: {  	_ =	swait.ge [sflag:s3], $0x2800  }
0x57: {  	[sflag:s3] =	ssyncset.done $0x0  }
0x58: {  	[sflag:s3] =	ssyncadd.s32 $0xFFFFD800  }
0x59: {  	[spmem:s8] =	stream.linear.scatter [tilespmem:s13], [sflag:$0x11], $0x2800, $0x38;
	[tilespmem:$0x1F800] =	vst v63  }
0x5a: {  	_ =	swait.ge [sflag:s3], $0x2800  }
0x5b: {  	[sflag:s3] =	ssyncset.done $0x0  }
0x5c: {  	[sflag:s3] =	ssyncadd.s32 $0xFFFFD800  }
0x5d: {  	[spmem:s25] =	stream.linear.scatter [tilespmem:s13], [sflag:$0x11], $0x2800, $0x38;
	[tilespmem:$0x1F800] =	vst v63  }
0x5e: {  	_ =	swait.ge [sflag:s3], $0x2800  }
0x5f: {  	[sflag:s3] =	ssyncset.done $0x0  }
0x60: {  	[sflag:s3] =	ssyncadd.s32 $0xFFFFD800  }
0x61: {  	[spmem:s31] =	stream.linear.scatter [tilespmem:s13], [sflag:$0x11], $0x2800, $0x38;
	[tilespmem:$0x1F800] =	vst v63  }
0x62: {  	_ =	swait.ge [sflag:s3], $0x2800  }
0x63: {  	[sflag:s3] =	ssyncset.done $0x0  }
0x64: {  	[sflag:s3] =	ssyncadd.s32 $0xFFFFD800  }
0x65: {  	[bflag:$0x0] =	sbarrier.arrive $0xFFFF  }
0x66: {  	s8 =	rddreg [dreg:$0x19]  }
0x67: {  	s7 =	simm.s32 $0x0;
	s10 =	rddreg [dreg:$0x1a]  }
0x68: {  	[tilespmem:s7], [sflag:$0x1] =	stream.linear.gather [hbm4b:s8+s7], $0x100, $0x38;
	[tilespmem:$0x1F800] =	vst v63  }
0x69: {  	s6 =	simm.s32 $0x100;
	s11 =	sld [smem:$0x7F7]  }
0x6a: {  	[tilespmem:s6], [sflag:$0x2] =	stream.linear.gather [hbm4b:s10+s7], $0x100, $0x38;
	[tilespmem:$0x1F800] =	vst v63  }
0x6b: {  	s12 =	simm.s32 $0x200;
	s14 =	sld [smem:$0x7F8]  }
0x6c: {  	[tilespmem:s12], [sflag:$0x3] =	stream.linear.gather [hbm4b:s11+s7], $0x100, $0x38;
	[tilespmem:$0x1F800] =	vst v63  }
0x6d: {  	s15 =	sld [smem:$0x7F9];
	s8 =	simm.s32 $0x300  }
0x6e: {  	[tilespmem:s8], [sflag:$0x4] =	stream.linear.gather [hbm4b:s14+s7], $0x100, $0x38;
	[tilespmem:$0x1F800] =	vst v63  }
0x6f: {  	s17 =	simm.s32 $0x400;
	s18 =	simm.s32 $0x1  }
0x70: {  	[tilespmem:s17], [sflag:$0x5] =	stream.linear.gather [hbm4b:s15+s7], $0x100, $0x38;
	[tilespmem:$0x1F800] =	vst v63  }
0x71: {  	_ =	swait.ge [sflag:s18], $0x100  }
0x72: {  	[sflag:s18] =	ssyncset.done $0x0  }
0x73: {  	s22 =	simm.s32 $0x2;
	[sflag:s18] =	ssyncadd.s32 $0xFFFFFF00  }
0x74: {  	[tilespmem:s13], [sflag:$0x9] =	stream.indirect.gather [hbm4b:s4+s9], $0x80, s7, s9, $0xb8;
	[tilespmem:$0x1F800] =	vst v63  }
0x75: {  	_ =	swait.ge [sflag:s22], $0x100  }
0x76: {  	[sflag:s22] =	ssyncset.done $0x0  }
0x77: {  	s23 =	simm.s32 $0x3;
	s10 =	simm.s32 $0x3400;
	[sflag:s22] =	ssyncadd.s32 $0xFFFFFF00  }
0x78: {  	[tilespmem:s10], [sflag:$0xA] =	stream.indirect.gather [hbm4b:s4+s9], $0x80, s6, s9, $0xb8;
	[tilespmem:$0x1F800] =	vst v63  }
0x79: {  	_ =	swait.ge [sflag:s23], $0x100  }
0x7a: {  	[sflag:s23] =	ssyncset.done $0x0  }
0x7b: {  	s22 =	simm.s32 $0x6000;
	s24 =	rddreg [dreg:$0x9];
	[sflag:s23] =	ssyncadd.s32 $0xFFFFFF00  }
0x7c: {  	[tilespmem:s22], [sflag:$0xB] =	stream.indirect.gather [hbm4b:s4+s9], $0x80, s12, s9, $0xb8;
	[tilespmem:$0x1F800] =	vst v63  }
0x7d: {  	p0 =	por $0x1, $0x1;
	s7 =	simm.s32 $0x500;
	s5 =	sadd.s32 $0x0, s24  }
0x7e: {  	[tilespmem:s7], [sflag:$0x6] =	stream.linear.gather [hbm4b:s5+s26], $0x100, $0x38;
	[tilespmem:$0x1F800] =	vst v63  }
0x7f: {  	s5 =	simm.s32 @!p0 $0x10  }
0x80: {  	_ =	swait.ge @!p0 [sflag:s5], $0x2C00  }
0x81: {  	[sflag:s5] =	ssyncset.done @!p0 $0x0  }
0x82: {  	s14 =	simm.s32 $0x4;
	[sflag:s5] =	ssyncadd.s32 @!p0 $0xFFFFD400  }
0x83: {  	_ =	swait.ge [sflag:s14], $0x100  }
0x84: {  	[sflag:s14] =	ssyncset.done $0x0  }
0x85: {  	[sflag:s14] =	ssyncadd.s32 $0xFFFFFF00  }
0x86: {  	[tilespmem:s0], [sflag:$0xC] =	stream.indirect.gather [hbm4b:s4+s9], $0x80, s8, s9, $0xb8;
	[tilespmem:$0x1F800] =	vst v63  }
0x87: {  	_ =	swait.ge [sflag:s2], $0x2C00  }
0x88: {  	s25 =	rddreg [dreg:$0xa];
	[sflag:s2] =	ssyncset.done $0x0  }
0x89: {  	s3 =	rddreg [dreg:$0x8];
	[sflag:s2] =	ssyncadd.s32 $0xFFFFD400  }
0x8a: {  	[spmem:s1] =	stream.indirect.scatter.add.f32 [tilespmem:s13], [sflag:$0xD], $0x80, s25, s9, $0xb8;
	[tilespmem:$0x1F800] =	vst v63  }
0x8b: {  	s15 =	simm.s32 $0xD;
	s12 =	simm.s32 $0x600;
	s6 =	sadd.s32 $0x0, s3  }
0x8c: {  	[tilespmem:s12], [sflag:$0x7] =	stream.linear.gather [hbm4b:s6+s26], $0x100, $0x38;
	[tilespmem:$0x1F800] =	vst v63  }
0x8d: {  	_ =	swait.ge [sflag:s15], $0x2C00  }
0x8e: {  	[sflag:s15] =	ssyncset.done $0x0  }
0x8f: {  	s18 =	simm.s32 $0x5;
	[sflag:s15] =	ssyncadd.s32 $0xFFFFD400  }
0x90: {  	_ =	swait.ge [sflag:s18], $0x100  }
0x91: {  	[sflag:s18] =	ssyncset.done $0x0  }
0x92: {  	[sflag:s18] =	ssyncadd.s32 $0xFFFFFF00  }
0x93: {  	[tilespmem:s13], [sflag:$0x9] =	stream.indirect.gather [hbm4b:s4+s9], $0x80, s17, s9, $0xb8;
	[tilespmem:$0x1F800] =	vst v63  }
0x94: {  	_ =	swait.ge [sflag:s19], $0x2C00  }
0x95: {  	s17 =	rddreg [dreg:$0xb];
	[sflag:s19] =	ssyncset.done $0x0  }
0x96: {  	s23 =	rddreg [dreg:$0x7];
	[sflag:s19] =	ssyncadd.s32 $0xFFFFD400  }
0x97: {  	[spmem:s1] =	stream.indirect.scatter.add.f32 [tilespmem:s10], [sflag:$0xE], $0x80, s17, s9, $0xb8;
	[tilespmem:$0x1F800] =	vst v63  }
0x98: {  	s25 =	simm.s32 $0x700;
	s6 =	simm.s32 $0xE;
	s24 =	sadd.s32 $0x0, s23  }
0x99: {  	[tilespmem:s25], [sflag:$0x8] =	stream.linear.gather [hbm4b:s24+s26], $0x100, $0x38;
	[tilespmem:$0x1F800] =	vst v63  }
0x9a: {  	_ =	swait.ge [sflag:s6], $0x2C00  }
0x9b: {  	[sflag:s6] =	ssyncset.done $0x0  }
0x9c: {  	s17 =	simm.s32 $0x6;
	[sflag:s6] =	ssyncadd.s32 $0xFFFFD400  }
0x9d: {  	_ =	swait.ge [sflag:s17], $0x100  }
0x9e: {  	[sflag:s17] =	ssyncset.done $0x0  }
0x9f: {  	[sflag:s17] =	ssyncadd.s32 $0xFFFFFF00  }
0xa0: {  	[tilespmem:s10], [sflag:$0xA] =	stream.indirect.gather [hbm4b:s4+s9], $0x80, s7, s9, $0xb8;
	[tilespmem:$0x1F800] =	vst v63  }
0xa1: {  	_ =	swait.ge [sflag:s16], $0x2C00  }
0xa2: {  	[sflag:s16] =	ssyncset.done $0x0;
	s3 =	sld [smem:$0x7F6]  }
0xa3: {  	p1 =	por $0x0, $0x0;
	s15 =	rddreg [dreg:$0xc];
	[sflag:s16] =	ssyncadd.s32 $0xFFFFD400  }
0xa4: {  	[spmem:s1] =	stream.indirect.scatter.add.f32 [tilespmem:s22], [sflag:$0xF], $0x80, s15, s9, $0xb8;
	[tilespmem:$0x1F800] =	vst v63  }
0xa5: {  	p0 =	por p1, p1;
	s6 =	sshrl.u32 @!p1 s3, $0x3  }
0xa6: {  	s5 =	simm.s32 @!p0 $0x0;
	s6 =	sadd.s32 @!p1 s30, s6  }
0xa7: {  	[tilespmem:s5], [sflag:$0x1] =	stream.linear.gather @!p0 [hbm4b:s6+s5], $0x100, $0x38;
	[tilespmem:$0x1F800] =	vst v63  }
0xa8: {  	_ =	swait.ge [sflag:s29], $0x2C00  }
0xa9: {  	[sflag:s29] =	ssyncset.done $0x0  }
0xaa: {  	[sflag:s29] =	ssyncadd.s32 $0xFFFFD400  }
0xab: {  	_ =	swait.ge [sflag:s21], $0x100  }
0xac: {  	[sflag:s21] =	ssyncset.done $0x0  }
0xad: {  	[sflag:s21] =	ssyncadd.s32 $0xFFFFFF00  }
0xae: {  	[tilespmem:s22], [sflag:$0xB] =	stream.indirect.gather [hbm4b:s4+s9], $0x80, s12, s9, $0xb8;
	[tilespmem:$0x1F800] =	vst v63  }
0xaf: {  	_ =	swait.ge [sflag:s20], $0x2C00  }
0xb0: {  	s23 =	rddreg [dreg:$0xd];
	[sflag:s20] =	ssyncset.done $0x0  }
0xb1: {  	s7 =	rddreg [dreg:$0x6];
	[sflag:s20] =	ssyncadd.s32 $0xFFFFD400  }
0xb2: {  	[spmem:s1] =	stream.indirect.scatter.add.f32 [tilespmem:s0], [sflag:$0x10], $0x80, s23, s9, $0xb8;
	[tilespmem:$0x1F800] =	vst v63  }
0xb3: {  	s10 =	simm.s32 $0x10;
	s6 =	simm.s32 @!p0 $0x100;
	s7 =	sadd.s32 @!p0 $0x0, s7  }
0xb4: {  	[tilespmem:s6], [sflag:$0x2] =	stream.linear.gather @!p0 [hbm4b:s7+s5], $0x100, $0x38;
	[tilespmem:$0x1F800] =	vst v63  }
0xb5: {  	_ =	swait.ge [sflag:s10], $0x2C00  }
0xb6: {  	[sflag:s10] =	ssyncset.done $0x0  }
0xb7: {  	s0 =	simm.s32 $0x8;
	[sflag:s10] =	ssyncadd.s32 $0xFFFFD400  }
0xb8: {  	_ =	swait.ge [sflag:s0], $0x100  }
0xb9: {  	[sflag:s0] =	ssyncset.done $0x0  }
0xba: {  	s12 =	simm.s32 $0x8C00;
	[sflag:s0] =	ssyncadd.s32 $0xFFFFFF00  }
0xbb: {  	[tilespmem:s12], [sflag:$0xC] =	stream.indirect.gather [hbm4b:s4+s9], $0x80, s25, s9, $0xb8;
	[tilespmem:$0x1F800] =	vst v63  }
0xbc: {  	_ =	swait.ge [sflag:s2], $0x2C00  }
0xbd: {  	[sflag:s2] =	ssyncset.done $0x0  }
0xbe: {  	s11 =	simm.s32 @p0 $0xA;
	s24 =	rddreg [dreg:$0xe];
	[sflag:s2] =	ssyncadd.s32 $0xFFFFD400  }
0xbf: {  	[spmem:s1] =	stream.indirect.scatter.add.f32 [tilespmem:s13], [sflag:$0xD], $0x80, s24, s9, $0xb8;
	[tilespmem:$0x1F800] =	vst v63  }
0xc0: {  	_ =	swait.ge @p0 [sflag:s11], $0x2C00  }
0xc1: {  	s23 =	simm.s32 @p0 $0x3400;
	s7 =	simm.s32 @p0 $0x580;
	[sflag:s11] =	ssyncset.done @p0 $0x0  }
0xc2: {  	s24 =	simm.s32 @p0 $0x58;
	s15 =	rddreg [dreg:$0x5];
	[sflag:s11] =	ssyncadd.s32 @p0 $0xFFFFD400  }
0xc3: {  	[spmem:s1] =	stream.indirect.scatter.add.f32 @p0 [tilespmem:s23], [sflag:$0xE], $0x80, s7, s24, $0xb8;
	[tilespmem:$0x1F800] =	vst v63  }
0xc4: {  	s11 =	sadd.s32 @!p0 $0x0, s15;
	s15 =	simm.s32 @!p0 $0xD;
	s7 =	simm.s32 @!p0 $0x200  }
0xc5: {  	[tilespmem:s7], [sflag:$0x3] =	stream.linear.gather @!p0 [hbm4b:s11+s5], $0x100, $0x38;
	[tilespmem:$0x1F800] =	vst v63  }
0xc6: {  	_ =	swait.ge @!p0 [sflag:s15], $0x2C00  }
0xc7: {  	[sflag:s15] =	ssyncset.done @!p0 $0x0  }
0xc8: {  	s11 =	simm.s32 @!p0 $0x1;
	[sflag:s15] =	ssyncadd.s32 @!p0 $0xFFFFD400  }
0xc9: {  	_ =	swait.ge @!p0 [sflag:s11], $0x100  }
0xca: {  	s23 =	simm.s32 @!p0 $0x800;
	[sflag:s11] =	ssyncset.done @!p0 $0x0  }
0xcb: {  	s15 =	simm.s32 @!p0 $0x58;
	[sflag:s11] =	ssyncadd.s32 @!p0 $0xFFFFFF00;
	s11 =	simm.s32 @!p0 $0xA  }
0xcc: {  	[tilespmem:s23], [sflag:$0x9] =	stream.indirect.gather @!p0 [hbm4b:s4+s15], $0x80, s5, s15, $0xb8;
	[tilespmem:$0x1F800] =	vst v63  }
0xcd: {  	_ =	swait.ge @!p0 [sflag:s11], $0x2C00  }
0xce: {  	s24 =	simm.s32 @!p0 $0x3400;
	[sflag:s11] =	ssyncset.done @!p0 $0x0  }
0xcf: {  	s23 =	rddreg [dreg:$0x4];
	[sflag:s11] =	ssyncadd.s32 @!p0 $0xFFFFD400;
	s11 =	simm.s32 @!p0 $0x580  }
0xd0: {  	[spmem:s1] =	stream.indirect.scatter.add.f32 @!p0 [tilespmem:s24], [sflag:$0xE], $0x80, s11, s15, $0xb8;
	[tilespmem:$0x1F800] =	vst v63  }
0xd1: {  	s23 =	sadd.s32 @!p0 $0x0, s23;
	s11 =	simm.s32 @!p0 $0x300  }
0xd2: {  	[tilespmem:s11], [sflag:$0x4] =	stream.linear.gather @!p0 [hbm4b:s23+s5], $0x100, $0x38;
	[tilespmem:$0x1F800] =	vst v63  }
0xd3: {  	s11 =	simm.s32 @!p0 $0xE  }
0xd4: {  	_ =	swait.ge @!p0 [sflag:s11], $0x2C00  }
0xd5: {  	[sflag:s11] =	ssyncset.done @!p0 $0x0  }
0xd6: {  	[sflag:s11] =	ssyncadd.s32 @!p0 $0xFFFFD400;
	s11 =	simm.s32 @!p0 $0x2  }
0xd7: {  	_ =	swait.ge @!p0 [sflag:s11], $0x100  }
0xd8: {  	[sflag:s11] =	ssyncset.done @!p0 $0x0  }
0xd9: {  	[sflag:s11] =	ssyncadd.s32 @!p0 $0xFFFFFF00  }
0xda: {  	[tilespmem:s24], [sflag:$0xA] =	stream.indirect.gather @!p0 [hbm4b:s4+s15], $0x80, s6, s15, $0xb8;
	[tilespmem:$0x1F800] =	vst v63  }
0xdb: {  	_ =	swait.ge [sflag:s16], $0x2C00  }
0xdc: {  	s25 =	rddreg [dreg:$0xf];
	[sflag:s16] =	ssyncset.done $0x0  }
0xdd: {  	s11 =	rddreg [dreg:$0x3];
	[sflag:s16] =	ssyncadd.s32 $0xFFFFD400  }
0xde: {  	[spmem:s1] =	stream.indirect.scatter.add.f32 [tilespmem:s22], [sflag:$0xF], $0x80, s25, s9, $0xb8;
	[tilespmem:$0x1F800] =	vst v63  }
0xdf: {  	s23 =	simm.s32 @!p0 $0xF;
	s6 =	simm.s32 @!p0 $0x400;
	s11 =	sadd.s32 @!p0 $0x0, s11  }
0xe0: {  	[tilespmem:s6], [sflag:$0x5] =	stream.linear.gather @!p0 [hbm4b:s11+s5], $0x100, $0x38;
	[tilespmem:$0x1F800] =	vst v63  }
0xe1: {  	_ =	swait.ge @!p0 [sflag:s23], $0x2C00  }
0xe2: {  	[sflag:s23] =	ssyncset.done @!p0 $0x0  }
0xe3: {  	s5 =	simm.s32 @!p0 $0x3;
	[sflag:s23] =	ssyncadd.s32 @!p0 $0xFFFFD400  }
0xe4: {  	_ =	swait.ge @!p0 [sflag:s5], $0x100  }
0xe5: {  	s31 =	simm.s32 $0x200;
	p1 =	por $0x0, $0x0;
	[sflag:s5] =	ssyncset.done @!p0 $0x0  }
0xe6: {  	s6 =	simm.s32 @!p0 $0x6000;
	s23 =	sadd.s32 $0x800, s3;
	[sflag:s5] =	ssyncadd.s32 @!p0 $0xFFFFFF00  }
0xe7: {  	[tilespmem:s6], [sflag:$0xB] =	stream.indirect.gather @!p0 [hbm4b:s4+s15], $0x80, s7, s15, $0xb8;
	[tilespmem:$0x1F800] =	vst v63  }
0xe8: {  	s24 =	simm.s32 $0x100;
	s5 =	sshrl.u32 @!p1 s23, $0x3;
	_ =	swait.ge [sflag:s20], $0x2C00  }
0xe9: {  	s25 =	sadd.s32 @!p1 s30, s5;
	[sflag:s20] =	ssyncset.done $0x0;
	s5 =	rddreg [dreg:$0x10]  }
0xea: {  	p0 =	por p1, p1;
	s7 =	rddreg [dreg:$0x9];
	[sflag:s20] =	ssyncadd.s32 $0xFFFFD400  }
.LBB2_4:
0xeb: {  	[spmem:s1] =	stream.indirect.scatter.add.f32 [tilespmem:s12], [sflag:$0x10], $0x80, s5, s9, $0xb8;
	[tilespmem:$0x1F800] =	vst v63  }
0xec: {  	s7 =	sadd.s32 s24, s7;
	p3 =	seq.s32 s24, $0x0;
	s15 =	simm.s32 $0x500  }
0xed: {  	[tilespmem:s15], [sflag:$0x6] =	stream.linear.gather [hbm4b:s7+s26], $0x100, $0x38;
	[tilespmem:$0x1F800] =	vst v63  }
0xee: {  	s7 =	simm.s32 @!p3 $0x10  }
0xef: {  	_ =	swait.ge @!p3 [sflag:s7], $0x2C00  }
0xf0: {  	[sflag:s7] =	ssyncset.done @!p3 $0x0  }
0xf1: {  	[sflag:s7] =	ssyncadd.s32 @!p3 $0xFFFFD400  }
0xf2: {  	_ =	swait.ge [sflag:s14], $0x100  }
0xf3: {  	[sflag:s14] =	ssyncset.done $0x0  }
0xf4: {  	[sflag:s14] =	ssyncadd.s32 $0xFFFFFF00  }
0xf5: {  	[tilespmem:s12], [sflag:$0xC] =	stream.indirect.gather [hbm4b:s4+s9], $0x80, s8, s9, $0xb8;
	[tilespmem:$0x1F800] =	vst v63  }
0xf6: {  	_ =	swait.ge [sflag:s2], $0x2C00  }
0xf7: {  	[sflag:s2] =	ssyncset.done $0x0;
	s3 =	rddreg [dreg:$0xa]  }
0xf8: {  	s11 =	rddreg [dreg:$0x8];
	[sflag:s2] =	ssyncadd.s32 $0xFFFFD400  }
0xf9: {  	[spmem:s1] =	stream.indirect.scatter.add.f32 [tilespmem:s13], [sflag:$0xD], $0x80, s3, s9, $0xb8;
	[tilespmem:$0x1F800] =	vst v63  }
0xfa: {  	s8 =	sadd.s32 s24, s11;
	s3 =	simm.s32 $0xD  }
0xfb: {  	[tilespmem:s28], [sflag:$0x7] =	stream.linear.gather [hbm4b:s8+s26], $0x100, $0x38;
	[tilespmem:$0x1F800] =	vst v63  }
0xfc: {  	_ =	swait.ge [sflag:s3], $0x2C00  }
0xfd: {  	[sflag:s3] =	ssyncset.done $0x0  }
0xfe: {  	[sflag:s3] =	ssyncadd.s32 $0xFFFFD400  }
0xff: {  	_ =	swait.ge [sflag:s18], $0x100  }
0x100: {  	[sflag:s18] =	ssyncset.done $0x0  }
0x101: {  	s11 =	simm.s32 $0x400;
	[sflag:s18] =	ssyncadd.s32 $0xFFFFFF00  }
0x102: {  	[tilespmem:s13], [sflag:$0x9] =	stream.indirect.gather [hbm4b:s4+s9], $0x80, s11, s9, $0xb8;
	[tilespmem:$0x1F800] =	vst v63  }
0x103: {  	_ =	swait.ge [sflag:s19], $0x2C00  }
0x104: {  	[sflag:s19] =	ssyncset.done $0x0;
	s22 =	rddreg [dreg:$0xb]  }
0x105: {  	s3 =	simm.s32 $0x3400;
	s8 =	rddreg [dreg:$0x7];
	[sflag:s19] =	ssyncadd.s32 $0xFFFFD400  }
0x106: {  	[spmem:s1] =	stream.indirect.scatter.add.f32 [tilespmem:s3], [sflag:$0xE], $0x80, s22, s9, $0xb8;
	[tilespmem:$0x1F800] =	vst v63  }
0x107: {  	s11 =	sadd.s32 s24, s8;
	s8 =	simm.s32 $0x700;
	s22 =	simm.s32 $0xE  }
0x108: {  	[tilespmem:s8], [sflag:$0x8] =	stream.linear.gather [hbm4b:s11+s26], $0x100, $0x38;
	[tilespmem:$0x1F800] =	vst v63  }
0x109: {  	_ =	swait.ge [sflag:s22], $0x2C00  }
0x10a: {  	[sflag:s22] =	ssyncset.done $0x0  }
0x10b: {  	[sflag:s22] =	ssyncadd.s32 $0xFFFFD400  }
0x10c: {  	_ =	swait.ge [sflag:s17], $0x100  }
0x10d: {  	[sflag:s17] =	ssyncset.done $0x0  }
0x10e: {  	[sflag:s17] =	ssyncadd.s32 $0xFFFFFF00  }
0x10f: {  	[tilespmem:s3], [sflag:$0xA] =	stream.indirect.gather [hbm4b:s4+s9], $0x80, s15, s9, $0xb8;
	[tilespmem:$0x1F800] =	vst v63  }
0x110: {  	_ =	swait.ge [sflag:s16], $0x2C00  }
0x111: {  	[sflag:s16] =	ssyncset.done $0x0  }
0x112: {  	s22 =	simm.s32 $0x6000;
	s26 =	rddreg [dreg:$0xc];
	[sflag:s16] =	ssyncadd.s32 $0xFFFFD400  }
0x113: {  	[spmem:s1] =	stream.indirect.scatter.add.f32 [tilespmem:s22], [sflag:$0xF], $0x80, s26, s9, $0xb8;
	[tilespmem:$0x1F800] =	vst v63  }
0x114: {  	s7 =	simm.s32 @!p0 $0x0  }
0x115: {  	[tilespmem:s7], [sflag:$0x1] =	stream.linear.gather @!p0 [hbm4b:s25+s7], $0x100, $0x38;
	[tilespmem:$0x1F800] =	vst v63  }
0x116: {  	_ =	swait.ge [sflag:s29], $0x2C00  }
0x117: {  	[sflag:s29] =	ssyncset.done $0x0  }
0x118: {  	[sflag:s29] =	ssyncadd.s32 $0xFFFFD400  }
0x119: {  	_ =	swait.ge [sflag:s21], $0x100  }
0x11a: {  	[sflag:s21] =	ssyncset.done $0x0  }
0x11b: {  	[sflag:s21] =	ssyncadd.s32 $0xFFFFFF00  }
0x11c: {  	[tilespmem:s22], [sflag:$0xB] =	stream.indirect.gather [hbm4b:s4+s9], $0x80, s28, s9, $0xb8;
	[tilespmem:$0x1F800] =	vst v63  }
0x11d: {  	p1 =	seq.s32 s31, $0x1C00;
	s23 =	sadd.s32 $0x800, s23;
	_ =	swait.ge [sflag:s20], $0x2C00  }
0x11e: {  	s5 =	sshrl.u32 @!p1 s23, $0x3;
	[sflag:s20] =	ssyncset.done $0x0;
	s3 =	rddreg [dreg:$0xd]  }
0x11f: {  	s5 =	sadd.s32 @!p1 s30, s5;
	s15 =	rddreg [dreg:$0x6];
	[sflag:s20] =	ssyncadd.s32 $0xFFFFD400  }
0x120: {  	[spmem:s1] =	stream.indirect.scatter.add.f32 [tilespmem:s12], [sflag:$0x10], $0x80, s3, s9, $0xb8;
	[tilespmem:$0x1F800] =	vst v63  }
0x121: {  	s25 =	smov.u32 s5;
	s5 =	simm.s32 @!p0 $0x100;
	s11 =	sadd.s32 @!p0 s24, s15  }
0x122: {  	[tilespmem:s5], [sflag:$0x2] =	stream.linear.gather @!p0 [hbm4b:s11+s7], $0x100, $0x38;
	[tilespmem:$0x1F800] =	vst v63  }
0x123: {  	_ =	swait.ge [sflag:s10], $0x2C00  }
0x124: {  	[sflag:s10] =	ssyncset.done $0x0  }
0x125: {  	[sflag:s10] =	ssyncadd.s32 $0xFFFFD400  }
0x126: {  	_ =	swait.ge [sflag:s0], $0x100  }
0x127: {  	[sflag:s0] =	ssyncset.done $0x0  }
0x128: {  	[sflag:s0] =	ssyncadd.s32 $0xFFFFFF00  }
0x129: {  	[tilespmem:s12], [sflag:$0xC] =	stream.indirect.gather [hbm4b:s4+s9], $0x80, s8, s9, $0xb8;
	[tilespmem:$0x1F800] =	vst v63  }
0x12a: {  	_ =	swait.ge [sflag:s2], $0x2C00  }
0x12b: {  	[sflag:s2] =	ssyncset.done $0x0  }
0x12c: {  	s15 =	simm.s32 @p0 $0xA;
	s26 =	rddreg [dreg:$0xe];
	[sflag:s2] =	ssyncadd.s32 $0xFFFFD400  }
0x12d: {  	[spmem:s1] =	stream.indirect.scatter.add.f32 [tilespmem:s13], [sflag:$0xD], $0x80, s26, s9, $0xb8;
	[tilespmem:$0x1F800] =	vst v63  }
0x12e: {  	s3 =	simm.s32 @p0 $0x58;
	_ =	swait.ge @p0 [sflag:s15], $0x2C00  }
0x12f: {  	s8 =	simm.s32 @p0 $0x3400;
	s26 =	simm.s32 @p0 $0x580;
	[sflag:s15] =	ssyncset.done @p0 $0x0  }
0x130: {  	s13 =	smov.u32 s30;
	s30 =	rddreg [dreg:$0x5];
	[sflag:s15] =	ssyncadd.s32 @p0 $0xFFFFD400  }
0x131: {  	[spmem:s1] =	stream.indirect.scatter.add.f32 @p0 [tilespmem:s8], [sflag:$0xE], $0x80, s26, s3, $0xb8;
	[tilespmem:$0x1F800] =	vst v63  }
0x132: {  	s11 =	simm.s32 @!p0 $0x200;
	s3 =	sadd.s32 @!p0 s24, s30;
	s8 =	simm.s32 @!p0 $0xD  }
0x133: {  	[tilespmem:s11], [sflag:$0x3] =	stream.linear.gather @!p0 [hbm4b:s3+s7], $0x100, $0x38;
	[tilespmem:$0x1F800] =	vst v63  }
0x134: {  	_ =	swait.ge @!p0 [sflag:s8], $0x2C00  }
0x135: {  	[sflag:s8] =	ssyncset.done @!p0 $0x0  }
0x136: {  	s3 =	simm.s32 @!p0 $0x1;
	[sflag:s8] =	ssyncadd.s32 @!p0 $0xFFFFD400  }
0x137: {  	_ =	swait.ge @!p0 [sflag:s3], $0x100  }
0x138: {  	s15 =	simm.s32 @!p0 $0x58;
	[sflag:s3] =	ssyncset.done @!p0 $0x0  }
0x139: {  	s8 =	simm.s32 @!p0 $0x800;
	[sflag:s3] =	ssyncadd.s32 @!p0 $0xFFFFFF00;
	s3 =	simm.s32 @!p0 $0xA  }
0x13a: {  	[tilespmem:s8], [sflag:$0x9] =	stream.indirect.gather @!p0 [hbm4b:s4+s15], $0x80, s7, s15, $0xb8;
	[tilespmem:$0x1F800] =	vst v63  }
0x13b: {  	_ =	swait.ge @!p0 [sflag:s3], $0x2C00  }
0x13c: {  	s26 =	simm.s32 @!p0 $0x580;
	[sflag:s3] =	ssyncset.done @!p0 $0x0  }
0x13d: {  	s8 =	simm.s32 @!p0 $0x3400;
	s30 =	rddreg [dreg:$0x4];
	[sflag:s3] =	ssyncadd.s32 @!p0 $0xFFFFD400  }
0x13e: {  	[spmem:s1] =	stream.indirect.scatter.add.f32 @!p0 [tilespmem:s8], [sflag:$0xE], $0x80, s26, s15, $0xb8;
	[tilespmem:$0x1F800] =	vst v63  }
0x13f: {  	s3 =	simm.s32 @!p0 $0x300;
	s26 =	sadd.s32 @!p0 s24, s30;
	s30 =	simm.s32 @!p0 $0xE  }
0x140: {  	[tilespmem:s3], [sflag:$0x4] =	stream.linear.gather @!p0 [hbm4b:s26+s7], $0x100, $0x38;
	[tilespmem:$0x1F800] =	vst v63  }
0x141: {  	_ =	swait.ge @!p0 [sflag:s30], $0x2C00  }
0x142: {  	[sflag:s30] =	ssyncset.done @!p0 $0x0  }
0x143: {  	s3 =	simm.s32 @!p0 $0x2;
	[sflag:s30] =	ssyncadd.s32 @!p0 $0xFFFFD400  }
0x144: {  	_ =	swait.ge @!p0 [sflag:s3], $0x100  }
0x145: {  	[sflag:s3] =	ssyncset.done @!p0 $0x0  }
0x146: {  	[sflag:s3] =	ssyncadd.s32 @!p0 $0xFFFFFF00  }
0x147: {  	[tilespmem:s8], [sflag:$0xA] =	stream.indirect.gather @!p0 [hbm4b:s4+s15], $0x80, s5, s15, $0xb8;
	[tilespmem:$0x1F800] =	vst v63  }
0x148: {  	_ =	swait.ge [sflag:s16], $0x2C00  }
0x149: {  	[sflag:s16] =	ssyncset.done $0x0;
	s3 =	rddreg [dreg:$0xf]  }
0x14a: {  	s5 =	rddreg [dreg:$0x3];
	[sflag:s16] =	ssyncadd.s32 $0xFFFFD400  }
0x14b: {  	[spmem:s1] =	stream.indirect.scatter.add.f32 [tilespmem:s22], [sflag:$0xF], $0x80, s3, s9, $0xb8;
	[tilespmem:$0x1F800] =	vst v63  }
0x14c: {  	s8 =	simm.s32 @!p0 $0x400;
	s3 =	sadd.s32 @!p0 s24, s5;
	s5 =	simm.s32 @!p0 $0xF  }
0x14d: {  	[tilespmem:s8], [sflag:$0x5] =	stream.linear.gather @!p0 [hbm4b:s3+s7], $0x100, $0x38;
	[tilespmem:$0x1F800] =	vst v63  }
0x14e: {  	_ =	swait.ge @!p0 [sflag:s5], $0x2C00  }
0x14f: {  	s6 =	smov.u32 s31;
	[sflag:s5] =	ssyncset.done @!p0 $0x0  }
0x150: {  	s31 =	sadd.s32 $0x100, s31;
	s3 =	simm.s32 @!p0 $0x3;
	[sflag:s5] =	ssyncadd.s32 @!p0 $0xFFFFD400  }
0x151: {  	p2 =	sne.s32 s31, $0x1D00;
	_ =	swait.ge @!p0 [sflag:s3], $0x100  }
0x152: {  	s26 =	simm.s32 $0x0;
	s30 =	smov.u32 s13;
	[sflag:s3] =	ssyncset.done @!p0 $0x0  }
.Ltmp1:
0x153: {  	s5 =	simm.s32 @!p0 $0x6000;
	[sflag:s3] =	ssyncadd.s32 @!p0 $0xFFFFFF00;
	(pc) =	sbr.rel @p2 .LBB2_4-.Ltmp1, $4  }
0x154: {  	[tilespmem:s5], [sflag:$0xB] =	stream.indirect.gather @!p0 [hbm4b:s4+s15], $0x80, s11, s15, $0xb8;
	[tilespmem:$0x1F800] =	vst v63  }
0x155: {  	s13 =	simm.s32 $0x800;
	s24 =	smov.u32 s6;
	_ =	swait.ge [sflag:s20], $0x2C00  }
0x156: {  	s8 =	simm.s32 $0x300;
	[sflag:s20] =	ssyncset.done $0x0;
	s5 =	rddreg [dreg:$0x10]  }
0x157: {  	p0 =	por p1, p1;
	s7 =	rddreg [dreg:$0x9];
	[sflag:s20] =	ssyncadd.s32 $0xFFFFD400  }
0x158: {  	[spmem:s1] =	stream.indirect.scatter.add.f32 [tilespmem:s12], [sflag:$0x10], $0x80, s5, s9, $0xb8;
	[tilespmem:$0x1F800] =	vst v63  }
0x159: {  	s3 =	sadd.s32 s24, s7;
	p1 =	seq.s32 s24, $0x0;
	s7 =	simm.s32 $0x500  }
0x15a: {  	[tilespmem:s7], [sflag:$0x6] =	stream.linear.gather [hbm4b:s3+s26], $0x100, $0x38;
	[tilespmem:$0x1F800] =	vst v63  }
0x15b: {  	s3 =	simm.s32 @!p1 $0x10  }
0x15c: {  	_ =	swait.ge @!p1 [sflag:s3], $0x2C00  }
0x15d: {  	[sflag:s3] =	ssyncset.done @!p1 $0x0  }
0x15e: {  	[sflag:s3] =	ssyncadd.s32 @!p1 $0xFFFFD400  }
0x15f: {  	_ =	swait.ge [sflag:s14], $0x100  }
0x160: {  	[sflag:s14] =	ssyncset.done $0x0  }
0x161: {  	[sflag:s14] =	ssyncadd.s32 $0xFFFFFF00  }
0x162: {  	[tilespmem:s12], [sflag:$0xC] =	stream.indirect.gather [hbm4b:s4+s9], $0x80, s8, s9, $0xb8;
	[tilespmem:$0x1F800] =	vst v63  }
0x163: {  	_ =	swait.ge [sflag:s2], $0x2C00  }
0x164: {  	s22 =	rddreg [dreg:$0xa];
	[sflag:s2] =	ssyncset.done $0x0  }
0x165: {  	s23 =	rddreg [dreg:$0x8];
	[sflag:s2] =	ssyncadd.s32 $0xFFFFD400  }
0x166: {  	[spmem:s1] =	stream.indirect.scatter.add.f32 [tilespmem:s13], [sflag:$0xD], $0x80, s22, s9, $0xb8;
	[tilespmem:$0x1F800] =	vst v63  }
0x167: {  	s11 =	simm.s32 $0x600;
	s14 =	simm.s32 $0xD;
	s6 =	sadd.s32 s24, s23  }
0x168: {  	[tilespmem:s11], [sflag:$0x7] =	stream.linear.gather [hbm4b:s6+s26], $0x100, $0x38;
	[tilespmem:$0x1F800] =	vst v63  }
0x169: {  	_ =	swait.ge [sflag:s14], $0x2C00  }
0x16a: {  	[sflag:s14] =	ssyncset.done $0x0  }
0x16b: {  	[sflag:s14] =	ssyncadd.s32 $0xFFFFD400  }
0x16c: {  	_ =	swait.ge [sflag:s18], $0x100  }
0x16d: {  	[sflag:s18] =	ssyncset.done $0x0  }
0x16e: {  	s8 =	simm.s32 $0x400;
	[sflag:s18] =	ssyncadd.s32 $0xFFFFFF00  }
0x16f: {  	[tilespmem:s13], [sflag:$0x9] =	stream.indirect.gather [hbm4b:s4+s9], $0x80, s8, s9, $0xb8;
	[tilespmem:$0x1F800] =	vst v63  }
0x170: {  	_ =	swait.ge [sflag:s19], $0x2C00  }
0x171: {  	s15 =	rddreg [dreg:$0xb];
	[sflag:s19] =	ssyncset.done $0x0  }
0x172: {  	s6 =	simm.s32 $0x3400;
	s18 =	rddreg [dreg:$0x7];
	[sflag:s19] =	ssyncadd.s32 $0xFFFFD400  }
0x173: {  	[spmem:s1] =	stream.indirect.scatter.add.f32 [tilespmem:s6], [sflag:$0xE], $0x80, s15, s9, $0xb8;
	[tilespmem:$0x1F800] =	vst v63  }
0x174: {  	s23 =	simm.s32 $0x700;
	s22 =	sadd.s32 s24, s18;
	s18 =	simm.s32 $0xE  }
0x175: {  	[tilespmem:s23], [sflag:$0x8] =	stream.linear.gather [hbm4b:s22+s26], $0x100, $0x38;
	[tilespmem:$0x1F800] =	vst v63  }
0x176: {  	_ =	swait.ge [sflag:s18], $0x2C00  }
0x177: {  	[sflag:s18] =	ssyncset.done $0x0  }
0x178: {  	[sflag:s18] =	ssyncadd.s32 $0xFFFFD400  }
0x179: {  	_ =	swait.ge [sflag:s17], $0x100  }
0x17a: {  	[sflag:s17] =	ssyncset.done $0x0  }
0x17b: {  	[sflag:s17] =	ssyncadd.s32 $0xFFFFFF00  }
0x17c: {  	[tilespmem:s6], [sflag:$0xA] =	stream.indirect.gather [hbm4b:s4+s9], $0x80, s7, s9, $0xb8;
	[tilespmem:$0x1F800] =	vst v63  }
0x17d: {  	_ =	swait.ge [sflag:s16], $0x2C00  }
0x17e: {  	[sflag:s16] =	ssyncset.done $0x0  }
0x17f: {  	s17 =	simm.s32 $0x6000;
	s7 =	rddreg [dreg:$0xc];
	[sflag:s16] =	ssyncadd.s32 $0xFFFFD400  }
0x180: {  	[spmem:s1] =	stream.indirect.scatter.add.f32 [tilespmem:s17], [sflag:$0xF], $0x80, s7, s9, $0xb8;
	[tilespmem:$0x1F800] =	vst v63  }
0x181: {  	s5 =	simm.s32 @!p0 $0x0  }
0x182: {  	[tilespmem:s5], [sflag:$0x1] =	stream.linear.gather @!p0 [hbm4b:s25+s5], $0x100, $0x38;
	[tilespmem:$0x1F800] =	vst v63  }
0x183: {  	_ =	swait.ge [sflag:s29], $0x2C00  }
0x184: {  	[sflag:s29] =	ssyncset.done $0x0  }
0x185: {  	[sflag:s29] =	ssyncadd.s32 $0xFFFFD400  }
0x186: {  	_ =	swait.ge [sflag:s21], $0x100  }
0x187: {  	[sflag:s21] =	ssyncset.done $0x0  }
0x188: {  	[sflag:s21] =	ssyncadd.s32 $0xFFFFFF00  }
0x189: {  	[tilespmem:s17], [sflag:$0xB] =	stream.indirect.gather [hbm4b:s4+s9], $0x80, s11, s9, $0xb8;
	[tilespmem:$0x1F800] =	vst v63  }
0x18a: {  	_ =	swait.ge [sflag:s20], $0x2C00  }
0x18b: {  	s15 =	rddreg [dreg:$0xd];
	[sflag:s20] =	ssyncset.done $0x0  }
0x18c: {  	s6 =	rddreg [dreg:$0x6];
	[sflag:s20] =	ssyncadd.s32 $0xFFFFD400  }
0x18d: {  	[spmem:s1] =	stream.indirect.scatter.add.f32 [tilespmem:s12], [sflag:$0x10], $0x80, s15, s9, $0xb8;
	[tilespmem:$0x1F800] =	vst v63  }
0x18e: {  	s3 =	simm.s32 @!p0 $0x100;
	s6 =	sadd.s32 @!p0 s24, s6  }
0x18f: {  	[tilespmem:s3], [sflag:$0x2] =	stream.linear.gather @!p0 [hbm4b:s6+s5], $0x100, $0x38;
	[tilespmem:$0x1F800] =	vst v63  }
0x190: {  	_ =	swait.ge [sflag:s10], $0x2C00  }
0x191: {  	[sflag:s10] =	ssyncset.done $0x0  }
0x192: {  	[sflag:s10] =	ssyncadd.s32 $0xFFFFD400  }
0x193: {  	_ =	swait.ge [sflag:s0], $0x100  }
0x194: {  	[sflag:s0] =	ssyncset.done $0x0  }
0x195: {  	[sflag:s0] =	ssyncadd.s32 $0xFFFFFF00  }
0x196: {  	[tilespmem:s12], [sflag:$0xC] =	stream.indirect.gather [hbm4b:s4+s9], $0x80, s23, s9, $0xb8;
	[tilespmem:$0x1F800] =	vst v63  }
0x197: {  	_ =	swait.ge [sflag:s2], $0x2C00  }
0x198: {  	[sflag:s2] =	ssyncset.done $0x0  }
0x199: {  	s7 =	simm.s32 @p0 $0xA;
	s22 =	rddreg [dreg:$0xe];
	[sflag:s2] =	ssyncadd.s32 $0xFFFFD400  }
0x19a: {  	[spmem:s1] =	stream.indirect.scatter.add.f32 [tilespmem:s13], [sflag:$0xD], $0x80, s22, s9, $0xb8;
	[tilespmem:$0x1F800] =	vst v63  }
0x19b: {  	_ =	swait.ge @p0 [sflag:s7], $0x2C00  }
0x19c: {  	s11 =	simm.s32 @p0 $0x3400;
	s15 =	simm.s32 @p0 $0x58;
	[sflag:s7] =	ssyncset.done @p0 $0x0  }
0x19d: {  	s6 =	simm.s32 @p0 $0x580;
	s8 =	rddreg [dreg:$0x5];
	[sflag:s7] =	ssyncadd.s32 @p0 $0xFFFFD400  }
0x19e: {  	[spmem:s1] =	stream.indirect.scatter.add.f32 @p0 [tilespmem:s11], [sflag:$0xE], $0x80, s6, s15, $0xb8;
	[tilespmem:$0x1F800] =	vst v63  }
0x19f: {  	s7 =	sadd.s32 @!p0 s24, s8;
	s8 =	simm.s32 @!p0 $0xD;
	s6 =	simm.s32 @!p0 $0x200  }
0x1a0: {  	[tilespmem:s6], [sflag:$0x3] =	stream.linear.gather @!p0 [hbm4b:s7+s5], $0x100, $0x38;
	[tilespmem:$0x1F800] =	vst v63  }
0x1a1: {  	_ =	swait.ge @!p0 [sflag:s8], $0x2C00  }
0x1a2: {  	[sflag:s8] =	ssyncset.done @!p0 $0x0  }
0x1a3: {  	s7 =	simm.s32 @!p0 $0x1;
	[sflag:s8] =	ssyncadd.s32 @!p0 $0xFFFFD400  }
0x1a4: {  	_ =	swait.ge @!p0 [sflag:s7], $0x100  }
0x1a5: {  	s11 =	simm.s32 @!p0 $0x800;
	[sflag:s7] =	ssyncset.done @!p0 $0x0  }
0x1a6: {  	s8 =	simm.s32 @!p0 $0x58;
	[sflag:s7] =	ssyncadd.s32 @!p0 $0xFFFFFF00;
	s7 =	simm.s32 @!p0 $0xA  }
0x1a7: {  	[tilespmem:s11], [sflag:$0x9] =	stream.indirect.gather @!p0 [hbm4b:s4+s8], $0x80, s5, s8, $0xb8;
	[tilespmem:$0x1F800] =	vst v63  }
0x1a8: {  	_ =	swait.ge @!p0 [sflag:s7], $0x2C00  }
0x1a9: {  	s15 =	simm.s32 @!p0 $0x3400;
	[sflag:s7] =	ssyncset.done @!p0 $0x0  }
0x1aa: {  	s11 =	rddreg [dreg:$0x4];
	[sflag:s7] =	ssyncadd.s32 @!p0 $0xFFFFD400;
	s7 =	simm.s32 @!p0 $0x580  }
0x1ab: {  	[spmem:s1] =	stream.indirect.scatter.add.f32 @!p0 [tilespmem:s15], [sflag:$0xE], $0x80, s7, s8, $0xb8;
	[tilespmem:$0x1F800] =	vst v63  }
0x1ac: {  	s11 =	sadd.s32 @!p0 s24, s11;
	s7 =	simm.s32 @!p0 $0x300  }
0x1ad: {  	[tilespmem:s7], [sflag:$0x4] =	stream.linear.gather @!p0 [hbm4b:s11+s5], $0x100, $0x38;
	[tilespmem:$0x1F800] =	vst v63  }
0x1ae: {  	s7 =	simm.s32 @!p0 $0xE  }
0x1af: {  	_ =	swait.ge @!p0 [sflag:s7], $0x2C00  }
0x1b0: {  	[sflag:s7] =	ssyncset.done @!p0 $0x0  }
0x1b1: {  	[sflag:s7] =	ssyncadd.s32 @!p0 $0xFFFFD400;
	s7 =	simm.s32 @!p0 $0x2  }
0x1b2: {  	_ =	swait.ge @!p0 [sflag:s7], $0x100  }
0x1b3: {  	[sflag:s7] =	ssyncset.done @!p0 $0x0  }
0x1b4: {  	[sflag:s7] =	ssyncadd.s32 @!p0 $0xFFFFFF00  }
0x1b5: {  	[tilespmem:s15], [sflag:$0xA] =	stream.indirect.gather @!p0 [hbm4b:s4+s8], $0x80, s3, s8, $0xb8;
	[tilespmem:$0x1F800] =	vst v63  }
0x1b6: {  	_ =	swait.ge [sflag:s16], $0x2C00  }
0x1b7: {  	s23 =	rddreg [dreg:$0xf];
	[sflag:s16] =	ssyncset.done $0x0  }
0x1b8: {  	s7 =	rddreg [dreg:$0x3];
	[sflag:s16] =	ssyncadd.s32 $0xFFFFD400  }
0x1b9: {  	[spmem:s1] =	stream.indirect.scatter.add.f32 [tilespmem:s17], [sflag:$0xF], $0x80, s23, s9, $0xb8;
	[tilespmem:$0x1F800] =	vst v63  }
0x1ba: {  	s3 =	sadd.s32 @!p0 s24, s7;
	s7 =	simm.s32 @!p0 $0x400  }
0x1bb: {  	[tilespmem:s7], [sflag:$0x5] =	stream.linear.gather @!p0 [hbm4b:s3+s5], $0x100, $0x38;
	[tilespmem:$0x1F800] =	vst v63  }
0x1bc: {  	s3 =	simm.s32 @!p0 $0xF  }
0x1bd: {  	_ =	swait.ge @!p0 [sflag:s3], $0x2C00  }
0x1be: {  	[sflag:s3] =	ssyncset.done @!p0 $0x0  }
0x1bf: {  	[sflag:s3] =	ssyncadd.s32 @!p0 $0xFFFFD400;
	s3 =	simm.s32 @!p0 $0x3  }
0x1c0: {  	_ =	swait.ge @!p0 [sflag:s3], $0x100  }
0x1c1: {  	[sflag:s3] =	ssyncset.done @!p0 $0x0  }
0x1c2: {  	[sflag:s3] =	ssyncadd.s32 @!p0 $0xFFFFFF00;
	s3 =	simm.s32 @!p0 $0x6000  }
0x1c3: {  	[tilespmem:s3], [sflag:$0xB] =	stream.indirect.gather @!p0 [hbm4b:s4+s8], $0x80, s6, s8, $0xb8;
	[tilespmem:$0x1F800] =	vst v63  }
0x1c4: {  	_ =	swait.ge [sflag:s20], $0x2C00  }
0x1c5: {  	[sflag:s20] =	ssyncset.done $0x0  }
0x1c6: {  	s25 =	rddreg [dreg:$0x10];
	[sflag:s20] =	ssyncadd.s32 $0xFFFFD400  }
0x1c7: {  	[spmem:s1] =	stream.indirect.scatter.add.f32 [tilespmem:s12], [sflag:$0x10], $0x80, s25, s9, $0xb8;
	[tilespmem:$0x1F800] =	vst v63  }
0x1c8: {  	_ =	swait.ge [sflag:s14], $0x2C00  }
0x1c9: {  	[sflag:s14] =	ssyncset.done $0x0  }
0x1ca: {  	[sflag:s14] =	ssyncadd.s32 $0xFFFFD400  }
0x1cb: {  	_ =	swait.ge [sflag:s18], $0x2C00  }
0x1cc: {  	[sflag:s18] =	ssyncset.done $0x0  }
0x1cd: {  	[sflag:s18] =	ssyncadd.s32 $0xFFFFD400  }
0x1ce: {  	_ =	swait.ge [sflag:s29], $0x2C00  }
0x1cf: {  	[sflag:s29] =	ssyncset.done $0x0  }
0x1d0: {  	[sflag:s29] =	ssyncadd.s32 $0xFFFFD400  }
0x1d1: {  	_ =	swait.ge [sflag:s10], $0x2C00  }
0x1d2: {  	[sflag:s10] =	ssyncset.done $0x0  }
0x1d3: {  	[sflag:s10] =	ssyncadd.s32 $0xFFFFD400  }
0x1d4: {  	[bflag:$0x0] =	sbarrier.arrive $0xFFFF  }
0x1d5: {  	s5 =	simm.s32 $0x11;
	s11 =	rddreg [dreg:$0x1b]  }
0x1d6: {  	[tilespmem:s13], [sflag:$0x11] =	stream.linear.gather [spmem:s11], $0x2800, $0x38;
	[tilespmem:$0x1F800] =	vst v63  }
0x1d7: {  	_ =	swait.ge [sflag:s5], $0x2800  }
0x1d8: {  	[sflag:s5] =	ssyncset.done $0x0  }
0x1d9: {  	s0 =	rddreg [dreg:$0x11];
	[sflag:s5] =	ssyncadd.s32 $0xFFFFD800  }
0x1da: {  	[hbm4b:s0+s26] =	stream.linear.scatter [tilespmem:s13], [sflag:$0x11], $0x2800, $0x38;
	[tilespmem:$0x1F800] =	vst v63  }
0x1db: {  	_ =	swait.ge [sflag:s5], $0x2800  }
0x1dc: {  	[sflag:s5] =	ssyncset.done $0x0  }
0x1dd: {  	s15 =	rddreg [dreg:$0x1d];
	[sflag:s5] =	ssyncadd.s32 $0xFFFFD800  }
0x1de: {  	[tilespmem:s13], [sflag:$0x11] =	stream.linear.gather [spmem:s15], $0x2800, $0x38;
	[tilespmem:$0x1F800] =	vst v63  }
0x1df: {  	_ =	swait.ge [sflag:s5], $0x2800  }
0x1e0: {  	[sflag:s5] =	ssyncset.done $0x0  }
0x1e1: {  	s6 =	rddreg [dreg:$0x12];
	[sflag:s5] =	ssyncadd.s32 $0xFFFFD800  }
0x1e2: {  	[hbm4b:s6+s26] =	stream.linear.scatter [tilespmem:s13], [sflag:$0x11], $0x2800, $0x38;
	[tilespmem:$0x1F800] =	vst v63  }
0x1e3: {  	_ =	swait.ge [sflag:s5], $0x2800  }
0x1e4: {  	[sflag:s5] =	ssyncset.done $0x0  }
0x1e5: {  	s23 =	rddreg [dreg:$0x1e];
	[sflag:s5] =	ssyncadd.s32 $0xFFFFD800  }
0x1e6: {  	[tilespmem:s13], [sflag:$0x11] =	stream.linear.gather [spmem:s23], $0x2800, $0x38;
	[tilespmem:$0x1F800] =	vst v63  }
0x1e7: {  	_ =	swait.ge [sflag:s5], $0x2800  }
0x1e8: {  	[sflag:s5] =	ssyncset.done $0x0  }
0x1e9: {  	s7 =	rddreg [dreg:$0x13];
	[sflag:s5] =	ssyncadd.s32 $0xFFFFD800  }
0x1ea: {  	[hbm4b:s7+s26] =	stream.linear.scatter [tilespmem:s13], [sflag:$0x11], $0x2800, $0x38;
	[tilespmem:$0x1F800] =	vst v63  }
0x1eb: {  	_ =	swait.ge [sflag:s5], $0x2800  }
0x1ec: {  	[sflag:s5] =	ssyncset.done $0x0  }
0x1ed: {  	s24 =	rddreg [dreg:$0x1f];
	[sflag:s5] =	ssyncadd.s32 $0xFFFFD800  }
0x1ee: {  	[tilespmem:s13], [sflag:$0x11] =	stream.linear.gather [spmem:s24], $0x2800, $0x38;
	[tilespmem:$0x1F800] =	vst v63  }
0x1ef: {  	_ =	swait.ge [sflag:s5], $0x2800  }
0x1f0: {  	[sflag:s5] =	ssyncset.done $0x0  }
0x1f1: {  	s8 =	rddreg [dreg:$0x14];
	[sflag:s5] =	ssyncadd.s32 $0xFFFFD800  }
0x1f2: {  	[hbm4b:s8+s26] =	stream.linear.scatter [tilespmem:s13], [sflag:$0x11], $0x2800, $0x38;
	[tilespmem:$0x1F800] =	vst v63  }
0x1f3: {  	_ =	swait.ge [sflag:s5], $0x2800  }
0x1f4: {  	s7 =	sld [smem:$0x7FA]  }
0x1f5: {  	[sflag:s5] =	ssyncset.done $0x0  }
0x1f6: {  	[sflag:s5] =	ssyncadd.s32 $0xFFFFD800  }
0x1f7: {  	[tilespmem:s13], [sflag:$0x11] =	stream.linear.gather [spmem:s7], $0x2800, $0x38;
	[tilespmem:$0x1F800] =	vst v63  }
0x1f8: {  	_ =	swait.ge [sflag:s5], $0x2800  }
0x1f9: {  	[sflag:s5] =	ssyncset.done $0x0  }
0x1fa: {  	s10 =	rddreg [dreg:$0x15];
	[sflag:s5] =	ssyncadd.s32 $0xFFFFD800  }
0x1fb: {  	[hbm4b:s10+s26] =	stream.linear.scatter [tilespmem:s13], [sflag:$0x11], $0x2800, $0x38;
	[tilespmem:$0x1F800] =	vst v63  }
0x1fc: {  	_ =	swait.ge [sflag:s5], $0x2800  }
0x1fd: {  	s8 =	sld [smem:$0x7FB]  }
0x1fe: {  	[sflag:s5] =	ssyncset.done $0x0  }
0x1ff: {  	[sflag:s5] =	ssyncadd.s32 $0xFFFFD800  }
0x200: {  	[tilespmem:s13], [sflag:$0x11] =	stream.linear.gather [spmem:s8], $0x2800, $0x38;
	[tilespmem:$0x1F800] =	vst v63  }
0x201: {  	_ =	swait.ge [sflag:s5], $0x2800  }
0x202: {  	[sflag:s5] =	ssyncset.done $0x0  }
0x203: {  	s12 =	rddreg [dreg:$0x16];
	[sflag:s5] =	ssyncadd.s32 $0xFFFFD800  }
0x204: {  	[hbm4b:s12+s26] =	stream.linear.scatter [tilespmem:s13], [sflag:$0x11], $0x2800, $0x38;
	[tilespmem:$0x1F800] =	vst v63  }
0x205: {  	_ =	swait.ge [sflag:s5], $0x2800  }
0x206: {  	s25 =	sld [smem:$0x7FC]  }
0x207: {  	[sflag:s5] =	ssyncset.done $0x0  }
0x208: {  	[sflag:s5] =	ssyncadd.s32 $0xFFFFD800  }
0x209: {  	[tilespmem:s13], [sflag:$0x11] =	stream.linear.gather [spmem:s25], $0x2800, $0x38;
	[tilespmem:$0x1F800] =	vst v63  }
0x20a: {  	_ =	swait.ge [sflag:s5], $0x2800  }
0x20b: {  	[sflag:s5] =	ssyncset.done $0x0  }
0x20c: {  	s14 =	rddreg [dreg:$0x17];
	[sflag:s5] =	ssyncadd.s32 $0xFFFFD800  }
0x20d: {  	[hbm4b:s14+s26] =	stream.linear.scatter [tilespmem:s13], [sflag:$0x11], $0x2800, $0x38;
	[tilespmem:$0x1F800] =	vst v63  }
0x20e: {  	_ =	swait.ge [sflag:s5], $0x2800  }
0x20f: {  	s31 =	sld [smem:$0x7FD]  }
0x210: {  	[sflag:s5] =	ssyncset.done $0x0  }
0x211: {  	[sflag:s5] =	ssyncadd.s32 $0xFFFFD800  }
0x212: {  	[tilespmem:s13], [sflag:$0x11] =	stream.linear.gather [spmem:s31], $0x2800, $0x38;
	[tilespmem:$0x1F800] =	vst v63  }
0x213: {  	_ =	swait.ge [sflag:s5], $0x2800  }
0x214: {  	[sflag:s5] =	ssyncset.done $0x0  }
0x215: {  	s17 =	rddreg [dreg:$0x18];
	[sflag:s5] =	ssyncadd.s32 $0xFFFFD800  }
0x216: {  	[hbm4b:s17+s26] =	stream.linear.scatter [tilespmem:s13], [sflag:$0x11], $0x2800, $0x38;
	[tilespmem:$0x1F800] =	vst v63  }
0x217: {  	_ =	swait.ge [sflag:s5], $0x2800  }
0x218: {  	s18 =	sld [smem:$0x7F5];
	_ =	sdelay $0x2  }
0x219: {  	s22 =	rddreg [dreg:$0x1c];
	s6 =	sadd.s32 $0x1, s18  }
0x21a: {  	p0 =	sne.s32 s6, s22  }
.Ltmp2:
0x21b: {  	_ = 	snop;
	(pc) =	sbr.rel @p0 .LBB2_1-.Ltmp2, $3  }
0x21c: {  	_ =	sdelay $0x1  }
0x21d: {  	[sflag:s5] =	ssyncset.done $0x0  }
0x21e: {  	s0 =	simm.s32 $0x8C00;
	[sflag:s5] =	ssyncadd.s32 $0xFFFFD800  }
0x21f: {  	_ =	sfence.sel $0x180000  }
0x220: {  	[bflag:$0x0] =	sbarrier.arrive $0xFFFF  }
0x221: {  	_ =	strace $0x9000004D  }
0x222: {  	s0 =	stileid.u32;
	[bflag:$0x2] =	sbarrier.arrive $0xFFFF  }
0x223: {  	p0 =	sne.s32 s0, $0x0;
	s0 =	rddreg [dreg:$0x2]  }
0x224: {  	s0 =	sadd.s32 @!p0 $0x100000, s0  }
0x225: {  	[sflag:s0] =	ssyncadd.tile.s32 @!p0 $0x1;
	_ =	shalt  }
.Lfunc_end2:
_tile_overlayer_lowered:
.L_overlay_start_2:
0x226: {  	(tag) =	ssettag $0x2  }
0x227: {  	s0 =	rddreg [dreg:$0x0];
	s2 =	stileid.u32  }
0x228: {  	s1 =	rddreg [dreg:$0x1];
	p0 =	sne.s32 s2, $0x0  }
0x229: {  	s3 =	rddreg [dreg:$0x2];
	[bflag:$0x3] =	sbarrier.arrive $0xFFFF;
	s2 =	simm.s32 @!p0 $0x1C11  }
0x22a: {  	[timem:s3], [sflag:s2] =	dma.local @!p0 [hbm:s0], s1  }
0x22b: {  	s0 =	simm.s32 @!p0 $0x11  }
0x22c: {  	_ =	swait.ge @!p0 [sflag:s0], s1  }
0x22d: {  	s1 =	ssub.s32 @!p0 $0x0, s1;
	[sflag:s0] =	ssyncset.done @!p0 $0x0  }
0x22e: {  	[sflag:s0] =	ssyncadd.s32 @!p0 s1  }
0x22f: {  	[bflag:$0x3] =	sbarrier.arrive $0xFFFF  }
0x230: {  	_ =	shalt  }

</sc_bundles>
